<compile_context>
chip_gen: v7x
topology: tpu7x:2x2x1
jax: 0.10.2.dev20260603
libtpu: 0.0.44.dev20260713+nightly
codegen_flags: <defaults>
</compile_context>

<pallas_src>
import dataclasses
import functools

import jax
import jax.numpy as jnp
import numpy as np
from jax import lax
from jax.experimental import pallas as pl
from jax.experimental.pallas import tpu as pltpu
from jax.experimental.pallas import tpu_sc as plsc

K_NB = 30
KPAD = 32
L = 16
B_SZ = 2
N = 4096
R = B_SZ * N
NW = 32
RPW = R // NW
NCH = N // L
FMAX = np.float32(np.finfo(np.float32).max)
BIG_I = np.int32(np.iinfo(np.int32).max)


def _rev(x):
    return jnp.flip(x, 0)


def _pminmax(ak, ai, bk, bi):
    c = ak <= bk
    return (jnp.where(c, ak, bk), jnp.where(c, ai, bi),
            jnp.where(c, bk, ak), jnp.where(c, bi, ai))


def _merge32(ak, ai, bk, bi):
    lk, li, hk, hi_ = _pminmax(ak, ai, _rev(bk), _rev(bi))
    lk, li = plsc.sort_key_val(lk, li)
    hk, hi_ = plsc.sort_key_val(hk, hi_)
    return lk, li, hk, hi_


def _topk_body(d_hbm, m_hbm, idx_hbm, val_hbm, mij_hbm,
               row_a, row_b, mrow_v, cv, ci, sv, oi_v, ov_v, om_v,
               sem_a, sem_b, sem_o):
    wid = lax.axis_index("c") * 16 + lax.axis_index("s")
    base = wid * RPW
    b = base // N

    iota = lax.iota(jnp.int32, L)
    inf_v = jnp.full((L,), jnp.inf, dtype=jnp.float32)
    big_v = jnp.full((L,), BIG_I, dtype=jnp.int32)
    zero_i = jnp.zeros((L,), dtype=jnp.int32)

    pltpu.sync_copy(m_hbm.at[b], mrow_v)

    def _mm(c, carry):
        lo, hi = carry
        mv = mrow_v[pl.ds(c * L, L)]
        return jnp.minimum(lo, mv), jnp.maximum(hi, mv)

    mlo, mhi = lax.fori_loop(0, NCH, _mm, (inf_v, -inf_v))
    ones_row = jnp.logical_and(jnp.min(mlo) == 1.0, jnp.max(mhi) == 1.0)

    pltpu.async_copy(d_hbm.at[base], row_a, sem_a)

    def process(row, row_v, t_guess):
        p = row - b * N
        lv = mrow_v[pl.ds((p // L) * L, L)]
        mi = jnp.sum(jnp.where(iota == (p % L), lv, jnp.float32(0.0)))

        def ins3(m1, m2, m3, v):
            t1 = jnp.maximum(m1, v)
            m1 = jnp.minimum(m1, v)
            t2 = jnp.maximum(m2, t1)
            m2 = jnp.minimum(m2, t1)
            m3 = jnp.minimum(m3, t2)
            return m1, m2, m3

        def ph1_fast(_):
            def body(c4, carry):
                (a1, a2, a3, b1, b2, b3) = carry
                c = c4 * 4
                va = row_v[pl.ds(c * L, L)]
                vb = row_v[pl.ds((c + 1) * L, L)]
                vc = row_v[pl.ds((c + 2) * L, L)]
                vd = row_v[pl.ds((c + 3) * L, L)]
                a1, a2, a3 = ins3(a1, a2, a3, va)
                b1, b2, b3 = ins3(b1, b2, b3, vb)
                a1, a2, a3 = ins3(a1, a2, a3, vc)
                b1, b2, b3 = ins3(b1, b2, b3, vd)
                return a1, a2, a3, b1, b2, b3

            return lax.fori_loop(
                0, NCH // 4, body, (inf_v,) * 6)

        def ph1_masked(_):
            def body(c, carry):
                m1, m2, m3 = carry
                sl = pl.ds(c * L, L)
                mf = mi * mrow_v[sl]
                dm = mf * row_v[sl] + (1.0 - mf) * FMAX
                row_v[sl] = dm
                return ins3(m1, m2, m3, dm)

            m1, m2, m3 = lax.fori_loop(0, NCH, body, (inf_v,) * 3)
            return m1, m2, m3, inf_v, inf_v, inf_v

        def exact_bound(_):
            a1, a2, a3, b1, b2, b3 = lax.cond(
                ones_row, ph1_fast, ph1_masked, 0)
            ka, _ = plsc.sort_key_val(a1, iota)
            kb, _ = plsc.sort_key_val(b1, iota)
            lk, _, hk, _ = _merge32(ka, iota, kb, iota)
            for nxt in (a2, b2, a3, b3):
                kc, _ = plsc.sort_key_val(nxt, iota)
                nk, ni, _, _ = _pminmax(hk, iota, _rev(kc), iota)
                nk, ni = plsc.sort_key_val(nk, ni)
                lk, _, hk, _ = _merge32(lk, iota, nk, ni)
            return jnp.max(jnp.where(iota == 13, hk, -jnp.inf))

        def scan(t_b):
            def ph2(c4, off):
                c = c4 * 8
                for q in range(8):
                    v = row_v[pl.ds((c + q) * L, L)]
                    msk = v <= t_b
                    pos = plsc.cumsum(jnp.where(msk, 1, 0))
                    slot = jnp.where(msk, off + pos - 1, 0)
                    plsc.store_scatter(cv, [slot], v, mask=msk)
                    plsc.store_scatter(ci, [slot], (c + q) * L + iota,
                                       mask=msk)
                    off = off + plsc.all_reduce_population_count(msk)
                return off

            return lax.fori_loop(0, NCH // 8, ph2, zero_i)

        t_try = lax.cond(ones_row, lambda _: t_guess, exact_bound, 0)
        off = scan(t_try)

        def redo(_):
            return scan(exact_bound(0))

        off = lax.cond(jnp.max(off) < K_NB, redo, lambda _: off, 0)
        n_cand = jnp.max(off)
        plsc.store_scatter(cv, [n_cand + iota], inf_v)
        plsc.store_scatter(ci, [n_cand + iota], big_v)
        nv = (n_cand + (L - 1)) // L

        s0k, s0i = plsc.sort_key_val(cv[pl.ds(0, L)], ci[pl.ds(0, L)])
        s1k, s1i = plsc.sort_key_val(cv[pl.ds(L, L)], ci[pl.ds(L, L)])
        s0k, s0i, s1k, s1i = _merge32(s0k, s0i, s1k, s1i)

        def absorb(j, carry):
            s0k, s0i, s1k, s1i = carry
            ck, cj = plsc.sort_key_val(cv[pl.ds(j * L, L)],
                                       ci[pl.ds(j * L, L)])
            nk, ni, _, _ = _pminmax(s1k, s1i, _rev(ck), _rev(cj))
            nk, ni = plsc.sort_key_val(nk, ni)
            return _merge32(s0k, s0i, nk, ni)

        s0k, s0i, s1k, s1i = lax.fori_loop(
            2, nv, absorb, (s0k, s0i, s1k, s1i))

        sv[pl.ds(0, L)] = s0k
        sv[pl.ds(L, L)] = s1k
        sv[pl.ds(2 * L, L)] = inf_v
        tie = jnp.logical_or(
            jnp.any(sv[pl.ds(0, L)] == sv[pl.ds(1, L)]),
            jnp.any(jnp.logical_and(
                sv[pl.ds(L, L)] == sv[pl.ds(L + 1, L)], iota < 14)))

        def fast(_):
            return s0k, s1k, s0i, s1i

        def exact(_):
            def pick(t, carry):
                ov0, ov1, oi0, oi1 = carry

                def pass_a(j, acc):
                    return jnp.minimum(acc, cv[pl.ds(j * L, L)])

                g = jnp.min(lax.fori_loop(0, nv, pass_a, inf_v))

                def pass_b(j, c2):
                    ia, sl_ = c2
                    v = cv[pl.ds(j * L, L)]
                    ii = ci[pl.ds(j * L, L)]
                    upd = jnp.logical_and(v == g, ii < ia)
                    ia = jnp.where(upd, ii, ia)
                    sl_ = jnp.where(upd, j * L + iota, sl_)
                    return ia, sl_

                ia, sl_ = lax.fori_loop(0, nv, pass_b, (big_v, big_v))
                a = jnp.min(ia)
                slot = jnp.min(jnp.where(ia == a, sl_, BIG_I))
                m0 = iota == 0
                slot_v = jnp.full((L,), slot, dtype=jnp.int32)
                plsc.store_scatter(cv, [slot_v], inf_v, mask=m0)
                plsc.store_scatter(ci, [slot_v], big_v, mask=m0)
                sel = iota == (t % L)
                lo = jnp.logical_and(sel, t < L)
                hi = jnp.logical_and(sel, t >= L)
                ov0 = jnp.where(lo, g, ov0)
                oi0 = jnp.where(lo, a, oi0)
                ov1 = jnp.where(hi, g, ov1)
                oi1 = jnp.where(hi, a, oi1)
                return ov0, ov1, oi0, oi1

            z_f = jnp.zeros((L,), jnp.float32)
            return lax.fori_loop(0, K_NB, pick, (z_f, z_f, zero_i, zero_i))

        s0k, s1k, s0i, s1i = lax.cond(tie, exact, fast, 0)

        mj0 = mi * plsc.load_gather(mrow_v, [s0i])
        mj1 = mi * plsc.load_gather(mrow_v, [s1i])

        r = row - base
        ov_v[r, pl.ds(0, L)] = s0k
        ov_v[r, pl.ds(L, L)] = s1k
        oi_v[r, pl.ds(0, L)] = s0i
        oi_v[r, pl.ds(L, L)] = s1i
        om_v[r, pl.ds(0, L)] = mj0
        om_v[r, pl.ds(L, L)] = mj1

        t30 = jnp.max(jnp.where(iota == 13, s1k, -jnp.inf))
        return t30 + 0.6 * jnp.abs(t30)

    @pl.loop(0, RPW, step=2, init_carry=jnp.float32(jnp.inf))
    def _row(r, t_g):
        row = base + r
        pltpu.make_async_copy(d_hbm.at[row], row_a, sem_a).wait()
        pltpu.async_copy(d_hbm.at[row + 1], row_b, sem_b)
        t_g = process(row, row_a, t_g)
        nxt = jnp.minimum(row + 2, R - 1)
        pltpu.make_async_copy(d_hbm.at[row], row_b, sem_b).wait()
        pltpu.async_copy(d_hbm.at[nxt], row_a, sem_a)
        return process(row + 1, row_b, t_g)

    pltpu.make_async_copy(d_hbm.at[base], row_a, sem_a).wait()

    out_rows = pl.ds(base, RPW)
    pltpu.async_copy(oi_v, idx_hbm.at[out_rows], sem_o).wait()
    pltpu.async_copy(ov_v, val_hbm.at[out_rows], sem_o).wait()
    pltpu.async_copy(om_v, mij_hbm.at[out_rows], sem_o).wait()


@jax.jit
def _sc_topk(d2, mask):
    mesh = plsc.VectorSubcoreMesh(core_axis_name="c", subcore_axis_name="s")
    cp = pltpu.CompilerParams()
    if "needs_layout_passes" in pltpu.CompilerParams.__dataclass_fields__:
        cp = dataclasses.replace(cp, needs_layout_passes=False)
    fn = functools.partial(
        pl.kernel,
        out_type=(jax.ShapeDtypeStruct((R, KPAD), jnp.int32),
                  jax.ShapeDtypeStruct((R, KPAD), jnp.float32),
                  jax.ShapeDtypeStruct((R, KPAD), jnp.float32)),
        mesh=mesh,
        scratch_types=[
            pltpu.VMEM((N,), jnp.float32),
            pltpu.VMEM((N,), jnp.float32),
            pltpu.VMEM((N,), jnp.float32),
            pltpu.VMEM((N + L,), jnp.float32),
            pltpu.VMEM((N + L,), jnp.int32),
            pltpu.VMEM((3 * L,), jnp.float32),
            pltpu.VMEM((RPW, KPAD), jnp.int32),
            pltpu.VMEM((RPW, KPAD), jnp.float32),
            pltpu.VMEM((RPW, KPAD), jnp.float32),
            pltpu.SemaphoreType.DMA,
            pltpu.SemaphoreType.DMA,
            pltpu.SemaphoreType.DMA,
        ],
        compiler_params=cp,
    )(_topk_body)
    return fn(d2, mask)


def kernel(D, mask):
    idx, val, mij = _sc_topk(D.reshape(R, N), mask)
    return (idx[:, :K_NB].reshape(B_SZ, N, K_NB),
            val[:, :K_NB].reshape(B_SZ, N, K_NB),
            mij[:, :K_NB].reshape(B_SZ, N, K_NB))

# --- scband reference (transcript-rebuilt; emitter-appended) ---
"""Pipeline reference for scband-flood-feature-graph-69647189672101 (READ-ONLY COPY).

The authoritative reference and input builder live on the scoring server;
editing this copy changes nothing except your own understanding.
"""

import jax, jax.numpy as jnp
import numpy as np

K_NEIGHBORS = 30


def setup_inputs(seed: int = 0) -> dict:
    key = jax.random.key(seed)
    k1, _ = jax.random.split(key)
    D = jax.random.uniform(k1, (2, 4096, 4096), dtype=jnp.float32)
    mask = jnp.ones((2, 4096), dtype=jnp.float32)
    return {"D": D, "mask": mask}


def reference(D, mask):
    # mask_full = mask.unsqueeze(2) * mask.unsqueeze(1)
    mask_full = mask[:, :, None] * mask[:, None, :]
    max_float = np.float32(np.finfo(np.float32).max)
    Dm = mask_full * D + (1.0 - mask_full) * max_float
    k = min(K_NEIGHBORS, Dm.shape[-1])
    # torch.topk(D, k, largest=False) == top_k of negated values
    neg_vals, edge_idx = jax.lax.top_k(-Dm, k)
    edge_D = -neg_vals
    # graph.collect_edges(mask_full.unsqueeze(-1), edge_idx).squeeze(-1):
    # gather mask_full[b, i, edge_idx[b, i, k]]
    mask_ij = jnp.take_along_axis(mask_full, edge_idx, axis=-1)
    return edge_idx, edge_D, mask_ij

if __name__ == "__main__":
    import jax
    _d = setup_inputs()
    print(jax.jit(kernel)(*tuple(_d.values())))

</pallas_src>

<mosaic_0001>
#map = affine_map<(d0, d1) -> (0, 0)>
module attributes {stable_mosaic.version = 14 : i64} {
  func.func @_topk_body(%arg0: i32, %arg1: i32, %arg2: memref<8192x4096xf32, #tpu.memory_space<hbm>>, %arg3: memref<2x4096xf32, #tpu.memory_space<hbm>>, %arg4: memref<8192x32xi32, #tpu.memory_space<hbm>>, %arg5: memref<8192x32xf32, #tpu.memory_space<hbm>>, %arg6: memref<8192x32xf32, #tpu.memory_space<hbm>>, %arg7: memref<4096xf32, #tpu.memory_space<vmem>>, %arg8: memref<4096xf32, #tpu.memory_space<vmem>>, %arg9: memref<4096xf32, #tpu.memory_space<vmem>>, %arg10: memref<4112xf32, #tpu.memory_space<vmem>>, %arg11: memref<4112xi32, #tpu.memory_space<vmem>>, %arg12: memref<48xf32, #tpu.memory_space<vmem>>, %arg13: memref<256x32xi32, #tpu.memory_space<vmem>>, %arg14: memref<256x32xf32, #tpu.memory_space<vmem>>, %arg15: memref<256x32xf32, #tpu.memory_space<vmem>>, %arg16: memref<!tpu.dma_semaphore, #tpu.memory_space<semaphore_mem>>, %arg17: memref<!tpu.dma_semaphore, #tpu.memory_space<semaphore_mem>>, %arg18: memref<!tpu.dma_semaphore, #tpu.memory_space<semaphore_mem>>) attributes {dimension_semantics = [#tpu.dimension_semantics<core_parallel>, #tpu.dimension_semantics<subcore_parallel>], iteration_bounds = array<i64: 2, 16>, scalar_prefetch = 0 : i64, scratch_operands = 12 : i64, tpu.core_type = #tpu.core_type<sc_vector_subcore>, window_params = [{transform_indices = #map}, {transform_indices = #map}, {transform_indices = #map}, {transform_indices = #map}, {transform_indices = #map}]} {
    %mul3A = arith.constant 16 : i32
    %mul3A_0 = arith.muli %arg0, %mul3A : i32
    %add3A = arith.addi %mul3A_0, %arg1 : i32
    %mul3A_1 = arith.constant 256 : i32
    %mul3A_2 = arith.muli %add3A, %mul3A_1 : i32
    %jit3A = arith.constant 4096 : i32
    %div3A = arith.divsi %mul3A_2, %jit3A : i32
    %sign3A = arith.constant 0 : i32
    %sign3A_3 = arith.cmpi sgt, %mul3A_2, %sign3A : i32
    %sign3A_4 = arith.extui %sign3A_3 : i1 to i32
    %sign3A_5 = arith.constant 0 : i32
    %sign3A_6 = arith.cmpi slt, %mul3A_2, %sign3A_5 : i32
    %sign3A_7 = arith.extui %sign3A_6 : i1 to i32
    %sign3A_8 = arith.subi %sign3A_4, %sign3A_7 : i32
    %sign3A_9 = arith.constant 0 : i32
    %sign3A_10 = arith.cmpi sgt, %jit3A, %sign3A_9 : i32
    %sign3A_11 = arith.extui %sign3A_10 : i1 to i32
    %sign3A_12 = arith.constant 0 : i32
    %sign3A_13 = arith.cmpi slt, %jit3A, %sign3A_12 : i32
    %sign3A_14 = arith.extui %sign3A_13 : i1 to i32
    %sign3A_15 = arith.subi %sign3A_11, %sign3A_14 : i32
    %ne3A = arith.cmpi ne, %sign3A_8, %sign3A_15 : i32
    %rem3A = arith.remsi %mul3A_2, %jit3A : i32
    %ne3A_16 = arith.constant 0 : i32
    %ne3A_17 = arith.cmpi ne, %rem3A, %ne3A_16 : i32
    %and3A = arith.andi %ne3A, %ne3A_17 : i1
    %sub3A = arith.constant 1 : i32
    %sub3A_18 = arith.subi %div3A, %sub3A : i32
    %select_n3A = arith.select %and3A, %sub3A_18, %div3A : i32
    %iota3A = tpu.iota {dimensions = array<i32: 0>} : vector<16xi32>
    %broadcast_in_dim3A = arith.constant 0x7F800000 : f32
    %broadcast_in_dim3A_19 = vector.broadcast %broadcast_in_dim3A : f32 to vector<16xf32>
    %broadcast_in_dim3A_20 = arith.constant 2147483647 : i32
    %broadcast_in_dim3A_21 = vector.broadcast %broadcast_in_dim3A_20 : i32 to vector<16xi32>
    %broadcast_in_dim3A_22 = arith.constant 0 : i32
    %broadcast_in_dim3A_23 = vector.broadcast %broadcast_in_dim3A_22 : i32 to vector<16xi32>
    "tpu.region"() ({
      %run_scoped3A = tpu.sem_alloc : memref<!tpu.dma_semaphore, #tpu.memory_space<semaphore_mem>>
      %dma_start3A_82 = arith.constant 0 : i32
      %dma_start3A_83 = tpu.memref_slice %arg3[%select_n3A, %dma_start3A_82] : memref<2x4096xf32, #tpu.memory_space<hbm>> -> memref<1x4096xf32, #tpu.memory_space<hbm>>
      %dma_start3A_84 = tpu.memref_squeeze %dma_start3A_83 : memref<1x4096xf32, #tpu.memory_space<hbm>> -> memref<4096xf32, #tpu.memory_space<hbm>>
      %dma_start3A_85 = arith.constant 0 : i32
      %dma_start3A_86 = tpu.memref_slice %arg3[%select_n3A, %dma_start3A_85] : memref<2x4096xf32, #tpu.memory_space<hbm>> -> memref<1x4096xf32, #tpu.memory_space<hbm>>
      %dma_start3A_87 = tpu.memref_squeeze %dma_start3A_86 : memref<1x4096xf32, #tpu.memory_space<hbm>> -> memref<4096xf32, #tpu.memory_space<hbm>>
      tpu.enqueue_dma source(%dma_start3A_87 : memref<4096xf32, #tpu.memory_space<hbm>>) target(%arg9 : memref<4096xf32, #tpu.memory_space<vmem>>) target_semaphore(%run_scoped3A : memref<!tpu.dma_semaphore, #tpu.memory_space<semaphore_mem>>)
      %dma_wait3A_88 = arith.constant 0 : i32
      %dma_wait3A_89 = tpu.memref_slice %arg3[%select_n3A, %dma_wait3A_88] : memref<2x4096xf32, #tpu.memory_space<hbm>> -> memref<1x4096xf32, #tpu.memory_space<hbm>>
      %dma_wait3A_90 = tpu.memref_squeeze %dma_wait3A_89 : memref<1x4096xf32, #tpu.memory_space<hbm>> -> memref<4096xf32, #tpu.memory_space<hbm>>
      %dma_wait3A_91 = arith.constant 0 : i32
      %dma_wait3A_92 = tpu.memref_slice %arg3[%select_n3A, %dma_wait3A_91] : memref<2x4096xf32, #tpu.memory_space<hbm>> -> memref<1x4096xf32, #tpu.memory_space<hbm>>
      %dma_wait3A_93 = tpu.memref_squeeze %dma_wait3A_92 : memref<1x4096xf32, #tpu.memory_space<hbm>> -> memref<4096xf32, #tpu.memory_space<hbm>>
      tpu.wait_dma2 semaphore(%run_scoped3A : memref<!tpu.dma_semaphore, #tpu.memory_space<semaphore_mem>>) src(%dma_wait3A_93 : memref<4096xf32, #tpu.memory_space<hbm>>) dst(%arg9 : memref<4096xf32, #tpu.memory_space<vmem>>)
      tpu.yield
    }) : () -> ()
    %neg3A = arith.constant 0.000000e+00 : f32
    %neg3A_24 = vector.broadcast %neg3A : f32 to vector<16xf32>
    %neg3A_25 = arith.subf %neg3A_24, %broadcast_in_dim3A_19 : vector<16xf32>
    %scan3A = arith.constant 0 : i32
    %scan3A_26 = arith.constant 256 : i32
    %scan3A_27 = arith.addi %scan3A, %scan3A_26 : i32
    %scan3A_28 = arith.constant 1 : i32
    %scan3A_29:2 = scf.for %scan3A_82 = %scan3A to %scan3A_27 step %scan3A_28 iter_args(%scan3A_83 = %broadcast_in_dim3A_19, %scan3A_84 = %neg3A_25) -> (vector<16xf32>, vector<16xf32>)  : i32 {
      %mul3A_85 = arith.constant 16 : i32
      %mul3A_86 = arith.muli %scan3A_82, %mul3A_85 : i32
      %get3A = arith.index_cast %mul3A_86 : i32 to index
      %get3A_87 = tpu.vector_load %arg9[%get3A] {strides = array<i32>} : memref<4096xf32, #tpu.memory_space<vmem>>, vector<16xf32>,
      %min3A = arith.minimumf %scan3A_83, %get3A_87 : vector<16xf32>
      %max3A = arith.maximumf %scan3A_84, %get3A_87 : vector<16xf32>
      scf.yield %min3A, %max3A : vector<16xf32>, vector<16xf32>
    }
    %scan3A_30 = arith.constant 256 : i32
    %reduce_min3A = arith.constant true
    %reduce_min3A_31 = vector.broadcast %reduce_min3A : i1 to vector<16xi1>
    %reduce_min3A_32 = tpu.scan <min>, %scan3A_29#0 masked %reduce_min3A_31 : vector<16xf32>, vector<16xi1> -> vector<16xf32>
    %reduce_min3A_33 = vector.extract %reduce_min3A_32[15] : f32 from vector<16xf32>
    %eq3A = arith.constant 1.000000e+00 : f32
    %eq3A_34 = arith.cmpf oeq, %reduce_min3A_33, %eq3A : f32
    %reduce_max3A = arith.constant true
    %reduce_max3A_35 = vector.broadcast %reduce_max3A : i1 to vector<16xi1>
    %reduce_max3A_36 = tpu.scan <max>, %scan3A_29#1 masked %reduce_max3A_35 : vector<16xf32>, vector<16xi1> -> vector<16xf32>
    %reduce_max3A_37 = vector.extract %reduce_max3A_36[15] : f32 from vector<16xf32>
    %eq3A_38 = arith.constant 1.000000e+00 : f32
    %eq3A_39 = arith.cmpf oeq, %reduce_max3A_37, %eq3A_38 : f32
    %and3A_40 = arith.andi %eq3A_34, %eq3A_39 : i1
    %dma_start3A = arith.constant 0 : i32
    %dma_start3A_41 = tpu.memref_slice %arg2[%mul3A_2, %dma_start3A] : memref<8192x4096xf32, #tpu.memory_space<hbm>> -> memref<1x4096xf32, #tpu.memory_space<hbm>>
    %dma_start3A_42 = tpu.memref_squeeze %dma_start3A_41 : memref<1x4096xf32, #tpu.memory_space<hbm>> -> memref<4096xf32, #tpu.memory_space<hbm>>
    %dma_start3A_43 = arith.constant 0 : i32
    %dma_start3A_44 = tpu.memref_slice %arg2[%mul3A_2, %dma_start3A_43] : memref<8192x4096xf32, #tpu.memory_space<hbm>> -> memref<1x4096xf32, #tpu.memory_space<hbm>>
    %dma_start3A_45 = tpu.memref_squeeze %dma_start3A_44 : memref<1x4096xf32, #tpu.memory_space<hbm>> -> memref<4096xf32, #tpu.memory_space<hbm>>
    tpu.enqueue_dma source(%dma_start3A_45 : memref<4096xf32, #tpu.memory_space<hbm>>) target(%arg7 : memref<4096xf32, #tpu.memory_space<vmem>>) target_semaphore(%arg16 : memref<!tpu.dma_semaphore, #tpu.memory_space<semaphore_mem>>)
    %scan3A_46 = arith.constant 0x7F800000 : f32
    %scan3A_47 = arith.constant 0 : i32
    %scan3A_48 = arith.constant 128 : i32
    %scan3A_49 = arith.addi %scan3A_47, %scan3A_48 : i32
    %scan3A_50 = arith.constant 1 : i32
    %scan3A_51 = scf.for %scan3A_82 = %scan3A_47 to %scan3A_49 step %scan3A_50 iter_args(%scan3A_83 = %scan3A_46) -> (f32)  : i32 {
      %mul3A_84 = arith.constant 2 : i32
      %mul3A_85 = arith.muli %scan3A_82, %mul3A_84 : i32
      %add3A_86 = arith.constant 0 : i32
      %add3A_87 = arith.addi %add3A_86, %mul3A_85 : i32
      %add3A_88 = arith.addi %mul3A_2, %add3A_87 : i32
      %dma_wait3A_89 = arith.constant 0 : i32
      %dma_wait3A_90 = tpu.memref_slice %arg2[%add3A_88, %dma_wait3A_89] : memref<8192x4096xf32, #tpu.memory_space<hbm>> -> memref<1x4096xf32, #tpu.memory_space<hbm>>
      %dma_wait3A_91 = tpu.memref_squeeze %dma_wait3A_90 : memref<1x4096xf32, #tpu.memory_space<hbm>> -> memref<4096xf32, #tpu.memory_space<hbm>>
      %dma_wait3A_92 = arith.constant 0 : i32
      %dma_wait3A_93 = tpu.memref_slice %arg2[%add3A_88, %dma_wait3A_92] : memref<8192x4096xf32, #tpu.memory_space<hbm>> -> memref<1x4096xf32, #tpu.memory_space<hbm>>
      %dma_wait3A_94 = tpu.memref_squeeze %dma_wait3A_93 : memref<1x4096xf32, #tpu.memory_space<hbm>> -> memref<4096xf32, #tpu.memory_space<hbm>>
      tpu.wait_dma2 semaphore(%arg16 : memref<!tpu.dma_semaphore, #tpu.memory_space<semaphore_mem>>) src(%dma_wait3A_94 : memref<4096xf32, #tpu.memory_space<hbm>>) dst(%arg7 : memref<4096xf32, #tpu.memory_space<vmem>>)
      %add3A_95 = arith.constant 1 : i32
      %add3A_96 = arith.addi %add3A_88, %add3A_95 : i32
      %dma_start3A_97 = arith.constant 0 : i32
      %dma_start3A_98 = tpu.memref_slice %arg2[%add3A_96, %dma_start3A_97] : memref<8192x4096xf32, #tpu.memory_space<hbm>> -> memref<1x4096xf32, #tpu.memory_space<hbm>>
      %dma_start3A_99 = tpu.memref_squeeze %dma_start3A_98 : memref<1x4096xf32, #tpu.memory_space<hbm>> -> memref<4096xf32, #tpu.memory_space<hbm>>
      %dma_start3A_100 = arith.constant 0 : i32
      %dma_start3A_101 = tpu.memref_slice %arg2[%add3A_96, %dma_start3A_100] : memref<8192x4096xf32, #tpu.memory_space<hbm>> -> memref<1x4096xf32, #tpu.memory_space<hbm>>
      %dma_start3A_102 = tpu.memref_squeeze %dma_start3A_101 : memref<1x4096xf32, #tpu.memory_space<hbm>> -> memref<4096xf32, #tpu.memory_space<hbm>>
      tpu.enqueue_dma source(%dma_start3A_102 : memref<4096xf32, #tpu.memory_space<hbm>>) target(%arg8 : memref<4096xf32, #tpu.memory_space<vmem>>) target_semaphore(%arg17 : memref<!tpu.dma_semaphore, #tpu.memory_space<semaphore_mem>>)
      %mul3A_103 = arith.constant 4096 : i32
      %mul3A_104 = arith.muli %select_n3A, %mul3A_103 : i32
      %sub3A_105 = arith.subi %add3A_88, %mul3A_104 : i32
      %jit3A_106 = arith.constant 16 : i32
      %div3A_107 = arith.divsi %sub3A_105, %jit3A_106 : i32
      %sign3A_108 = arith.constant 0 : i32
      %sign3A_109 = arith.cmpi sgt, %sub3A_105, %sign3A_108 : i32
      %sign3A_110 = arith.extui %sign3A_109 : i1 to i32
      %sign3A_111 = arith.constant 0 : i32
      %sign3A_112 = arith.cmpi slt, %sub3A_105, %sign3A_111 : i32
      %sign3A_113 = arith.extui %sign3A_112 : i1 to i32
      %sign3A_114 = arith.subi %sign3A_110, %sign3A_113 : i32
      %sign3A_115 = arith.constant 0 : i32
      %sign3A_116 = arith.cmpi sgt, %jit3A_106, %sign3A_115 : i32
      %sign3A_117 = arith.extui %sign3A_116 : i1 to i32
      %sign3A_118 = arith.constant 0 : i32
      %sign3A_119 = arith.cmpi slt, %jit3A_106, %sign3A_118 : i32
      %sign3A_120 = arith.extui %sign3A_119 : i1 to i32
      %sign3A_121 = arith.subi %sign3A_117, %sign3A_120 : i32
      %ne3A_122 = arith.cmpi ne, %sign3A_114, %sign3A_121 : i32
      %rem3A_123 = arith.remsi %sub3A_105, %jit3A_106 : i32
      %ne3A_124 = arith.constant 0 : i32
      %ne3A_125 = arith.cmpi ne, %rem3A_123, %ne3A_124 : i32
      %and3A_126 = arith.andi %ne3A_122, %ne3A_125 : i1
      %sub3A_127 = arith.constant 1 : i32
      %sub3A_128 = arith.subi %div3A_107, %sub3A_127 : i32
      %select_n3A_129 = arith.select %and3A_126, %sub3A_128, %div3A_107 : i32
      %mul3A_130 = arith.constant 16 : i32
      %mul3A_131 = arith.muli %select_n3A_129, %mul3A_130 : i32
      %get3A = arith.index_cast %mul3A_131 : i32 to index
      %get3A_132 = tpu.vector_load %arg9[%get3A] {strides = array<i32>} : memref<4096xf32, #tpu.memory_space<vmem>>, vector<16xf32>,
      %jit3A_133 = arith.constant 16 : i32
      %eq3A_134 = arith.constant 0 : i32
      %eq3A_135 = arith.cmpi eq, %jit3A_133, %eq3A_134 : i32
      %jit3A_136 = arith.constant 1 : i32
      %select_n3A_137 = arith.select %eq3A_135, %jit3A_136, %jit3A_133 : i32
      %rem3A_138 = arith.remsi %sub3A_105, %select_n3A_137 : i32
      %ne3A_139 = arith.constant 0 : i32
      %ne3A_140 = arith.cmpi ne, %rem3A_138, %ne3A_139 : i32
      %lt3A = arith.constant 0 : i32
      %lt3A_141 = arith.cmpi slt, %rem3A_138, %lt3A : i32
      %lt3A_142 = arith.constant 0 : i32
      %lt3A_143 = arith.cmpi slt, %select_n3A_137, %lt3A_142 : i32
      %ne3A_144 = arith.xori %lt3A_141, %lt3A_143 : i1
      %and3A_145 = arith.andi %ne3A_144, %ne3A_140 : i1
      %add3A_146 = arith.addi %rem3A_138, %select_n3A_137 : i32
      %select_n3A_147 = arith.select %and3A_145, %add3A_146, %rem3A_138 : i32
      %eq3A_148 = vector.broadcast %select_n3A_147 : i32 to vector<16xi32>
      %eq3A_149 = arith.cmpi eq, %iota3A, %eq3A_148 : vector<16xi32>
      %jit3A_150 = arith.constant 0.000000e+00 : f32
      %broadcast_in_dim3A_151 = vector.broadcast %jit3A_150 : f32 to vector<16xf32>
      %select_n3A_152 = arith.select %eq3A_149, %get3A_132, %broadcast_in_dim3A_151 : vector<16xi1>, vector<16xf32>
      %reduce_sum3A = arith.constant true
      %reduce_sum3A_153 = vector.broadcast %reduce_sum3A : i1 to vector<16xi1>
      %reduce_sum3A_154 = tpu.scan <sum>, %select_n3A_152 masked %reduce_sum3A_153 : vector<16xf32>, vector<16xi1> -> vector<16xf32>
      %reduce_sum3A_155 = vector.extract %reduce_sum3A_154[15] : f32 from vector<16xf32>
      %convert_element_type3A = arith.extui %and3A_40 : i1 to i32
      %cond3A = arith.constant 0 : i32
      %cond3A_156 = arith.constant 0 : i32
      %cond3A_157 = arith.cmpi ne, %convert_element_type3A, %cond3A_156 : i32
      %cond3A_158 = scf.if %cond3A_157 -> (f32) {
        scf.yield %scan3A_83 : f32
      } else {
        %convert_element_type3A_620 = arith.extui %and3A_40 : i1 to i32
        %cond3A_621 = arith.constant 0 : i32
        %cond3A_622 = arith.constant 0 : i32
        %cond3A_623 = arith.cmpi ne, %convert_element_type3A_620, %cond3A_622 : i32
        %cond3A_624:6 = scf.if %cond3A_623 -> (vector<16xf32>, vector<16xf32>, vector<16xf32>, vector<16xf32>, vector<16xf32>, vector<16xf32>) {
          %scan3A_830 = arith.constant 0 : i32
          %scan3A_831 = arith.constant 64 : i32
          %scan3A_832 = arith.addi %scan3A_830, %scan3A_831 : i32
          %scan3A_833 = arith.constant 1 : i32
          %scan3A_834:6 = scf.for %scan3A_836 = %scan3A_830 to %scan3A_832 step %scan3A_833 iter_args(%scan3A_837 = %broadcast_in_dim3A_19, %scan3A_838 = %broadcast_in_dim3A_19, %scan3A_839 = %broadcast_in_dim3A_19, %scan3A_840 = %broadcast_in_dim3A_19, %scan3A_841 = %broadcast_in_dim3A_19, %scan3A_842 = %broadcast_in_dim3A_19) -> (vector<16xf32>, vector<16xf32>, vector<16xf32>, vector<16xf32>, vector<16xf32>, vector<16xf32>)  : i32 {
            %mul3A_843 = arith.constant 4 : i32
            %mul3A_844 = arith.muli %scan3A_836, %mul3A_843 : i32
            %mul3A_845 = arith.constant 16 : i32
            %mul3A_846 = arith.muli %mul3A_844, %mul3A_845 : i32
            %get3A_847 = arith.index_cast %mul3A_846 : i32 to index
            %get3A_848 = tpu.vector_load %arg7[%get3A_847] {strides = array<i32>} : memref<4096xf32, #tpu.memory_space<vmem>>, vector<16xf32>,
            %add3A_849 = arith.constant 1 : i32
            %add3A_850 = arith.addi %mul3A_844, %add3A_849 : i32
            %mul3A_851 = arith.constant 16 : i32
            %mul3A_852 = arith.muli %add3A_850, %mul3A_851 : i32
            %get3A_853 = arith.index_cast %mul3A_852 : i32 to index
            %get3A_854 = tpu.vector_load %arg7[%get3A_853] {strides = array<i32>} : memref<4096xf32, #tpu.memory_space<vmem>>, vector<16xf32>,
            %add3A_855 = arith.constant 2 : i32
            %add3A_856 = arith.addi %mul3A_844, %add3A_855 : i32
            %mul3A_857 = arith.constant 16 : i32
            %mul3A_858 = arith.muli %add3A_856, %mul3A_857 : i32
            %get3A_859 = arith.index_cast %mul3A_858 : i32 to index
            %get3A_860 = tpu.vector_load %arg7[%get3A_859] {strides = array<i32>} : memref<4096xf32, #tpu.memory_space<vmem>>, vector<16xf32>,
            %add3A_861 = arith.constant 3 : i32
            %add3A_862 = arith.addi %mul3A_844, %add3A_861 : i32
            %mul3A_863 = arith.constant 16 : i32
            %mul3A_864 = arith.muli %add3A_862, %mul3A_863 : i32
            %get3A_865 = arith.index_cast %mul3A_864 : i32 to index
            %get3A_866 = tpu.vector_load %arg7[%get3A_865] {strides = array<i32>} : memref<4096xf32, #tpu.memory_space<vmem>>, vector<16xf32>,
            %max3A = arith.maximumf %scan3A_837, %get3A_848 : vector<16xf32>
            %min3A_867 = arith.minimumf %scan3A_837, %get3A_848 : vector<16xf32>
            %max3A_868 = arith.maximumf %scan3A_838, %max3A : vector<16xf32>
            %min3A_869 = arith.minimumf %scan3A_838, %max3A : vector<16xf32>
            %min3A_870 = arith.minimumf %scan3A_839, %max3A_868 : vector<16xf32>
            %max3A_871 = arith.maximumf %scan3A_840, %get3A_854 : vector<16xf32>
            %min3A_872 = arith.minimumf %scan3A_840, %get3A_854 : vector<16xf32>
            %max3A_873 = arith.maximumf %scan3A_841, %max3A_871 : vector<16xf32>
            %min3A_874 = arith.minimumf %scan3A_841, %max3A_871 : vector<16xf32>
            %min3A_875 = arith.minimumf %scan3A_842, %max3A_873 : vector<16xf32>
            %max3A_876 = arith.maximumf %min3A_867, %get3A_860 : vector<16xf32>
            %min3A_877 = arith.minimumf %min3A_867, %get3A_860 : vector<16xf32>
            %max3A_878 = arith.maximumf %min3A_869, %max3A_876 : vector<16xf32>
            %min3A_879 = arith.minimumf %min3A_869, %max3A_876 : vector<16xf32>
            %min3A_880 = arith.minimumf %min3A_870, %max3A_878 : vector<16xf32>
            %max3A_881 = arith.maximumf %min3A_872, %get3A_866 : vector<16xf32>
            %min3A_882 = arith.minimumf %min3A_872, %get3A_866 : vector<16xf32>
            %max3A_883 = arith.maximumf %min3A_874, %max3A_881 : vector<16xf32>
            %min3A_884 = arith.minimumf %min3A_874, %max3A_881 : vector<16xf32>
            %min3A_885 = arith.minimumf %min3A_875, %max3A_883 : vector<16xf32>
            scf.yield %min3A_877, %min3A_879, %min3A_880, %min3A_882, %min3A_884, %min3A_885 : vector<16xf32>, vector<16xf32>, vector<16xf32>, vector<16xf32>, vector<16xf32>, vector<16xf32>
          }
          %scan3A_835 = arith.constant 64 : i32
          scf.yield %scan3A_834#0, %scan3A_834#1, %scan3A_834#2, %scan3A_834#3, %scan3A_834#4, %scan3A_834#5 : vector<16xf32>, vector<16xf32>, vector<16xf32>, vector<16xf32>, vector<16xf32>, vector<16xf32>
        } else {
          %scan3A_830 = arith.constant 0 : i32
          %scan3A_831 = arith.constant 256 : i32
          %scan3A_832 = arith.addi %scan3A_830, %scan3A_831 : i32
          %scan3A_833 = arith.constant 1 : i32
          %scan3A_834:3 = scf.for %scan3A_836 = %scan3A_830 to %scan3A_832 step %scan3A_833 iter_args(%scan3A_837 = %broadcast_in_dim3A_19, %scan3A_838 = %broadcast_in_dim3A_19, %scan3A_839 = %broadcast_in_dim3A_19) -> (vector<16xf32>, vector<16xf32>, vector<16xf32>)  : i32 {
            %mul3A_840 = arith.constant 16 : i32
            %mul3A_841 = arith.muli %scan3A_836, %mul3A_840 : i32
            %get3A_842 = arith.index_cast %mul3A_841 : i32 to index
            %get3A_843 = tpu.vector_load %arg9[%get3A_842] {strides = array<i32>} : memref<4096xf32, #tpu.memory_space<vmem>>, vector<16xf32>,
            %mul3A_844 = vector.broadcast %reduce_sum3A_155 : f32 to vector<16xf32>
            %mul3A_845 = arith.mulf %mul3A_844, %get3A_843 : vector<16xf32>
            %get3A_846 = arith.index_cast %mul3A_841 : i32 to index
            %get3A_847 = tpu.vector_load %arg7[%get3A_846] {strides = array<i32>} : memref<4096xf32, #tpu.memory_space<vmem>>, vector<16xf32>,
            %mul3A_848 = arith.mulf %mul3A_845, %get3A_847 : vector<16xf32>
            %sub3A_849 = arith.constant 1.000000e+00 : f32
            %sub3A_850 = vector.broadcast %sub3A_849 : f32 to vector<16xf32>
            %sub3A_851 = arith.subf %sub3A_850, %mul3A_845 : vector<16xf32>
            %mul3A_852 = arith.constant 3.40282347E+38 : f32
            %mul3A_853 = vector.broadcast %mul3A_852 : f32 to vector<16xf32>
            %mul3A_854 = arith.mulf %sub3A_851, %mul3A_853 : vector<16xf32>
            %add3A_855 = arith.addf %mul3A_848, %mul3A_854 : vector<16xf32>
            %swap3A_856 = arith.index_cast %mul3A_841 : i32 to index
            %swap3A_857 = tpu.vector_load %arg7[%swap3A_856] {strides = array<i32>} : memref<4096xf32, #tpu.memory_space<vmem>>, vector<16xf32>,
            tpu.vector_store %arg7[%swap3A_856], %add3A_855 {strides = array<i32>} : memref<4096xf32, #tpu.memory_space<vmem>>, vector<16xf32>,
            %max3A = arith.maximumf %scan3A_837, %add3A_855 : vector<16xf32>
            %min3A_858 = arith.minimumf %scan3A_837, %add3A_855 : vector<16xf32>
            %max3A_859 = arith.maximumf %scan3A_838, %max3A : vector<16xf32>
            %min3A_860 = arith.minimumf %scan3A_838, %max3A : vector<16xf32>
            %min3A_861 = arith.minimumf %scan3A_839, %max3A_859 : vector<16xf32>
            scf.yield %min3A_858, %min3A_860, %min3A_861 : vector<16xf32>, vector<16xf32>, vector<16xf32>
          }
          %scan3A_835 = arith.constant 256 : i32
          scf.yield %scan3A_834#0, %scan3A_834#1, %scan3A_834#2, %broadcast_in_dim3A_19, %broadcast_in_dim3A_19, %broadcast_in_dim3A_19 : vector<16xf32>, vector<16xf32>, vector<16xf32>, vector<16xf32>, vector<16xf32>, vector<16xf32>
        }
        %masked_sort3A_625 = arith.constant dense<true> : vector<16xi1>
        %masked_sort3A_626, %masked_sort3A_627, %masked_sort3A_628 = tpu.sort %cond3A_624#0, %iota3A masked %masked_sort3A_625 : (vector<16xf32>, vector<16xi32>, vector<16xi1>) -> (vector<16xi1>, vector<16xf32>, vector<16xi32>)
        %masked_sort3A_629 = arith.constant dense<true> : vector<16xi1>
        %masked_sort3A_630, %masked_sort3A_631, %masked_sort3A_632 = tpu.sort %cond3A_624#3, %iota3A masked %masked_sort3A_629 : (vector<16xf32>, vector<16xi32>, vector<16xi1>) -> (vector<16xi1>, vector<16xf32>, vector<16xi32>)
        %rev3A_633 = arith.constant 15 : i32
        %rev3A_634 = vector.broadcast %rev3A_633 : i32 to vector<16xi32>
        %rev3A_635 = tpu.iota {dimensions = array<i32: 0>} : vector<16xi32>
        %rev3A_636 = arith.subi %rev3A_634, %rev3A_635 : vector<16xi32>
        %rev3A_637 = tpu.dynamic_gather %masked_sort3A_631[%rev3A_636] in [0] : vector<16xf32>, vector<16xi32> -> vector<16xf32>
        %rev3A_638 = arith.constant 15 : i32
        %rev3A_639 = vector.broadcast %rev3A_638 : i32 to vector<16xi32>
        %rev3A_640 = tpu.iota {dimensions = array<i32: 0>} : vector<16xi32>
        %rev3A_641 = arith.subi %rev3A_639, %rev3A_640 : vector<16xi32>
        %rev3A_642 = tpu.dynamic_gather %iota3A[%rev3A_641] in [0] : vector<16xi32>, vector<16xi32> -> vector<16xi32>
        %le3A_643 = arith.cmpf ole, %masked_sort3A_627, %rev3A_637 : vector<16xf32>
        %select_n3A_644 = arith.select %le3A_643, %masked_sort3A_627, %rev3A_637 : vector<16xi1>, vector<16xf32>
        %select_n3A_645 = arith.select %le3A_643, %iota3A, %rev3A_642 : vector<16xi1>, vector<16xi32>
        %select_n3A_646 = arith.select %le3A_643, %rev3A_637, %masked_sort3A_627 : vector<16xi1>, vector<16xf32>
        %select_n3A_647 = arith.select %le3A_643, %rev3A_642, %iota3A : vector<16xi1>, vector<16xi32>
        %masked_sort3A_648 = arith.constant dense<true> : vector<16xi1>
        %masked_sort3A_649, %masked_sort3A_650, %masked_sort3A_651 = tpu.sort %select_n3A_644, %select_n3A_645 masked %masked_sort3A_648 : (vector<16xf32>, vector<16xi32>, vector<16xi1>) -> (vector<16xi1>, vector<16xf32>, vector<16xi32>)
        %masked_sort3A_652 = arith.constant dense<true> : vector<16xi1>
        %masked_sort3A_653, %masked_sort3A_654, %masked_sort3A_655 = tpu.sort %select_n3A_646, %select_n3A_647 masked %masked_sort3A_652 : (vector<16xf32>, vector<16xi32>, vector<16xi1>) -> (vector<16xi1>, vector<16xf32>, vector<16xi32>)
        %masked_sort3A_656 = arith.constant dense<true> : vector<16xi1>
        %masked_sort3A_657, %masked_sort3A_658, %masked_sort3A_659 = tpu.sort %cond3A_624#1, %iota3A masked %masked_sort3A_656 : (vector<16xf32>, vector<16xi32>, vector<16xi1>) -> (vector<16xi1>, vector<16xf32>, vector<16xi32>)
        %rev3A_660 = arith.constant 15 : i32
        %rev3A_661 = vector.broadcast %rev3A_660 : i32 to vector<16xi32>
        %rev3A_662 = tpu.iota {dimensions = array<i32: 0>} : vector<16xi32>
        %rev3A_663 = arith.subi %rev3A_661, %rev3A_662 : vector<16xi32>
        %rev3A_664 = tpu.dynamic_gather %masked_sort3A_658[%rev3A_663] in [0] : vector<16xf32>, vector<16xi32> -> vector<16xf32>
        %le3A_665 = arith.cmpf ole, %masked_sort3A_654, %rev3A_664 : vector<16xf32>
        %select_n3A_666 = arith.select %le3A_665, %masked_sort3A_654, %rev3A_664 : vector<16xi1>, vector<16xf32>
        %select_n3A_667 = arith.select %le3A_665, %iota3A, %iota3A : vector<16xi1>, vector<16xi32>
        %select_n3A_668 = arith.select %le3A_665, %rev3A_664, %masked_sort3A_654 : vector<16xi1>, vector<16xf32>
        %select_n3A_669 = arith.select %le3A_665, %iota3A, %iota3A : vector<16xi1>, vector<16xi32>
        %masked_sort3A_670 = arith.constant dense<true> : vector<16xi1>
        %masked_sort3A_671, %masked_sort3A_672, %masked_sort3A_673 = tpu.sort %select_n3A_666, %select_n3A_667 masked %masked_sort3A_670 : (vector<16xf32>, vector<16xi32>, vector<16xi1>) -> (vector<16xi1>, vector<16xf32>, vector<16xi32>)
        %rev3A_674 = arith.constant 15 : i32
        %rev3A_675 = vector.broadcast %rev3A_674 : i32 to vector<16xi32>
        %rev3A_676 = tpu.iota {dimensions = array<i32: 0>} : vector<16xi32>
        %rev3A_677 = arith.subi %rev3A_675, %rev3A_676 : vector<16xi32>
        %rev3A_678 = tpu.dynamic_gather %masked_sort3A_672[%rev3A_677] in [0] : vector<16xf32>, vector<16xi32> -> vector<16xf32>
        %rev3A_679 = arith.constant 15 : i32
        %rev3A_680 = vector.broadcast %rev3A_679 : i32 to vector<16xi32>
        %rev3A_681 = tpu.iota {dimensions = array<i32: 0>} : vector<16xi32>
        %rev3A_682 = arith.subi %rev3A_680, %rev3A_681 : vector<16xi32>
        %rev3A_683 = tpu.dynamic_gather %masked_sort3A_673[%rev3A_682] in [0] : vector<16xi32>, vector<16xi32> -> vector<16xi32>
        %le3A_684 = arith.cmpf ole, %masked_sort3A_650, %rev3A_678 : vector<16xf32>
        %select_n3A_685 = arith.select %le3A_684, %masked_sort3A_650, %rev3A_678 : vector<16xi1>, vector<16xf32>
        %select_n3A_686 = arith.select %le3A_684, %iota3A, %rev3A_683 : vector<16xi1>, vector<16xi32>
        %select_n3A_687 = arith.select %le3A_684, %rev3A_678, %masked_sort3A_650 : vector<16xi1>, vector<16xf32>
        %select_n3A_688 = arith.select %le3A_684, %rev3A_683, %iota3A : vector<16xi1>, vector<16xi32>
        %masked_sort3A_689 = arith.constant dense<true> : vector<16xi1>
        %masked_sort3A_690, %masked_sort3A_691, %masked_sort3A_692 = tpu.sort %select_n3A_685, %select_n3A_686 masked %masked_sort3A_689 : (vector<16xf32>, vector<16xi32>, vector<16xi1>) -> (vector<16xi1>, vector<16xf32>, vector<16xi32>)
        %masked_sort3A_693 = arith.constant dense<true> : vector<16xi1>
        %masked_sort3A_694, %masked_sort3A_695, %masked_sort3A_696 = tpu.sort %select_n3A_687, %select_n3A_688 masked %masked_sort3A_693 : (vector<16xf32>, vector<16xi32>, vector<16xi1>) -> (vector<16xi1>, vector<16xf32>, vector<16xi32>)
        %masked_sort3A_697 = arith.constant dense<true> : vector<16xi1>
        %masked_sort3A_698, %masked_sort3A_699, %masked_sort3A_700 = tpu.sort %cond3A_624#4, %iota3A masked %masked_sort3A_697 : (vector<16xf32>, vector<16xi32>, vector<16xi1>) -> (vector<16xi1>, vector<16xf32>, vector<16xi32>)
        %rev3A_701 = arith.constant 15 : i32
        %rev3A_702 = vector.broadcast %rev3A_701 : i32 to vector<16xi32>
        %rev3A_703 = tpu.iota {dimensions = array<i32: 0>} : vector<16xi32>
        %rev3A_704 = arith.subi %rev3A_702, %rev3A_703 : vector<16xi32>
        %rev3A_705 = tpu.dynamic_gather %masked_sort3A_699[%rev3A_704] in [0] : vector<16xf32>, vector<16xi32> -> vector<16xf32>
        %le3A_706 = arith.cmpf ole, %masked_sort3A_695, %rev3A_705 : vector<16xf32>
        %select_n3A_707 = arith.select %le3A_706, %masked_sort3A_695, %rev3A_705 : vector<16xi1>, vector<16xf32>
        %select_n3A_708 = arith.select %le3A_706, %iota3A, %iota3A : vector<16xi1>, vector<16xi32>
        %select_n3A_709 = arith.select %le3A_706, %rev3A_705, %masked_sort3A_695 : vector<16xi1>, vector<16xf32>
        %select_n3A_710 = arith.select %le3A_706, %iota3A, %iota3A : vector<16xi1>, vector<16xi32>
        %masked_sort3A_711 = arith.constant dense<true> : vector<16xi1>
        %masked_sort3A_712, %masked_sort3A_713, %masked_sort3A_714 = tpu.sort %select_n3A_707, %select_n3A_708 masked %masked_sort3A_711 : (vector<16xf32>, vector<16xi32>, vector<16xi1>) -> (vector<16xi1>, vector<16xf32>, vector<16xi32>)
        %rev3A_715 = arith.constant 15 : i32
        %rev3A_716 = vector.broadcast %rev3A_715 : i32 to vector<16xi32>
        %rev3A_717 = tpu.iota {dimensions = array<i32: 0>} : vector<16xi32>
        %rev3A_718 = arith.subi %rev3A_716, %rev3A_717 : vector<16xi32>
        %rev3A_719 = tpu.dynamic_gather %masked_sort3A_713[%rev3A_718] in [0] : vector<16xf32>, vector<16xi32> -> vector<16xf32>
        %rev3A_720 = arith.constant 15 : i32
        %rev3A_721 = vector.broadcast %rev3A_720 : i32 to vector<16xi32>
        %rev3A_722 = tpu.iota {dimensions = array<i32: 0>} : vector<16xi32>
        %rev3A_723 = arith.subi %rev3A_721, %rev3A_722 : vector<16xi32>
        %rev3A_724 = tpu.dynamic_gather %masked_sort3A_714[%rev3A_723] in [0] : vector<16xi32>, vector<16xi32> -> vector<16xi32>
        %le3A_725 = arith.cmpf ole, %masked_sort3A_691, %rev3A_719 : vector<16xf32>
        %select_n3A_726 = arith.select %le3A_725, %masked_sort3A_691, %rev3A_719 : vector<16xi1>, vector<16xf32>
        %select_n3A_727 = arith.select %le3A_725, %iota3A, %rev3A_724 : vector<16xi1>, vector<16xi32>
        %select_n3A_728 = arith.select %le3A_725, %rev3A_719, %masked_sort3A_691 : vector<16xi1>, vector<16xf32>
        %select_n3A_729 = arith.select %le3A_725, %rev3A_724, %iota3A : vector<16xi1>, vector<16xi32>
        %masked_sort3A_730 = arith.constant dense<true> : vector<16xi1>
        %masked_sort3A_731, %masked_sort3A_732, %masked_sort3A_733 = tpu.sort %select_n3A_726, %select_n3A_727 masked %masked_sort3A_730 : (vector<16xf32>, vector<16xi32>, vector<16xi1>) -> (vector<16xi1>, vector<16xf32>, vector<16xi32>)
        %masked_sort3A_734 = arith.constant dense<true> : vector<16xi1>
        %masked_sort3A_735, %masked_sort3A_736, %masked_sort3A_737 = tpu.sort %select_n3A_728, %select_n3A_729 masked %masked_sort3A_734 : (vector<16xf32>, vector<16xi32>, vector<16xi1>) -> (vector<16xi1>, vector<16xf32>, vector<16xi32>)
        %masked_sort3A_738 = arith.constant dense<true> : vector<16xi1>
        %masked_sort3A_739, %masked_sort3A_740, %masked_sort3A_741 = tpu.sort %cond3A_624#2, %iota3A masked %masked_sort3A_738 : (vector<16xf32>, vector<16xi32>, vector<16xi1>) -> (vector<16xi1>, vector<16xf32>, vector<16xi32>)
        %rev3A_742 = arith.constant 15 : i32
        %rev3A_743 = vector.broadcast %rev3A_742 : i32 to vector<16xi32>
        %rev3A_744 = tpu.iota {dimensions = array<i32: 0>} : vector<16xi32>
        %rev3A_745 = arith.subi %rev3A_743, %rev3A_744 : vector<16xi32>
        %rev3A_746 = tpu.dynamic_gather %masked_sort3A_740[%rev3A_745] in [0] : vector<16xf32>, vector<16xi32> -> vector<16xf32>
        %le3A_747 = arith.cmpf ole, %masked_sort3A_736, %rev3A_746 : vector<16xf32>
        %select_n3A_748 = arith.select %le3A_747, %masked_sort3A_736, %rev3A_746 : vector<16xi1>, vector<16xf32>
        %select_n3A_749 = arith.select %le3A_747, %iota3A, %iota3A : vector<16xi1>, vector<16xi32>
        %select_n3A_750 = arith.select %le3A_747, %rev3A_746, %masked_sort3A_736 : vector<16xi1>, vector<16xf32>
        %select_n3A_751 = arith.select %le3A_747, %iota3A, %iota3A : vector<16xi1>, vector<16xi32>
        %masked_sort3A_752 = arith.constant dense<true> : vector<16xi1>
        %masked_sort3A_753, %masked_sort3A_754, %masked_sort3A_755 = tpu.sort %select_n3A_748, %select_n3A_749 masked %masked_sort3A_752 : (vector<16xf32>, vector<16xi32>, vector<16xi1>) -> (vector<16xi1>, vector<16xf32>, vector<16xi32>)
        %rev3A_756 = arith.constant 15 : i32
        %rev3A_757 = vector.broadcast %rev3A_756 : i32 to vector<16xi32>
        %rev3A_758 = tpu.iota {dimensions = array<i32: 0>} : vector<16xi32>
        %rev3A_759 = arith.subi %rev3A_757, %rev3A_758 : vector<16xi32>
        %rev3A_760 = tpu.dynamic_gather %masked_sort3A_754[%rev3A_759] in [0] : vector<16xf32>, vector<16xi32> -> vector<16xf32>
        %rev3A_761 = arith.constant 15 : i32
        %rev3A_762 = vector.broadcast %rev3A_761 : i32 to vector<16xi32>
        %rev3A_763 = tpu.iota {dimensions = array<i32: 0>} : vector<16xi32>
        %rev3A_764 = arith.subi %rev3A_762, %rev3A_763 : vector<16xi32>
        %rev3A_765 = tpu.dynamic_gather %masked_sort3A_755[%rev3A_764] in [0] : vector<16xi32>, vector<16xi32> -> vector<16xi32>
        %le3A_766 = arith.cmpf ole, %masked_sort3A_732, %rev3A_760 : vector<16xf32>
        %select_n3A_767 = arith.select %le3A_766, %masked_sort3A_732, %rev3A_760 : vector<16xi1>, vector<16xf32>
        %select_n3A_768 = arith.select %le3A_766, %iota3A, %rev3A_765 : vector<16xi1>, vector<16xi32>
        %select_n3A_769 = arith.select %le3A_766, %rev3A_760, %masked_sort3A_732 : vector<16xi1>, vector<16xf32>
        %select_n3A_770 = arith.select %le3A_766, %rev3A_765, %iota3A : vector<16xi1>, vector<16xi32>
        %masked_sort3A_771 = arith.constant dense<true> : vector<16xi1>
        %masked_sort3A_772, %masked_sort3A_773, %masked_sort3A_774 = tpu.sort %select_n3A_767, %select_n3A_768 masked %masked_sort3A_771 : (vector<16xf32>, vector<16xi32>, vector<16xi1>) -> (vector<16xi1>, vector<16xf32>, vector<16xi32>)
        %masked_sort3A_775 = arith.constant dense<true> : vector<16xi1>
        %masked_sort3A_776, %masked_sort3A_777, %masked_sort3A_778 = tpu.sort %select_n3A_769, %select_n3A_770 masked %masked_sort3A_775 : (vector<16xf32>, vector<16xi32>, vector<16xi1>) -> (vector<16xi1>, vector<16xf32>, vector<16xi32>)
        %masked_sort3A_779 = arith.constant dense<true> : vector<16xi1>
        %masked_sort3A_780, %masked_sort3A_781, %masked_sort3A_782 = tpu.sort %cond3A_624#5, %iota3A masked %masked_sort3A_779 : (vector<16xf32>, vector<16xi32>, vector<16xi1>) -> (vector<16xi1>, vector<16xf32>, vector<16xi32>)
        %rev3A_783 = arith.constant 15 : i32
        %rev3A_784 = vector.broadcast %rev3A_783 : i32 to vector<16xi32>
        %rev3A_785 = tpu.iota {dimensions = array<i32: 0>} : vector<16xi32>
        %rev3A_786 = arith.subi %rev3A_784, %rev3A_785 : vector<16xi32>
        %rev3A_787 = tpu.dynamic_gather %masked_sort3A_781[%rev3A_786] in [0] : vector<16xf32>, vector<16xi32> -> vector<16xf32>
        %le3A_788 = arith.cmpf ole, %masked_sort3A_777, %rev3A_787 : vector<16xf32>
        %select_n3A_789 = arith.select %le3A_788, %masked_sort3A_777, %rev3A_787 : vector<16xi1>, vector<16xf32>
        %select_n3A_790 = arith.select %le3A_788, %iota3A, %iota3A : vector<16xi1>, vector<16xi32>
        %select_n3A_791 = arith.select %le3A_788, %rev3A_787, %masked_sort3A_777 : vector<16xi1>, vector<16xf32>
        %select_n3A_792 = arith.select %le3A_788, %iota3A, %iota3A : vector<16xi1>, vector<16xi32>
        %masked_sort3A_793 = arith.constant dense<true> : vector<16xi1>
        %masked_sort3A_794, %masked_sort3A_795, %masked_sort3A_796 = tpu.sort %select_n3A_789, %select_n3A_790 masked %masked_sort3A_793 : (vector<16xf32>, vector<16xi32>, vector<16xi1>) -> (vector<16xi1>, vector<16xf32>, vector<16xi32>)
        %rev3A_797 = arith.constant 15 : i32
        %rev3A_798 = vector.broadcast %rev3A_797 : i32 to vector<16xi32>
        %rev3A_799 = tpu.iota {dimensions = array<i32: 0>} : vector<16xi32>
        %rev3A_800 = arith.subi %rev3A_798, %rev3A_799 : vector<16xi32>
        %rev3A_801 = tpu.dynamic_gather %masked_sort3A_795[%rev3A_800] in [0] : vector<16xf32>, vector<16xi32> -> vector<16xf32>
        %rev3A_802 = arith.constant 15 : i32
        %rev3A_803 = vector.broadcast %rev3A_802 : i32 to vector<16xi32>
        %rev3A_804 = tpu.iota {dimensions = array<i32: 0>} : vector<16xi32>
        %rev3A_805 = arith.subi %rev3A_803, %rev3A_804 : vector<16xi32>
        %rev3A_806 = tpu.dynamic_gather %masked_sort3A_796[%rev3A_805] in [0] : vector<16xi32>, vector<16xi32> -> vector<16xi32>
        %le3A_807 = arith.cmpf ole, %masked_sort3A_773, %rev3A_801 : vector<16xf32>
        %select_n3A_808 = arith.select %le3A_807, %masked_sort3A_773, %rev3A_801 : vector<16xi1>, vector<16xf32>
        %select_n3A_809 = arith.select %le3A_807, %iota3A, %rev3A_806 : vector<16xi1>, vector<16xi32>
        %select_n3A_810 = arith.select %le3A_807, %rev3A_801, %masked_sort3A_773 : vector<16xi1>, vector<16xf32>
        %select_n3A_811 = arith.select %le3A_807, %rev3A_806, %iota3A : vector<16xi1>, vector<16xi32>
        %masked_sort3A_812 = arith.constant dense<true> : vector<16xi1>
        %masked_sort3A_813, %masked_sort3A_814, %masked_sort3A_815 = tpu.sort %select_n3A_808, %select_n3A_809 masked %masked_sort3A_812 : (vector<16xf32>, vector<16xi32>, vector<16xi1>) -> (vector<16xi1>, vector<16xf32>, vector<16xi32>)
        %masked_sort3A_816 = arith.constant dense<true> : vector<16xi1>
        %masked_sort3A_817, %masked_sort3A_818, %masked_sort3A_819 = tpu.sort %select_n3A_810, %select_n3A_811 masked %masked_sort3A_816 : (vector<16xf32>, vector<16xi32>, vector<16xi1>) -> (vector<16xi1>, vector<16xf32>, vector<16xi32>)
        %eq3A_820 = arith.constant 13 : i32
        %eq3A_821 = vector.broadcast %eq3A_820 : i32 to vector<16xi32>
        %eq3A_822 = arith.cmpi eq, %iota3A, %eq3A_821 : vector<16xi32>
        %jit3A_823 = arith.constant 0xFF800000 : f32
        %broadcast_in_dim3A_824 = vector.broadcast %jit3A_823 : f32 to vector<16xf32>
        %select_n3A_825 = arith.select %eq3A_822, %masked_sort3A_818, %broadcast_in_dim3A_824 : vector<16xi1>, vector<16xf32>
        %reduce_max3A_826 = arith.constant true
        %reduce_max3A_827 = vector.broadcast %reduce_max3A_826 : i1 to vector<16xi1>
        %reduce_max3A_828 = tpu.scan <max>, %select_n3A_825 masked %reduce_max3A_827 : vector<16xf32>, vector<16xi1> -> vector<16xf32>
        %reduce_max3A_829 = vector.extract %reduce_max3A_828[15] : f32 from vector<16xf32>
        scf.yield %reduce_max3A_829 : f32
      }
      %scan3A_159 = arith.constant 0 : i32
      %scan3A_160 = arith.constant 32 : i32
      %scan3A_161 = arith.addi %scan3A_159, %scan3A_160 : i32
      %scan3A_162 = arith.constant 1 : i32
      %scan3A_163 = scf.for %scan3A_620 = %scan3A_159 to %scan3A_161 step %scan3A_162 iter_args(%scan3A_621 = %broadcast_in_dim3A_23) -> (vector<16xi32>)  : i32 {
        %mul3A_622 = arith.constant 8 : i32
        %mul3A_623 = arith.muli %scan3A_620, %mul3A_622 : i32
        %add3A_624 = arith.constant 0 : i32
        %add3A_625 = arith.addi %mul3A_623, %add3A_624 : i32
        %mul3A_626 = arith.constant 16 : i32
        %mul3A_627 = arith.muli %add3A_625, %mul3A_626 : i32
        %get3A_628 = arith.index_cast %mul3A_627 : i32 to index
        %get3A_629 = tpu.vector_load %arg7[%get3A_628] {strides = array<i32>} : memref<4096xf32, #tpu.memory_space<vmem>>, vector<16xf32>,
        %le3A_630 = vector.broadcast %cond3A_158 : f32 to vector<16xf32>
        %le3A_631 = arith.cmpf ole, %get3A_629, %le3A_630 : vector<16xf32>
        %jit3A_632 = arith.constant 1 : i32
        %jit3A_633 = arith.constant 0 : i32
        %broadcast_in_dim3A_634 = vector.broadcast %jit3A_632 : i32 to vector<16xi32>
        %broadcast_in_dim3A_635 = vector.broadcast %jit3A_633 : i32 to vector<16xi32>
        %select_n3A_636 = arith.select %le3A_631, %broadcast_in_dim3A_634, %broadcast_in_dim3A_635 : vector<16xi1>, vector<16xi32>
        %broadcast_in_dim3A_637 = arith.constant true
        %broadcast_in_dim3A_638 = vector.broadcast %broadcast_in_dim3A_637 : i1 to vector<16xi1>
        %masked_cumsum3A = tpu.scan <sum>, %select_n3A_636 masked %broadcast_in_dim3A_638 : vector<16xi32>, vector<16xi1> -> vector<16xi32>
        %add3A_639 = arith.addi %scan3A_621, %masked_cumsum3A : vector<16xi32>
        %sub3A_640 = arith.constant 1 : i32
        %sub3A_641 = vector.broadcast %sub3A_640 : i32 to vector<16xi32>
        %sub3A_642 = arith.subi %add3A_639, %sub3A_641 : vector<16xi32>
        %jit3A_643 = arith.constant 0 : i32
        %broadcast_in_dim3A_644 = vector.broadcast %jit3A_643 : i32 to vector<16xi32>
        %select_n3A_645 = arith.select %le3A_631, %sub3A_642, %broadcast_in_dim3A_644 : vector<16xi1>, vector<16xi32>
        tpu.vector_store_idx %arg10[%select_n3A_645], %get3A_629 masked %le3A_631 : memref<4112xf32, #tpu.memory_space<vmem>>[vector<16xi32>], vector<16xf32>, vector<16xi1>
        %add3A_646 = arith.constant 0 : i32
        %add3A_647 = arith.addi %mul3A_623, %add3A_646 : i32
        %mul3A_648 = arith.constant 16 : i32
        %mul3A_649 = arith.muli %add3A_647, %mul3A_648 : i32
        %add3A_650 = vector.broadcast %mul3A_649 : i32 to vector<16xi32>
        %add3A_651 = arith.addi %add3A_650, %iota3A : vector<16xi32>
        tpu.vector_store_idx %arg11[%select_n3A_645], %add3A_651 masked %le3A_631 : memref<4112xi32, #tpu.memory_space<vmem>>[vector<16xi32>], vector<16xi32>, vector<16xi1>
        %all_reduce_population_count3A = tpu.all_reduce %le3A_631 {dim = 0 : i64, kind = #tpu.reduction_kind<sum>} : vector<16xi1> -> vector<16xi32>
        %add3A_652 = arith.addi %scan3A_621, %all_reduce_population_count3A : vector<16xi32>
        %add3A_653 = arith.constant 1 : i32
        %add3A_654 = arith.addi %mul3A_623, %add3A_653 : i32
        %mul3A_655 = arith.constant 16 : i32
        %mul3A_656 = arith.muli %add3A_654, %mul3A_655 : i32
        %get3A_657 = arith.index_cast %mul3A_656 : i32 to index
        %get3A_658 = tpu.vector_load %arg7[%get3A_657] {strides = array<i32>} : memref<4096xf32, #tpu.memory_space<vmem>>, vector<16xf32>,
        %le3A_659 = vector.broadcast %cond3A_158 : f32 to vector<16xf32>
        %le3A_660 = arith.cmpf ole, %get3A_658, %le3A_659 : vector<16xf32>
        %jit3A_661 = arith.constant 1 : i32
        %jit3A_662 = arith.constant 0 : i32
        %broadcast_in_dim3A_663 = vector.broadcast %jit3A_661 : i32 to vector<16xi32>
        %broadcast_in_dim3A_664 = vector.broadcast %jit3A_662 : i32 to vector<16xi32>
        %select_n3A_665 = arith.select %le3A_660, %broadcast_in_dim3A_663, %broadcast_in_dim3A_664 : vector<16xi1>, vector<16xi32>
        %broadcast_in_dim3A_666 = arith.constant true
        %broadcast_in_dim3A_667 = vector.broadcast %broadcast_in_dim3A_666 : i1 to vector<16xi1>
        %masked_cumsum3A_668 = tpu.scan <sum>, %select_n3A_665 masked %broadcast_in_dim3A_667 : vector<16xi32>, vector<16xi1> -> vector<16xi32>
        %add3A_669 = arith.addi %add3A_652, %masked_cumsum3A_668 : vector<16xi32>
        %sub3A_670 = arith.constant 1 : i32
        %sub3A_671 = vector.broadcast %sub3A_670 : i32 to vector<16xi32>
        %sub3A_672 = arith.subi %add3A_669, %sub3A_671 : vector<16xi32>
        %jit3A_673 = arith.constant 0 : i32
        %broadcast_in_dim3A_674 = vector.broadcast %jit3A_673 : i32 to vector<16xi32>
        %select_n3A_675 = arith.select %le3A_660, %sub3A_672, %broadcast_in_dim3A_674 : vector<16xi1>, vector<16xi32>
        tpu.vector_store_idx %arg10[%select_n3A_675], %get3A_658 masked %le3A_660 : memref<4112xf32, #tpu.memory_space<vmem>>[vector<16xi32>], vector<16xf32>, vector<16xi1>
        %add3A_676 = arith.constant 1 : i32
        %add3A_677 = arith.addi %mul3A_623, %add3A_676 : i32
        %mul3A_678 = arith.constant 16 : i32
        %mul3A_679 = arith.muli %add3A_677, %mul3A_678 : i32
        %add3A_680 = vector.broadcast %mul3A_679 : i32 to vector<16xi32>
        %add3A_681 = arith.addi %add3A_680, %iota3A : vector<16xi32>
        tpu.vector_store_idx %arg11[%select_n3A_675], %add3A_681 masked %le3A_660 : memref<4112xi32, #tpu.memory_space<vmem>>[vector<16xi32>], vector<16xi32>, vector<16xi1>
        %all_reduce_population_count3A_682 = tpu.all_reduce %le3A_660 {dim = 0 : i64, kind = #tpu.reduction_kind<sum>} : vector<16xi1> -> vector<16xi32>
        %add3A_683 = arith.addi %add3A_652, %all_reduce_population_count3A_682 : vector<16xi32>
        %add3A_684 = arith.constant 2 : i32
        %add3A_685 = arith.addi %mul3A_623, %add3A_684 : i32
        %mul3A_686 = arith.constant 16 : i32
        %mul3A_687 = arith.muli %add3A_685, %mul3A_686 : i32
        %get3A_688 = arith.index_cast %mul3A_687 : i32 to index
        %get3A_689 = tpu.vector_load %arg7[%get3A_688] {strides = array<i32>} : memref<4096xf32, #tpu.memory_space<vmem>>, vector<16xf32>,
        %le3A_690 = vector.broadcast %cond3A_158 : f32 to vector<16xf32>
        %le3A_691 = arith.cmpf ole, %get3A_689, %le3A_690 : vector<16xf32>
        %jit3A_692 = arith.constant 1 : i32
        %jit3A_693 = arith.constant 0 : i32
        %broadcast_in_dim3A_694 = vector.broadcast %jit3A_692 : i32 to vector<16xi32>
        %broadcast_in_dim3A_695 = vector.broadcast %jit3A_693 : i32 to vector<16xi32>
        %select_n3A_696 = arith.select %le3A_691, %broadcast_in_dim3A_694, %broadcast_in_dim3A_695 : vector<16xi1>, vector<16xi32>
        %broadcast_in_dim3A_697 = arith.constant true
        %broadcast_in_dim3A_698 = vector.broadcast %broadcast_in_dim3A_697 : i1 to vector<16xi1>
        %masked_cumsum3A_699 = tpu.scan <sum>, %select_n3A_696 masked %broadcast_in_dim3A_698 : vector<16xi32>, vector<16xi1> -> vector<16xi32>
        %add3A_700 = arith.addi %add3A_683, %masked_cumsum3A_699 : vector<16xi32>
        %sub3A_701 = arith.constant 1 : i32
        %sub3A_702 = vector.broadcast %sub3A_701 : i32 to vector<16xi32>
        %sub3A_703 = arith.subi %add3A_700, %sub3A_702 : vector<16xi32>
        %jit3A_704 = arith.constant 0 : i32
        %broadcast_in_dim3A_705 = vector.broadcast %jit3A_704 : i32 to vector<16xi32>
        %select_n3A_706 = arith.select %le3A_691, %sub3A_703, %broadcast_in_dim3A_705 : vector<16xi1>, vector<16xi32>
        tpu.vector_store_idx %arg10[%select_n3A_706], %get3A_689 masked %le3A_691 : memref<4112xf32, #tpu.memory_space<vmem>>[vector<16xi32>], vector<16xf32>, vector<16xi1>
        %add3A_707 = arith.constant 2 : i32
        %add3A_708 = arith.addi %mul3A_623, %add3A_707 : i32
        %mul3A_709 = arith.constant 16 : i32
        %mul3A_710 = arith.muli %add3A_708, %mul3A_709 : i32
        %add3A_711 = vector.broadcast %mul3A_710 : i32 to vector<16xi32>
        %add3A_712 = arith.addi %add3A_711, %iota3A : vector<16xi32>
        tpu.vector_store_idx %arg11[%select_n3A_706], %add3A_712 masked %le3A_691 : memref<4112xi32, #tpu.memory_space<vmem>>[vector<16xi32>], vector<16xi32>, vector<16xi1>
        %all_reduce_population_count3A_713 = tpu.all_reduce %le3A_691 {dim = 0 : i64, kind = #tpu.reduction_kind<sum>} : vector<16xi1> -> vector<16xi32>
        %add3A_714 = arith.addi %add3A_683, %all_reduce_population_count3A_713 : vector<16xi32>
        %add3A_715 = arith.constant 3 : i32
        %add3A_716 = arith.addi %mul3A_623, %add3A_715 : i32
        %mul3A_717 = arith.constant 16 : i32
        %mul3A_718 = arith.muli %add3A_716, %mul3A_717 : i32
        %get3A_719 = arith.index_cast %mul3A_718 : i32 to index
        %get3A_720 = tpu.vector_load %arg7[%get3A_719] {strides = array<i32>} : memref<4096xf32, #tpu.memory_space<vmem>>, vector<16xf32>,
        %le3A_721 = vector.broadcast %cond3A_158 : f32 to vector<16xf32>
        %le3A_722 = arith.cmpf ole, %get3A_720, %le3A_721 : vector<16xf32>
        %jit3A_723 = arith.constant 1 : i32
        %jit3A_724 = arith.constant 0 : i32
        %broadcast_in_dim3A_725 = vector.broadcast %jit3A_723 : i32 to vector<16xi32>
        %broadcast_in_dim3A_726 = vector.broadcast %jit3A_724 : i32 to vector<16xi32>
        %select_n3A_727 = arith.select %le3A_722, %broadcast_in_dim3A_725, %broadcast_in_dim3A_726 : vector<16xi1>, vector<16xi32>
        %broadcast_in_dim3A_728 = arith.constant true
        %broadcast_in_dim3A_729 = vector.broadcast %broadcast_in_dim3A_728 : i1 to vector<16xi1>
        %masked_cumsum3A_730 = tpu.scan <sum>, %select_n3A_727 masked %broadcast_in_dim3A_729 : vector<16xi32>, vector<16xi1> -> vector<16xi32>
        %add3A_731 = arith.addi %add3A_714, %masked_cumsum3A_730 : vector<16xi32>
        %sub3A_732 = arith.constant 1 : i32
        %sub3A_733 = vector.broadcast %sub3A_732 : i32 to vector<16xi32>
        %sub3A_734 = arith.subi %add3A_731, %sub3A_733 : vector<16xi32>
        %jit3A_735 = arith.constant 0 : i32
        %broadcast_in_dim3A_736 = vector.broadcast %jit3A_735 : i32 to vector<16xi32>
        %select_n3A_737 = arith.select %le3A_722, %sub3A_734, %broadcast_in_dim3A_736 : vector<16xi1>, vector<16xi32>
        tpu.vector_store_idx %arg10[%select_n3A_737], %get3A_720 masked %le3A_722 : memref<4112xf32, #tpu.memory_space<vmem>>[vector<16xi32>], vector<16xf32>, vector<16xi1>
        %add3A_738 = arith.constant 3 : i32
        %add3A_739 = arith.addi %mul3A_623, %add3A_738 : i32
        %mul3A_740 = arith.constant 16 : i32
        %mul3A_741 = arith.muli %add3A_739, %mul3A_740 : i32
        %add3A_742 = vector.broadcast %mul3A_741 : i32 to vector<16xi32>
        %add3A_743 = arith.addi %add3A_742, %iota3A : vector<16xi32>
        tpu.vector_store_idx %arg11[%select_n3A_737], %add3A_743 masked %le3A_722 : memref<4112xi32, #tpu.memory_space<vmem>>[vector<16xi32>], vector<16xi32>, vector<16xi1>
        %all_reduce_population_count3A_744 = tpu.all_reduce %le3A_722 {dim = 0 : i64, kind = #tpu.reduction_kind<sum>} : vector<16xi1> -> vector<16xi32>
        %add3A_745 = arith.addi %add3A_714, %all_reduce_population_count3A_744 : vector<16xi32>
        %add3A_746 = arith.constant 4 : i32
        %add3A_747 = arith.addi %mul3A_623, %add3A_746 : i32
        %mul3A_748 = arith.constant 16 : i32
        %mul3A_749 = arith.muli %add3A_747, %mul3A_748 : i32
        %get3A_750 = arith.index_cast %mul3A_749 : i32 to index
        %get3A_751 = tpu.vector_load %arg7[%get3A_750] {strides = array<i32>} : memref<4096xf32, #tpu.memory_space<vmem>>, vector<16xf32>,
        %le3A_752 = vector.broadcast %cond3A_158 : f32 to vector<16xf32>
        %le3A_753 = arith.cmpf ole, %get3A_751, %le3A_752 : vector<16xf32>
        %jit3A_754 = arith.constant 1 : i32
        %jit3A_755 = arith.constant 0 : i32
        %broadcast_in_dim3A_756 = vector.broadcast %jit3A_754 : i32 to vector<16xi32>
        %broadcast_in_dim3A_757 = vector.broadcast %jit3A_755 : i32 to vector<16xi32>
        %select_n3A_758 = arith.select %le3A_753, %broadcast_in_dim3A_756, %broadcast_in_dim3A_757 : vector<16xi1>, vector<16xi32>
        %broadcast_in_dim3A_759 = arith.constant true
        %broadcast_in_dim3A_760 = vector.broadcast %broadcast_in_dim3A_759 : i1 to vector<16xi1>
        %masked_cumsum3A_761 = tpu.scan <sum>, %select_n3A_758 masked %broadcast_in_dim3A_760 : vector<16xi32>, vector<16xi1> -> vector<16xi32>
        %add3A_762 = arith.addi %add3A_745, %masked_cumsum3A_761 : vector<16xi32>
        %sub3A_763 = arith.constant 1 : i32
        %sub3A_764 = vector.broadcast %sub3A_763 : i32 to vector<16xi32>
        %sub3A_765 = arith.subi %add3A_762, %sub3A_764 : vector<16xi32>
        %jit3A_766 = arith.constant 0 : i32
        %broadcast_in_dim3A_767 = vector.broadcast %jit3A_766 : i32 to vector<16xi32>
        %select_n3A_768 = arith.select %le3A_753, %sub3A_765, %broadcast_in_dim3A_767 : vector<16xi1>, vector<16xi32>
        tpu.vector_store_idx %arg10[%select_n3A_768], %get3A_751 masked %le3A_753 : memref<4112xf32, #tpu.memory_space<vmem>>[vector<16xi32>], vector<16xf32>, vector<16xi1>
        %add3A_769 = arith.constant 4 : i32
        %add3A_770 = arith.addi %mul3A_623, %add3A_769 : i32
        %mul3A_771 = arith.constant 16 : i32
        %mul3A_772 = arith.muli %add3A_770, %mul3A_771 : i32
        %add3A_773 = vector.broadcast %mul3A_772 : i32 to vector<16xi32>
        %add3A_774 = arith.addi %add3A_773, %iota3A : vector<16xi32>
        tpu.vector_store_idx %arg11[%select_n3A_768], %add3A_774 masked %le3A_753 : memref<4112xi32, #tpu.memory_space<vmem>>[vector<16xi32>], vector<16xi32>, vector<16xi1>
        %all_reduce_population_count3A_775 = tpu.all_reduce %le3A_753 {dim = 0 : i64, kind = #tpu.reduction_kind<sum>} : vector<16xi1> -> vector<16xi32>
        %add3A_776 = arith.addi %add3A_745, %all_reduce_population_count3A_775 : vector<16xi32>
        %add3A_777 = arith.constant 5 : i32
        %add3A_778 = arith.addi %mul3A_623, %add3A_777 : i32
        %mul3A_779 = arith.constant 16 : i32
        %mul3A_780 = arith.muli %add3A_778, %mul3A_779 : i32
        %get3A_781 = arith.index_cast %mul3A_780 : i32 to index
        %get3A_782 = tpu.vector_load %arg7[%get3A_781] {strides = array<i32>} : memref<4096xf32, #tpu.memory_space<vmem>>, vector<16xf32>,
        %le3A_783 = vector.broadcast %cond3A_158 : f32 to vector<16xf32>
        %le3A_784 = arith.cmpf ole, %get3A_782, %le3A_783 : vector<16xf32>
        %jit3A_785 = arith.constant 1 : i32
        %jit3A_786 = arith.constant 0 : i32
        %broadcast_in_dim3A_787 = vector.broadcast %jit3A_785 : i32 to vector<16xi32>
        %broadcast_in_dim3A_788 = vector.broadcast %jit3A_786 : i32 to vector<16xi32>
        %select_n3A_789 = arith.select %le3A_784, %broadcast_in_dim3A_787, %broadcast_in_dim3A_788 : vector<16xi1>, vector<16xi32>
        %broadcast_in_dim3A_790 = arith.constant true
        %broadcast_in_dim3A_791 = vector.broadcast %broadcast_in_dim3A_790 : i1 to vector<16xi1>
        %masked_cumsum3A_792 = tpu.scan <sum>, %select_n3A_789 masked %broadcast_in_dim3A_791 : vector<16xi32>, vector<16xi1> -> vector<16xi32>
        %add3A_793 = arith.addi %add3A_776, %masked_cumsum3A_792 : vector<16xi32>
        %sub3A_794 = arith.constant 1 : i32
        %sub3A_795 = vector.broadcast %sub3A_794 : i32 to vector<16xi32>
        %sub3A_796 = arith.subi %add3A_793, %sub3A_795 : vector<16xi32>
        %jit3A_797 = arith.constant 0 : i32
        %broadcast_in_dim3A_798 = vector.broadcast %jit3A_797 : i32 to vector<16xi32>
        %select_n3A_799 = arith.select %le3A_784, %sub3A_796, %broadcast_in_dim3A_798 : vector<16xi1>, vector<16xi32>
        tpu.vector_store_idx %arg10[%select_n3A_799], %get3A_782 masked %le3A_784 : memref<4112xf32, #tpu.memory_space<vmem>>[vector<16xi32>], vector<16xf32>, vector<16xi1>
        %add3A_800 = arith.constant 5 : i32
        %add3A_801 = arith.addi %mul3A_623, %add3A_800 : i32
        %mul3A_802 = arith.constant 16 : i32
        %mul3A_803 = arith.muli %add3A_801, %mul3A_802 : i32
        %add3A_804 = vector.broadcast %mul3A_803 : i32 to vector<16xi32>
        %add3A_805 = arith.addi %add3A_804, %iota3A : vector<16xi32>
        tpu.vector_store_idx %arg11[%select_n3A_799], %add3A_805 masked %le3A_784 : memref<4112xi32, #tpu.memory_space<vmem>>[vector<16xi32>], vector<16xi32>, vector<16xi1>
        %all_reduce_population_count3A_806 = tpu.all_reduce %le3A_784 {dim = 0 : i64, kind = #tpu.reduction_kind<sum>} : vector<16xi1> -> vector<16xi32>
        %add3A_807 = arith.addi %add3A_776, %all_reduce_population_count3A_806 : vector<16xi32>
        %add3A_808 = arith.constant 6 : i32
        %add3A_809 = arith.addi %mul3A_623, %add3A_808 : i32
        %mul3A_810 = arith.constant 16 : i32
        %mul3A_811 = arith.muli %add3A_809, %mul3A_810 : i32
        %get3A_812 = arith.index_cast %mul3A_811 : i32 to index
        %get3A_813 = tpu.vector_load %arg7[%get3A_812] {strides = array<i32>} : memref<4096xf32, #tpu.memory_space<vmem>>, vector<16xf32>,
        %le3A_814 = vector.broadcast %cond3A_158 : f32 to vector<16xf32>
        %le3A_815 = arith.cmpf ole, %get3A_813, %le3A_814 : vector<16xf32>
        %jit3A_816 = arith.constant 1 : i32
        %jit3A_817 = arith.constant 0 : i32
        %broadcast_in_dim3A_818 = vector.broadcast %jit3A_816 : i32 to vector<16xi32>
        %broadcast_in_dim3A_819 = vector.broadcast %jit3A_817 : i32 to vector<16xi32>
        %select_n3A_820 = arith.select %le3A_815, %broadcast_in_dim3A_818, %broadcast_in_dim3A_819 : vector<16xi1>, vector<16xi32>
        %broadcast_in_dim3A_821 = arith.constant true
        %broadcast_in_dim3A_822 = vector.broadcast %broadcast_in_dim3A_821 : i1 to vector<16xi1>
        %masked_cumsum3A_823 = tpu.scan <sum>, %select_n3A_820 masked %broadcast_in_dim3A_822 : vector<16xi32>, vector<16xi1> -> vector<16xi32>
        %add3A_824 = arith.addi %add3A_807, %masked_cumsum3A_823 : vector<16xi32>
        %sub3A_825 = arith.constant 1 : i32
        %sub3A_826 = vector.broadcast %sub3A_825 : i32 to vector<16xi32>
        %sub3A_827 = arith.subi %add3A_824, %sub3A_826 : vector<16xi32>
        %jit3A_828 = arith.constant 0 : i32
        %broadcast_in_dim3A_829 = vector.broadcast %jit3A_828 : i32 to vector<16xi32>
        %select_n3A_830 = arith.select %le3A_815, %sub3A_827, %broadcast_in_dim3A_829 : vector<16xi1>, vector<16xi32>
        tpu.vector_store_idx %arg10[%select_n3A_830], %get3A_813 masked %le3A_815 : memref<4112xf32, #tpu.memory_space<vmem>>[vector<16xi32>], vector<16xf32>, vector<16xi1>
        %add3A_831 = arith.constant 6 : i32
        %add3A_832 = arith.addi %mul3A_623, %add3A_831 : i32
        %mul3A_833 = arith.constant 16 : i32
        %mul3A_834 = arith.muli %add3A_832, %mul3A_833 : i32
        %add3A_835 = vector.broadcast %mul3A_834 : i32 to vector<16xi32>
        %add3A_836 = arith.addi %add3A_835, %iota3A : vector<16xi32>
        tpu.vector_store_idx %arg11[%select_n3A_830], %add3A_836 masked %le3A_815 : memref<4112xi32, #tpu.memory_space<vmem>>[vector<16xi32>], vector<16xi32>, vector<16xi1>
        %all_reduce_population_count3A_837 = tpu.all_reduce %le3A_815 {dim = 0 : i64, kind = #tpu.reduction_kind<sum>} : vector<16xi1> -> vector<16xi32>
        %add3A_838 = arith.addi %add3A_807, %all_reduce_population_count3A_837 : vector<16xi32>
        %add3A_839 = arith.constant 7 : i32
        %add3A_840 = arith.addi %mul3A_623, %add3A_839 : i32
        %mul3A_841 = arith.constant 16 : i32
        %mul3A_842 = arith.muli %add3A_840, %mul3A_841 : i32
        %get3A_843 = arith.index_cast %mul3A_842 : i32 to index
        %get3A_844 = tpu.vector_load %arg7[%get3A_843] {strides = array<i32>} : memref<4096xf32, #tpu.memory_space<vmem>>, vector<16xf32>,
        %le3A_845 = vector.broadcast %cond3A_158 : f32 to vector<16xf32>
        %le3A_846 = arith.cmpf ole, %get3A_844, %le3A_845 : vector<16xf32>
        %jit3A_847 = arith.constant 1 : i32
        %jit3A_848 = arith.constant 0 : i32
        %broadcast_in_dim3A_849 = vector.broadcast %jit3A_847 : i32 to vector<16xi32>
        %broadcast_in_dim3A_850 = vector.broadcast %jit3A_848 : i32 to vector<16xi32>
        %select_n3A_851 = arith.select %le3A_846, %broadcast_in_dim3A_849, %broadcast_in_dim3A_850 : vector<16xi1>, vector<16xi32>
        %broadcast_in_dim3A_852 = arith.constant true
        %broadcast_in_dim3A_853 = vector.broadcast %broadcast_in_dim3A_852 : i1 to vector<16xi1>
        %masked_cumsum3A_854 = tpu.scan <sum>, %select_n3A_851 masked %broadcast_in_dim3A_853 : vector<16xi32>, vector<16xi1> -> vector<16xi32>
        %add3A_855 = arith.addi %add3A_838, %masked_cumsum3A_854 : vector<16xi32>
        %sub3A_856 = arith.constant 1 : i32
        %sub3A_857 = vector.broadcast %sub3A_856 : i32 to vector<16xi32>
        %sub3A_858 = arith.subi %add3A_855, %sub3A_857 : vector<16xi32>
        %jit3A_859 = arith.constant 0 : i32
        %broadcast_in_dim3A_860 = vector.broadcast %jit3A_859 : i32 to vector<16xi32>
        %select_n3A_861 = arith.select %le3A_846, %sub3A_858, %broadcast_in_dim3A_860 : vector<16xi1>, vector<16xi32>
        tpu.vector_store_idx %arg10[%select_n3A_861], %get3A_844 masked %le3A_846 : memref<4112xf32, #tpu.memory_space<vmem>>[vector<16xi32>], vector<16xf32>, vector<16xi1>
        %add3A_862 = arith.constant 7 : i32
        %add3A_863 = arith.addi %mul3A_623, %add3A_862 : i32
        %mul3A_864 = arith.constant 16 : i32
        %mul3A_865 = arith.muli %add3A_863, %mul3A_864 : i32
        %add3A_866 = vector.broadcast %mul3A_865 : i32 to vector<16xi32>
        %add3A_867 = arith.addi %add3A_866, %iota3A : vector<16xi32>
        tpu.vector_store_idx %arg11[%select_n3A_861], %add3A_867 masked %le3A_846 : memref<4112xi32, #tpu.memory_space<vmem>>[vector<16xi32>], vector<16xi32>, vector<16xi1>
        %all_reduce_population_count3A_868 = tpu.all_reduce %le3A_846 {dim = 0 : i64, kind = #tpu.reduction_kind<sum>} : vector<16xi1> -> vector<16xi32>
        %add3A_869 = arith.addi %add3A_838, %all_reduce_population_count3A_868 : vector<16xi32>
        scf.yield %add3A_869 : vector<16xi32>
      }
      %scan3A_164 = arith.constant 32 : i32
      %reduce_max3A_165 = arith.constant true
      %reduce_max3A_166 = vector.broadcast %reduce_max3A_165 : i1 to vector<16xi1>
      %reduce_max3A_167 = arith.constant -2147483648 : i32
      %reduce_max3A_168 = vector.broadcast %reduce_max3A_167 : i32 to vector<16xi32>
      %reduce_max3A_169 = arith.xori %scan3A_163, %reduce_max3A_168 : vector<16xi32>
      %reduce_max3A_170 = tpu.scan <max>, %reduce_max3A_169 masked %reduce_max3A_166 : vector<16xi32>, vector<16xi1> -> vector<16xi32>
      %reduce_max3A_171 = arith.xori %reduce_max3A_170, %reduce_max3A_168 : vector<16xi32>
      %reduce_max3A_172 = vector.extract %reduce_max3A_171[15] : i32 from vector<16xi32>
      %lt3A_173 = arith.constant 30 : i32
      %lt3A_174 = arith.cmpi slt, %reduce_max3A_172, %lt3A_173 : i32
      %convert_element_type3A_175 = arith.extui %lt3A_174 : i1 to i32
      %cond3A_176 = arith.constant 0 : i32
      %cond3A_177 = arith.constant 0 : i32
      %cond3A_178 = arith.cmpi ne, %convert_element_type3A_175, %cond3A_177 : i32
      %cond3A_179 = scf.if %cond3A_178 -> (vector<16xi32>) {
        %convert_element_type3A_620 = arith.extui %and3A_40 : i1 to i32
        %cond3A_621 = arith.constant 0 : i32
        %cond3A_622 = arith.constant 0 : i32
        %cond3A_623 = arith.cmpi ne, %convert_element_type3A_620, %cond3A_622 : i32
        %cond3A_624:6 = scf.if %cond3A_623 -> (vector<16xf32>, vector<16xf32>, vector<16xf32>, vector<16xf32>, vector<16xf32>, vector<16xf32>) {
          %scan3A_836 = arith.constant 0 : i32
          %scan3A_837 = arith.constant 64 : i32
          %scan3A_838 = arith.addi %scan3A_836, %scan3A_837 : i32
          %scan3A_839 = arith.constant 1 : i32
          %scan3A_840:6 = scf.for %scan3A_842 = %scan3A_836 to %scan3A_838 step %scan3A_839 iter_args(%scan3A_843 = %broadcast_in_dim3A_19, %scan3A_844 = %broadcast_in_dim3A_19, %scan3A_845 = %broadcast_in_dim3A_19, %scan3A_846 = %broadcast_in_dim3A_19, %scan3A_847 = %broadcast_in_dim3A_19, %scan3A_848 = %broadcast_in_dim3A_19) -> (vector<16xf32>, vector<16xf32>, vector<16xf32>, vector<16xf32>, vector<16xf32>, vector<16xf32>)  : i32 {
            %mul3A_849 = arith.constant 4 : i32
            %mul3A_850 = arith.muli %scan3A_842, %mul3A_849 : i32
            %mul3A_851 = arith.constant 16 : i32
            %mul3A_852 = arith.muli %mul3A_850, %mul3A_851 : i32
            %get3A_853 = arith.index_cast %mul3A_852 : i32 to index
            %get3A_854 = tpu.vector_load %arg7[%get3A_853] {strides = array<i32>} : memref<4096xf32, #tpu.memory_space<vmem>>, vector<16xf32>,
            %add3A_855 = arith.constant 1 : i32
            %add3A_856 = arith.addi %mul3A_850, %add3A_855 : i32
            %mul3A_857 = arith.constant 16 : i32
            %mul3A_858 = arith.muli %add3A_856, %mul3A_857 : i32
            %get3A_859 = arith.index_cast %mul3A_858 : i32 to index
            %get3A_860 = tpu.vector_load %arg7[%get3A_859] {strides = array<i32>} : memref<4096xf32, #tpu.memory_space<vmem>>, vector<16xf32>,
            %add3A_861 = arith.constant 2 : i32
            %add3A_862 = arith.addi %mul3A_850, %add3A_861 : i32
            %mul3A_863 = arith.constant 16 : i32
            %mul3A_864 = arith.muli %add3A_862, %mul3A_863 : i32
            %get3A_865 = arith.index_cast %mul3A_864 : i32 to index
            %get3A_866 = tpu.vector_load %arg7[%get3A_865] {strides = array<i32>} : memref<4096xf32, #tpu.memory_space<vmem>>, vector<16xf32>,
            %add3A_867 = arith.constant 3 : i32
            %add3A_868 = arith.addi %mul3A_850, %add3A_867 : i32
            %mul3A_869 = arith.constant 16 : i32
            %mul3A_870 = arith.muli %add3A_868, %mul3A_869 : i32
            %get3A_871 = arith.index_cast %mul3A_870 : i32 to index
            %get3A_872 = tpu.vector_load %arg7[%get3A_871] {strides = array<i32>} : memref<4096xf32, #tpu.memory_space<vmem>>, vector<16xf32>,
            %max3A = arith.maximumf %scan3A_843, %get3A_854 : vector<16xf32>
            %min3A_873 = arith.minimumf %scan3A_843, %get3A_854 : vector<16xf32>
            %max3A_874 = arith.maximumf %scan3A_844, %max3A : vector<16xf32>
            %min3A_875 = arith.minimumf %scan3A_844, %max3A : vector<16xf32>
            %min3A_876 = arith.minimumf %scan3A_845, %max3A_874 : vector<16xf32>
            %max3A_877 = arith.maximumf %scan3A_846, %get3A_860 : vector<16xf32>
            %min3A_878 = arith.minimumf %scan3A_846, %get3A_860 : vector<16xf32>
            %max3A_879 = arith.maximumf %scan3A_847, %max3A_877 : vector<16xf32>
            %min3A_880 = arith.minimumf %scan3A_847, %max3A_877 : vector<16xf32>
            %min3A_881 = arith.minimumf %scan3A_848, %max3A_879 : vector<16xf32>
            %max3A_882 = arith.maximumf %min3A_873, %get3A_866 : vector<16xf32>
            %min3A_883 = arith.minimumf %min3A_873, %get3A_866 : vector<16xf32>
            %max3A_884 = arith.maximumf %min3A_875, %max3A_882 : vector<16xf32>
            %min3A_885 = arith.minimumf %min3A_875, %max3A_882 : vector<16xf32>
            %min3A_886 = arith.minimumf %min3A_876, %max3A_884 : vector<16xf32>
            %max3A_887 = arith.maximumf %min3A_878, %get3A_872 : vector<16xf32>
            %min3A_888 = arith.minimumf %min3A_878, %get3A_872 : vector<16xf32>
            %max3A_889 = arith.maximumf %min3A_880, %max3A_887 : vector<16xf32>
            %min3A_890 = arith.minimumf %min3A_880, %max3A_887 : vector<16xf32>
            %min3A_891 = arith.minimumf %min3A_881, %max3A_889 : vector<16xf32>
            scf.yield %min3A_883, %min3A_885, %min3A_886, %min3A_888, %min3A_890, %min3A_891 : vector<16xf32>, vector<16xf32>, vector<16xf32>, vector<16xf32>, vector<16xf32>, vector<16xf32>
          }
          %scan3A_841 = arith.constant 64 : i32
          scf.yield %scan3A_840#0, %scan3A_840#1, %scan3A_840#2, %scan3A_840#3, %scan3A_840#4, %scan3A_840#5 : vector<16xf32>, vector<16xf32>, vector<16xf32>, vector<16xf32>, vector<16xf32>, vector<16xf32>
        } else {
          %scan3A_836 = arith.constant 0 : i32
          %scan3A_837 = arith.constant 256 : i32
          %scan3A_838 = arith.addi %scan3A_836, %scan3A_837 : i32
          %scan3A_839 = arith.constant 1 : i32
          %scan3A_840:3 = scf.for %scan3A_842 = %scan3A_836 to %scan3A_838 step %scan3A_839 iter_args(%scan3A_843 = %broadcast_in_dim3A_19, %scan3A_844 = %broadcast_in_dim3A_19, %scan3A_845 = %broadcast_in_dim3A_19) -> (vector<16xf32>, vector<16xf32>, vector<16xf32>)  : i32 {
            %mul3A_846 = arith.constant 16 : i32
            %mul3A_847 = arith.muli %scan3A_842, %mul3A_846 : i32
            %get3A_848 = arith.index_cast %mul3A_847 : i32 to index
            %get3A_849 = tpu.vector_load %arg9[%get3A_848] {strides = array<i32>} : memref<4096xf32, #tpu.memory_space<vmem>>, vector<16xf32>,
            %mul3A_850 = vector.broadcast %reduce_sum3A_155 : f32 to vector<16xf32>
            %mul3A_851 = arith.mulf %mul3A_850, %get3A_849 : vector<16xf32>
            %get3A_852 = arith.index_cast %mul3A_847 : i32 to index
            %get3A_853 = tpu.vector_load %arg7[%get3A_852] {strides = array<i32>} : memref<4096xf32, #tpu.memory_space<vmem>>, vector<16xf32>,
            %mul3A_854 = arith.mulf %mul3A_851, %get3A_853 : vector<16xf32>
            %sub3A_855 = arith.constant 1.000000e+00 : f32
            %sub3A_856 = vector.broadcast %sub3A_855 : f32 to vector<16xf32>
            %sub3A_857 = arith.subf %sub3A_856, %mul3A_851 : vector<16xf32>
            %mul3A_858 = arith.constant 3.40282347E+38 : f32
            %mul3A_859 = vector.broadcast %mul3A_858 : f32 to vector<16xf32>
            %mul3A_860 = arith.mulf %sub3A_857, %mul3A_859 : vector<16xf32>
            %add3A_861 = arith.addf %mul3A_854, %mul3A_860 : vector<16xf32>
            %swap3A_862 = arith.index_cast %mul3A_847 : i32 to index
            %swap3A_863 = tpu.vector_load %arg7[%swap3A_862] {strides = array<i32>} : memref<4096xf32, #tpu.memory_space<vmem>>, vector<16xf32>,
            tpu.vector_store %arg7[%swap3A_862], %add3A_861 {strides = array<i32>} : memref<4096xf32, #tpu.memory_space<vmem>>, vector<16xf32>,
            %max3A = arith.maximumf %scan3A_843, %add3A_861 : vector<16xf32>
            %min3A_864 = arith.minimumf %scan3A_843, %add3A_861 : vector<16xf32>
            %max3A_865 = arith.maximumf %scan3A_844, %max3A : vector<16xf32>
            %min3A_866 = arith.minimumf %scan3A_844, %max3A : vector<16xf32>
            %min3A_867 = arith.minimumf %scan3A_845, %max3A_865 : vector<16xf32>
            scf.yield %min3A_864, %min3A_866, %min3A_867 : vector<16xf32>, vector<16xf32>, vector<16xf32>
          }
          %scan3A_841 = arith.constant 256 : i32
          scf.yield %scan3A_840#0, %scan3A_840#1, %scan3A_840#2, %broadcast_in_dim3A_19, %broadcast_in_dim3A_19, %broadcast_in_dim3A_19 : vector<16xf32>, vector<16xf32>, vector<16xf32>, vector<16xf32>, vector<16xf32>, vector<16xf32>
        }
        %masked_sort3A_625 = arith.constant dense<true> : vector<16xi1>
        %masked_sort3A_626, %masked_sort3A_627, %masked_sort3A_628 = tpu.sort %cond3A_624#0, %iota3A masked %masked_sort3A_625 : (vector<16xf32>, vector<16xi32>, vector<16xi1>) -> (vector<16xi1>, vector<16xf32>, vector<16xi32>)
        %masked_sort3A_629 = arith.constant dense<true> : vector<16xi1>
        %masked_sort3A_630, %masked_sort3A_631, %masked_sort3A_632 = tpu.sort %cond3A_624#3, %iota3A masked %masked_sort3A_629 : (vector<16xf32>, vector<16xi32>, vector<16xi1>) -> (vector<16xi1>, vector<16xf32>, vector<16xi32>)
        %rev3A_633 = arith.constant 15 : i32
        %rev3A_634 = vector.broadcast %rev3A_633 : i32 to vector<16xi32>
        %rev3A_635 = tpu.iota {dimensions = array<i32: 0>} : vector<16xi32>
        %rev3A_636 = arith.subi %rev3A_634, %rev3A_635 : vector<16xi32>
        %rev3A_637 = tpu.dynamic_gather %masked_sort3A_631[%rev3A_636] in [0] : vector<16xf32>, vector<16xi32> -> vector<16xf32>
        %rev3A_638 = arith.constant 15 : i32
        %rev3A_639 = vector.broadcast %rev3A_638 : i32 to vector<16xi32>
        %rev3A_640 = tpu.iota {dimensions = array<i32: 0>} : vector<16xi32>
        %rev3A_641 = arith.subi %rev3A_639, %rev3A_640 : vector<16xi32>
        %rev3A_642 = tpu.dynamic_gather %iota3A[%rev3A_641] in [0] : vector<16xi32>, vector<16xi32> -> vector<16xi32>
        %le3A_643 = arith.cmpf ole, %masked_sort3A_627, %rev3A_637 : vector<16xf32>
        %select_n3A_644 = arith.select %le3A_643, %masked_sort3A_627, %rev3A_637 : vector<16xi1>, vector<16xf32>
        %select_n3A_645 = arith.select %le3A_643, %iota3A, %rev3A_642 : vector<16xi1>, vector<16xi32>
        %select_n3A_646 = arith.select %le3A_643, %rev3A_637, %masked_sort3A_627 : vector<16xi1>, vector<16xf32>
        %select_n3A_647 = arith.select %le3A_643, %rev3A_642, %iota3A : vector<16xi1>, vector<16xi32>
        %masked_sort3A_648 = arith.constant dense<true> : vector<16xi1>
        %masked_sort3A_649, %masked_sort3A_650, %masked_sort3A_651 = tpu.sort %select_n3A_644, %select_n3A_645 masked %masked_sort3A_648 : (vector<16xf32>, vector<16xi32>, vector<16xi1>) -> (vector<16xi1>, vector<16xf32>, vector<16xi32>)
        %masked_sort3A_652 = arith.constant dense<true> : vector<16xi1>
        %masked_sort3A_653, %masked_sort3A_654, %masked_sort3A_655 = tpu.sort %select_n3A_646, %select_n3A_647 masked %masked_sort3A_652 : (vector<16xf32>, vector<16xi32>, vector<16xi1>) -> (vector<16xi1>, vector<16xf32>, vector<16xi32>)
        %masked_sort3A_656 = arith.constant dense<true> : vector<16xi1>
        %masked_sort3A_657, %masked_sort3A_658, %masked_sort3A_659 = tpu.sort %cond3A_624#1, %iota3A masked %masked_sort3A_656 : (vector<16xf32>, vector<16xi32>, vector<16xi1>) -> (vector<16xi1>, vector<16xf32>, vector<16xi32>)
        %rev3A_660 = arith.constant 15 : i32
        %rev3A_661 = vector.broadcast %rev3A_660 : i32 to vector<16xi32>
        %rev3A_662 = tpu.iota {dimensions = array<i32: 0>} : vector<16xi32>
        %rev3A_663 = arith.subi %rev3A_661, %rev3A_662 : vector<16xi32>
        %rev3A_664 = tpu.dynamic_gather %masked_sort3A_658[%rev3A_663] in [0] : vector<16xf32>, vector<16xi32> -> vector<16xf32>
        %le3A_665 = arith.cmpf ole, %masked_sort3A_654, %rev3A_664 : vector<16xf32>
        %select_n3A_666 = arith.select %le3A_665, %masked_sort3A_654, %rev3A_664 : vector<16xi1>, vector<16xf32>
        %select_n3A_667 = arith.select %le3A_665, %iota3A, %iota3A : vector<16xi1>, vector<16xi32>
        %select_n3A_668 = arith.select %le3A_665, %rev3A_664, %masked_sort3A_654 : vector<16xi1>, vector<16xf32>
        %select_n3A_669 = arith.select %le3A_665, %iota3A, %iota3A : vector<16xi1>, vector<16xi32>
        %masked_sort3A_670 = arith.constant dense<true> : vector<16xi1>
        %masked_sort3A_671, %masked_sort3A_672, %masked_sort3A_673 = tpu.sort %select_n3A_666, %select_n3A_667 masked %masked_sort3A_670 : (vector<16xf32>, vector<16xi32>, vector<16xi1>) -> (vector<16xi1>, vector<16xf32>, vector<16xi32>)
        %rev3A_674 = arith.constant 15 : i32
        %rev3A_675 = vector.broadcast %rev3A_674 : i32 to vector<16xi32>
        %rev3A_676 = tpu.iota {dimensions = array<i32: 0>} : vector<16xi32>
        %rev3A_677 = arith.subi %rev3A_675, %rev3A_676 : vector<16xi32>
        %rev3A_678 = tpu.dynamic_gather %masked_sort3A_672[%rev3A_677] in [0] : vector<16xf32>, vector<16xi32> -> vector<16xf32>
        %rev3A_679 = arith.constant 15 : i32
        %rev3A_680 = vector.broadcast %rev3A_679 : i32 to vector<16xi32>
        %rev3A_681 = tpu.iota {dimensions = array<i32: 0>} : vector<16xi32>
        %rev3A_682 = arith.subi %rev3A_680, %rev3A_681 : vector<16xi32>
        %rev3A_683 = tpu.dynamic_gather %masked_sort3A_673[%rev3A_682] in [0] : vector<16xi32>, vector<16xi32> -> vector<16xi32>
        %le3A_684 = arith.cmpf ole, %masked_sort3A_650, %rev3A_678 : vector<16xf32>
        %select_n3A_685 = arith.select %le3A_684, %masked_sort3A_650, %rev3A_678 : vector<16xi1>, vector<16xf32>
        %select_n3A_686 = arith.select %le3A_684, %iota3A, %rev3A_683 : vector<16xi1>, vector<16xi32>
        %select_n3A_687 = arith.select %le3A_684, %rev3A_678, %masked_sort3A_650 : vector<16xi1>, vector<16xf32>
        %select_n3A_688 = arith.select %le3A_684, %rev3A_683, %iota3A : vector<16xi1>, vector<16xi32>
        %masked_sort3A_689 = arith.constant dense<true> : vector<16xi1>
        %masked_sort3A_690, %masked_sort3A_691, %masked_sort3A_692 = tpu.sort %select_n3A_685, %select_n3A_686 masked %masked_sort3A_689 : (vector<16xf32>, vector<16xi32>, vector<16xi1>) -> (vector<16xi1>, vector<16xf32>, vector<16xi32>)
        %masked_sort3A_693 = arith.constant dense<true> : vector<16xi1>
        %masked_sort3A_694, %masked_sort3A_695, %masked_sort3A_696 = tpu.sort %select_n3A_687, %select_n3A_688 masked %masked_sort3A_693 : (vector<16xf32>, vector<16xi32>, vector<16xi1>) -> (vector<16xi1>, vector<16xf32>, vector<16xi32>)
        %masked_sort3A_697 = arith.constant dense<true> : vector<16xi1>
        %masked_sort3A_698, %masked_sort3A_699, %masked_sort3A_700 = tpu.sort %cond3A_624#4, %iota3A masked %masked_sort3A_697 : (vector<16xf32>, vector<16xi32>, vector<16xi1>) -> (vector<16xi1>, vector<16xf32>, vector<16xi32>)
        %rev3A_701 = arith.constant 15 : i32
        %rev3A_702 = vector.broadcast %rev3A_701 : i32 to vector<16xi32>
        %rev3A_703 = tpu.iota {dimensions = array<i32: 0>} : vector<16xi32>
        %rev3A_704 = arith.subi %rev3A_702, %rev3A_703 : vector<16xi32>
        %rev3A_705 = tpu.dynamic_gather %masked_sort3A_699[%rev3A_704] in [0] : vector<16xf32>, vector<16xi32> -> vector<16xf32>
        %le3A_706 = arith.cmpf ole, %masked_sort3A_695, %rev3A_705 : vector<16xf32>
        %select_n3A_707 = arith.select %le3A_706, %masked_sort3A_695, %rev3A_705 : vector<16xi1>, vector<16xf32>
        %select_n3A_708 = arith.select %le3A_706, %iota3A, %iota3A : vector<16xi1>, vector<16xi32>
        %select_n3A_709 = arith.select %le3A_706, %rev3A_705, %masked_sort3A_695 : vector<16xi1>, vector<16xf32>
        %select_n3A_710 = arith.select %le3A_706, %iota3A, %iota3A : vector<16xi1>, vector<16xi32>
        %masked_sort3A_711 = arith.constant dense<true> : vector<16xi1>
        %masked_sort3A_712, %masked_sort3A_713, %masked_sort3A_714 = tpu.sort %select_n3A_707, %select_n3A_708 masked %masked_sort3A_711 : (vector<16xf32>, vector<16xi32>, vector<16xi1>) -> (vector<16xi1>, vector<16xf32>, vector<16xi32>)
        %rev3A_715 = arith.constant 15 : i32
        %rev3A_716 = vector.broadcast %rev3A_715 : i32 to vector<16xi32>
        %rev3A_717 = tpu.iota {dimensions = array<i32: 0>} : vector<16xi32>
        %rev3A_718 = arith.subi %rev3A_716, %rev3A_717 : vector<16xi32>
        %rev3A_719 = tpu.dynamic_gather %masked_sort3A_713[%rev3A_718] in [0] : vector<16xf32>, vector<16xi32> -> vector<16xf32>
        %rev3A_720 = arith.constant 15 : i32
        %rev3A_721 = vector.broadcast %rev3A_720 : i32 to vector<16xi32>
        %rev3A_722 = tpu.iota {dimensions = array<i32: 0>} : vector<16xi32>
        %rev3A_723 = arith.subi %rev3A_721, %rev3A_722 : vector<16xi32>
        %rev3A_724 = tpu.dynamic_gather %masked_sort3A_714[%rev3A_723] in [0] : vector<16xi32>, vector<16xi32> -> vector<16xi32>
        %le3A_725 = arith.cmpf ole, %masked_sort3A_691, %rev3A_719 : vector<16xf32>
        %select_n3A_726 = arith.select %le3A_725, %masked_sort3A_691, %rev3A_719 : vector<16xi1>, vector<16xf32>
        %select_n3A_727 = arith.select %le3A_725, %iota3A, %rev3A_724 : vector<16xi1>, vector<16xi32>
        %select_n3A_728 = arith.select %le3A_725, %rev3A_719, %masked_sort3A_691 : vector<16xi1>, vector<16xf32>
        %select_n3A_729 = arith.select %le3A_725, %rev3A_724, %iota3A : vector<16xi1>, vector<16xi32>
        %masked_sort3A_730 = arith.constant dense<true> : vector<16xi1>
        %masked_sort3A_731, %masked_sort3A_732, %masked_sort3A_733 = tpu.sort %select_n3A_726, %select_n3A_727 masked %masked_sort3A_730 : (vector<16xf32>, vector<16xi32>, vector<16xi1>) -> (vector<16xi1>, vector<16xf32>, vector<16xi32>)
        %masked_sort3A_734 = arith.constant dense<true> : vector<16xi1>
        %masked_sort3A_735, %masked_sort3A_736, %masked_sort3A_737 = tpu.sort %select_n3A_728, %select_n3A_729 masked %masked_sort3A_734 : (vector<16xf32>, vector<16xi32>, vector<16xi1>) -> (vector<16xi1>, vector<16xf32>, vector<16xi32>)
        %masked_sort3A_738 = arith.constant dense<true> : vector<16xi1>
        %masked_sort3A_739, %masked_sort3A_740, %masked_sort3A_741 = tpu.sort %cond3A_624#2, %iota3A masked %masked_sort3A_738 : (vector<16xf32>, vector<16xi32>, vector<16xi1>) -> (vector<16xi1>, vector<16xf32>, vector<16xi32>)
        %rev3A_742 = arith.constant 15 : i32
        %rev3A_743 = vector.broadcast %rev3A_742 : i32 to vector<16xi32>
        %rev3A_744 = tpu.iota {dimensions = array<i32: 0>} : vector<16xi32>
        %rev3A_745 = arith.subi %rev3A_743, %rev3A_744 : vector<16xi32>
        %rev3A_746 = tpu.dynamic_gather %masked_sort3A_740[%rev3A_745] in [0] : vector<16xf32>, vector<16xi32> -> vector<16xf32>
        %le3A_747 = arith.cmpf ole, %masked_sort3A_736, %rev3A_746 : vector<16xf32>
        %select_n3A_748 = arith.select %le3A_747, %masked_sort3A_736, %rev3A_746 : vector<16xi1>, vector<16xf32>
        %select_n3A_749 = arith.select %le3A_747, %iota3A, %iota3A : vector<16xi1>, vector<16xi32>
        %select_n3A_750 = arith.select %le3A_747, %rev3A_746, %masked_sort3A_736 : vector<16xi1>, vector<16xf32>
        %select_n3A_751 = arith.select %le3A_747, %iota3A, %iota3A : vector<16xi1>, vector<16xi32>
        %masked_sort3A_752 = arith.constant dense<true> : vector<16xi1>
        %masked_sort3A_753, %masked_sort3A_754, %masked_sort3A_755 = tpu.sort %select_n3A_748, %select_n3A_749 masked %masked_sort3A_752 : (vector<16xf32>, vector<16xi32>, vector<16xi1>) -> (vector<16xi1>, vector<16xf32>, vector<16xi32>)
        %rev3A_756 = arith.constant 15 : i32
        %rev3A_757 = vector.broadcast %rev3A_756 : i32 to vector<16xi32>
        %rev3A_758 = tpu.iota {dimensions = array<i32: 0>} : vector<16xi32>
        %rev3A_759 = arith.subi %rev3A_757, %rev3A_758 : vector<16xi32>
        %rev3A_760 = tpu.dynamic_gather %masked_sort3A_754[%rev3A_759] in [0] : vector<16xf32>, vector<16xi32> -> vector<16xf32>
        %rev3A_761 = arith.constant 15 : i32
        %rev3A_762 = vector.broadcast %rev3A_761 : i32 to vector<16xi32>
        %rev3A_763 = tpu.iota {dimensions = array<i32: 0>} : vector<16xi32>
        %rev3A_764 = arith.subi %rev3A_762, %rev3A_763 : vector<16xi32>
        %rev3A_765 = tpu.dynamic_gather %masked_sort3A_755[%rev3A_764] in [0] : vector<16xi32>, vector<16xi32> -> vector<16xi32>
        %le3A_766 = arith.cmpf ole, %masked_sort3A_732, %rev3A_760 : vector<16xf32>
        %select_n3A_767 = arith.select %le3A_766, %masked_sort3A_732, %rev3A_760 : vector<16xi1>, vector<16xf32>
        %select_n3A_768 = arith.select %le3A_766, %iota3A, %rev3A_765 : vector<16xi1>, vector<16xi32>
        %select_n3A_769 = arith.select %le3A_766, %rev3A_760, %masked_sort3A_732 : vector<16xi1>, vector<16xf32>
        %select_n3A_770 = arith.select %le3A_766, %rev3A_765, %iota3A : vector<16xi1>, vector<16xi32>
        %masked_sort3A_771 = arith.constant dense<true> : vector<16xi1>
        %masked_sort3A_772, %masked_sort3A_773, %masked_sort3A_774 = tpu.sort %select_n3A_767, %select_n3A_768 masked %masked_sort3A_771 : (vector<16xf32>, vector<16xi32>, vector<16xi1>) -> (vector<16xi1>, vector<16xf32>, vector<16xi32>)
        %masked_sort3A_775 = arith.constant dense<true> : vector<16xi1>
        %masked_sort3A_776, %masked_sort3A_777, %masked_sort3A_778 = tpu.sort %select_n3A_769, %select_n3A_770 masked %masked_sort3A_775 : (vector<16xf32>, vector<16xi32>, vector<16xi1>) -> (vector<16xi1>, vector<16xf32>, vector<16xi32>)
        %masked_sort3A_779 = arith.constant dense<true> : vector<16xi1>
        %masked_sort3A_780, %masked_sort3A_781, %masked_sort3A_782 = tpu.sort %cond3A_624#5, %iota3A masked %masked_sort3A_779 : (vector<16xf32>, vector<16xi32>, vector<16xi1>) -> (vector<16xi1>, vector<16xf32>, vector<16xi32>)
        %rev3A_783 = arith.constant 15 : i32
        %rev3A_784 = vector.broadcast %rev3A_783 : i32 to vector<16xi32>
        %rev3A_785 = tpu.iota {dimensions = array<i32: 0>} : vector<16xi32>
        %rev3A_786 = arith.subi %rev3A_784, %rev3A_785 : vector<16xi32>
        %rev3A_787 = tpu.dynamic_gather %masked_sort3A_781[%rev3A_786] in [0] : vector<16xf32>, vector<16xi32> -> vector<16xf32>
        %le3A_788 = arith.cmpf ole, %masked_sort3A_777, %rev3A_787 : vector<16xf32>
        %select_n3A_789 = arith.select %le3A_788, %masked_sort3A_777, %rev3A_787 : vector<16xi1>, vector<16xf32>
        %select_n3A_790 = arith.select %le3A_788, %iota3A, %iota3A : vector<16xi1>, vector<16xi32>
        %select_n3A_791 = arith.select %le3A_788, %rev3A_787, %masked_sort3A_777 : vector<16xi1>, vector<16xf32>
        %select_n3A_792 = arith.select %le3A_788, %iota3A, %iota3A : vector<16xi1>, vector<16xi32>
        %masked_sort3A_793 = arith.constant dense<true> : vector<16xi1>
        %masked_sort3A_794, %masked_sort3A_795, %masked_sort3A_796 = tpu.sort %select_n3A_789, %select_n3A_790 masked %masked_sort3A_793 : (vector<16xf32>, vector<16xi32>, vector<16xi1>) -> (vector<16xi1>, vector<16xf32>, vector<16xi32>)
        %rev3A_797 = arith.constant 15 : i32
        %rev3A_798 = vector.broadcast %rev3A_797 : i32 to vector<16xi32>
        %rev3A_799 = tpu.iota {dimensions = array<i32: 0>} : vector<16xi32>
        %rev3A_800 = arith.subi %rev3A_798, %rev3A_799 : vector<16xi32>
        %rev3A_801 = tpu.dynamic_gather %masked_sort3A_795[%rev3A_800] in [0] : vector<16xf32>, vector<16xi32> -> vector<16xf32>
        %rev3A_802 = arith.constant 15 : i32
        %rev3A_803 = vector.broadcast %rev3A_802 : i32 to vector<16xi32>
        %rev3A_804 = tpu.iota {dimensions = array<i32: 0>} : vector<16xi32>
        %rev3A_805 = arith.subi %rev3A_803, %rev3A_804 : vector<16xi32>
        %rev3A_806 = tpu.dynamic_gather %masked_sort3A_796[%rev3A_805] in [0] : vector<16xi32>, vector<16xi32> -> vector<16xi32>
        %le3A_807 = arith.cmpf ole, %masked_sort3A_773, %rev3A_801 : vector<16xf32>
        %select_n3A_808 = arith.select %le3A_807, %masked_sort3A_773, %rev3A_801 : vector<16xi1>, vector<16xf32>
        %select_n3A_809 = arith.select %le3A_807, %iota3A, %rev3A_806 : vector<16xi1>, vector<16xi32>
        %select_n3A_810 = arith.select %le3A_807, %rev3A_801, %masked_sort3A_773 : vector<16xi1>, vector<16xf32>
        %select_n3A_811 = arith.select %le3A_807, %rev3A_806, %iota3A : vector<16xi1>, vector<16xi32>
        %masked_sort3A_812 = arith.constant dense<true> : vector<16xi1>
        %masked_sort3A_813, %masked_sort3A_814, %masked_sort3A_815 = tpu.sort %select_n3A_808, %select_n3A_809 masked %masked_sort3A_812 : (vector<16xf32>, vector<16xi32>, vector<16xi1>) -> (vector<16xi1>, vector<16xf32>, vector<16xi32>)
        %masked_sort3A_816 = arith.constant dense<true> : vector<16xi1>
        %masked_sort3A_817, %masked_sort3A_818, %masked_sort3A_819 = tpu.sort %select_n3A_810, %select_n3A_811 masked %masked_sort3A_816 : (vector<16xf32>, vector<16xi32>, vector<16xi1>) -> (vector<16xi1>, vector<16xf32>, vector<16xi32>)
        %eq3A_820 = arith.constant 13 : i32
        %eq3A_821 = vector.broadcast %eq3A_820 : i32 to vector<16xi32>
        %eq3A_822 = arith.cmpi eq, %iota3A, %eq3A_821 : vector<16xi32>
        %jit3A_823 = arith.constant 0xFF800000 : f32
        %broadcast_in_dim3A_824 = vector.broadcast %jit3A_823 : f32 to vector<16xf32>
        %select_n3A_825 = arith.select %eq3A_822, %masked_sort3A_818, %broadcast_in_dim3A_824 : vector<16xi1>, vector<16xf32>
        %reduce_max3A_826 = arith.constant true
        %reduce_max3A_827 = vector.broadcast %reduce_max3A_826 : i1 to vector<16xi1>
        %reduce_max3A_828 = tpu.scan <max>, %select_n3A_825 masked %reduce_max3A_827 : vector<16xf32>, vector<16xi1> -> vector<16xf32>
        %reduce_max3A_829 = vector.extract %reduce_max3A_828[15] : f32 from vector<16xf32>
        %scan3A_830 = arith.constant 0 : i32
        %scan3A_831 = arith.constant 32 : i32
        %scan3A_832 = arith.addi %scan3A_830, %scan3A_831 : i32
        %scan3A_833 = arith.constant 1 : i32
        %scan3A_834 = scf.for %scan3A_836 = %scan3A_830 to %scan3A_832 step %scan3A_833 iter_args(%scan3A_837 = %broadcast_in_dim3A_23) -> (vector<16xi32>)  : i32 {
          %mul3A_838 = arith.constant 8 : i32
          %mul3A_839 = arith.muli %scan3A_836, %mul3A_838 : i32
          %add3A_840 = arith.constant 0 : i32
          %add3A_841 = arith.addi %mul3A_839, %add3A_840 : i32
          %mul3A_842 = arith.constant 16 : i32
          %mul3A_843 = arith.muli %add3A_841, %mul3A_842 : i32
          %get3A_844 = arith.index_cast %mul3A_843 : i32 to index
          %get3A_845 = tpu.vector_load %arg7[%get3A_844] {strides = array<i32>} : memref<4096xf32, #tpu.memory_space<vmem>>, vector<16xf32>,
          %le3A_846 = vector.broadcast %reduce_max3A_829 : f32 to vector<16xf32>
          %le3A_847 = arith.cmpf ole, %get3A_845, %le3A_846 : vector<16xf32>
          %jit3A_848 = arith.constant 1 : i32
          %jit3A_849 = arith.constant 0 : i32
          %broadcast_in_dim3A_850 = vector.broadcast %jit3A_848 : i32 to vector<16xi32>
          %broadcast_in_dim3A_851 = vector.broadcast %jit3A_849 : i32 to vector<16xi32>
          %select_n3A_852 = arith.select %le3A_847, %broadcast_in_dim3A_850, %broadcast_in_dim3A_851 : vector<16xi1>, vector<16xi32>
          %broadcast_in_dim3A_853 = arith.constant true
          %broadcast_in_dim3A_854 = vector.broadcast %broadcast_in_dim3A_853 : i1 to vector<16xi1>
          %masked_cumsum3A = tpu.scan <sum>, %select_n3A_852 masked %broadcast_in_dim3A_854 : vector<16xi32>, vector<16xi1> -> vector<16xi32>
          %add3A_855 = arith.addi %scan3A_837, %masked_cumsum3A : vector<16xi32>
          %sub3A_856 = arith.constant 1 : i32
          %sub3A_857 = vector.broadcast %sub3A_856 : i32 to vector<16xi32>
          %sub3A_858 = arith.subi %add3A_855, %sub3A_857 : vector<16xi32>
          %jit3A_859 = arith.constant 0 : i32
          %broadcast_in_dim3A_860 = vector.broadcast %jit3A_859 : i32 to vector<16xi32>
          %select_n3A_861 = arith.select %le3A_847, %sub3A_858, %broadcast_in_dim3A_860 : vector<16xi1>, vector<16xi32>
          tpu.vector_store_idx %arg10[%select_n3A_861], %get3A_845 masked %le3A_847 : memref<4112xf32, #tpu.memory_space<vmem>>[vector<16xi32>], vector<16xf32>, vector<16xi1>
          %add3A_862 = arith.constant 0 : i32
          %add3A_863 = arith.addi %mul3A_839, %add3A_862 : i32
          %mul3A_864 = arith.constant 16 : i32
          %mul3A_865 = arith.muli %add3A_863, %mul3A_864 : i32
          %add3A_866 = vector.broadcast %mul3A_865 : i32 to vector<16xi32>
          %add3A_867 = arith.addi %add3A_866, %iota3A : vector<16xi32>
          tpu.vector_store_idx %arg11[%select_n3A_861], %add3A_867 masked %le3A_847 : memref<4112xi32, #tpu.memory_space<vmem>>[vector<16xi32>], vector<16xi32>, vector<16xi1>
          %all_reduce_population_count3A = tpu.all_reduce %le3A_847 {dim = 0 : i64, kind = #tpu.reduction_kind<sum>} : vector<16xi1> -> vector<16xi32>
          %add3A_868 = arith.addi %scan3A_837, %all_reduce_population_count3A : vector<16xi32>
          %add3A_869 = arith.constant 1 : i32
          %add3A_870 = arith.addi %mul3A_839, %add3A_869 : i32
          %mul3A_871 = arith.constant 16 : i32
          %mul3A_872 = arith.muli %add3A_870, %mul3A_871 : i32
          %get3A_873 = arith.index_cast %mul3A_872 : i32 to index
          %get3A_874 = tpu.vector_load %arg7[%get3A_873] {strides = array<i32>} : memref<4096xf32, #tpu.memory_space<vmem>>, vector<16xf32>,
          %le3A_875 = vector.broadcast %reduce_max3A_829 : f32 to vector<16xf32>
          %le3A_876 = arith.cmpf ole, %get3A_874, %le3A_875 : vector<16xf32>
          %jit3A_877 = arith.constant 1 : i32
          %jit3A_878 = arith.constant 0 : i32
          %broadcast_in_dim3A_879 = vector.broadcast %jit3A_877 : i32 to vector<16xi32>
          %broadcast_in_dim3A_880 = vector.broadcast %jit3A_878 : i32 to vector<16xi32>
          %select_n3A_881 = arith.select %le3A_876, %broadcast_in_dim3A_879, %broadcast_in_dim3A_880 : vector<16xi1>, vector<16xi32>
          %broadcast_in_dim3A_882 = arith.constant true
          %broadcast_in_dim3A_883 = vector.broadcast %broadcast_in_dim3A_882 : i1 to vector<16xi1>
          %masked_cumsum3A_884 = tpu.scan <sum>, %select_n3A_881 masked %broadcast_in_dim3A_883 : vector<16xi32>, vector<16xi1> -> vector<16xi32>
          %add3A_885 = arith.addi %add3A_868, %masked_cumsum3A_884 : vector<16xi32>
          %sub3A_886 = arith.constant 1 : i32
          %sub3A_887 = vector.broadcast %sub3A_886 : i32 to vector<16xi32>
          %sub3A_888 = arith.subi %add3A_885, %sub3A_887 : vector<16xi32>
          %jit3A_889 = arith.constant 0 : i32
          %broadcast_in_dim3A_890 = vector.broadcast %jit3A_889 : i32 to vector<16xi32>
          %select_n3A_891 = arith.select %le3A_876, %sub3A_888, %broadcast_in_dim3A_890 : vector<16xi1>, vector<16xi32>
          tpu.vector_store_idx %arg10[%select_n3A_891], %get3A_874 masked %le3A_876 : memref<4112xf32, #tpu.memory_space<vmem>>[vector<16xi32>], vector<16xf32>, vector<16xi1>
          %add3A_892 = arith.constant 1 : i32
          %add3A_893 = arith.addi %mul3A_839, %add3A_892 : i32
          %mul3A_894 = arith.constant 16 : i32
          %mul3A_895 = arith.muli %add3A_893, %mul3A_894 : i32
          %add3A_896 = vector.broadcast %mul3A_895 : i32 to vector<16xi32>
          %add3A_897 = arith.addi %add3A_896, %iota3A : vector<16xi32>
          tpu.vector_store_idx %arg11[%select_n3A_891], %add3A_897 masked %le3A_876 : memref<4112xi32, #tpu.memory_space<vmem>>[vector<16xi32>], vector<16xi32>, vector<16xi1>
          %all_reduce_population_count3A_898 = tpu.all_reduce %le3A_876 {dim = 0 : i64, kind = #tpu.reduction_kind<sum>} : vector<16xi1> -> vector<16xi32>
          %add3A_899 = arith.addi %add3A_868, %all_reduce_population_count3A_898 : vector<16xi32>
          %add3A_900 = arith.constant 2 : i32
          %add3A_901 = arith.addi %mul3A_839, %add3A_900 : i32
          %mul3A_902 = arith.constant 16 : i32
          %mul3A_903 = arith.muli %add3A_901, %mul3A_902 : i32
          %get3A_904 = arith.index_cast %mul3A_903 : i32 to index
          %get3A_905 = tpu.vector_load %arg7[%get3A_904] {strides = array<i32>} : memref<4096xf32, #tpu.memory_space<vmem>>, vector<16xf32>,
          %le3A_906 = vector.broadcast %reduce_max3A_829 : f32 to vector<16xf32>
          %le3A_907 = arith.cmpf ole, %get3A_905, %le3A_906 : vector<16xf32>
          %jit3A_908 = arith.constant 1 : i32
          %jit3A_909 = arith.constant 0 : i32
          %broadcast_in_dim3A_910 = vector.broadcast %jit3A_908 : i32 to vector<16xi32>
          %broadcast_in_dim3A_911 = vector.broadcast %jit3A_909 : i32 to vector<16xi32>
          %select_n3A_912 = arith.select %le3A_907, %broadcast_in_dim3A_910, %broadcast_in_dim3A_911 : vector<16xi1>, vector<16xi32>
          %broadcast_in_dim3A_913 = arith.constant true
          %broadcast_in_dim3A_914 = vector.broadcast %broadcast_in_dim3A_913 : i1 to vector<16xi1>
          %masked_cumsum3A_915 = tpu.scan <sum>, %select_n3A_912 masked %broadcast_in_dim3A_914 : vector<16xi32>, vector<16xi1> -> vector<16xi32>
          %add3A_916 = arith.addi %add3A_899, %masked_cumsum3A_915 : vector<16xi32>
          %sub3A_917 = arith.constant 1 : i32
          %sub3A_918 = vector.broadcast %sub3A_917 : i32 to vector<16xi32>
          %sub3A_919 = arith.subi %add3A_916, %sub3A_918 : vector<16xi32>
          %jit3A_920 = arith.constant 0 : i32
          %broadcast_in_dim3A_921 = vector.broadcast %jit3A_920 : i32 to vector<16xi32>
          %select_n3A_922 = arith.select %le3A_907, %sub3A_919, %broadcast_in_dim3A_921 : vector<16xi1>, vector<16xi32>
          tpu.vector_store_idx %arg10[%select_n3A_922], %get3A_905 masked %le3A_907 : memref<4112xf32, #tpu.memory_space<vmem>>[vector<16xi32>], vector<16xf32>, vector<16xi1>
          %add3A_923 = arith.constant 2 : i32
          %add3A_924 = arith.addi %mul3A_839, %add3A_923 : i32
          %mul3A_925 = arith.constant 16 : i32
          %mul3A_926 = arith.muli %add3A_924, %mul3A_925 : i32
          %add3A_927 = vector.broadcast %mul3A_926 : i32 to vector<16xi32>
          %add3A_928 = arith.addi %add3A_927, %iota3A : vector<16xi32>
          tpu.vector_store_idx %arg11[%select_n3A_922], %add3A_928 masked %le3A_907 : memref<4112xi32, #tpu.memory_space<vmem>>[vector<16xi32>], vector<16xi32>, vector<16xi1>
          %all_reduce_population_count3A_929 = tpu.all_reduce %le3A_907 {dim = 0 : i64, kind = #tpu.reduction_kind<sum>} : vector<16xi1> -> vector<16xi32>
          %add3A_930 = arith.addi %add3A_899, %all_reduce_population_count3A_929 : vector<16xi32>
          %add3A_931 = arith.constant 3 : i32
          %add3A_932 = arith.addi %mul3A_839, %add3A_931 : i32
          %mul3A_933 = arith.constant 16 : i32
          %mul3A_934 = arith.muli %add3A_932, %mul3A_933 : i32
          %get3A_935 = arith.index_cast %mul3A_934 : i32 to index
          %get3A_936 = tpu.vector_load %arg7[%get3A_935] {strides = array<i32>} : memref<4096xf32, #tpu.memory_space<vmem>>, vector<16xf32>,
          %le3A_937 = vector.broadcast %reduce_max3A_829 : f32 to vector<16xf32>
          %le3A_938 = arith.cmpf ole, %get3A_936, %le3A_937 : vector<16xf32>
          %jit3A_939 = arith.constant 1 : i32
          %jit3A_940 = arith.constant 0 : i32
          %broadcast_in_dim3A_941 = vector.broadcast %jit3A_939 : i32 to vector<16xi32>
          %broadcast_in_dim3A_942 = vector.broadcast %jit3A_940 : i32 to vector<16xi32>
          %select_n3A_943 = arith.select %le3A_938, %broadcast_in_dim3A_941, %broadcast_in_dim3A_942 : vector<16xi1>, vector<16xi32>
          %broadcast_in_dim3A_944 = arith.constant true
          %broadcast_in_dim3A_945 = vector.broadcast %broadcast_in_dim3A_944 : i1 to vector<16xi1>
          %masked_cumsum3A_946 = tpu.scan <sum>, %select_n3A_943 masked %broadcast_in_dim3A_945 : vector<16xi32>, vector<16xi1> -> vector<16xi32>
          %add3A_947 = arith.addi %add3A_930, %masked_cumsum3A_946 : vector<16xi32>
          %sub3A_948 = arith.constant 1 : i32
          %sub3A_949 = vector.broadcast %sub3A_948 : i32 to vector<16xi32>
          %sub3A_950 = arith.subi %add3A_947, %sub3A_949 : vector<16xi32>
          %jit3A_951 = arith.constant 0 : i32
          %broadcast_in_dim3A_952 = vector.broadcast %jit3A_951 : i32 to vector<16xi32>
          %select_n3A_953 = arith.select %le3A_938, %sub3A_950, %broadcast_in_dim3A_952 : vector<16xi1>, vector<16xi32>
          tpu.vector_store_idx %arg10[%select_n3A_953], %get3A_936 masked %le3A_938 : memref<4112xf32, #tpu.memory_space<vmem>>[vector<16xi32>], vector<16xf32>, vector<16xi1>
          %add3A_954 = arith.constant 3 : i32
          %add3A_955 = arith.addi %mul3A_839, %add3A_954 : i32
          %mul3A_956 = arith.constant 16 : i32
          %mul3A_957 = arith.muli %add3A_955, %mul3A_956 : i32
          %add3A_958 = vector.broadcast %mul3A_957 : i32 to vector<16xi32>
          %add3A_959 = arith.addi %add3A_958, %iota3A : vector<16xi32>
          tpu.vector_store_idx %arg11[%select_n3A_953], %add3A_959 masked %le3A_938 : memref<4112xi32, #tpu.memory_space<vmem>>[vector<16xi32>], vector<16xi32>, vector<16xi1>
          %all_reduce_population_count3A_960 = tpu.all_reduce %le3A_938 {dim = 0 : i64, kind = #tpu.reduction_kind<sum>} : vector<16xi1> -> vector<16xi32>
          %add3A_961 = arith.addi %add3A_930, %all_reduce_population_count3A_960 : vector<16xi32>
          %add3A_962 = arith.constant 4 : i32
          %add3A_963 = arith.addi %mul3A_839, %add3A_962 : i32
          %mul3A_964 = arith.constant 16 : i32
          %mul3A_965 = arith.muli %add3A_963, %mul3A_964 : i32
          %get3A_966 = arith.index_cast %mul3A_965 : i32 to index
          %get3A_967 = tpu.vector_load %arg7[%get3A_966] {strides = array<i32>} : memref<4096xf32, #tpu.memory_space<vmem>>, vector<16xf32>,
          %le3A_968 = vector.broadcast %reduce_max3A_829 : f32 to vector<16xf32>
          %le3A_969 = arith.cmpf ole, %get3A_967, %le3A_968 : vector<16xf32>
          %jit3A_970 = arith.constant 1 : i32
          %jit3A_971 = arith.constant 0 : i32
          %broadcast_in_dim3A_972 = vector.broadcast %jit3A_970 : i32 to vector<16xi32>
          %broadcast_in_dim3A_973 = vector.broadcast %jit3A_971 : i32 to vector<16xi32>
          %select_n3A_974 = arith.select %le3A_969, %broadcast_in_dim3A_972, %broadcast_in_dim3A_973 : vector<16xi1>, vector<16xi32>
          %broadcast_in_dim3A_975 = arith.constant true
          %broadcast_in_dim3A_976 = vector.broadcast %broadcast_in_dim3A_975 : i1 to vector<16xi1>
          %masked_cumsum3A_977 = tpu.scan <sum>, %select_n3A_974 masked %broadcast_in_dim3A_976 : vector<16xi32>, vector<16xi1> -> vector<16xi32>
          %add3A_978 = arith.addi %add3A_961, %masked_cumsum3A_977 : vector<16xi32>
          %sub3A_979 = arith.constant 1 : i32
          %sub3A_980 = vector.broadcast %sub3A_979 : i32 to vector<16xi32>
          %sub3A_981 = arith.subi %add3A_978, %sub3A_980 : vector<16xi32>
          %jit3A_982 = arith.constant 0 : i32
          %broadcast_in_dim3A_983 = vector.broadcast %jit3A_982 : i32 to vector<16xi32>
          %select_n3A_984 = arith.select %le3A_969, %sub3A_981, %broadcast_in_dim3A_983 : vector<16xi1>, vector<16xi32>
          tpu.vector_store_idx %arg10[%select_n3A_984], %get3A_967 masked %le3A_969 : memref<4112xf32, #tpu.memory_space<vmem>>[vector<16xi32>], vector<16xf32>, vector<16xi1>
          %add3A_985 = arith.constant 4 : i32
          %add3A_986 = arith.addi %mul3A_839, %add3A_985 : i32
          %mul3A_987 = arith.constant 16 : i32
          %mul3A_988 = arith.muli %add3A_986, %mul3A_987 : i32
          %add3A_989 = vector.broadcast %mul3A_988 : i32 to vector<16xi32>
          %add3A_990 = arith.addi %add3A_989, %iota3A : vector<16xi32>
          tpu.vector_store_idx %arg11[%select_n3A_984], %add3A_990 masked %le3A_969 : memref<4112xi32, #tpu.memory_space<vmem>>[vector<16xi32>], vector<16xi32>, vector<16xi1>
          %all_reduce_population_count3A_991 = tpu.all_reduce %le3A_969 {dim = 0 : i64, kind = #tpu.reduction_kind<sum>} : vector<16xi1> -> vector<16xi32>
          %add3A_992 = arith.addi %add3A_961, %all_reduce_population_count3A_991 : vector<16xi32>
          %add3A_993 = arith.constant 5 : i32
          %add3A_994 = arith.addi %mul3A_839, %add3A_993 : i32
          %mul3A_995 = arith.constant 16 : i32
          %mul3A_996 = arith.muli %add3A_994, %mul3A_995 : i32
          %get3A_997 = arith.index_cast %mul3A_996 : i32 to index
          %get3A_998 = tpu.vector_load %arg7[%get3A_997] {strides = array<i32>} : memref<4096xf32, #tpu.memory_space<vmem>>, vector<16xf32>,
          %le3A_999 = vector.broadcast %reduce_max3A_829 : f32 to vector<16xf32>
          %le3A_1000 = arith.cmpf ole, %get3A_998, %le3A_999 : vector<16xf32>
          %jit3A_1001 = arith.constant 1 : i32
          %jit3A_1002 = arith.constant 0 : i32
          %broadcast_in_dim3A_1003 = vector.broadcast %jit3A_1001 : i32 to vector<16xi32>
          %broadcast_in_dim3A_1004 = vector.broadcast %jit3A_1002 : i32 to vector<16xi32>
          %select_n3A_1005 = arith.select %le3A_1000, %broadcast_in_dim3A_1003, %broadcast_in_dim3A_1004 : vector<16xi1>, vector<16xi32>
          %broadcast_in_dim3A_1006 = arith.constant true
          %broadcast_in_dim3A_1007 = vector.broadcast %broadcast_in_dim3A_1006 : i1 to vector<16xi1>
          %masked_cumsum3A_1008 = tpu.scan <sum>, %select_n3A_1005 masked %broadcast_in_dim3A_1007 : vector<16xi32>, vector<16xi1> -> vector<16xi32>
          %add3A_1009 = arith.addi %add3A_992, %masked_cumsum3A_1008 : vector<16xi32>
          %sub3A_1010 = arith.constant 1 : i32
          %sub3A_1011 = vector.broadcast %sub3A_1010 : i32 to vector<16xi32>
          %sub3A_1012 = arith.subi %add3A_1009, %sub3A_1011 : vector<16xi32>
          %jit3A_1013 = arith.constant 0 : i32
          %broadcast_in_dim3A_1014 = vector.broadcast %jit3A_1013 : i32 to vector<16xi32>
          %select_n3A_1015 = arith.select %le3A_1000, %sub3A_1012, %broadcast_in_dim3A_1014 : vector<16xi1>, vector<16xi32>
          tpu.vector_store_idx %arg10[%select_n3A_1015], %get3A_998 masked %le3A_1000 : memref<4112xf32, #tpu.memory_space<vmem>>[vector<16xi32>], vector<16xf32>, vector<16xi1>
          %add3A_1016 = arith.constant 5 : i32
          %add3A_1017 = arith.addi %mul3A_839, %add3A_1016 : i32
          %mul3A_1018 = arith.constant 16 : i32
          %mul3A_1019 = arith.muli %add3A_1017, %mul3A_1018 : i32
          %add3A_1020 = vector.broadcast %mul3A_1019 : i32 to vector<16xi32>
          %add3A_1021 = arith.addi %add3A_1020, %iota3A : vector<16xi32>
          tpu.vector_store_idx %arg11[%select_n3A_1015], %add3A_1021 masked %le3A_1000 : memref<4112xi32, #tpu.memory_space<vmem>>[vector<16xi32>], vector<16xi32>, vector<16xi1>
          %all_reduce_population_count3A_1022 = tpu.all_reduce %le3A_1000 {dim = 0 : i64, kind = #tpu.reduction_kind<sum>} : vector<16xi1> -> vector<16xi32>
          %add3A_1023 = arith.addi %add3A_992, %all_reduce_population_count3A_1022 : vector<16xi32>
          %add3A_1024 = arith.constant 6 : i32
          %add3A_1025 = arith.addi %mul3A_839, %add3A_1024 : i32
          %mul3A_1026 = arith.constant 16 : i32
          %mul3A_1027 = arith.muli %add3A_1025, %mul3A_1026 : i32
          %get3A_1028 = arith.index_cast %mul3A_1027 : i32 to index
          %get3A_1029 = tpu.vector_load %arg7[%get3A_1028] {strides = array<i32>} : memref<4096xf32, #tpu.memory_space<vmem>>, vector<16xf32>,
          %le3A_1030 = vector.broadcast %reduce_max3A_829 : f32 to vector<16xf32>
          %le3A_1031 = arith.cmpf ole, %get3A_1029, %le3A_1030 : vector<16xf32>
          %jit3A_1032 = arith.constant 1 : i32
          %jit3A_1033 = arith.constant 0 : i32
          %broadcast_in_dim3A_1034 = vector.broadcast %jit3A_1032 : i32 to vector<16xi32>
          %broadcast_in_dim3A_1035 = vector.broadcast %jit3A_1033 : i32 to vector<16xi32>
          %select_n3A_1036 = arith.select %le3A_1031, %broadcast_in_dim3A_1034, %broadcast_in_dim3A_1035 : vector<16xi1>, vector<16xi32>
          %broadcast_in_dim3A_1037 = arith.constant true
          %broadcast_in_dim3A_1038 = vector.broadcast %broadcast_in_dim3A_1037 : i1 to vector<16xi1>
          %masked_cumsum3A_1039 = tpu.scan <sum>, %select_n3A_1036 masked %broadcast_in_dim3A_1038 : vector<16xi32>, vector<16xi1> -> vector<16xi32>
          %add3A_1040 = arith.addi %add3A_1023, %masked_cumsum3A_1039 : vector<16xi32>
          %sub3A_1041 = arith.constant 1 : i32
          %sub3A_1042 = vector.broadcast %sub3A_1041 : i32 to vector<16xi32>
          %sub3A_1043 = arith.subi %add3A_1040, %sub3A_1042 : vector<16xi32>
          %jit3A_1044 = arith.constant 0 : i32
          %broadcast_in_dim3A_1045 = vector.broadcast %jit3A_1044 : i32 to vector<16xi32>
          %select_n3A_1046 = arith.select %le3A_1031, %sub3A_1043, %broadcast_in_dim3A_1045 : vector<16xi1>, vector<16xi32>
          tpu.vector_store_idx %arg10[%select_n3A_1046], %get3A_1029 masked %le3A_1031 : memref<4112xf32, #tpu.memory_space<vmem>>[vector<16xi32>], vector<16xf32>, vector<16xi1>
          %add3A_1047 = arith.constant 6 : i32
          %add3A_1048 = arith.addi %mul3A_839, %add3A_1047 : i32
          %mul3A_1049 = arith.constant 16 : i32
          %mul3A_1050 = arith.muli %add3A_1048, %mul3A_1049 : i32
          %add3A_1051 = vector.broadcast %mul3A_1050 : i32 to vector<16xi32>
          %add3A_1052 = arith.addi %add3A_1051, %iota3A : vector<16xi32>
          tpu.vector_store_idx %arg11[%select_n3A_1046], %add3A_1052 masked %le3A_1031 : memref<4112xi32, #tpu.memory_space<vmem>>[vector<16xi32>], vector<16xi32>, vector<16xi1>
          %all_reduce_population_count3A_1053 = tpu.all_reduce %le3A_1031 {dim = 0 : i64, kind = #tpu.reduction_kind<sum>} : vector<16xi1> -> vector<16xi32>
          %add3A_1054 = arith.addi %add3A_1023, %all_reduce_population_count3A_1053 : vector<16xi32>
          %add3A_1055 = arith.constant 7 : i32
          %add3A_1056 = arith.addi %mul3A_839, %add3A_1055 : i32
          %mul3A_1057 = arith.constant 16 : i32
          %mul3A_1058 = arith.muli %add3A_1056, %mul3A_1057 : i32
          %get3A_1059 = arith.index_cast %mul3A_1058 : i32 to index
          %get3A_1060 = tpu.vector_load %arg7[%get3A_1059] {strides = array<i32>} : memref<4096xf32, #tpu.memory_space<vmem>>, vector<16xf32>,
          %le3A_1061 = vector.broadcast %reduce_max3A_829 : f32 to vector<16xf32>
          %le3A_1062 = arith.cmpf ole, %get3A_1060, %le3A_1061 : vector<16xf32>
          %jit3A_1063 = arith.constant 1 : i32
          %jit3A_1064 = arith.constant 0 : i32
          %broadcast_in_dim3A_1065 = vector.broadcast %jit3A_1063 : i32 to vector<16xi32>
          %broadcast_in_dim3A_1066 = vector.broadcast %jit3A_1064 : i32 to vector<16xi32>
          %select_n3A_1067 = arith.select %le3A_1062, %broadcast_in_dim3A_1065, %broadcast_in_dim3A_1066 : vector<16xi1>, vector<16xi32>
          %broadcast_in_dim3A_1068 = arith.constant true
          %broadcast_in_dim3A_1069 = vector.broadcast %broadcast_in_dim3A_1068 : i1 to vector<16xi1>
          %masked_cumsum3A_1070 = tpu.scan <sum>, %select_n3A_1067 masked %broadcast_in_dim3A_1069 : vector<16xi32>, vector<16xi1> -> vector<16xi32>
          %add3A_1071 = arith.addi %add3A_1054, %masked_cumsum3A_1070 : vector<16xi32>
          %sub3A_1072 = arith.constant 1 : i32
          %sub3A_1073 = vector.broadcast %sub3A_1072 : i32 to vector<16xi32>
          %sub3A_1074 = arith.subi %add3A_1071, %sub3A_1073 : vector<16xi32>
          %jit3A_1075 = arith.constant 0 : i32
          %broadcast_in_dim3A_1076 = vector.broadcast %jit3A_1075 : i32 to vector<16xi32>
          %select_n3A_1077 = arith.select %le3A_1062, %sub3A_1074, %broadcast_in_dim3A_1076 : vector<16xi1>, vector<16xi32>
          tpu.vector_store_idx %arg10[%select_n3A_1077], %get3A_1060 masked %le3A_1062 : memref<4112xf32, #tpu.memory_space<vmem>>[vector<16xi32>], vector<16xf32>, vector<16xi1>
          %add3A_1078 = arith.constant 7 : i32
          %add3A_1079 = arith.addi %mul3A_839, %add3A_1078 : i32
          %mul3A_1080 = arith.constant 16 : i32
          %mul3A_1081 = arith.muli %add3A_1079, %mul3A_1080 : i32
          %add3A_1082 = vector.broadcast %mul3A_1081 : i32 to vector<16xi32>
          %add3A_1083 = arith.addi %add3A_1082, %iota3A : vector<16xi32>
          tpu.vector_store_idx %arg11[%select_n3A_1077], %add3A_1083 masked %le3A_1062 : memref<4112xi32, #tpu.memory_space<vmem>>[vector<16xi32>], vector<16xi32>, vector<16xi1>
          %all_reduce_population_count3A_1084 = tpu.all_reduce %le3A_1062 {dim = 0 : i64, kind = #tpu.reduction_kind<sum>} : vector<16xi1> -> vector<16xi32>
          %add3A_1085 = arith.addi %add3A_1054, %all_reduce_population_count3A_1084 : vector<16xi32>
          scf.yield %add3A_1085 : vector<16xi32>
        }
        %scan3A_835 = arith.constant 32 : i32
        scf.yield %scan3A_834 : vector<16xi32>
      } else {
        scf.yield %scan3A_163 : vector<16xi32>
      }
      %reduce_max3A_180 = arith.constant true
      %reduce_max3A_181 = vector.broadcast %reduce_max3A_180 : i1 to vector<16xi1>
      %reduce_max3A_182 = arith.constant -2147483648 : i32
      %reduce_max3A_183 = vector.broadcast %reduce_max3A_182 : i32 to vector<16xi32>
      %reduce_max3A_184 = arith.xori %cond3A_179, %reduce_max3A_183 : vector<16xi32>
      %reduce_max3A_185 = tpu.scan <max>, %reduce_max3A_184 masked %reduce_max3A_181 : vector<16xi32>, vector<16xi1> -> vector<16xi32>
      %reduce_max3A_186 = arith.xori %reduce_max3A_185, %reduce_max3A_183 : vector<16xi32>
      %reduce_max3A_187 = vector.extract %reduce_max3A_186[15] : i32 from vector<16xi32>
      %add3A_188 = vector.broadcast %reduce_max3A_187 : i32 to vector<16xi32>
      %add3A_189 = arith.addi %add3A_188, %iota3A : vector<16xi32>
      tpu.vector_store_idx %arg10[%add3A_189], %broadcast_in_dim3A_19 : memref<4112xf32, #tpu.memory_space<vmem>>[vector<16xi32>], vector<16xf32>,
      %add3A_190 = vector.broadcast %reduce_max3A_187 : i32 to vector<16xi32>
      %add3A_191 = arith.addi %add3A_190, %iota3A : vector<16xi32>
      tpu.vector_store_idx %arg11[%add3A_191], %broadcast_in_dim3A_21 : memref<4112xi32, #tpu.memory_space<vmem>>[vector<16xi32>], vector<16xi32>,
      %add3A_192 = arith.constant 15 : i32
      %add3A_193 = arith.addi %reduce_max3A_187, %add3A_192 : i32
      %jit3A_194 = arith.constant 16 : i32
      %div3A_195 = arith.divsi %add3A_193, %jit3A_194 : i32
      %sign3A_196 = arith.constant 0 : i32
      %sign3A_197 = arith.cmpi sgt, %add3A_193, %sign3A_196 : i32
      %sign3A_198 = arith.extui %sign3A_197 : i1 to i32
      %sign3A_199 = arith.constant 0 : i32
      %sign3A_200 = arith.cmpi slt, %add3A_193, %sign3A_199 : i32
      %sign3A_201 = arith.extui %sign3A_200 : i1 to i32
      %sign3A_202 = arith.subi %sign3A_198, %sign3A_201 : i32
      %sign3A_203 = arith.constant 0 : i32
      %sign3A_204 = arith.cmpi sgt, %jit3A_194, %sign3A_203 : i32
      %sign3A_205 = arith.extui %sign3A_204 : i1 to i32
      %sign3A_206 = arith.constant 0 : i32
      %sign3A_207 = arith.cmpi slt, %jit3A_194, %sign3A_206 : i32
      %sign3A_208 = arith.extui %sign3A_207 : i1 to i32
      %sign3A_209 = arith.subi %sign3A_205, %sign3A_208 : i32
      %ne3A_210 = arith.cmpi ne, %sign3A_202, %sign3A_209 : i32
      %rem3A_211 = arith.remsi %add3A_193, %jit3A_194 : i32
      %ne3A_212 = arith.constant 0 : i32
      %ne3A_213 = arith.cmpi ne, %rem3A_211, %ne3A_212 : i32
      %and3A_214 = arith.andi %ne3A_210, %ne3A_213 : i1
      %sub3A_215 = arith.constant 1 : i32
      %sub3A_216 = arith.subi %div3A_195, %sub3A_215 : i32
      %select_n3A_217 = arith.select %and3A_214, %sub3A_216, %div3A_195 : i32
      %get3A_218 = arith.constant 0 : index
      %get3A_219 = tpu.vector_load %arg10[%get3A_218] {strides = array<i32>} : memref<4112xf32, #tpu.memory_space<vmem>>, vector<16xf32>,
      %get3A_220 = arith.constant 0 : index
      %get3A_221 = tpu.vector_load %arg11[%get3A_220] {strides = array<i32>} : memref<4112xi32, #tpu.memory_space<vmem>>, vector<16xi32>,
      %masked_sort3A = arith.constant dense<true> : vector<16xi1>
      %masked_sort3A_222, %masked_sort3A_223, %masked_sort3A_224 = tpu.sort %get3A_219, %get3A_221 masked %masked_sort3A : (vector<16xf32>, vector<16xi32>, vector<16xi1>) -> (vector<16xi1>, vector<16xf32>, vector<16xi32>)
      %get3A_225 = arith.constant 16 : index
      %get3A_226 = tpu.vector_load %arg10[%get3A_225] {strides = array<i32>} : memref<4112xf32, #tpu.memory_space<vmem>>, vector<16xf32>,
      %get3A_227 = arith.constant 16 : index
      %get3A_228 = tpu.vector_load %arg11[%get3A_227] {strides = array<i32>} : memref<4112xi32, #tpu.memory_space<vmem>>, vector<16xi32>,
      %masked_sort3A_229 = arith.constant dense<true> : vector<16xi1>
      %masked_sort3A_230, %masked_sort3A_231, %masked_sort3A_232 = tpu.sort %get3A_226, %get3A_228 masked %masked_sort3A_229 : (vector<16xf32>, vector<16xi32>, vector<16xi1>) -> (vector<16xi1>, vector<16xf32>, vector<16xi32>)
      %rev3A = arith.constant 15 : i32
      %rev3A_233 = vector.broadcast %rev3A : i32 to vector<16xi32>
      %rev3A_234 = tpu.iota {dimensions = array<i32: 0>} : vector<16xi32>
      %rev3A_235 = arith.subi %rev3A_233, %rev3A_234 : vector<16xi32>
      %rev3A_236 = tpu.dynamic_gather %masked_sort3A_231[%rev3A_235] in [0] : vector<16xf32>, vector<16xi32> -> vector<16xf32>
      %rev3A_237 = arith.constant 15 : i32
      %rev3A_238 = vector.broadcast %rev3A_237 : i32 to vector<16xi32>
      %rev3A_239 = tpu.iota {dimensions = array<i32: 0>} : vector<16xi32>
      %rev3A_240 = arith.subi %rev3A_238, %rev3A_239 : vector<16xi32>
      %rev3A_241 = tpu.dynamic_gather %masked_sort3A_232[%rev3A_240] in [0] : vector<16xi32>, vector<16xi32> -> vector<16xi32>
      %le3A = arith.cmpf ole, %masked_sort3A_223, %rev3A_236 : vector<16xf32>
      %select_n3A_242 = arith.select %le3A, %masked_sort3A_223, %rev3A_236 : vector<16xi1>, vector<16xf32>
      %select_n3A_243 = arith.select %le3A, %masked_sort3A_224, %rev3A_241 : vector<16xi1>, vector<16xi32>
      %select_n3A_244 = arith.select %le3A, %rev3A_236, %masked_sort3A_223 : vector<16xi1>, vector<16xf32>
      %select_n3A_245 = arith.select %le3A, %rev3A_241, %masked_sort3A_224 : vector<16xi1>, vector<16xi32>
      %masked_sort3A_246 = arith.constant dense<true> : vector<16xi1>
      %masked_sort3A_247, %masked_sort3A_248, %masked_sort3A_249 = tpu.sort %select_n3A_242, %select_n3A_243 masked %masked_sort3A_246 : (vector<16xf32>, vector<16xi32>, vector<16xi1>) -> (vector<16xi1>, vector<16xf32>, vector<16xi32>)
      %masked_sort3A_250 = arith.constant dense<true> : vector<16xi1>
      %masked_sort3A_251, %masked_sort3A_252, %masked_sort3A_253 = tpu.sort %select_n3A_244, %select_n3A_245 masked %masked_sort3A_250 : (vector<16xf32>, vector<16xi32>, vector<16xi1>) -> (vector<16xi1>, vector<16xf32>, vector<16xi32>)
      %while3A = arith.constant 2 : i32
      %while3A_254 = arith.subi %select_n3A_217, %while3A : i32
      %while3A_255 = arith.addi %while3A, %while3A_254 : i32
      %while3A_256 = arith.constant 1 : i32
      %while3A_257 = arith.divsi %while3A_254, %while3A_256 : i32
      %while3A_258 = arith.muli %while3A_257, %while3A_256 : i32
      %while3A_259 = arith.addi %while3A, %while3A_258 : i32
      %while3A_260 = arith.constant 1 : i32
      %while3A_261:4 = scf.for %while3A_620 = %while3A to %while3A_259 step %while3A_260 iter_args(%while3A_621 = %masked_sort3A_248, %while3A_622 = %masked_sort3A_249, %while3A_623 = %masked_sort3A_252, %while3A_624 = %masked_sort3A_253) -> (vector<16xf32>, vector<16xi32>, vector<16xf32>, vector<16xi32>)  : i32 {
        %mul3A_625 = arith.constant 16 : i32
        %mul3A_626 = arith.muli %while3A_620, %mul3A_625 : i32
        %get3A_627 = arith.index_cast %mul3A_626 : i32 to index
        %get3A_628 = tpu.vector_load %arg10[%get3A_627] {strides = array<i32>} : memref<4112xf32, #tpu.memory_space<vmem>>, vector<16xf32>,
        %mul3A_629 = arith.constant 16 : i32
        %mul3A_630 = arith.muli %while3A_620, %mul3A_629 : i32
        %get3A_631 = arith.index_cast %mul3A_630 : i32 to index
        %get3A_632 = tpu.vector_load %arg11[%get3A_631] {strides = array<i32>} : memref<4112xi32, #tpu.memory_space<vmem>>, vector<16xi32>,
        %masked_sort3A_633 = arith.constant dense<true> : vector<16xi1>
        %masked_sort3A_634, %masked_sort3A_635, %masked_sort3A_636 = tpu.sort %get3A_628, %get3A_632 masked %masked_sort3A_633 : (vector<16xf32>, vector<16xi32>, vector<16xi1>) -> (vector<16xi1>, vector<16xf32>, vector<16xi32>)
        %rev3A_637 = arith.constant 15 : i32
        %rev3A_638 = vector.broadcast %rev3A_637 : i32 to vector<16xi32>
        %rev3A_639 = tpu.iota {dimensions = array<i32: 0>} : vector<16xi32>
        %rev3A_640 = arith.subi %rev3A_638, %rev3A_639 : vector<16xi32>
        %rev3A_641 = tpu.dynamic_gather %masked_sort3A_635[%rev3A_640] in [0] : vector<16xf32>, vector<16xi32> -> vector<16xf32>
        %rev3A_642 = arith.constant 15 : i32
        %rev3A_643 = vector.broadcast %rev3A_642 : i32 to vector<16xi32>
        %rev3A_644 = tpu.iota {dimensions = array<i32: 0>} : vector<16xi32>
        %rev3A_645 = arith.subi %rev3A_643, %rev3A_644 : vector<16xi32>
        %rev3A_646 = tpu.dynamic_gather %masked_sort3A_636[%rev3A_645] in [0] : vector<16xi32>, vector<16xi32> -> vector<16xi32>
        %le3A_647 = arith.cmpf ole, %while3A_623, %rev3A_641 : vector<16xf32>
        %select_n3A_648 = arith.select %le3A_647, %while3A_623, %rev3A_641 : vector<16xi1>, vector<16xf32>
        %select_n3A_649 = arith.select %le3A_647, %while3A_624, %rev3A_646 : vector<16xi1>, vector<16xi32>
        %select_n3A_650 = arith.select %le3A_647, %rev3A_641, %while3A_623 : vector<16xi1>, vector<16xf32>
        %select_n3A_651 = arith.select %le3A_647, %rev3A_646, %while3A_624 : vector<16xi1>, vector<16xi32>
        %masked_sort3A_652 = arith.constant dense<true> : vector<16xi1>
        %masked_sort3A_653, %masked_sort3A_654, %masked_sort3A_655 = tpu.sort %select_n3A_648, %select_n3A_649 masked %masked_sort3A_652 : (vector<16xf32>, vector<16xi32>, vector<16xi1>) -> (vector<16xi1>, vector<16xf32>, vector<16xi32>)
        %rev3A_656 = arith.constant 15 : i32
        %rev3A_657 = vector.broadcast %rev3A_656 : i32 to vector<16xi32>
        %rev3A_658 = tpu.iota {dimensions = array<i32: 0>} : vector<16xi32>
        %rev3A_659 = arith.subi %rev3A_657, %rev3A_658 : vector<16xi32>
        %rev3A_660 = tpu.dynamic_gather %masked_sort3A_654[%rev3A_659] in [0] : vector<16xf32>, vector<16xi32> -> vector<16xf32>
        %rev3A_661 = arith.constant 15 : i32
        %rev3A_662 = vector.broadcast %rev3A_661 : i32 to vector<16xi32>
        %rev3A_663 = tpu.iota {dimensions = array<i32: 0>} : vector<16xi32>
        %rev3A_664 = arith.subi %rev3A_662, %rev3A_663 : vector<16xi32>
        %rev3A_665 = tpu.dynamic_gather %masked_sort3A_655[%rev3A_664] in [0] : vector<16xi32>, vector<16xi32> -> vector<16xi32>
        %le3A_666 = arith.cmpf ole, %while3A_621, %rev3A_660 : vector<16xf32>
        %select_n3A_667 = arith.select %le3A_666, %while3A_621, %rev3A_660 : vector<16xi1>, vector<16xf32>
        %select_n3A_668 = arith.select %le3A_666, %while3A_622, %rev3A_665 : vector<16xi1>, vector<16xi32>
        %select_n3A_669 = arith.select %le3A_666, %rev3A_660, %while3A_621 : vector<16xi1>, vector<16xf32>
        %select_n3A_670 = arith.select %le3A_666, %rev3A_665, %while3A_622 : vector<16xi1>, vector<16xi32>
        %masked_sort3A_671 = arith.constant dense<true> : vector<16xi1>
        %masked_sort3A_672, %masked_sort3A_673, %masked_sort3A_674 = tpu.sort %select_n3A_667, %select_n3A_668 masked %masked_sort3A_671 : (vector<16xf32>, vector<16xi32>, vector<16xi1>) -> (vector<16xi1>, vector<16xf32>, vector<16xi32>)
        %masked_sort3A_675 = arith.constant dense<true> : vector<16xi1>
        %masked_sort3A_676, %masked_sort3A_677, %masked_sort3A_678 = tpu.sort %select_n3A_669, %select_n3A_670 masked %masked_sort3A_675 : (vector<16xf32>, vector<16xi32>, vector<16xi1>) -> (vector<16xi1>, vector<16xf32>, vector<16xi32>)
        scf.yield %masked_sort3A_673, %masked_sort3A_674, %masked_sort3A_677, %masked_sort3A_678 : vector<16xf32>, vector<16xi32>, vector<16xf32>, vector<16xi32>
      }
      %while3A_262 = arith.constant 1 : i32
      %while3A_263:4 = scf.for %while3A_620 = %while3A_259 to %while3A_255 step %while3A_262 iter_args(%while3A_621 = %while3A_261#0, %while3A_622 = %while3A_261#1, %while3A_623 = %while3A_261#2, %while3A_624 = %while3A_261#3) -> (vector<16xf32>, vector<16xi32>, vector<16xf32>, vector<16xi32>)  : i32 {
        %mul3A_625 = arith.constant 16 : i32
        %mul3A_626 = arith.muli %while3A_620, %mul3A_625 : i32
        %get3A_627 = arith.index_cast %mul3A_626 : i32 to index
        %get3A_628 = tpu.vector_load %arg10[%get3A_627] {strides = array<i32>} : memref<4112xf32, #tpu.memory_space<vmem>>, vector<16xf32>,
        %mul3A_629 = arith.constant 16 : i32
        %mul3A_630 = arith.muli %while3A_620, %mul3A_629 : i32
        %get3A_631 = arith.index_cast %mul3A_630 : i32 to index
        %get3A_632 = tpu.vector_load %arg11[%get3A_631] {strides = array<i32>} : memref<4112xi32, #tpu.memory_space<vmem>>, vector<16xi32>,
        %masked_sort3A_633 = arith.constant dense<true> : vector<16xi1>
        %masked_sort3A_634, %masked_sort3A_635, %masked_sort3A_636 = tpu.sort %get3A_628, %get3A_632 masked %masked_sort3A_633 : (vector<16xf32>, vector<16xi32>, vector<16xi1>) -> (vector<16xi1>, vector<16xf32>, vector<16xi32>)
        %rev3A_637 = arith.constant 15 : i32
        %rev3A_638 = vector.broadcast %rev3A_637 : i32 to vector<16xi32>
        %rev3A_639 = tpu.iota {dimensions = array<i32: 0>} : vector<16xi32>
        %rev3A_640 = arith.subi %rev3A_638, %rev3A_639 : vector<16xi32>
        %rev3A_641 = tpu.dynamic_gather %masked_sort3A_635[%rev3A_640] in [0] : vector<16xf32>, vector<16xi32> -> vector<16xf32>
        %rev3A_642 = arith.constant 15 : i32
        %rev3A_643 = vector.broadcast %rev3A_642 : i32 to vector<16xi32>
        %rev3A_644 = tpu.iota {dimensions = array<i32: 0>} : vector<16xi32>
        %rev3A_645 = arith.subi %rev3A_643, %rev3A_644 : vector<16xi32>
        %rev3A_646 = tpu.dynamic_gather %masked_sort3A_636[%rev3A_645] in [0] : vector<16xi32>, vector<16xi32> -> vector<16xi32>
        %le3A_647 = arith.cmpf ole, %while3A_623, %rev3A_641 : vector<16xf32>
        %select_n3A_648 = arith.select %le3A_647, %while3A_623, %rev3A_641 : vector<16xi1>, vector<16xf32>
        %select_n3A_649 = arith.select %le3A_647, %while3A_624, %rev3A_646 : vector<16xi1>, vector<16xi32>
        %select_n3A_650 = arith.select %le3A_647, %rev3A_641, %while3A_623 : vector<16xi1>, vector<16xf32>
        %select_n3A_651 = arith.select %le3A_647, %rev3A_646, %while3A_624 : vector<16xi1>, vector<16xi32>
        %masked_sort3A_652 = arith.constant dense<true> : vector<16xi1>
        %masked_sort3A_653, %masked_sort3A_654, %masked_sort3A_655 = tpu.sort %select_n3A_648, %select_n3A_649 masked %masked_sort3A_652 : (vector<16xf32>, vector<16xi32>, vector<16xi1>) -> (vector<16xi1>, vector<16xf32>, vector<16xi32>)
        %rev3A_656 = arith.constant 15 : i32
        %rev3A_657 = vector.broadcast %rev3A_656 : i32 to vector<16xi32>
        %rev3A_658 = tpu.iota {dimensions = array<i32: 0>} : vector<16xi32>
        %rev3A_659 = arith.subi %rev3A_657, %rev3A_658 : vector<16xi32>
        %rev3A_660 = tpu.dynamic_gather %masked_sort3A_654[%rev3A_659] in [0] : vector<16xf32>, vector<16xi32> -> vector<16xf32>
        %rev3A_661 = arith.constant 15 : i32
        %rev3A_662 = vector.broadcast %rev3A_661 : i32 to vector<16xi32>
        %rev3A_663 = tpu.iota {dimensions = array<i32: 0>} : vector<16xi32>
        %rev3A_664 = arith.subi %rev3A_662, %rev3A_663 : vector<16xi32>
        %rev3A_665 = tpu.dynamic_gather %masked_sort3A_655[%rev3A_664] in [0] : vector<16xi32>, vector<16xi32> -> vector<16xi32>
        %le3A_666 = arith.cmpf ole, %while3A_621, %rev3A_660 : vector<16xf32>
        %select_n3A_667 = arith.select %le3A_666, %while3A_621, %rev3A_660 : vector<16xi1>, vector<16xf32>
        %select_n3A_668 = arith.select %le3A_666, %while3A_622, %rev3A_665 : vector<16xi1>, vector<16xi32>
        %select_n3A_669 = arith.select %le3A_666, %rev3A_660, %while3A_621 : vector<16xi1>, vector<16xf32>
        %select_n3A_670 = arith.select %le3A_666, %rev3A_665, %while3A_622 : vector<16xi1>, vector<16xi32>
        %masked_sort3A_671 = arith.constant dense<true> : vector<16xi1>
        %masked_sort3A_672, %masked_sort3A_673, %masked_sort3A_674 = tpu.sort %select_n3A_667, %select_n3A_668 masked %masked_sort3A_671 : (vector<16xf32>, vector<16xi32>, vector<16xi1>) -> (vector<16xi1>, vector<16xf32>, vector<16xi32>)
        %masked_sort3A_675 = arith.constant dense<true> : vector<16xi1>
        %masked_sort3A_676, %masked_sort3A_677, %masked_sort3A_678 = tpu.sort %select_n3A_669, %select_n3A_670 masked %masked_sort3A_675 : (vector<16xf32>, vector<16xi32>, vector<16xi1>) -> (vector<16xi1>, vector<16xf32>, vector<16xi32>)
        scf.yield %masked_sort3A_673, %masked_sort3A_674, %masked_sort3A_677, %masked_sort3A_678 : vector<16xf32>, vector<16xi32>, vector<16xf32>, vector<16xi32>
      }
      %swap3A = arith.constant 0 : index
      %swap3A_264 = tpu.vector_load %arg12[%swap3A] {strides = array<i32>} : memref<48xf32, #tpu.memory_space<vmem>>, vector<16xf32>,
      tpu.vector_store %arg12[%swap3A], %while3A_263#0 {strides = array<i32>} : memref<48xf32, #tpu.memory_space<vmem>>, vector<16xf32>,
      %swap3A_265 = arith.constant 16 : index
      %swap3A_266 = tpu.vector_load %arg12[%swap3A_265] {strides = array<i32>} : memref<48xf32, #tpu.memory_space<vmem>>, vector<16xf32>,
      tpu.vector_store %arg12[%swap3A_265], %while3A_263#2 {strides = array<i32>} : memref<48xf32, #tpu.memory_space<vmem>>, vector<16xf32>,
      %swap3A_267 = arith.constant 32 : index
      %swap3A_268 = tpu.vector_load %arg12[%swap3A_267] {strides = array<i32>} : memref<48xf32, #tpu.memory_space<vmem>>, vector<16xf32>,
      tpu.vector_store %arg12[%swap3A_267], %broadcast_in_dim3A_19 {strides = array<i32>} : memref<48xf32, #tpu.memory_space<vmem>>, vector<16xf32>,
      %get3A_269 = arith.constant 0 : index
      %get3A_270 = tpu.vector_load %arg12[%get3A_269] {strides = array<i32>} : memref<48xf32, #tpu.memory_space<vmem>>, vector<16xf32>,
      %get3A_271 = arith.constant 1 : index
      %get3A_272 = tpu.vector_load %arg12[%get3A_271] {strides = array<i32>} : memref<48xf32, #tpu.memory_space<vmem>>, vector<16xf32>,
      %eq3A_273 = arith.cmpf oeq, %get3A_270, %get3A_272 : vector<16xf32>
      %reduce_or3A = arith.constant 1.000000e+00 : f32
      %reduce_or3A_274 = arith.constant 0.000000e+00 : f32
      %reduce_or3A_275 = vector.broadcast %reduce_or3A : f32 to vector<16xf32>
      %reduce_or3A_276 = vector.broadcast %reduce_or3A_274 : f32 to vector<16xf32>
      %reduce_or3A_277 = arith.select %eq3A_273, %reduce_or3A_275, %reduce_or3A_276 : vector<16xi1>, vector<16xf32>
      %reduce_or3A_278 = arith.constant true
      %reduce_or3A_279 = vector.broadcast %reduce_or3A_278 : i1 to vector<16xi1>
      %reduce_or3A_280 = tpu.scan <max>, %reduce_or3A_277 masked %reduce_or3A_279 : vector<16xf32>, vector<16xi1> -> vector<16xf32>
      %reduce_or3A_281 = vector.extract %reduce_or3A_280[15] : f32 from vector<16xf32>
      %reduce_or3A_282 = arith.constant 0.000000e+00 : f32
      %reduce_or3A_283 = arith.cmpf ogt, %reduce_or3A_281, %reduce_or3A_282 : f32
      %get3A_284 = arith.constant 16 : index
      %get3A_285 = tpu.vector_load %arg12[%get3A_284] {strides = array<i32>} : memref<48xf32, #tpu.memory_space<vmem>>, vector<16xf32>,
      %get3A_286 = arith.constant 17 : index
      %get3A_287 = tpu.vector_load %arg12[%get3A_286] {strides = array<i32>} : memref<48xf32, #tpu.memory_space<vmem>>, vector<16xf32>,
      %eq3A_288 = arith.cmpf oeq, %get3A_285, %get3A_287 : vector<16xf32>
      %lt3A_289 = arith.constant 14 : i32
      %lt3A_290 = vector.broadcast %lt3A_289 : i32 to vector<16xi32>
      %lt3A_291 = arith.cmpi slt, %iota3A, %lt3A_290 : vector<16xi32>
      %and3A_292 = arith.andi %eq3A_288, %lt3A_291 : vector<16xi1>
      %reduce_or3A_293 = arith.constant 1.000000e+00 : f32
      %reduce_or3A_294 = arith.constant 0.000000e+00 : f32
      %reduce_or3A_295 = vector.broadcast %reduce_or3A_293 : f32 to vector<16xf32>
      %reduce_or3A_296 = vector.broadcast %reduce_or3A_294 : f32 to vector<16xf32>
      %reduce_or3A_297 = arith.select %and3A_292, %reduce_or3A_295, %reduce_or3A_296 : vector<16xi1>, vector<16xf32>
      %reduce_or3A_298 = arith.constant true
      %reduce_or3A_299 = vector.broadcast %reduce_or3A_298 : i1 to vector<16xi1>
      %reduce_or3A_300 = tpu.scan <max>, %reduce_or3A_297 masked %reduce_or3A_299 : vector<16xf32>, vector<16xi1> -> vector<16xf32>
      %reduce_or3A_301 = vector.extract %reduce_or3A_300[15] : f32 from vector<16xf32>
      %reduce_or3A_302 = arith.constant 0.000000e+00 : f32
      %reduce_or3A_303 = arith.cmpf ogt, %reduce_or3A_301, %reduce_or3A_302 : f32
      %or3A = arith.ori %reduce_or3A_283, %reduce_or3A_303 : i1
      %convert_element_type3A_304 = arith.extui %or3A : i1 to i32
      %cond3A_305 = arith.constant 0 : i32
      %cond3A_306 = arith.constant 0 : i32
      %cond3A_307 = arith.cmpi ne, %convert_element_type3A_304, %cond3A_306 : i32
      %cond3A_308:4 = scf.if %cond3A_307 -> (vector<16xf32>, vector<16xf32>, vector<16xi32>, vector<16xi32>) {
        %broadcast_in_dim3A_620 = arith.constant 0.000000e+00 : f32
        %broadcast_in_dim3A_621 = vector.broadcast %broadcast_in_dim3A_620 : f32 to vector<16xf32>
        %scan3A_622 = arith.constant 0 : i32
        %scan3A_623 = arith.constant 30 : i32
        %scan3A_624 = arith.addi %scan3A_622, %scan3A_623 : i32
        %scan3A_625 = arith.constant 1 : i32
        %scan3A_626:4 = scf.for %scan3A_628 = %scan3A_622 to %scan3A_624 step %scan3A_625 iter_args(%scan3A_629 = %broadcast_in_dim3A_621, %scan3A_630 = %broadcast_in_dim3A_621, %scan3A_631 = %broadcast_in_dim3A_23, %scan3A_632 = %broadcast_in_dim3A_23) -> (vector<16xf32>, vector<16xf32>, vector<16xi32>, vector<16xi32>)  : i32 {
          %while3A_633 = arith.constant 0 : i32
          %while3A_634 = arith.subi %select_n3A_217, %while3A_633 : i32
          %while3A_635 = arith.addi %while3A_633, %while3A_634 : i32
          %while3A_636 = arith.constant 1 : i32
          %while3A_637 = arith.divsi %while3A_634, %while3A_636 : i32
          %while3A_638 = arith.muli %while3A_637, %while3A_636 : i32
          %while3A_639 = arith.addi %while3A_633, %while3A_638 : i32
          %while3A_640 = arith.constant 1 : i32
          %while3A_641 = scf.for %while3A_717 = %while3A_633 to %while3A_639 step %while3A_640 iter_args(%while3A_718 = %broadcast_in_dim3A_19) -> (vector<16xf32>)  : i32 {
            %mul3A_719 = arith.constant 16 : i32
            %mul3A_720 = arith.muli %while3A_717, %mul3A_719 : i32
            %get3A_721 = arith.index_cast %mul3A_720 : i32 to index
            %get3A_722 = tpu.vector_load %arg10[%get3A_721] {strides = array<i32>} : memref<4112xf32, #tpu.memory_space<vmem>>, vector<16xf32>,
            %min3A_723 = arith.minimumf %while3A_718, %get3A_722 : vector<16xf32>
            scf.yield %min3A_723 : vector<16xf32>
          }
          %while3A_642 = arith.constant 1 : i32
          %while3A_643 = scf.for %while3A_717 = %while3A_639 to %while3A_635 step %while3A_642 iter_args(%while3A_718 = %while3A_641) -> (vector<16xf32>)  : i32 {
            %mul3A_719 = arith.constant 16 : i32
            %mul3A_720 = arith.muli %while3A_717, %mul3A_719 : i32
            %get3A_721 = arith.index_cast %mul3A_720 : i32 to index
            %get3A_722 = tpu.vector_load %arg10[%get3A_721] {strides = array<i32>} : memref<4112xf32, #tpu.memory_space<vmem>>, vector<16xf32>,
            %min3A_723 = arith.minimumf %while3A_718, %get3A_722 : vector<16xf32>
            scf.yield %min3A_723 : vector<16xf32>
          }
          %reduce_min3A_644 = arith.constant true
          %reduce_min3A_645 = vector.broadcast %reduce_min3A_644 : i1 to vector<16xi1>
          %reduce_min3A_646 = tpu.scan <min>, %while3A_643 masked %reduce_min3A_645 : vector<16xf32>, vector<16xi1> -> vector<16xf32>
          %reduce_min3A_647 = vector.extract %reduce_min3A_646[15] : f32 from vector<16xf32>
          %while3A_648 = arith.constant 0 : i32
          %while3A_649 = arith.subi %select_n3A_217, %while3A_648 : i32
          %while3A_650 = arith.addi %while3A_648, %while3A_649 : i32
          %while3A_651 = arith.constant 1 : i32
          %while3A_652 = arith.divsi %while3A_649, %while3A_651 : i32
          %while3A_653 = arith.muli %while3A_652, %while3A_651 : i32
          %while3A_654 = arith.addi %while3A_648, %while3A_653 : i32
          %while3A_655 = arith.constant 1 : i32
          %while3A_656:2 = scf.for %while3A_717 = %while3A_648 to %while3A_654 step %while3A_655 iter_args(%while3A_718 = %broadcast_in_dim3A_21, %while3A_719 = %broadcast_in_dim3A_21) -> (vector<16xi32>, vector<16xi32>)  : i32 {
            %mul3A_720 = arith.constant 16 : i32
            %mul3A_721 = arith.muli %while3A_717, %mul3A_720 : i32
            %get3A_722 = arith.index_cast %mul3A_721 : i32 to index
            %get3A_723 = tpu.vector_load %arg10[%get3A_722] {strides = array<i32>} : memref<4112xf32, #tpu.memory_space<vmem>>, vector<16xf32>,
            %mul3A_724 = arith.constant 16 : i32
            %mul3A_725 = arith.muli %while3A_717, %mul3A_724 : i32
            %get3A_726 = arith.index_cast %mul3A_725 : i32 to index
            %get3A_727 = tpu.vector_load %arg11[%get3A_726] {strides = array<i32>} : memref<4112xi32, #tpu.memory_space<vmem>>, vector<16xi32>,
            %eq3A_728 = vector.broadcast %reduce_min3A_647 : f32 to vector<16xf32>
            %eq3A_729 = arith.cmpf oeq, %get3A_723, %eq3A_728 : vector<16xf32>
            %lt3A_730 = arith.cmpi slt, %get3A_727, %while3A_718 : vector<16xi32>
            %and3A_731 = arith.andi %eq3A_729, %lt3A_730 : vector<16xi1>
            %select_n3A_732 = arith.select %and3A_731, %get3A_727, %while3A_718 : vector<16xi1>, vector<16xi32>
            %mul3A_733 = arith.constant 16 : i32
            %mul3A_734 = arith.muli %while3A_717, %mul3A_733 : i32
            %add3A_735 = vector.broadcast %mul3A_734 : i32 to vector<16xi32>
            %add3A_736 = arith.addi %add3A_735, %iota3A : vector<16xi32>
            %select_n3A_737 = arith.select %and3A_731, %add3A_736, %while3A_719 : vector<16xi1>, vector<16xi32>
            scf.yield %select_n3A_732, %select_n3A_737 : vector<16xi32>, vector<16xi32>
          }
          %while3A_657 = arith.constant 1 : i32
          %while3A_658:2 = scf.for %while3A_717 = %while3A_654 to %while3A_650 step %while3A_657 iter_args(%while3A_718 = %while3A_656#0, %while3A_719 = %while3A_656#1) -> (vector<16xi32>, vector<16xi32>)  : i32 {
            %mul3A_720 = arith.constant 16 : i32
            %mul3A_721 = arith.muli %while3A_717, %mul3A_720 : i32
            %get3A_722 = arith.index_cast %mul3A_721 : i32 to index
            %get3A_723 = tpu.vector_load %arg10[%get3A_722] {strides = array<i32>} : memref<4112xf32, #tpu.memory_space<vmem>>, vector<16xf32>,
            %mul3A_724 = arith.constant 16 : i32
            %mul3A_725 = arith.muli %while3A_717, %mul3A_724 : i32
            %get3A_726 = arith.index_cast %mul3A_725 : i32 to index
            %get3A_727 = tpu.vector_load %arg11[%get3A_726] {strides = array<i32>} : memref<4112xi32, #tpu.memory_space<vmem>>, vector<16xi32>,
            %eq3A_728 = vector.broadcast %reduce_min3A_647 : f32 to vector<16xf32>
            %eq3A_729 = arith.cmpf oeq, %get3A_723, %eq3A_728 : vector<16xf32>
            %lt3A_730 = arith.cmpi slt, %get3A_727, %while3A_718 : vector<16xi32>
            %and3A_731 = arith.andi %eq3A_729, %lt3A_730 : vector<16xi1>
            %select_n3A_732 = arith.select %and3A_731, %get3A_727, %while3A_718 : vector<16xi1>, vector<16xi32>
            %mul3A_733 = arith.constant 16 : i32
            %mul3A_734 = arith.muli %while3A_717, %mul3A_733 : i32
            %add3A_735 = vector.broadcast %mul3A_734 : i32 to vector<16xi32>
            %add3A_736 = arith.addi %add3A_735, %iota3A : vector<16xi32>
            %select_n3A_737 = arith.select %and3A_731, %add3A_736, %while3A_719 : vector<16xi1>, vector<16xi32>
            scf.yield %select_n3A_732, %select_n3A_737 : vector<16xi32>, vector<16xi32>
          }
          %reduce_min3A_659 = arith.constant true
          %reduce_min3A_660 = vector.broadcast %reduce_min3A_659 : i1 to vector<16xi1>
          %reduce_min3A_661 = arith.constant -2147483648 : i32
          %reduce_min3A_662 = vector.broadcast %reduce_min3A_661 : i32 to vector<16xi32>
          %reduce_min3A_663 = arith.xori %while3A_658#0, %reduce_min3A_662 : vector<16xi32>
          %reduce_min3A_664 = tpu.scan <min>, %reduce_min3A_663 masked %reduce_min3A_660 : vector<16xi32>, vector<16xi1> -> vector<16xi32>
          %reduce_min3A_665 = arith.xori %reduce_min3A_664, %reduce_min3A_662 : vector<16xi32>
          %reduce_min3A_666 = vector.extract %reduce_min3A_665[15] : i32 from vector<16xi32>
          %eq3A_667 = vector.broadcast %reduce_min3A_666 : i32 to vector<16xi32>
          %eq3A_668 = arith.cmpi eq, %while3A_658#0, %eq3A_667 : vector<16xi32>
          %jit3A_669 = arith.constant 2147483647 : i32
          %broadcast_in_dim3A_670 = vector.broadcast %jit3A_669 : i32 to vector<16xi32>
          %select_n3A_671 = arith.select %eq3A_668, %while3A_658#1, %broadcast_in_dim3A_670 : vector<16xi1>, vector<16xi32>
          %reduce_min3A_672 = arith.constant true
          %reduce_min3A_673 = vector.broadcast %reduce_min3A_672 : i1 to vector<16xi1>
          %reduce_min3A_674 = arith.constant -2147483648 : i32
          %reduce_min3A_675 = vector.broadcast %reduce_min3A_674 : i32 to vector<16xi32>
          %reduce_min3A_676 = arith.xori %select_n3A_671, %reduce_min3A_675 : vector<16xi32>
          %reduce_min3A_677 = tpu.scan <min>, %reduce_min3A_676 masked %reduce_min3A_673 : vector<16xi32>, vector<16xi1> -> vector<16xi32>
          %reduce_min3A_678 = arith.xori %reduce_min3A_677, %reduce_min3A_675 : vector<16xi32>
          %reduce_min3A_679 = vector.extract %reduce_min3A_678[15] : i32 from vector<16xi32>
          %eq3A_680 = arith.constant 0 : i32
          %eq3A_681 = vector.broadcast %eq3A_680 : i32 to vector<16xi32>
          %eq3A_682 = arith.cmpi eq, %iota3A, %eq3A_681 : vector<16xi32>
          %broadcast_in_dim3A_683 = vector.broadcast %reduce_min3A_679 : i32 to vector<16xi32>
          tpu.vector_store_idx %arg10[%broadcast_in_dim3A_683], %broadcast_in_dim3A_19 masked %eq3A_682 : memref<4112xf32, #tpu.memory_space<vmem>>[vector<16xi32>], vector<16xf32>, vector<16xi1>
          tpu.vector_store_idx %arg11[%broadcast_in_dim3A_683], %broadcast_in_dim3A_21 masked %eq3A_682 : memref<4112xi32, #tpu.memory_space<vmem>>[vector<16xi32>], vector<16xi32>, vector<16xi1>
          %jit3A_684 = arith.constant 16 : i32
          %eq3A_685 = arith.constant 0 : i32
          %eq3A_686 = arith.cmpi eq, %jit3A_684, %eq3A_685 : i32
          %jit3A_687 = arith.constant 1 : i32
          %select_n3A_688 = arith.select %eq3A_686, %jit3A_687, %jit3A_684 : i32
          %rem3A_689 = arith.remsi %scan3A_628, %select_n3A_688 : i32
          %ne3A_690 = arith.constant 0 : i32
          %ne3A_691 = arith.cmpi ne, %rem3A_689, %ne3A_690 : i32
          %lt3A_692 = arith.constant 0 : i32
          %lt3A_693 = arith.cmpi slt, %rem3A_689, %lt3A_692 : i32
          %lt3A_694 = arith.constant 0 : i32
          %lt3A_695 = arith.cmpi slt, %select_n3A_688, %lt3A_694 : i32
          %ne3A_696 = arith.xori %lt3A_693, %lt3A_695 : i1
          %and3A_697 = arith.andi %ne3A_696, %ne3A_691 : i1
          %add3A_698 = arith.addi %rem3A_689, %select_n3A_688 : i32
          %select_n3A_699 = arith.select %and3A_697, %add3A_698, %rem3A_689 : i32
          %eq3A_700 = vector.broadcast %select_n3A_699 : i32 to vector<16xi32>
          %eq3A_701 = arith.cmpi eq, %iota3A, %eq3A_700 : vector<16xi32>
          %lt3A_702 = arith.constant 16 : i32
          %lt3A_703 = arith.cmpi slt, %scan3A_628, %lt3A_702 : i32
          %and3A_704 = vector.broadcast %lt3A_703 : i1 to vector<16xi1>
          %and3A_705 = arith.andi %eq3A_701, %and3A_704 : vector<16xi1>
          %ge3A = arith.constant 16 : i32
          %ge3A_706 = arith.cmpi sge, %scan3A_628, %ge3A : i32
          %and3A_707 = vector.broadcast %ge3A_706 : i1 to vector<16xi1>
          %and3A_708 = arith.andi %eq3A_701, %and3A_707 : vector<16xi1>
          %broadcast_in_dim3A_709 = vector.broadcast %reduce_min3A_647 : f32 to vector<16xf32>
          %select_n3A_710 = arith.select %and3A_705, %broadcast_in_dim3A_709, %scan3A_629 : vector<16xi1>, vector<16xf32>
          %broadcast_in_dim3A_711 = vector.broadcast %reduce_min3A_666 : i32 to vector<16xi32>
          %select_n3A_712 = arith.select %and3A_705, %broadcast_in_dim3A_711, %scan3A_631 : vector<16xi1>, vector<16xi32>
          %broadcast_in_dim3A_713 = vector.broadcast %reduce_min3A_647 : f32 to vector<16xf32>
          %select_n3A_714 = arith.select %and3A_708, %broadcast_in_dim3A_713, %scan3A_630 : vector<16xi1>, vector<16xf32>
          %broadcast_in_dim3A_715 = vector.broadcast %reduce_min3A_666 : i32 to vector<16xi32>
          %select_n3A_716 = arith.select %and3A_708, %broadcast_in_dim3A_715, %scan3A_632 : vector<16xi1>, vector<16xi32>
          scf.yield %select_n3A_710, %select_n3A_714, %select_n3A_712, %select_n3A_716 : vector<16xf32>, vector<16xf32>, vector<16xi32>, vector<16xi32>
        }
        %scan3A_627 = arith.constant 30 : i32
        scf.yield %scan3A_626#0, %scan3A_626#1, %scan3A_626#2, %scan3A_626#3 : vector<16xf32>, vector<16xf32>, vector<16xi32>, vector<16xi32>
      } else {
        scf.yield %while3A_263#0, %while3A_263#2, %while3A_263#1, %while3A_263#3 : vector<16xf32>, vector<16xf32>, vector<16xi32>, vector<16xi32>
      }
      %gather3A = tpu.vector_load_idx %arg9[%cond3A_308#2] : memref<4096xf32, #tpu.memory_space<vmem>>[vector<16xi32>], vector<16xf32>,
      %mul3A_309 = vector.broadcast %reduce_sum3A_155 : f32 to vector<16xf32>
      %mul3A_310 = arith.mulf %mul3A_309, %gather3A : vector<16xf32>
      %gather3A_311 = tpu.vector_load_idx %arg9[%cond3A_308#3] : memref<4096xf32, #tpu.memory_space<vmem>>[vector<16xi32>], vector<16xf32>,
      %mul3A_312 = vector.broadcast %reduce_sum3A_155 : f32 to vector<16xf32>
      %mul3A_313 = arith.mulf %mul3A_312, %gather3A_311 : vector<16xf32>
      %sub3A_314 = arith.subi %add3A_88, %mul3A_2 : i32
      %swap3A_315 = arith.index_cast %sub3A_314 : i32 to index
      %swap3A_316 = arith.constant 0 : index
      %swap3A_317 = tpu.vector_load %arg14[%swap3A_315, %swap3A_316] {strides = array<i32>} : memref<256x32xf32, #tpu.memory_space<vmem>>, vector<16xf32>,
      tpu.vector_store %arg14[%swap3A_315, %swap3A_316], %cond3A_308#0 {strides = array<i32>} : memref<256x32xf32, #tpu.memory_space<vmem>>, vector<16xf32>,
      %swap3A_318 = arith.index_cast %sub3A_314 : i32 to index
      %swap3A_319 = arith.constant 16 : index
      %swap3A_320 = tpu.vector_load %arg14[%swap3A_318, %swap3A_319] {strides = array<i32>} : memref<256x32xf32, #tpu.memory_space<vmem>>, vector<16xf32>,
      tpu.vector_store %arg14[%swap3A_318, %swap3A_319], %cond3A_308#1 {strides = array<i32>} : memref<256x32xf32, #tpu.memory_space<vmem>>, vector<16xf32>,
      %swap3A_321 = arith.index_cast %sub3A_314 : i32 to index
      %swap3A_322 = arith.constant 0 : index
      %swap3A_323 = tpu.vector_load %arg13[%swap3A_321, %swap3A_322] {strides = array<i32>} : memref<256x32xi32, #tpu.memory_space<vmem>>, vector<16xi32>,
      tpu.vector_store %arg13[%swap3A_321, %swap3A_322], %cond3A_308#2 {strides = array<i32>} : memref<256x32xi32, #tpu.memory_space<vmem>>, vector<16xi32>,
      %swap3A_324 = arith.index_cast %sub3A_314 : i32 to index
      %swap3A_325 = arith.constant 16 : index
      %swap3A_326 = tpu.vector_load %arg13[%swap3A_324, %swap3A_325] {strides = array<i32>} : memref<256x32xi32, #tpu.memory_space<vmem>>, vector<16xi32>,
      tpu.vector_store %arg13[%swap3A_324, %swap3A_325], %cond3A_308#3 {strides = array<i32>} : memref<256x32xi32, #tpu.memory_space<vmem>>, vector<16xi32>,
      %swap3A_327 = arith.index_cast %sub3A_314 : i32 to index
      %swap3A_328 = arith.constant 0 : index
      %swap3A_329 = tpu.vector_load %arg15[%swap3A_327, %swap3A_328] {strides = array<i32>} : memref<256x32xf32, #tpu.memory_space<vmem>>, vector<16xf32>,
      tpu.vector_store %arg15[%swap3A_327, %swap3A_328], %mul3A_310 {strides = array<i32>} : memref<256x32xf32, #tpu.memory_space<vmem>>, vector<16xf32>,
      %swap3A_330 = arith.index_cast %sub3A_314 : i32 to index
      %swap3A_331 = arith.constant 16 : index
      %swap3A_332 = tpu.vector_load %arg15[%swap3A_330, %swap3A_331] {strides = array<i32>} : memref<256x32xf32, #tpu.memory_space<vmem>>, vector<16xf32>,
      tpu.vector_store %arg15[%swap3A_330, %swap3A_331], %mul3A_313 {strides = array<i32>} : memref<256x32xf32, #tpu.memory_space<vmem>>, vector<16xf32>,
      %eq3A_333 = arith.constant 13 : i32
      %eq3A_334 = vector.broadcast %eq3A_333 : i32 to vector<16xi32>
      %eq3A_335 = arith.cmpi eq, %iota3A, %eq3A_334 : vector<16xi32>
      %jit3A_336 = arith.constant 0xFF800000 : f32
      %broadcast_in_dim3A_337 = vector.broadcast %jit3A_336 : f32 to vector<16xf32>
      %select_n3A_338 = arith.select %eq3A_335, %cond3A_308#1, %broadcast_in_dim3A_337 : vector<16xi1>, vector<16xf32>
      %reduce_max3A_339 = arith.constant true
      %reduce_max3A_340 = vector.broadcast %reduce_max3A_339 : i1 to vector<16xi1>
      %reduce_max3A_341 = tpu.scan <max>, %select_n3A_338 masked %reduce_max3A_340 : vector<16xf32>, vector<16xi1> -> vector<16xf32>
      %reduce_max3A_342 = vector.extract %reduce_max3A_341[15] : f32 from vector<16xf32>
      %abs3A = math.absf %reduce_max3A_342 : f32
      %mul3A_343 = arith.constant 6.000000e-01 : f32
      %mul3A_344 = arith.mulf %mul3A_343, %abs3A : f32
      %add3A_345 = arith.addf %reduce_max3A_342, %mul3A_344 : f32
      %add3A_346 = arith.constant 2 : i32
      %add3A_347 = arith.addi %add3A_88, %add3A_346 : i32
      %min3A = arith.constant 8191 : i32
      %min3A_348 = arith.minsi %add3A_347, %min3A : i32
      %dma_wait3A_349 = arith.constant 0 : i32
      %dma_wait3A_350 = tpu.memref_slice %arg2[%add3A_88, %dma_wait3A_349] : memref<8192x4096xf32, #tpu.memory_space<hbm>> -> memref<1x4096xf32, #tpu.memory_space<hbm>>
      %dma_wait3A_351 = tpu.memref_squeeze %dma_wait3A_350 : memref<1x4096xf32, #tpu.memory_space<hbm>> -> memref<4096xf32, #tpu.memory_space<hbm>>
      %dma_wait3A_352 = arith.constant 0 : i32
      %dma_wait3A_353 = tpu.memref_slice %arg2[%add3A_88, %dma_wait3A_352] : memref<8192x4096xf32, #tpu.memory_space<hbm>> -> memref<1x4096xf32, #tpu.memory_space<hbm>>
      %dma_wait3A_354 = tpu.memref_squeeze %dma_wait3A_353 : memref<1x4096xf32, #tpu.memory_space<hbm>> -> memref<4096xf32, #tpu.memory_space<hbm>>
      tpu.wait_dma2 semaphore(%arg17 : memref<!tpu.dma_semaphore, #tpu.memory_space<semaphore_mem>>) src(%dma_wait3A_354 : memref<4096xf32, #tpu.memory_space<hbm>>) dst(%arg8 : memref<4096xf32, #tpu.memory_space<vmem>>)
      %dma_start3A_355 = arith.constant 0 : i32
      %dma_start3A_356 = tpu.memref_slice %arg2[%min3A_348, %dma_start3A_355] : memref<8192x4096xf32, #tpu.memory_space<hbm>> -> memref<1x4096xf32, #tpu.memory_space<hbm>>
      %dma_start3A_357 = tpu.memref_squeeze %dma_start3A_356 : memref<1x4096xf32, #tpu.memory_space<hbm>> -> memref<4096xf32, #tpu.memory_space<hbm>>
      %dma_start3A_358 = arith.constant 0 : i32
      %dma_start3A_359 = tpu.memref_slice %arg2[%min3A_348, %dma_start3A_358] : memref<8192x4096xf32, #tpu.memory_space<hbm>> -> memref<1x4096xf32, #tpu.memory_space<hbm>>
      %dma_start3A_360 = tpu.memref_squeeze %dma_start3A_359 : memref<1x4096xf32, #tpu.memory_space<hbm>> -> memref<4096xf32, #tpu.memory_space<hbm>>
      tpu.enqueue_dma source(%dma_start3A_360 : memref<4096xf32, #tpu.memory_space<hbm>>) target(%arg7 : memref<4096xf32, #tpu.memory_space<vmem>>) target_semaphore(%arg16 : memref<!tpu.dma_semaphore, #tpu.memory_space<semaphore_mem>>)
      %add3A_361 = arith.constant 1 : i32
      %add3A_362 = arith.addi %add3A_88, %add3A_361 : i32
      %mul3A_363 = arith.constant 4096 : i32
      %mul3A_364 = arith.muli %select_n3A, %mul3A_363 : i32
      %sub3A_365 = arith.subi %add3A_362, %mul3A_364 : i32
      %jit3A_366 = arith.constant 16 : i32
      %div3A_367 = arith.divsi %sub3A_365, %jit3A_366 : i32
      %sign3A_368 = arith.constant 0 : i32
      %sign3A_369 = arith.cmpi sgt, %sub3A_365, %sign3A_368 : i32
      %sign3A_370 = arith.extui %sign3A_369 : i1 to i32
      %sign3A_371 = arith.constant 0 : i32
      %sign3A_372 = arith.cmpi slt, %sub3A_365, %sign3A_371 : i32
      %sign3A_373 = arith.extui %sign3A_372 : i1 to i32
      %sign3A_374 = arith.subi %sign3A_370, %sign3A_373 : i32
      %sign3A_375 = arith.constant 0 : i32
      %sign3A_376 = arith.cmpi sgt, %jit3A_366, %sign3A_375 : i32
      %sign3A_377 = arith.extui %sign3A_376 : i1 to i32
      %sign3A_378 = arith.constant 0 : i32
      %sign3A_379 = arith.cmpi slt, %jit3A_366, %sign3A_378 : i32
      %sign3A_380 = arith.extui %sign3A_379 : i1 to i32
      %sign3A_381 = arith.subi %sign3A_377, %sign3A_380 : i32
      %ne3A_382 = arith.cmpi ne, %sign3A_374, %sign3A_381 : i32
      %rem3A_383 = arith.remsi %sub3A_365, %jit3A_366 : i32
      %ne3A_384 = arith.constant 0 : i32
      %ne3A_385 = arith.cmpi ne, %rem3A_383, %ne3A_384 : i32
      %and3A_386 = arith.andi %ne3A_382, %ne3A_385 : i1
      %sub3A_387 = arith.constant 1 : i32
      %sub3A_388 = arith.subi %div3A_367, %sub3A_387 : i32
      %select_n3A_389 = arith.select %and3A_386, %sub3A_388, %div3A_367 : i32
      %mul3A_390 = arith.constant 16 : i32
      %mul3A_391 = arith.muli %select_n3A_389, %mul3A_390 : i32
      %get3A_392 = arith.index_cast %mul3A_391 : i32 to index
      %get3A_393 = tpu.vector_load %arg9[%get3A_392] {strides = array<i32>} : memref<4096xf32, #tpu.memory_space<vmem>>, vector<16xf32>,
      %jit3A_394 = arith.constant 16 : i32
      %eq3A_395 = arith.constant 0 : i32
      %eq3A_396 = arith.cmpi eq, %jit3A_394, %eq3A_395 : i32
      %jit3A_397 = arith.constant 1 : i32
      %select_n3A_398 = arith.select %eq3A_396, %jit3A_397, %jit3A_394 : i32
      %rem3A_399 = arith.remsi %sub3A_365, %select_n3A_398 : i32
      %ne3A_400 = arith.constant 0 : i32
      %ne3A_401 = arith.cmpi ne, %rem3A_399, %ne3A_400 : i32
      %lt3A_402 = arith.constant 0 : i32
      %lt3A_403 = arith.cmpi slt, %rem3A_399, %lt3A_402 : i32
      %lt3A_404 = arith.constant 0 : i32
      %lt3A_405 = arith.cmpi slt, %select_n3A_398, %lt3A_404 : i32
      %ne3A_406 = arith.xori %lt3A_403, %lt3A_405 : i1
      %and3A_407 = arith.andi %ne3A_406, %ne3A_401 : i1
      %add3A_408 = arith.addi %rem3A_399, %select_n3A_398 : i32
      %select_n3A_409 = arith.select %and3A_407, %add3A_408, %rem3A_399 : i32
      %eq3A_410 = vector.broadcast %select_n3A_409 : i32 to vector<16xi32>
      %eq3A_411 = arith.cmpi eq, %iota3A, %eq3A_410 : vector<16xi32>
      %jit3A_412 = arith.constant 0.000000e+00 : f32
      %broadcast_in_dim3A_413 = vector.broadcast %jit3A_412 : f32 to vector<16xf32>
      %select_n3A_414 = arith.select %eq3A_411, %get3A_393, %broadcast_in_dim3A_413 : vector<16xi1>, vector<16xf32>
      %reduce_sum3A_415 = arith.constant true
      %reduce_sum3A_416 = vector.broadcast %reduce_sum3A_415 : i1 to vector<16xi1>
      %reduce_sum3A_417 = tpu.scan <sum>, %select_n3A_414 masked %reduce_sum3A_416 : vector<16xf32>, vector<16xi1> -> vector<16xf32>
      %reduce_sum3A_418 = vector.extract %reduce_sum3A_417[15] : f32 from vector<16xf32>
      %convert_element_type3A_419 = arith.extui %and3A_40 : i1 to i32
      %cond3A_420 = arith.constant 0 : i32
      %cond3A_421 = arith.constant 0 : i32
      %cond3A_422 = arith.cmpi ne, %convert_element_type3A_419, %cond3A_421 : i32
      %cond3A_423 = scf.if %cond3A_422 -> (f32) {
        scf.yield %add3A_345 : f32
      } else {
        %convert_element_type3A_620 = arith.extui %and3A_40 : i1 to i32
        %cond3A_621 = arith.constant 0 : i32
        %cond3A_622 = arith.constant 0 : i32
        %cond3A_623 = arith.cmpi ne, %convert_element_type3A_620, %cond3A_622 : i32
        %cond3A_624:6 = scf.if %cond3A_623 -> (vector<16xf32>, vector<16xf32>, vector<16xf32>, vector<16xf32>, vector<16xf32>, vector<16xf32>) {
          %scan3A_830 = arith.constant 0 : i32
          %scan3A_831 = arith.constant 64 : i32
          %scan3A_832 = arith.addi %scan3A_830, %scan3A_831 : i32
          %scan3A_833 = arith.constant 1 : i32
          %scan3A_834:6 = scf.for %scan3A_836 = %scan3A_830 to %scan3A_832 step %scan3A_833 iter_args(%scan3A_837 = %broadcast_in_dim3A_19, %scan3A_838 = %broadcast_in_dim3A_19, %scan3A_839 = %broadcast_in_dim3A_19, %scan3A_840 = %broadcast_in_dim3A_19, %scan3A_841 = %broadcast_in_dim3A_19, %scan3A_842 = %broadcast_in_dim3A_19) -> (vector<16xf32>, vector<16xf32>, vector<16xf32>, vector<16xf32>, vector<16xf32>, vector<16xf32>)  : i32 {
            %mul3A_843 = arith.constant 4 : i32
            %mul3A_844 = arith.muli %scan3A_836, %mul3A_843 : i32
            %mul3A_845 = arith.constant 16 : i32
            %mul3A_846 = arith.muli %mul3A_844, %mul3A_845 : i32
            %get3A_847 = arith.index_cast %mul3A_846 : i32 to index
            %get3A_848 = tpu.vector_load %arg8[%get3A_847] {strides = array<i32>} : memref<4096xf32, #tpu.memory_space<vmem>>, vector<16xf32>,
            %add3A_849 = arith.constant 1 : i32
            %add3A_850 = arith.addi %mul3A_844, %add3A_849 : i32
            %mul3A_851 = arith.constant 16 : i32
            %mul3A_852 = arith.muli %add3A_850, %mul3A_851 : i32
            %get3A_853 = arith.index_cast %mul3A_852 : i32 to index
            %get3A_854 = tpu.vector_load %arg8[%get3A_853] {strides = array<i32>} : memref<4096xf32, #tpu.memory_space<vmem>>, vector<16xf32>,
            %add3A_855 = arith.constant 2 : i32
            %add3A_856 = arith.addi %mul3A_844, %add3A_855 : i32
            %mul3A_857 = arith.constant 16 : i32
            %mul3A_858 = arith.muli %add3A_856, %mul3A_857 : i32
            %get3A_859 = arith.index_cast %mul3A_858 : i32 to index
            %get3A_860 = tpu.vector_load %arg8[%get3A_859] {strides = array<i32>} : memref<4096xf32, #tpu.memory_space<vmem>>, vector<16xf32>,
            %add3A_861 = arith.constant 3 : i32
            %add3A_862 = arith.addi %mul3A_844, %add3A_861 : i32
            %mul3A_863 = arith.constant 16 : i32
            %mul3A_864 = arith.muli %add3A_862, %mul3A_863 : i32
            %get3A_865 = arith.index_cast %mul3A_864 : i32 to index
            %get3A_866 = tpu.vector_load %arg8[%get3A_865] {strides = array<i32>} : memref<4096xf32, #tpu.memory_space<vmem>>, vector<16xf32>,
            %max3A = arith.maximumf %scan3A_837, %get3A_848 : vector<16xf32>
            %min3A_867 = arith.minimumf %scan3A_837, %get3A_848 : vector<16xf32>
            %max3A_868 = arith.maximumf %scan3A_838, %max3A : vector<16xf32>
            %min3A_869 = arith.minimumf %scan3A_838, %max3A : vector<16xf32>
            %min3A_870 = arith.minimumf %scan3A_839, %max3A_868 : vector<16xf32>
            %max3A_871 = arith.maximumf %scan3A_840, %get3A_854 : vector<16xf32>
            %min3A_872 = arith.minimumf %scan3A_840, %get3A_854 : vector<16xf32>
            %max3A_873 = arith.maximumf %scan3A_841, %max3A_871 : vector<16xf32>
            %min3A_874 = arith.minimumf %scan3A_841, %max3A_871 : vector<16xf32>
            %min3A_875 = arith.minimumf %scan3A_842, %max3A_873 : vector<16xf32>
            %max3A_876 = arith.maximumf %min3A_867, %get3A_860 : vector<16xf32>
            %min3A_877 = arith.minimumf %min3A_867, %get3A_860 : vector<16xf32>
            %max3A_878 = arith.maximumf %min3A_869, %max3A_876 : vector<16xf32>
            %min3A_879 = arith.minimumf %min3A_869, %max3A_876 : vector<16xf32>
            %min3A_880 = arith.minimumf %min3A_870, %max3A_878 : vector<16xf32>
            %max3A_881 = arith.maximumf %min3A_872, %get3A_866 : vector<16xf32>
            %min3A_882 = arith.minimumf %min3A_872, %get3A_866 : vector<16xf32>
            %max3A_883 = arith.maximumf %min3A_874, %max3A_881 : vector<16xf32>
            %min3A_884 = arith.minimumf %min3A_874, %max3A_881 : vector<16xf32>
            %min3A_885 = arith.minimumf %min3A_875, %max3A_883 : vector<16xf32>
            scf.yield %min3A_877, %min3A_879, %min3A_880, %min3A_882, %min3A_884, %min3A_885 : vector<16xf32>, vector<16xf32>, vector<16xf32>, vector<16xf32>, vector<16xf32>, vector<16xf32>
          }
          %scan3A_835 = arith.constant 64 : i32
          scf.yield %scan3A_834#0, %scan3A_834#1, %scan3A_834#2, %scan3A_834#3, %scan3A_834#4, %scan3A_834#5 : vector<16xf32>, vector<16xf32>, vector<16xf32>, vector<16xf32>, vector<16xf32>, vector<16xf32>
        } else {
          %scan3A_830 = arith.constant 0 : i32
          %scan3A_831 = arith.constant 256 : i32
          %scan3A_832 = arith.addi %scan3A_830, %scan3A_831 : i32
          %scan3A_833 = arith.constant 1 : i32
          %scan3A_834:3 = scf.for %scan3A_836 = %scan3A_830 to %scan3A_832 step %scan3A_833 iter_args(%scan3A_837 = %broadcast_in_dim3A_19, %scan3A_838 = %broadcast_in_dim3A_19, %scan3A_839 = %broadcast_in_dim3A_19) -> (vector<16xf32>, vector<16xf32>, vector<16xf32>)  : i32 {
            %mul3A_840 = arith.constant 16 : i32
            %mul3A_841 = arith.muli %scan3A_836, %mul3A_840 : i32
            %get3A_842 = arith.index_cast %mul3A_841 : i32 to index
            %get3A_843 = tpu.vector_load %arg9[%get3A_842] {strides = array<i32>} : memref<4096xf32, #tpu.memory_space<vmem>>, vector<16xf32>,
            %mul3A_844 = vector.broadcast %reduce_sum3A_418 : f32 to vector<16xf32>
            %mul3A_845 = arith.mulf %mul3A_844, %get3A_843 : vector<16xf32>
            %get3A_846 = arith.index_cast %mul3A_841 : i32 to index
            %get3A_847 = tpu.vector_load %arg8[%get3A_846] {strides = array<i32>} : memref<4096xf32, #tpu.memory_space<vmem>>, vector<16xf32>,
            %mul3A_848 = arith.mulf %mul3A_845, %get3A_847 : vector<16xf32>
            %sub3A_849 = arith.constant 1.000000e+00 : f32
            %sub3A_850 = vector.broadcast %sub3A_849 : f32 to vector<16xf32>
            %sub3A_851 = arith.subf %sub3A_850, %mul3A_845 : vector<16xf32>
            %mul3A_852 = arith.constant 3.40282347E+38 : f32
            %mul3A_853 = vector.broadcast %mul3A_852 : f32 to vector<16xf32>
            %mul3A_854 = arith.mulf %sub3A_851, %mul3A_853 : vector<16xf32>
            %add3A_855 = arith.addf %mul3A_848, %mul3A_854 : vector<16xf32>
            %swap3A_856 = arith.index_cast %mul3A_841 : i32 to index
            %swap3A_857 = tpu.vector_load %arg8[%swap3A_856] {strides = array<i32>} : memref<4096xf32, #tpu.memory_space<vmem>>, vector<16xf32>,
            tpu.vector_store %arg8[%swap3A_856], %add3A_855 {strides = array<i32>} : memref<4096xf32, #tpu.memory_space<vmem>>, vector<16xf32>,
            %max3A = arith.maximumf %scan3A_837, %add3A_855 : vector<16xf32>
            %min3A_858 = arith.minimumf %scan3A_837, %add3A_855 : vector<16xf32>
            %max3A_859 = arith.maximumf %scan3A_838, %max3A : vector<16xf32>
            %min3A_860 = arith.minimumf %scan3A_838, %max3A : vector<16xf32>
            %min3A_861 = arith.minimumf %scan3A_839, %max3A_859 : vector<16xf32>
            scf.yield %min3A_858, %min3A_860, %min3A_861 : vector<16xf32>, vector<16xf32>, vector<16xf32>
          }
          %scan3A_835 = arith.constant 256 : i32
          scf.yield %scan3A_834#0, %scan3A_834#1, %scan3A_834#2, %broadcast_in_dim3A_19, %broadcast_in_dim3A_19, %broadcast_in_dim3A_19 : vector<16xf32>, vector<16xf32>, vector<16xf32>, vector<16xf32>, vector<16xf32>, vector<16xf32>
        }
        %masked_sort3A_625 = arith.constant dense<true> : vector<16xi1>
        %masked_sort3A_626, %masked_sort3A_627, %masked_sort3A_628 = tpu.sort %cond3A_624#0, %iota3A masked %masked_sort3A_625 : (vector<16xf32>, vector<16xi32>, vector<16xi1>) -> (vector<16xi1>, vector<16xf32>, vector<16xi32>)
        %masked_sort3A_629 = arith.constant dense<true> : vector<16xi1>
        %masked_sort3A_630, %masked_sort3A_631, %masked_sort3A_632 = tpu.sort %cond3A_624#3, %iota3A masked %masked_sort3A_629 : (vector<16xf32>, vector<16xi32>, vector<16xi1>) -> (vector<16xi1>, vector<16xf32>, vector<16xi32>)
        %rev3A_633 = arith.constant 15 : i32
        %rev3A_634 = vector.broadcast %rev3A_633 : i32 to vector<16xi32>
        %rev3A_635 = tpu.iota {dimensions = array<i32: 0>} : vector<16xi32>
        %rev3A_636 = arith.subi %rev3A_634, %rev3A_635 : vector<16xi32>
        %rev3A_637 = tpu.dynamic_gather %masked_sort3A_631[%rev3A_636] in [0] : vector<16xf32>, vector<16xi32> -> vector<16xf32>
        %rev3A_638 = arith.constant 15 : i32
        %rev3A_639 = vector.broadcast %rev3A_638 : i32 to vector<16xi32>
        %rev3A_640 = tpu.iota {dimensions = array<i32: 0>} : vector<16xi32>
        %rev3A_641 = arith.subi %rev3A_639, %rev3A_640 : vector<16xi32>
        %rev3A_642 = tpu.dynamic_gather %iota3A[%rev3A_641] in [0] : vector<16xi32>, vector<16xi32> -> vector<16xi32>
        %le3A_643 = arith.cmpf ole, %masked_sort3A_627, %rev3A_637 : vector<16xf32>
        %select_n3A_644 = arith.select %le3A_643, %masked_sort3A_627, %rev3A_637 : vector<16xi1>, vector<16xf32>
        %select_n3A_645 = arith.select %le3A_643, %iota3A, %rev3A_642 : vector<16xi1>, vector<16xi32>
        %select_n3A_646 = arith.select %le3A_643, %rev3A_637, %masked_sort3A_627 : vector<16xi1>, vector<16xf32>
        %select_n3A_647 = arith.select %le3A_643, %rev3A_642, %iota3A : vector<16xi1>, vector<16xi32>
        %masked_sort3A_648 = arith.constant dense<true> : vector<16xi1>
        %masked_sort3A_649, %masked_sort3A_650, %masked_sort3A_651 = tpu.sort %select_n3A_644, %select_n3A_645 masked %masked_sort3A_648 : (vector<16xf32>, vector<16xi32>, vector<16xi1>) -> (vector<16xi1>, vector<16xf32>, vector<16xi32>)
        %masked_sort3A_652 = arith.constant dense<true> : vector<16xi1>
        %masked_sort3A_653, %masked_sort3A_654, %masked_sort3A_655 = tpu.sort %select_n3A_646, %select_n3A_647 masked %masked_sort3A_652 : (vector<16xf32>, vector<16xi32>, vector<16xi1>) -> (vector<16xi1>, vector<16xf32>, vector<16xi32>)
        %masked_sort3A_656 = arith.constant dense<true> : vector<16xi1>
        %masked_sort3A_657, %masked_sort3A_658, %masked_sort3A_659 = tpu.sort %cond3A_624#1, %iota3A masked %masked_sort3A_656 : (vector<16xf32>, vector<16xi32>, vector<16xi1>) -> (vector<16xi1>, vector<16xf32>, vector<16xi32>)
        %rev3A_660 = arith.constant 15 : i32
        %rev3A_661 = vector.broadcast %rev3A_660 : i32 to vector<16xi32>
        %rev3A_662 = tpu.iota {dimensions = array<i32: 0>} : vector<16xi32>
        %rev3A_663 = arith.subi %rev3A_661, %rev3A_662 : vector<16xi32>
        %rev3A_664 = tpu.dynamic_gather %masked_sort3A_658[%rev3A_663] in [0] : vector<16xf32>, vector<16xi32> -> vector<16xf32>
        %le3A_665 = arith.cmpf ole, %masked_sort3A_654, %rev3A_664 : vector<16xf32>
        %select_n3A_666 = arith.select %le3A_665, %masked_sort3A_654, %rev3A_664 : vector<16xi1>, vector<16xf32>
        %select_n3A_667 = arith.select %le3A_665, %iota3A, %iota3A : vector<16xi1>, vector<16xi32>
        %select_n3A_668 = arith.select %le3A_665, %rev3A_664, %masked_sort3A_654 : vector<16xi1>, vector<16xf32>
        %select_n3A_669 = arith.select %le3A_665, %iota3A, %iota3A : vector<16xi1>, vector<16xi32>
        %masked_sort3A_670 = arith.constant dense<true> : vector<16xi1>
        %masked_sort3A_671, %masked_sort3A_672, %masked_sort3A_673 = tpu.sort %select_n3A_666, %select_n3A_667 masked %masked_sort3A_670 : (vector<16xf32>, vector<16xi32>, vector<16xi1>) -> (vector<16xi1>, vector<16xf32>, vector<16xi32>)
        %rev3A_674 = arith.constant 15 : i32
        %rev3A_675 = vector.broadcast %rev3A_674 : i32 to vector<16xi32>
        %rev3A_676 = tpu.iota {dimensions = array<i32: 0>} : vector<16xi32>
        %rev3A_677 = arith.subi %rev3A_675, %rev3A_676 : vector<16xi32>
        %rev3A_678 = tpu.dynamic_gather %masked_sort3A_672[%rev3A_677] in [0] : vector<16xf32>, vector<16xi32> -> vector<16xf32>
        %rev3A_679 = arith.constant 15 : i32
        %rev3A_680 = vector.broadcast %rev3A_679 : i32 to vector<16xi32>
        %rev3A_681 = tpu.iota {dimensions = array<i32: 0>} : vector<16xi32>
        %rev3A_682 = arith.subi %rev3A_680, %rev3A_681 : vector<16xi32>
        %rev3A_683 = tpu.dynamic_gather %masked_sort3A_673[%rev3A_682] in [0] : vector<16xi32>, vector<16xi32> -> vector<16xi32>
        %le3A_684 = arith.cmpf ole, %masked_sort3A_650, %rev3A_678 : vector<16xf32>
        %select_n3A_685 = arith.select %le3A_684, %masked_sort3A_650, %rev3A_678 : vector<16xi1>, vector<16xf32>
        %select_n3A_686 = arith.select %le3A_684, %iota3A, %rev3A_683 : vector<16xi1>, vector<16xi32>
        %select_n3A_687 = arith.select %le3A_684, %rev3A_678, %masked_sort3A_650 : vector<16xi1>, vector<16xf32>
        %select_n3A_688 = arith.select %le3A_684, %rev3A_683, %iota3A : vector<16xi1>, vector<16xi32>
        %masked_sort3A_689 = arith.constant dense<true> : vector<16xi1>
        %masked_sort3A_690, %masked_sort3A_691, %masked_sort3A_692 = tpu.sort %select_n3A_685, %select_n3A_686 masked %masked_sort3A_689 : (vector<16xf32>, vector<16xi32>, vector<16xi1>) -> (vector<16xi1>, vector<16xf32>, vector<16xi32>)
        %masked_sort3A_693 = arith.constant dense<true> : vector<16xi1>
        %masked_sort3A_694, %masked_sort3A_695, %masked_sort3A_696 = tpu.sort %select_n3A_687, %select_n3A_688 masked %masked_sort3A_693 : (vector<16xf32>, vector<16xi32>, vector<16xi1>) -> (vector<16xi1>, vector<16xf32>, vector<16xi32>)
        %masked_sort3A_697 = arith.constant dense<true> : vector<16xi1>
        %masked_sort3A_698, %masked_sort3A_699, %masked_sort3A_700 = tpu.sort %cond3A_624#4, %iota3A masked %masked_sort3A_697 : (vector<16xf32>, vector<16xi32>, vector<16xi1>) -> (vector<16xi1>, vector<16xf32>, vector<16xi32>)
        %rev3A_701 = arith.constant 15 : i32
        %rev3A_702 = vector.broadcast %rev3A_701 : i32 to vector<16xi32>
        %rev3A_703 = tpu.iota {dimensions = array<i32: 0>} : vector<16xi32>
        %rev3A_704 = arith.subi %rev3A_702, %rev3A_703 : vector<16xi32>
        %rev3A_705 = tpu.dynamic_gather %masked_sort3A_699[%rev3A_704] in [0] : vector<16xf32>, vector<16xi32> -> vector<16xf32>
        %le3A_706 = arith.cmpf ole, %masked_sort3A_695, %rev3A_705 : vector<16xf32>
        %select_n3A_707 = arith.select %le3A_706, %masked_sort3A_695, %rev3A_705 : vector<16xi1>, vector<16xf32>
        %select_n3A_708 = arith.select %le3A_706, %iota3A, %iota3A : vector<16xi1>, vector<16xi32>
        %select_n3A_709 = arith.select %le3A_706, %rev3A_705, %masked_sort3A_695 : vector<16xi1>, vector<16xf32>
        %select_n3A_710 = arith.select %le3A_706, %iota3A, %iota3A : vector<16xi1>, vector<16xi32>
        %masked_sort3A_711 = arith.constant dense<true> : vector<16xi1>
        %masked_sort3A_712, %masked_sort3A_713, %masked_sort3A_714 = tpu.sort %select_n3A_707, %select_n3A_708 masked %masked_sort3A_711 : (vector<16xf32>, vector<16xi32>, vector<16xi1>) -> (vector<16xi1>, vector<16xf32>, vector<16xi32>)
        %rev3A_715 = arith.constant 15 : i32
        %rev3A_716 = vector.broadcast %rev3A_715 : i32 to vector<16xi32>
        %rev3A_717 = tpu.iota {dimensions = array<i32: 0>} : vector<16xi32>
        %rev3A_718 = arith.subi %rev3A_716, %rev3A_717 : vector<16xi32>
        %rev3A_719 = tpu.dynamic_gather %masked_sort3A_713[%rev3A_718] in [0] : vector<16xf32>, vector<16xi32> -> vector<16xf32>
        %rev3A_720 = arith.constant 15 : i32
        %rev3A_721 = vector.broadcast %rev3A_720 : i32 to vector<16xi32>
        %rev3A_722 = tpu.iota {dimensions = array<i32: 0>} : vector<16xi32>
        %rev3A_723 = arith.subi %rev3A_721, %rev3A_722 : vector<16xi32>
        %rev3A_724 = tpu.dynamic_gather %masked_sort3A_714[%rev3A_723] in [0] : vector<16xi32>, vector<16xi32> -> vector<16xi32>
        %le3A_725 = arith.cmpf ole, %masked_sort3A_691, %rev3A_719 : vector<16xf32>
        %select_n3A_726 = arith.select %le3A_725, %masked_sort3A_691, %rev3A_719 : vector<16xi1>, vector<16xf32>
        %select_n3A_727 = arith.select %le3A_725, %iota3A, %rev3A_724 : vector<16xi1>, vector<16xi32>
        %select_n3A_728 = arith.select %le3A_725, %rev3A_719, %masked_sort3A_691 : vector<16xi1>, vector<16xf32>
        %select_n3A_729 = arith.select %le3A_725, %rev3A_724, %iota3A : vector<16xi1>, vector<16xi32>
        %masked_sort3A_730 = arith.constant dense<true> : vector<16xi1>
        %masked_sort3A_731, %masked_sort3A_732, %masked_sort3A_733 = tpu.sort %select_n3A_726, %select_n3A_727 masked %masked_sort3A_730 : (vector<16xf32>, vector<16xi32>, vector<16xi1>) -> (vector<16xi1>, vector<16xf32>, vector<16xi32>)
        %masked_sort3A_734 = arith.constant dense<true> : vector<16xi1>
        %masked_sort3A_735, %masked_sort3A_736, %masked_sort3A_737 = tpu.sort %select_n3A_728, %select_n3A_729 masked %masked_sort3A_734 : (vector<16xf32>, vector<16xi32>, vector<16xi1>) -> (vector<16xi1>, vector<16xf32>, vector<16xi32>)
        %masked_sort3A_738 = arith.constant dense<true> : vector<16xi1>
        %masked_sort3A_739, %masked_sort3A_740, %masked_sort3A_741 = tpu.sort %cond3A_624#2, %iota3A masked %masked_sort3A_738 : (vector<16xf32>, vector<16xi32>, vector<16xi1>) -> (vector<16xi1>, vector<16xf32>, vector<16xi32>)
        %rev3A_742 = arith.constant 15 : i32
        %rev3A_743 = vector.broadcast %rev3A_742 : i32 to vector<16xi32>
        %rev3A_744 = tpu.iota {dimensions = array<i32: 0>} : vector<16xi32>
        %rev3A_745 = arith.subi %rev3A_743, %rev3A_744 : vector<16xi32>
        %rev3A_746 = tpu.dynamic_gather %masked_sort3A_740[%rev3A_745] in [0] : vector<16xf32>, vector<16xi32> -> vector<16xf32>
        %le3A_747 = arith.cmpf ole, %masked_sort3A_736, %rev3A_746 : vector<16xf32>
        %select_n3A_748 = arith.select %le3A_747, %masked_sort3A_736, %rev3A_746 : vector<16xi1>, vector<16xf32>
        %select_n3A_749 = arith.select %le3A_747, %iota3A, %iota3A : vector<16xi1>, vector<16xi32>
        %select_n3A_750 = arith.select %le3A_747, %rev3A_746, %masked_sort3A_736 : vector<16xi1>, vector<16xf32>
        %select_n3A_751 = arith.select %le3A_747, %iota3A, %iota3A : vector<16xi1>, vector<16xi32>
        %masked_sort3A_752 = arith.constant dense<true> : vector<16xi1>
        %masked_sort3A_753, %masked_sort3A_754, %masked_sort3A_755 = tpu.sort %select_n3A_748, %select_n3A_749 masked %masked_sort3A_752 : (vector<16xf32>, vector<16xi32>, vector<16xi1>) -> (vector<16xi1>, vector<16xf32>, vector<16xi32>)
        %rev3A_756 = arith.constant 15 : i32
        %rev3A_757 = vector.broadcast %rev3A_756 : i32 to vector<16xi32>
        %rev3A_758 = tpu.iota {dimensions = array<i32: 0>} : vector<16xi32>
        %rev3A_759 = arith.subi %rev3A_757, %rev3A_758 : vector<16xi32>
        %rev3A_760 = tpu.dynamic_gather %masked_sort3A_754[%rev3A_759] in [0] : vector<16xf32>, vector<16xi32> -> vector<16xf32>
        %rev3A_761 = arith.constant 15 : i32
        %rev3A_762 = vector.broadcast %rev3A_761 : i32 to vector<16xi32>
        %rev3A_763 = tpu.iota {dimensions = array<i32: 0>} : vector<16xi32>
        %rev3A_764 = arith.subi %rev3A_762, %rev3A_763 : vector<16xi32>
        %rev3A_765 = tpu.dynamic_gather %masked_sort3A_755[%rev3A_764] in [0] : vector<16xi32>, vector<16xi32> -> vector<16xi32>
        %le3A_766 = arith.cmpf ole, %masked_sort3A_732, %rev3A_760 : vector<16xf32>
        %select_n3A_767 = arith.select %le3A_766, %masked_sort3A_732, %rev3A_760 : vector<16xi1>, vector<16xf32>
        %select_n3A_768 = arith.select %le3A_766, %iota3A, %rev3A_765 : vector<16xi1>, vector<16xi32>
        %select_n3A_769 = arith.select %le3A_766, %rev3A_760, %masked_sort3A_732 : vector<16xi1>, vector<16xf32>
        %select_n3A_770 = arith.select %le3A_766, %rev3A_765, %iota3A : vector<16xi1>, vector<16xi32>
        %masked_sort3A_771 = arith.constant dense<true> : vector<16xi1>
        %masked_sort3A_772, %masked_sort3A_773, %masked_sort3A_774 = tpu.sort %select_n3A_767, %select_n3A_768 masked %masked_sort3A_771 : (vector<16xf32>, vector<16xi32>, vector<16xi1>) -> (vector<16xi1>, vector<16xf32>, vector<16xi32>)
        %masked_sort3A_775 = arith.constant dense<true> : vector<16xi1>
        %masked_sort3A_776, %masked_sort3A_777, %masked_sort3A_778 = tpu.sort %select_n3A_769, %select_n3A_770 masked %masked_sort3A_775 : (vector<16xf32>, vector<16xi32>, vector<16xi1>) -> (vector<16xi1>, vector<16xf32>, vector<16xi32>)
        %masked_sort3A_779 = arith.constant dense<true> : vector<16xi1>
        %masked_sort3A_780, %masked_sort3A_781, %masked_sort3A_782 = tpu.sort %cond3A_624#5, %iota3A masked %masked_sort3A_779 : (vector<16xf32>, vector<16xi32>, vector<16xi1>) -> (vector<16xi1>, vector<16xf32>, vector<16xi32>)
        %rev3A_783 = arith.constant 15 : i32
        %rev3A_784 = vector.broadcast %rev3A_783 : i32 to vector<16xi32>
        %rev3A_785 = tpu.iota {dimensions = array<i32: 0>} : vector<16xi32>
        %rev3A_786 = arith.subi %rev3A_784, %rev3A_785 : vector<16xi32>
        %rev3A_787 = tpu.dynamic_gather %masked_sort3A_781[%rev3A_786] in [0] : vector<16xf32>, vector<16xi32> -> vector<16xf32>
        %le3A_788 = arith.cmpf ole, %masked_sort3A_777, %rev3A_787 : vector<16xf32>
        %select_n3A_789 = arith.select %le3A_788, %masked_sort3A_777, %rev3A_787 : vector<16xi1>, vector<16xf32>
        %select_n3A_790 = arith.select %le3A_788, %iota3A, %iota3A : vector<16xi1>, vector<16xi32>
        %select_n3A_791 = arith.select %le3A_788, %rev3A_787, %masked_sort3A_777 : vector<16xi1>, vector<16xf32>
        %select_n3A_792 = arith.select %le3A_788, %iota3A, %iota3A : vector<16xi1>, vector<16xi32>
        %masked_sort3A_793 = arith.constant dense<true> : vector<16xi1>
        %masked_sort3A_794, %masked_sort3A_795, %masked_sort3A_796 = tpu.sort %select_n3A_789, %select_n3A_790 masked %masked_sort3A_793 : (vector<16xf32>, vector<16xi32>, vector<16xi1>) -> (vector<16xi1>, vector<16xf32>, vector<16xi32>)
        %rev3A_797 = arith.constant 15 : i32
        %rev3A_798 = vector.broadcast %rev3A_797 : i32 to vector<16xi32>
        %rev3A_799 = tpu.iota {dimensions = array<i32: 0>} : vector<16xi32>
        %rev3A_800 = arith.subi %rev3A_798, %rev3A_799 : vector<16xi32>
        %rev3A_801 = tpu.dynamic_gather %masked_sort3A_795[%rev3A_800] in [0] : vector<16xf32>, vector<16xi32> -> vector<16xf32>
        %rev3A_802 = arith.constant 15 : i32
        %rev3A_803 = vector.broadcast %rev3A_802 : i32 to vector<16xi32>
        %rev3A_804 = tpu.iota {dimensions = array<i32: 0>} : vector<16xi32>
        %rev3A_805 = arith.subi %rev3A_803, %rev3A_804 : vector<16xi32>
        %rev3A_806 = tpu.dynamic_gather %masked_sort3A_796[%rev3A_805] in [0] : vector<16xi32>, vector<16xi32> -> vector<16xi32>
        %le3A_807 = arith.cmpf ole, %masked_sort3A_773, %rev3A_801 : vector<16xf32>
        %select_n3A_808 = arith.select %le3A_807, %masked_sort3A_773, %rev3A_801 : vector<16xi1>, vector<16xf32>
        %select_n3A_809 = arith.select %le3A_807, %iota3A, %rev3A_806 : vector<16xi1>, vector<16xi32>
        %select_n3A_810 = arith.select %le3A_807, %rev3A_801, %masked_sort3A_773 : vector<16xi1>, vector<16xf32>
        %select_n3A_811 = arith.select %le3A_807, %rev3A_806, %iota3A : vector<16xi1>, vector<16xi32>
        %masked_sort3A_812 = arith.constant dense<true> : vector<16xi1>
        %masked_sort3A_813, %masked_sort3A_814, %masked_sort3A_815 = tpu.sort %select_n3A_808, %select_n3A_809 masked %masked_sort3A_812 : (vector<16xf32>, vector<16xi32>, vector<16xi1>) -> (vector<16xi1>, vector<16xf32>, vector<16xi32>)
        %masked_sort3A_816 = arith.constant dense<true> : vector<16xi1>
        %masked_sort3A_817, %masked_sort3A_818, %masked_sort3A_819 = tpu.sort %select_n3A_810, %select_n3A_811 masked %masked_sort3A_816 : (vector<16xf32>, vector<16xi32>, vector<16xi1>) -> (vector<16xi1>, vector<16xf32>, vector<16xi32>)
        %eq3A_820 = arith.constant 13 : i32
        %eq3A_821 = vector.broadcast %eq3A_820 : i32 to vector<16xi32>
        %eq3A_822 = arith.cmpi eq, %iota3A, %eq3A_821 : vector<16xi32>
        %jit3A_823 = arith.constant 0xFF800000 : f32
        %broadcast_in_dim3A_824 = vector.broadcast %jit3A_823 : f32 to vector<16xf32>
        %select_n3A_825 = arith.select %eq3A_822, %masked_sort3A_818, %broadcast_in_dim3A_824 : vector<16xi1>, vector<16xf32>
        %reduce_max3A_826 = arith.constant true
        %reduce_max3A_827 = vector.broadcast %reduce_max3A_826 : i1 to vector<16xi1>
        %reduce_max3A_828 = tpu.scan <max>, %select_n3A_825 masked %reduce_max3A_827 : vector<16xf32>, vector<16xi1> -> vector<16xf32>
        %reduce_max3A_829 = vector.extract %reduce_max3A_828[15] : f32 from vector<16xf32>
        scf.yield %reduce_max3A_829 : f32
      }
      %scan3A_424 = arith.constant 0 : i32
      %scan3A_425 = arith.constant 32 : i32
      %scan3A_426 = arith.addi %scan3A_424, %scan3A_425 : i32
      %scan3A_427 = arith.constant 1 : i32
      %scan3A_428 = scf.for %scan3A_620 = %scan3A_424 to %scan3A_426 step %scan3A_427 iter_args(%scan3A_621 = %broadcast_in_dim3A_23) -> (vector<16xi32>)  : i32 {
        %mul3A_622 = arith.constant 8 : i32
        %mul3A_623 = arith.muli %scan3A_620, %mul3A_622 : i32
        %add3A_624 = arith.constant 0 : i32
        %add3A_625 = arith.addi %mul3A_623, %add3A_624 : i32
        %mul3A_626 = arith.constant 16 : i32
        %mul3A_627 = arith.muli %add3A_625, %mul3A_626 : i32
        %get3A_628 = arith.index_cast %mul3A_627 : i32 to index
        %get3A_629 = tpu.vector_load %arg8[%get3A_628] {strides = array<i32>} : memref<4096xf32, #tpu.memory_space<vmem>>, vector<16xf32>,
        %le3A_630 = vector.broadcast %cond3A_423 : f32 to vector<16xf32>
        %le3A_631 = arith.cmpf ole, %get3A_629, %le3A_630 : vector<16xf32>
        %jit3A_632 = arith.constant 1 : i32
        %jit3A_633 = arith.constant 0 : i32
        %broadcast_in_dim3A_634 = vector.broadcast %jit3A_632 : i32 to vector<16xi32>
        %broadcast_in_dim3A_635 = vector.broadcast %jit3A_633 : i32 to vector<16xi32>
        %select_n3A_636 = arith.select %le3A_631, %broadcast_in_dim3A_634, %broadcast_in_dim3A_635 : vector<16xi1>, vector<16xi32>
        %broadcast_in_dim3A_637 = arith.constant true
        %broadcast_in_dim3A_638 = vector.broadcast %broadcast_in_dim3A_637 : i1 to vector<16xi1>
        %masked_cumsum3A = tpu.scan <sum>, %select_n3A_636 masked %broadcast_in_dim3A_638 : vector<16xi32>, vector<16xi1> -> vector<16xi32>
        %add3A_639 = arith.addi %scan3A_621, %masked_cumsum3A : vector<16xi32>
        %sub3A_640 = arith.constant 1 : i32
        %sub3A_641 = vector.broadcast %sub3A_640 : i32 to vector<16xi32>
        %sub3A_642 = arith.subi %add3A_639, %sub3A_641 : vector<16xi32>
        %jit3A_643 = arith.constant 0 : i32
        %broadcast_in_dim3A_644 = vector.broadcast %jit3A_643 : i32 to vector<16xi32>
        %select_n3A_645 = arith.select %le3A_631, %sub3A_642, %broadcast_in_dim3A_644 : vector<16xi1>, vector<16xi32>
        tpu.vector_store_idx %arg10[%select_n3A_645], %get3A_629 masked %le3A_631 : memref<4112xf32, #tpu.memory_space<vmem>>[vector<16xi32>], vector<16xf32>, vector<16xi1>
        %add3A_646 = arith.constant 0 : i32
        %add3A_647 = arith.addi %mul3A_623, %add3A_646 : i32
        %mul3A_648 = arith.constant 16 : i32
        %mul3A_649 = arith.muli %add3A_647, %mul3A_648 : i32
        %add3A_650 = vector.broadcast %mul3A_649 : i32 to vector<16xi32>
        %add3A_651 = arith.addi %add3A_650, %iota3A : vector<16xi32>
        tpu.vector_store_idx %arg11[%select_n3A_645], %add3A_651 masked %le3A_631 : memref<4112xi32, #tpu.memory_space<vmem>>[vector<16xi32>], vector<16xi32>, vector<16xi1>
        %all_reduce_population_count3A = tpu.all_reduce %le3A_631 {dim = 0 : i64, kind = #tpu.reduction_kind<sum>} : vector<16xi1> -> vector<16xi32>
        %add3A_652 = arith.addi %scan3A_621, %all_reduce_population_count3A : vector<16xi32>
        %add3A_653 = arith.constant 1 : i32
        %add3A_654 = arith.addi %mul3A_623, %add3A_653 : i32
        %mul3A_655 = arith.constant 16 : i32
        %mul3A_656 = arith.muli %add3A_654, %mul3A_655 : i32
        %get3A_657 = arith.index_cast %mul3A_656 : i32 to index
        %get3A_658 = tpu.vector_load %arg8[%get3A_657] {strides = array<i32>} : memref<4096xf32, #tpu.memory_space<vmem>>, vector<16xf32>,
        %le3A_659 = vector.broadcast %cond3A_423 : f32 to vector<16xf32>
        %le3A_660 = arith.cmpf ole, %get3A_658, %le3A_659 : vector<16xf32>
        %jit3A_661 = arith.constant 1 : i32
        %jit3A_662 = arith.constant 0 : i32
        %broadcast_in_dim3A_663 = vector.broadcast %jit3A_661 : i32 to vector<16xi32>
        %broadcast_in_dim3A_664 = vector.broadcast %jit3A_662 : i32 to vector<16xi32>
        %select_n3A_665 = arith.select %le3A_660, %broadcast_in_dim3A_663, %broadcast_in_dim3A_664 : vector<16xi1>, vector<16xi32>
        %broadcast_in_dim3A_666 = arith.constant true
        %broadcast_in_dim3A_667 = vector.broadcast %broadcast_in_dim3A_666 : i1 to vector<16xi1>
        %masked_cumsum3A_668 = tpu.scan <sum>, %select_n3A_665 masked %broadcast_in_dim3A_667 : vector<16xi32>, vector<16xi1> -> vector<16xi32>
        %add3A_669 = arith.addi %add3A_652, %masked_cumsum3A_668 : vector<16xi32>
        %sub3A_670 = arith.constant 1 : i32
        %sub3A_671 = vector.broadcast %sub3A_670 : i32 to vector<16xi32>
        %sub3A_672 = arith.subi %add3A_669, %sub3A_671 : vector<16xi32>
        %jit3A_673 = arith.constant 0 : i32
        %broadcast_in_dim3A_674 = vector.broadcast %jit3A_673 : i32 to vector<16xi32>
        %select_n3A_675 = arith.select %le3A_660, %sub3A_672, %broadcast_in_dim3A_674 : vector<16xi1>, vector<16xi32>
        tpu.vector_store_idx %arg10[%select_n3A_675], %get3A_658 masked %le3A_660 : memref<4112xf32, #tpu.memory_space<vmem>>[vector<16xi32>], vector<16xf32>, vector<16xi1>
        %add3A_676 = arith.constant 1 : i32
        %add3A_677 = arith.addi %mul3A_623, %add3A_676 : i32
        %mul3A_678 = arith.constant 16 : i32
        %mul3A_679 = arith.muli %add3A_677, %mul3A_678 : i32
        %add3A_680 = vector.broadcast %mul3A_679 : i32 to vector<16xi32>
        %add3A_681 = arith.addi %add3A_680, %iota3A : vector<16xi32>
        tpu.vector_store_idx %arg11[%select_n3A_675], %add3A_681 masked %le3A_660 : memref<4112xi32, #tpu.memory_space<vmem>>[vector<16xi32>], vector<16xi32>, vector<16xi1>
        %all_reduce_population_count3A_682 = tpu.all_reduce %le3A_660 {dim = 0 : i64, kind = #tpu.reduction_kind<sum>} : vector<16xi1> -> vector<16xi32>
        %add3A_683 = arith.addi %add3A_652, %all_reduce_population_count3A_682 : vector<16xi32>
        %add3A_684 = arith.constant 2 : i32
        %add3A_685 = arith.addi %mul3A_623, %add3A_684 : i32
        %mul3A_686 = arith.constant 16 : i32
        %mul3A_687 = arith.muli %add3A_685, %mul3A_686 : i32
        %get3A_688 = arith.index_cast %mul3A_687 : i32 to index
        %get3A_689 = tpu.vector_load %arg8[%get3A_688] {strides = array<i32>} : memref<4096xf32, #tpu.memory_space<vmem>>, vector<16xf32>,
        %le3A_690 = vector.broadcast %cond3A_423 : f32 to vector<16xf32>
        %le3A_691 = arith.cmpf ole, %get3A_689, %le3A_690 : vector<16xf32>
        %jit3A_692 = arith.constant 1 : i32
        %jit3A_693 = arith.constant 0 : i32
        %broadcast_in_dim3A_694 = vector.broadcast %jit3A_692 : i32 to vector<16xi32>
        %broadcast_in_dim3A_695 = vector.broadcast %jit3A_693 : i32 to vector<16xi32>
        %select_n3A_696 = arith.select %le3A_691, %broadcast_in_dim3A_694, %broadcast_in_dim3A_695 : vector<16xi1>, vector<16xi32>
        %broadcast_in_dim3A_697 = arith.constant true
        %broadcast_in_dim3A_698 = vector.broadcast %broadcast_in_dim3A_697 : i1 to vector<16xi1>
        %masked_cumsum3A_699 = tpu.scan <sum>, %select_n3A_696 masked %broadcast_in_dim3A_698 : vector<16xi32>, vector<16xi1> -> vector<16xi32>
        %add3A_700 = arith.addi %add3A_683, %masked_cumsum3A_699 : vector<16xi32>
        %sub3A_701 = arith.constant 1 : i32
        %sub3A_702 = vector.broadcast %sub3A_701 : i32 to vector<16xi32>
        %sub3A_703 = arith.subi %add3A_700, %sub3A_702 : vector<16xi32>
        %jit3A_704 = arith.constant 0 : i32
        %broadcast_in_dim3A_705 = vector.broadcast %jit3A_704 : i32 to vector<16xi32>
        %select_n3A_706 = arith.select %le3A_691, %sub3A_703, %broadcast_in_dim3A_705 : vector<16xi1>, vector<16xi32>
        tpu.vector_store_idx %arg10[%select_n3A_706], %get3A_689 masked %le3A_691 : memref<4112xf32, #tpu.memory_space<vmem>>[vector<16xi32>], vector<16xf32>, vector<16xi1>
        %add3A_707 = arith.constant 2 : i32
        %add3A_708 = arith.addi %mul3A_623, %add3A_707 : i32
        %mul3A_709 = arith.constant 16 : i32
        %mul3A_710 = arith.muli %add3A_708, %mul3A_709 : i32
        %add3A_711 = vector.broadcast %mul3A_710 : i32 to vector<16xi32>
        %add3A_712 = arith.addi %add3A_711, %iota3A : vector<16xi32>
        tpu.vector_store_idx %arg11[%select_n3A_706], %add3A_712 masked %le3A_691 : memref<4112xi32, #tpu.memory_space<vmem>>[vector<16xi32>], vector<16xi32>, vector<16xi1>
        %all_reduce_population_count3A_713 = tpu.all_reduce %le3A_691 {dim = 0 : i64, kind = #tpu.reduction_kind<sum>} : vector<16xi1> -> vector<16xi32>
        %add3A_714 = arith.addi %add3A_683, %all_reduce_population_count3A_713 : vector<16xi32>
        %add3A_715 = arith.constant 3 : i32
        %add3A_716 = arith.addi %mul3A_623, %add3A_715 : i32
        %mul3A_717 = arith.constant 16 : i32
        %mul3A_718 = arith.muli %add3A_716, %mul3A_717 : i32
        %get3A_719 = arith.index_cast %mul3A_718 : i32 to index
        %get3A_720 = tpu.vector_load %arg8[%get3A_719] {strides = array<i32>} : memref<4096xf32, #tpu.memory_space<vmem>>, vector<16xf32>,
        %le3A_721 = vector.broadcast %cond3A_423 : f32 to vector<16xf32>
        %le3A_722 = arith.cmpf ole, %get3A_720, %le3A_721 : vector<16xf32>
        %jit3A_723 = arith.constant 1 : i32
        %jit3A_724 = arith.constant 0 : i32
        %broadcast_in_dim3A_725 = vector.broadcast %jit3A_723 : i32 to vector<16xi32>
        %broadcast_in_dim3A_726 = vector.broadcast %jit3A_724 : i32 to vector<16xi32>
        %select_n3A_727 = arith.select %le3A_722, %broadcast_in_dim3A_725, %broadcast_in_dim3A_726 : vector<16xi1>, vector<16xi32>
        %broadcast_in_dim3A_728 = arith.constant true
        %broadcast_in_dim3A_729 = vector.broadcast %broadcast_in_dim3A_728 : i1 to vector<16xi1>
        %masked_cumsum3A_730 = tpu.scan <sum>, %select_n3A_727 masked %broadcast_in_dim3A_729 : vector<16xi32>, vector<16xi1> -> vector<16xi32>
        %add3A_731 = arith.addi %add3A_714, %masked_cumsum3A_730 : vector<16xi32>
        %sub3A_732 = arith.constant 1 : i32
        %sub3A_733 = vector.broadcast %sub3A_732 : i32 to vector<16xi32>
        %sub3A_734 = arith.subi %add3A_731, %sub3A_733 : vector<16xi32>
        %jit3A_735 = arith.constant 0 : i32
        %broadcast_in_dim3A_736 = vector.broadcast %jit3A_735 : i32 to vector<16xi32>
        %select_n3A_737 = arith.select %le3A_722, %sub3A_734, %broadcast_in_dim3A_736 : vector<16xi1>, vector<16xi32>
        tpu.vector_store_idx %arg10[%select_n3A_737], %get3A_720 masked %le3A_722 : memref<4112xf32, #tpu.memory_space<vmem>>[vector<16xi32>], vector<16xf32>, vector<16xi1>
        %add3A_738 = arith.constant 3 : i32
        %add3A_739 = arith.addi %mul3A_623, %add3A_738 : i32
        %mul3A_740 = arith.constant 16 : i32
        %mul3A_741 = arith.muli %add3A_739, %mul3A_740 : i32
        %add3A_742 = vector.broadcast %mul3A_741 : i32 to vector<16xi32>
        %add3A_743 = arith.addi %add3A_742, %iota3A : vector<16xi32>
        tpu.vector_store_idx %arg11[%select_n3A_737], %add3A_743 masked %le3A_722 : memref<4112xi32, #tpu.memory_space<vmem>>[vector<16xi32>], vector<16xi32>, vector<16xi1>
        %all_reduce_population_count3A_744 = tpu.all_reduce %le3A_722 {dim = 0 : i64, kind = #tpu.reduction_kind<sum>} : vector<16xi1> -> vector<16xi32>
        %add3A_745 = arith.addi %add3A_714, %all_reduce_population_count3A_744 : vector<16xi32>
        %add3A_746 = arith.constant 4 : i32
        %add3A_747 = arith.addi %mul3A_623, %add3A_746 : i32
        %mul3A_748 = arith.constant 16 : i32
        %mul3A_749 = arith.muli %add3A_747, %mul3A_748 : i32
        %get3A_750 = arith.index_cast %mul3A_749 : i32 to index
        %get3A_751 = tpu.vector_load %arg8[%get3A_750] {strides = array<i32>} : memref<4096xf32, #tpu.memory_space<vmem>>, vector<16xf32>,
        %le3A_752 = vector.broadcast %cond3A_423 : f32 to vector<16xf32>
        %le3A_753 = arith.cmpf ole, %get3A_751, %le3A_752 : vector<16xf32>
        %jit3A_754 = arith.constant 1 : i32
        %jit3A_755 = arith.constant 0 : i32
        %broadcast_in_dim3A_756 = vector.broadcast %jit3A_754 : i32 to vector<16xi32>
        %broadcast_in_dim3A_757 = vector.broadcast %jit3A_755 : i32 to vector<16xi32>
        %select_n3A_758 = arith.select %le3A_753, %broadcast_in_dim3A_756, %broadcast_in_dim3A_757 : vector<16xi1>, vector<16xi32>
        %broadcast_in_dim3A_759 = arith.constant true
        %broadcast_in_dim3A_760 = vector.broadcast %broadcast_in_dim3A_759 : i1 to vector<16xi1>
        %masked_cumsum3A_761 = tpu.scan <sum>, %select_n3A_758 masked %broadcast_in_dim3A_760 : vector<16xi32>, vector<16xi1> -> vector<16xi32>
        %add3A_762 = arith.addi %add3A_745, %masked_cumsum3A_761 : vector<16xi32>
        %sub3A_763 = arith.constant 1 : i32
        %sub3A_764 = vector.broadcast %sub3A_763 : i32 to vector<16xi32>
        %sub3A_765 = arith.subi %add3A_762, %sub3A_764 : vector<16xi32>
        %jit3A_766 = arith.constant 0 : i32
        %broadcast_in_dim3A_767 = vector.broadcast %jit3A_766 : i32 to vector<16xi32>
        %select_n3A_768 = arith.select %le3A_753, %sub3A_765, %broadcast_in_dim3A_767 : vector<16xi1>, vector<16xi32>
        tpu.vector_store_idx %arg10[%select_n3A_768], %get3A_751 masked %le3A_753 : memref<4112xf32, #tpu.memory_space<vmem>>[vector<16xi32>], vector<16xf32>, vector<16xi1>
        %add3A_769 = arith.constant 4 : i32
        %add3A_770 = arith.addi %mul3A_623, %add3A_769 : i32
        %mul3A_771 = arith.constant 16 : i32
        %mul3A_772 = arith.muli %add3A_770, %mul3A_771 : i32
        %add3A_773 = vector.broadcast %mul3A_772 : i32 to vector<16xi32>
        %add3A_774 = arith.addi %add3A_773, %iota3A : vector<16xi32>
        tpu.vector_store_idx %arg11[%select_n3A_768], %add3A_774 masked %le3A_753 : memref<4112xi32, #tpu.memory_space<vmem>>[vector<16xi32>], vector<16xi32>, vector<16xi1>
        %all_reduce_population_count3A_775 = tpu.all_reduce %le3A_753 {dim = 0 : i64, kind = #tpu.reduction_kind<sum>} : vector<16xi1> -> vector<16xi32>
        %add3A_776 = arith.addi %add3A_745, %all_reduce_population_count3A_775 : vector<16xi32>
        %add3A_777 = arith.constant 5 : i32
        %add3A_778 = arith.addi %mul3A_623, %add3A_777 : i32
        %mul3A_779 = arith.constant 16 : i32
        %mul3A_780 = arith.muli %add3A_778, %mul3A_779 : i32
        %get3A_781 = arith.index_cast %mul3A_780 : i32 to index
        %get3A_782 = tpu.vector_load %arg8[%get3A_781] {strides = array<i32>} : memref<4096xf32, #tpu.memory_space<vmem>>, vector<16xf32>,
        %le3A_783 = vector.broadcast %cond3A_423 : f32 to vector<16xf32>
        %le3A_784 = arith.cmpf ole, %get3A_782, %le3A_783 : vector<16xf32>
        %jit3A_785 = arith.constant 1 : i32
        %jit3A_786 = arith.constant 0 : i32
        %broadcast_in_dim3A_787 = vector.broadcast %jit3A_785 : i32 to vector<16xi32>
        %broadcast_in_dim3A_788 = vector.broadcast %jit3A_786 : i32 to vector<16xi32>
        %select_n3A_789 = arith.select %le3A_784, %broadcast_in_dim3A_787, %broadcast_in_dim3A_788 : vector<16xi1>, vector<16xi32>
        %broadcast_in_dim3A_790 = arith.constant true
        %broadcast_in_dim3A_791 = vector.broadcast %broadcast_in_dim3A_790 : i1 to vector<16xi1>
        %masked_cumsum3A_792 = tpu.scan <sum>, %select_n3A_789 masked %broadcast_in_dim3A_791 : vector<16xi32>, vector<16xi1> -> vector<16xi32>
        %add3A_793 = arith.addi %add3A_776, %masked_cumsum3A_792 : vector<16xi32>
        %sub3A_794 = arith.constant 1 : i32
        %sub3A_795 = vector.broadcast %sub3A_794 : i32 to vector<16xi32>
        %sub3A_796 = arith.subi %add3A_793, %sub3A_795 : vector<16xi32>
        %jit3A_797 = arith.constant 0 : i32
        %broadcast_in_dim3A_798 = vector.broadcast %jit3A_797 : i32 to vector<16xi32>
        %select_n3A_799 = arith.select %le3A_784, %sub3A_796, %broadcast_in_dim3A_798 : vector<16xi1>, vector<16xi32>
        tpu.vector_store_idx %arg10[%select_n3A_799], %get3A_782 masked %le3A_784 : memref<4112xf32, #tpu.memory_space<vmem>>[vector<16xi32>], vector<16xf32>, vector<16xi1>
        %add3A_800 = arith.constant 5 : i32
        %add3A_801 = arith.addi %mul3A_623, %add3A_800 : i32
        %mul3A_802 = arith.constant 16 : i32
        %mul3A_803 = arith.muli %add3A_801, %mul3A_802 : i32
        %add3A_804 = vector.broadcast %mul3A_803 : i32 to vector<16xi32>
        %add3A_805 = arith.addi %add3A_804, %iota3A : vector<16xi32>
        tpu.vector_store_idx %arg11[%select_n3A_799], %add3A_805 masked %le3A_784 : memref<4112xi32, #tpu.memory_space<vmem>>[vector<16xi32>], vector<16xi32>, vector<16xi1>
        %all_reduce_population_count3A_806 = tpu.all_reduce %le3A_784 {dim = 0 : i64, kind = #tpu.reduction_kind<sum>} : vector<16xi1> -> vector<16xi32>
        %add3A_807 = arith.addi %add3A_776, %all_reduce_population_count3A_806 : vector<16xi32>
        %add3A_808 = arith.constant 6 : i32
        %add3A_809 = arith.addi %mul3A_623, %add3A_808 : i32
        %mul3A_810 = arith.constant 16 : i32
        %mul3A_811 = arith.muli %add3A_809, %mul3A_810 : i32
        %get3A_812 = arith.index_cast %mul3A_811 : i32 to index
        %get3A_813 = tpu.vector_load %arg8[%get3A_812] {strides = array<i32>} : memref<4096xf32, #tpu.memory_space<vmem>>, vector<16xf32>,
        %le3A_814 = vector.broadcast %cond3A_423 : f32 to vector<16xf32>
        %le3A_815 = arith.cmpf ole, %get3A_813, %le3A_814 : vector<16xf32>
        %jit3A_816 = arith.constant 1 : i32
        %jit3A_817 = arith.constant 0 : i32
        %broadcast_in_dim3A_818 = vector.broadcast %jit3A_816 : i32 to vector<16xi32>
        %broadcast_in_dim3A_819 = vector.broadcast %jit3A_817 : i32 to vector<16xi32>
        %select_n3A_820 = arith.select %le3A_815, %broadcast_in_dim3A_818, %broadcast_in_dim3A_819 : vector<16xi1>, vector<16xi32>
        %broadcast_in_dim3A_821 = arith.constant true
        %broadcast_in_dim3A_822 = vector.broadcast %broadcast_in_dim3A_821 : i1 to vector<16xi1>
        %masked_cumsum3A_823 = tpu.scan <sum>, %select_n3A_820 masked %broadcast_in_dim3A_822 : vector<16xi32>, vector<16xi1> -> vector<16xi32>
        %add3A_824 = arith.addi %add3A_807, %masked_cumsum3A_823 : vector<16xi32>
        %sub3A_825 = arith.constant 1 : i32
        %sub3A_826 = vector.broadcast %sub3A_825 : i32 to vector<16xi32>
        %sub3A_827 = arith.subi %add3A_824, %sub3A_826 : vector<16xi32>
        %jit3A_828 = arith.constant 0 : i32
        %broadcast_in_dim3A_829 = vector.broadcast %jit3A_828 : i32 to vector<16xi32>
        %select_n3A_830 = arith.select %le3A_815, %sub3A_827, %broadcast_in_dim3A_829 : vector<16xi1>, vector<16xi32>
        tpu.vector_store_idx %arg10[%select_n3A_830], %get3A_813 masked %le3A_815 : memref<4112xf32, #tpu.memory_space<vmem>>[vector<16xi32>], vector<16xf32>, vector<16xi1>
        %add3A_831 = arith.constant 6 : i32
        %add3A_832 = arith.addi %mul3A_623, %add3A_831 : i32
        %mul3A_833 = arith.constant 16 : i32
        %mul3A_834 = arith.muli %add3A_832, %mul3A_833 : i32
        %add3A_835 = vector.broadcast %mul3A_834 : i32 to vector<16xi32>
        %add3A_836 = arith.addi %add3A_835, %iota3A : vector<16xi32>
        tpu.vector_store_idx %arg11[%select_n3A_830], %add3A_836 masked %le3A_815 : memref<4112xi32, #tpu.memory_space<vmem>>[vector<16xi32>], vector<16xi32>, vector<16xi1>
        %all_reduce_population_count3A_837 = tpu.all_reduce %le3A_815 {dim = 0 : i64, kind = #tpu.reduction_kind<sum>} : vector<16xi1> -> vector<16xi32>
        %add3A_838 = arith.addi %add3A_807, %all_reduce_population_count3A_837 : vector<16xi32>
        %add3A_839 = arith.constant 7 : i32
        %add3A_840 = arith.addi %mul3A_623, %add3A_839 : i32
        %mul3A_841 = arith.constant 16 : i32
        %mul3A_842 = arith.muli %add3A_840, %mul3A_841 : i32
        %get3A_843 = arith.index_cast %mul3A_842 : i32 to index
        %get3A_844 = tpu.vector_load %arg8[%get3A_843] {strides = array<i32>} : memref<4096xf32, #tpu.memory_space<vmem>>, vector<16xf32>,
        %le3A_845 = vector.broadcast %cond3A_423 : f32 to vector<16xf32>
        %le3A_846 = arith.cmpf ole, %get3A_844, %le3A_845 : vector<16xf32>
        %jit3A_847 = arith.constant 1 : i32
        %jit3A_848 = arith.constant 0 : i32
        %broadcast_in_dim3A_849 = vector.broadcast %jit3A_847 : i32 to vector<16xi32>
        %broadcast_in_dim3A_850 = vector.broadcast %jit3A_848 : i32 to vector<16xi32>
        %select_n3A_851 = arith.select %le3A_846, %broadcast_in_dim3A_849, %broadcast_in_dim3A_850 : vector<16xi1>, vector<16xi32>
        %broadcast_in_dim3A_852 = arith.constant true
        %broadcast_in_dim3A_853 = vector.broadcast %broadcast_in_dim3A_852 : i1 to vector<16xi1>
        %masked_cumsum3A_854 = tpu.scan <sum>, %select_n3A_851 masked %broadcast_in_dim3A_853 : vector<16xi32>, vector<16xi1> -> vector<16xi32>
        %add3A_855 = arith.addi %add3A_838, %masked_cumsum3A_854 : vector<16xi32>
        %sub3A_856 = arith.constant 1 : i32
        %sub3A_857 = vector.broadcast %sub3A_856 : i32 to vector<16xi32>
        %sub3A_858 = arith.subi %add3A_855, %sub3A_857 : vector<16xi32>
        %jit3A_859 = arith.constant 0 : i32
        %broadcast_in_dim3A_860 = vector.broadcast %jit3A_859 : i32 to vector<16xi32>
        %select_n3A_861 = arith.select %le3A_846, %sub3A_858, %broadcast_in_dim3A_860 : vector<16xi1>, vector<16xi32>
        tpu.vector_store_idx %arg10[%select_n3A_861], %get3A_844 masked %le3A_846 : memref<4112xf32, #tpu.memory_space<vmem>>[vector<16xi32>], vector<16xf32>, vector<16xi1>
        %add3A_862 = arith.constant 7 : i32
        %add3A_863 = arith.addi %mul3A_623, %add3A_862 : i32
        %mul3A_864 = arith.constant 16 : i32
        %mul3A_865 = arith.muli %add3A_863, %mul3A_864 : i32
        %add3A_866 = vector.broadcast %mul3A_865 : i32 to vector<16xi32>
        %add3A_867 = arith.addi %add3A_866, %iota3A : vector<16xi32>
        tpu.vector_store_idx %arg11[%select_n3A_861], %add3A_867 masked %le3A_846 : memref<4112xi32, #tpu.memory_space<vmem>>[vector<16xi32>], vector<16xi32>, vector<16xi1>
        %all_reduce_population_count3A_868 = tpu.all_reduce %le3A_846 {dim = 0 : i64, kind = #tpu.reduction_kind<sum>} : vector<16xi1> -> vector<16xi32>
        %add3A_869 = arith.addi %add3A_838, %all_reduce_population_count3A_868 : vector<16xi32>
        scf.yield %add3A_869 : vector<16xi32>
      }
      %scan3A_429 = arith.constant 32 : i32
      %reduce_max3A_430 = arith.constant true
      %reduce_max3A_431 = vector.broadcast %reduce_max3A_430 : i1 to vector<16xi1>
      %reduce_max3A_432 = arith.constant -2147483648 : i32
      %reduce_max3A_433 = vector.broadcast %reduce_max3A_432 : i32 to vector<16xi32>
      %reduce_max3A_434 = arith.xori %scan3A_428, %reduce_max3A_433 : vector<16xi32>
      %reduce_max3A_435 = tpu.scan <max>, %reduce_max3A_434 masked %reduce_max3A_431 : vector<16xi32>, vector<16xi1> -> vector<16xi32>
      %reduce_max3A_436 = arith.xori %reduce_max3A_435, %reduce_max3A_433 : vector<16xi32>
      %reduce_max3A_437 = vector.extract %reduce_max3A_436[15] : i32 from vector<16xi32>
      %lt3A_438 = arith.constant 30 : i32
      %lt3A_439 = arith.cmpi slt, %reduce_max3A_437, %lt3A_438 : i32
      %convert_element_type3A_440 = arith.extui %lt3A_439 : i1 to i32
      %cond3A_441 = arith.constant 0 : i32
      %cond3A_442 = arith.constant 0 : i32
      %cond3A_443 = arith.cmpi ne, %convert_element_type3A_440, %cond3A_442 : i32
      %cond3A_444 = scf.if %cond3A_443 -> (vector<16xi32>) {
        %convert_element_type3A_620 = arith.extui %and3A_40 : i1 to i32
        %cond3A_621 = arith.constant 0 : i32
        %cond3A_622 = arith.constant 0 : i32
        %cond3A_623 = arith.cmpi ne, %convert_element_type3A_620, %cond3A_622 : i32
        %cond3A_624:6 = scf.if %cond3A_623 -> (vector<16xf32>, vector<16xf32>, vector<16xf32>, vector<16xf32>, vector<16xf32>, vector<16xf32>) {
          %scan3A_836 = arith.constant 0 : i32
          %scan3A_837 = arith.constant 64 : i32
          %scan3A_838 = arith.addi %scan3A_836, %scan3A_837 : i32
          %scan3A_839 = arith.constant 1 : i32
          %scan3A_840:6 = scf.for %scan3A_842 = %scan3A_836 to %scan3A_838 step %scan3A_839 iter_args(%scan3A_843 = %broadcast_in_dim3A_19, %scan3A_844 = %broadcast_in_dim3A_19, %scan3A_845 = %broadcast_in_dim3A_19, %scan3A_846 = %broadcast_in_dim3A_19, %scan3A_847 = %broadcast_in_dim3A_19, %scan3A_848 = %broadcast_in_dim3A_19) -> (vector<16xf32>, vector<16xf32>, vector<16xf32>, vector<16xf32>, vector<16xf32>, vector<16xf32>)  : i32 {
            %mul3A_849 = arith.constant 4 : i32
            %mul3A_850 = arith.muli %scan3A_842, %mul3A_849 : i32
            %mul3A_851 = arith.constant 16 : i32
            %mul3A_852 = arith.muli %mul3A_850, %mul3A_851 : i32
            %get3A_853 = arith.index_cast %mul3A_852 : i32 to index
            %get3A_854 = tpu.vector_load %arg8[%get3A_853] {strides = array<i32>} : memref<4096xf32, #tpu.memory_space<vmem>>, vector<16xf32>,
            %add3A_855 = arith.constant 1 : i32
            %add3A_856 = arith.addi %mul3A_850, %add3A_855 : i32
            %mul3A_857 = arith.constant 16 : i32
            %mul3A_858 = arith.muli %add3A_856, %mul3A_857 : i32
            %get3A_859 = arith.index_cast %mul3A_858 : i32 to index
            %get3A_860 = tpu.vector_load %arg8[%get3A_859] {strides = array<i32>} : memref<4096xf32, #tpu.memory_space<vmem>>, vector<16xf32>,
            %add3A_861 = arith.constant 2 : i32
            %add3A_862 = arith.addi %mul3A_850, %add3A_861 : i32
            %mul3A_863 = arith.constant 16 : i32
            %mul3A_864 = arith.muli %add3A_862, %mul3A_863 : i32
            %get3A_865 = arith.index_cast %mul3A_864 : i32 to index
            %get3A_866 = tpu.vector_load %arg8[%get3A_865] {strides = array<i32>} : memref<4096xf32, #tpu.memory_space<vmem>>, vector<16xf32>,
            %add3A_867 = arith.constant 3 : i32
            %add3A_868 = arith.addi %mul3A_850, %add3A_867 : i32
            %mul3A_869 = arith.constant 16 : i32
            %mul3A_870 = arith.muli %add3A_868, %mul3A_869 : i32
            %get3A_871 = arith.index_cast %mul3A_870 : i32 to index
            %get3A_872 = tpu.vector_load %arg8[%get3A_871] {strides = array<i32>} : memref<4096xf32, #tpu.memory_space<vmem>>, vector<16xf32>,
            %max3A = arith.maximumf %scan3A_843, %get3A_854 : vector<16xf32>
            %min3A_873 = arith.minimumf %scan3A_843, %get3A_854 : vector<16xf32>
            %max3A_874 = arith.maximumf %scan3A_844, %max3A : vector<16xf32>
            %min3A_875 = arith.minimumf %scan3A_844, %max3A : vector<16xf32>
            %min3A_876 = arith.minimumf %scan3A_845, %max3A_874 : vector<16xf32>
            %max3A_877 = arith.maximumf %scan3A_846, %get3A_860 : vector<16xf32>
            %min3A_878 = arith.minimumf %scan3A_846, %get3A_860 : vector<16xf32>
            %max3A_879 = arith.maximumf %scan3A_847, %max3A_877 : vector<16xf32>
            %min3A_880 = arith.minimumf %scan3A_847, %max3A_877 : vector<16xf32>
            %min3A_881 = arith.minimumf %scan3A_848, %max3A_879 : vector<16xf32>
            %max3A_882 = arith.maximumf %min3A_873, %get3A_866 : vector<16xf32>
            %min3A_883 = arith.minimumf %min3A_873, %get3A_866 : vector<16xf32>
            %max3A_884 = arith.maximumf %min3A_875, %max3A_882 : vector<16xf32>
            %min3A_885 = arith.minimumf %min3A_875, %max3A_882 : vector<16xf32>
            %min3A_886 = arith.minimumf %min3A_876, %max3A_884 : vector<16xf32>
            %max3A_887 = arith.maximumf %min3A_878, %get3A_872 : vector<16xf32>
            %min3A_888 = arith.minimumf %min3A_878, %get3A_872 : vector<16xf32>
            %max3A_889 = arith.maximumf %min3A_880, %max3A_887 : vector<16xf32>
            %min3A_890 = arith.minimumf %min3A_880, %max3A_887 : vector<16xf32>
            %min3A_891 = arith.minimumf %min3A_881, %max3A_889 : vector<16xf32>
            scf.yield %min3A_883, %min3A_885, %min3A_886, %min3A_888, %min3A_890, %min3A_891 : vector<16xf32>, vector<16xf32>, vector<16xf32>, vector<16xf32>, vector<16xf32>, vector<16xf32>
          }
          %scan3A_841 = arith.constant 64 : i32
          scf.yield %scan3A_840#0, %scan3A_840#1, %scan3A_840#2, %scan3A_840#3, %scan3A_840#4, %scan3A_840#5 : vector<16xf32>, vector<16xf32>, vector<16xf32>, vector<16xf32>, vector<16xf32>, vector<16xf32>
        } else {
          %scan3A_836 = arith.constant 0 : i32
          %scan3A_837 = arith.constant 256 : i32
          %scan3A_838 = arith.addi %scan3A_836, %scan3A_837 : i32
          %scan3A_839 = arith.constant 1 : i32
          %scan3A_840:3 = scf.for %scan3A_842 = %scan3A_836 to %scan3A_838 step %scan3A_839 iter_args(%scan3A_843 = %broadcast_in_dim3A_19, %scan3A_844 = %broadcast_in_dim3A_19, %scan3A_845 = %broadcast_in_dim3A_19) -> (vector<16xf32>, vector<16xf32>, vector<16xf32>)  : i32 {
            %mul3A_846 = arith.constant 16 : i32
            %mul3A_847 = arith.muli %scan3A_842, %mul3A_846 : i32
            %get3A_848 = arith.index_cast %mul3A_847 : i32 to index
            %get3A_849 = tpu.vector_load %arg9[%get3A_848] {strides = array<i32>} : memref<4096xf32, #tpu.memory_space<vmem>>, vector<16xf32>,
            %mul3A_850 = vector.broadcast %reduce_sum3A_418 : f32 to vector<16xf32>
            %mul3A_851 = arith.mulf %mul3A_850, %get3A_849 : vector<16xf32>
            %get3A_852 = arith.index_cast %mul3A_847 : i32 to index
            %get3A_853 = tpu.vector_load %arg8[%get3A_852] {strides = array<i32>} : memref<4096xf32, #tpu.memory_space<vmem>>, vector<16xf32>,
            %mul3A_854 = arith.mulf %mul3A_851, %get3A_853 : vector<16xf32>
            %sub3A_855 = arith.constant 1.000000e+00 : f32
            %sub3A_856 = vector.broadcast %sub3A_855 : f32 to vector<16xf32>
            %sub3A_857 = arith.subf %sub3A_856, %mul3A_851 : vector<16xf32>
            %mul3A_858 = arith.constant 3.40282347E+38 : f32
            %mul3A_859 = vector.broadcast %mul3A_858 : f32 to vector<16xf32>
            %mul3A_860 = arith.mulf %sub3A_857, %mul3A_859 : vector<16xf32>
            %add3A_861 = arith.addf %mul3A_854, %mul3A_860 : vector<16xf32>
            %swap3A_862 = arith.index_cast %mul3A_847 : i32 to index
            %swap3A_863 = tpu.vector_load %arg8[%swap3A_862] {strides = array<i32>} : memref<4096xf32, #tpu.memory_space<vmem>>, vector<16xf32>,
            tpu.vector_store %arg8[%swap3A_862], %add3A_861 {strides = array<i32>} : memref<4096xf32, #tpu.memory_space<vmem>>, vector<16xf32>,
            %max3A = arith.maximumf %scan3A_843, %add3A_861 : vector<16xf32>
            %min3A_864 = arith.minimumf %scan3A_843, %add3A_861 : vector<16xf32>
            %max3A_865 = arith.maximumf %scan3A_844, %max3A : vector<16xf32>
            %min3A_866 = arith.minimumf %scan3A_844, %max3A : vector<16xf32>
            %min3A_867 = arith.minimumf %scan3A_845, %max3A_865 : vector<16xf32>
            scf.yield %min3A_864, %min3A_866, %min3A_867 : vector<16xf32>, vector<16xf32>, vector<16xf32>
          }
          %scan3A_841 = arith.constant 256 : i32
          scf.yield %scan3A_840#0, %scan3A_840#1, %scan3A_840#2, %broadcast_in_dim3A_19, %broadcast_in_dim3A_19, %broadcast_in_dim3A_19 : vector<16xf32>, vector<16xf32>, vector<16xf32>, vector<16xf32>, vector<16xf32>, vector<16xf32>
        }
        %masked_sort3A_625 = arith.constant dense<true> : vector<16xi1>
        %masked_sort3A_626, %masked_sort3A_627, %masked_sort3A_628 = tpu.sort %cond3A_624#0, %iota3A masked %masked_sort3A_625 : (vector<16xf32>, vector<16xi32>, vector<16xi1>) -> (vector<16xi1>, vector<16xf32>, vector<16xi32>)
        %masked_sort3A_629 = arith.constant dense<true> : vector<16xi1>
        %masked_sort3A_630, %masked_sort3A_631, %masked_sort3A_632 = tpu.sort %cond3A_624#3, %iota3A masked %masked_sort3A_629 : (vector<16xf32>, vector<16xi32>, vector<16xi1>) -> (vector<16xi1>, vector<16xf32>, vector<16xi32>)
        %rev3A_633 = arith.constant 15 : i32
        %rev3A_634 = vector.broadcast %rev3A_633 : i32 to vector<16xi32>
        %rev3A_635 = tpu.iota {dimensions = array<i32: 0>} : vector<16xi32>
        %rev3A_636 = arith.subi %rev3A_634, %rev3A_635 : vector<16xi32>
        %rev3A_637 = tpu.dynamic_gather %masked_sort3A_631[%rev3A_636] in [0] : vector<16xf32>, vector<16xi32> -> vector<16xf32>
        %rev3A_638 = arith.constant 15 : i32
        %rev3A_639 = vector.broadcast %rev3A_638 : i32 to vector<16xi32>
        %rev3A_640 = tpu.iota {dimensions = array<i32: 0>} : vector<16xi32>
        %rev3A_641 = arith.subi %rev3A_639, %rev3A_640 : vector<16xi32>
        %rev3A_642 = tpu.dynamic_gather %iota3A[%rev3A_641] in [0] : vector<16xi32>, vector<16xi32> -> vector<16xi32>
        %le3A_643 = arith.cmpf ole, %masked_sort3A_627, %rev3A_637 : vector<16xf32>
        %select_n3A_644 = arith.select %le3A_643, %masked_sort3A_627, %rev3A_637 : vector<16xi1>, vector<16xf32>
        %select_n3A_645 = arith.select %le3A_643, %iota3A, %rev3A_642 : vector<16xi1>, vector<16xi32>
        %select_n3A_646 = arith.select %le3A_643, %rev3A_637, %masked_sort3A_627 : vector<16xi1>, vector<16xf32>
        %select_n3A_647 = arith.select %le3A_643, %rev3A_642, %iota3A : vector<16xi1>, vector<16xi32>
        %masked_sort3A_648 = arith.constant dense<true> : vector<16xi1>
        %masked_sort3A_649, %masked_sort3A_650, %masked_sort3A_651 = tpu.sort %select_n3A_644, %select_n3A_645 masked %masked_sort3A_648 : (vector<16xf32>, vector<16xi32>, vector<16xi1>) -> (vector<16xi1>, vector<16xf32>, vector<16xi32>)
        %masked_sort3A_652 = arith.constant dense<true> : vector<16xi1>
        %masked_sort3A_653, %masked_sort3A_654, %masked_sort3A_655 = tpu.sort %select_n3A_646, %select_n3A_647 masked %masked_sort3A_652 : (vector<16xf32>, vector<16xi32>, vector<16xi1>) -> (vector<16xi1>, vector<16xf32>, vector<16xi32>)
        %masked_sort3A_656 = arith.constant dense<true> : vector<16xi1>
        %masked_sort3A_657, %masked_sort3A_658, %masked_sort3A_659 = tpu.sort %cond3A_624#1, %iota3A masked %masked_sort3A_656 : (vector<16xf32>, vector<16xi32>, vector<16xi1>) -> (vector<16xi1>, vector<16xf32>, vector<16xi32>)
        %rev3A_660 = arith.constant 15 : i32
        %rev3A_661 = vector.broadcast %rev3A_660 : i32 to vector<16xi32>
        %rev3A_662 = tpu.iota {dimensions = array<i32: 0>} : vector<16xi32>
        %rev3A_663 = arith.subi %rev3A_661, %rev3A_662 : vector<16xi32>
        %rev3A_664 = tpu.dynamic_gather %masked_sort3A_658[%rev3A_663] in [0] : vector<16xf32>, vector<16xi32> -> vector<16xf32>
        %le3A_665 = arith.cmpf ole, %masked_sort3A_654, %rev3A_664 : vector<16xf32>
        %select_n3A_666 = arith.select %le3A_665, %masked_sort3A_654, %rev3A_664 : vector<16xi1>, vector<16xf32>
        %select_n3A_667 = arith.select %le3A_665, %iota3A, %iota3A : vector<16xi1>, vector<16xi32>
        %select_n3A_668 = arith.select %le3A_665, %rev3A_664, %masked_sort3A_654 : vector<16xi1>, vector<16xf32>
        %select_n3A_669 = arith.select %le3A_665, %iota3A, %iota3A : vector<16xi1>, vector<16xi32>
        %masked_sort3A_670 = arith.constant dense<true> : vector<16xi1>
        %masked_sort3A_671, %masked_sort3A_672, %masked_sort3A_673 = tpu.sort %select_n3A_666, %select_n3A_667 masked %masked_sort3A_670 : (vector<16xf32>, vector<16xi32>, vector<16xi1>) -> (vector<16xi1>, vector<16xf32>, vector<16xi32>)
        %rev3A_674 = arith.constant 15 : i32
        %rev3A_675 = vector.broadcast %rev3A_674 : i32 to vector<16xi32>
        %rev3A_676 = tpu.iota {dimensions = array<i32: 0>} : vector<16xi32>
        %rev3A_677 = arith.subi %rev3A_675, %rev3A_676 : vector<16xi32>
        %rev3A_678 = tpu.dynamic_gather %masked_sort3A_672[%rev3A_677] in [0] : vector<16xf32>, vector<16xi32> -> vector<16xf32>
        %rev3A_679 = arith.constant 15 : i32
        %rev3A_680 = vector.broadcast %rev3A_679 : i32 to vector<16xi32>
        %rev3A_681 = tpu.iota {dimensions = array<i32: 0>} : vector<16xi32>
        %rev3A_682 = arith.subi %rev3A_680, %rev3A_681 : vector<16xi32>
        %rev3A_683 = tpu.dynamic_gather %masked_sort3A_673[%rev3A_682] in [0] : vector<16xi32>, vector<16xi32> -> vector<16xi32>
        %le3A_684 = arith.cmpf ole, %masked_sort3A_650, %rev3A_678 : vector<16xf32>
        %select_n3A_685 = arith.select %le3A_684, %masked_sort3A_650, %rev3A_678 : vector<16xi1>, vector<16xf32>
        %select_n3A_686 = arith.select %le3A_684, %iota3A, %rev3A_683 : vector<16xi1>, vector<16xi32>
        %select_n3A_687 = arith.select %le3A_684, %rev3A_678, %masked_sort3A_650 : vector<16xi1>, vector<16xf32>
        %select_n3A_688 = arith.select %le3A_684, %rev3A_683, %iota3A : vector<16xi1>, vector<16xi32>
        %masked_sort3A_689 = arith.constant dense<true> : vector<16xi1>
        %masked_sort3A_690, %masked_sort3A_691, %masked_sort3A_692 = tpu.sort %select_n3A_685, %select_n3A_686 masked %masked_sort3A_689 : (vector<16xf32>, vector<16xi32>, vector<16xi1>) -> (vector<16xi1>, vector<16xf32>, vector<16xi32>)
        %masked_sort3A_693 = arith.constant dense<true> : vector<16xi1>
        %masked_sort3A_694, %masked_sort3A_695, %masked_sort3A_696 = tpu.sort %select_n3A_687, %select_n3A_688 masked %masked_sort3A_693 : (vector<16xf32>, vector<16xi32>, vector<16xi1>) -> (vector<16xi1>, vector<16xf32>, vector<16xi32>)
        %masked_sort3A_697 = arith.constant dense<true> : vector<16xi1>
        %masked_sort3A_698, %masked_sort3A_699, %masked_sort3A_700 = tpu.sort %cond3A_624#4, %iota3A masked %masked_sort3A_697 : (vector<16xf32>, vector<16xi32>, vector<16xi1>) -> (vector<16xi1>, vector<16xf32>, vector<16xi32>)
        %rev3A_701 = arith.constant 15 : i32
        %rev3A_702 = vector.broadcast %rev3A_701 : i32 to vector<16xi32>
        %rev3A_703 = tpu.iota {dimensions = array<i32: 0>} : vector<16xi32>
        %rev3A_704 = arith.subi %rev3A_702, %rev3A_703 : vector<16xi32>
        %rev3A_705 = tpu.dynamic_gather %masked_sort3A_699[%rev3A_704] in [0] : vector<16xf32>, vector<16xi32> -> vector<16xf32>
        %le3A_706 = arith.cmpf ole, %masked_sort3A_695, %rev3A_705 : vector<16xf32>
        %select_n3A_707 = arith.select %le3A_706, %masked_sort3A_695, %rev3A_705 : vector<16xi1>, vector<16xf32>
        %select_n3A_708 = arith.select %le3A_706, %iota3A, %iota3A : vector<16xi1>, vector<16xi32>
        %select_n3A_709 = arith.select %le3A_706, %rev3A_705, %masked_sort3A_695 : vector<16xi1>, vector<16xf32>
        %select_n3A_710 = arith.select %le3A_706, %iota3A, %iota3A : vector<16xi1>, vector<16xi32>
        %masked_sort3A_711 = arith.constant dense<true> : vector<16xi1>
        %masked_sort3A_712, %masked_sort3A_713, %masked_sort3A_714 = tpu.sort %select_n3A_707, %select_n3A_708 masked %masked_sort3A_711 : (vector<16xf32>, vector<16xi32>, vector<16xi1>) -> (vector<16xi1>, vector<16xf32>, vector<16xi32>)
        %rev3A_715 = arith.constant 15 : i32
        %rev3A_716 = vector.broadcast %rev3A_715 : i32 to vector<16xi32>
        %rev3A_717 = tpu.iota {dimensions = array<i32: 0>} : vector<16xi32>
        %rev3A_718 = arith.subi %rev3A_716, %rev3A_717 : vector<16xi32>
        %rev3A_719 = tpu.dynamic_gather %masked_sort3A_713[%rev3A_718] in [0] : vector<16xf32>, vector<16xi32> -> vector<16xf32>
        %rev3A_720 = arith.constant 15 : i32
        %rev3A_721 = vector.broadcast %rev3A_720 : i32 to vector<16xi32>
        %rev3A_722 = tpu.iota {dimensions = array<i32: 0>} : vector<16xi32>
        %rev3A_723 = arith.subi %rev3A_721, %rev3A_722 : vector<16xi32>
        %rev3A_724 = tpu.dynamic_gather %masked_sort3A_714[%rev3A_723] in [0] : vector<16xi32>, vector<16xi32> -> vector<16xi32>
        %le3A_725 = arith.cmpf ole, %masked_sort3A_691, %rev3A_719 : vector<16xf32>
        %select_n3A_726 = arith.select %le3A_725, %masked_sort3A_691, %rev3A_719 : vector<16xi1>, vector<16xf32>
        %select_n3A_727 = arith.select %le3A_725, %iota3A, %rev3A_724 : vector<16xi1>, vector<16xi32>
        %select_n3A_728 = arith.select %le3A_725, %rev3A_719, %masked_sort3A_691 : vector<16xi1>, vector<16xf32>
        %select_n3A_729 = arith.select %le3A_725, %rev3A_724, %iota3A : vector<16xi1>, vector<16xi32>
        %masked_sort3A_730 = arith.constant dense<true> : vector<16xi1>
        %masked_sort3A_731, %masked_sort3A_732, %masked_sort3A_733 = tpu.sort %select_n3A_726, %select_n3A_727 masked %masked_sort3A_730 : (vector<16xf32>, vector<16xi32>, vector<16xi1>) -> (vector<16xi1>, vector<16xf32>, vector<16xi32>)
        %masked_sort3A_734 = arith.constant dense<true> : vector<16xi1>
        %masked_sort3A_735, %masked_sort3A_736, %masked_sort3A_737 = tpu.sort %select_n3A_728, %select_n3A_729 masked %masked_sort3A_734 : (vector<16xf32>, vector<16xi32>, vector<16xi1>) -> (vector<16xi1>, vector<16xf32>, vector<16xi32>)
        %masked_sort3A_738 = arith.constant dense<true> : vector<16xi1>
        %masked_sort3A_739, %masked_sort3A_740, %masked_sort3A_741 = tpu.sort %cond3A_624#2, %iota3A masked %masked_sort3A_738 : (vector<16xf32>, vector<16xi32>, vector<16xi1>) -> (vector<16xi1>, vector<16xf32>, vector<16xi32>)
        %rev3A_742 = arith.constant 15 : i32
        %rev3A_743 = vector.broadcast %rev3A_742 : i32 to vector<16xi32>
        %rev3A_744 = tpu.iota {dimensions = array<i32: 0>} : vector<16xi32>
        %rev3A_745 = arith.subi %rev3A_743, %rev3A_744 : vector<16xi32>
        %rev3A_746 = tpu.dynamic_gather %masked_sort3A_740[%rev3A_745] in [0] : vector<16xf32>, vector<16xi32> -> vector<16xf32>
        %le3A_747 = arith.cmpf ole, %masked_sort3A_736, %rev3A_746 : vector<16xf32>
        %select_n3A_748 = arith.select %le3A_747, %masked_sort3A_736, %rev3A_746 : vector<16xi1>, vector<16xf32>
        %select_n3A_749 = arith.select %le3A_747, %iota3A, %iota3A : vector<16xi1>, vector<16xi32>
        %select_n3A_750 = arith.select %le3A_747, %rev3A_746, %masked_sort3A_736 : vector<16xi1>, vector<16xf32>
        %select_n3A_751 = arith.select %le3A_747, %iota3A, %iota3A : vector<16xi1>, vector<16xi32>
        %masked_sort3A_752 = arith.constant dense<true> : vector<16xi1>
        %masked_sort3A_753, %masked_sort3A_754, %masked_sort3A_755 = tpu.sort %select_n3A_748, %select_n3A_749 masked %masked_sort3A_752 : (vector<16xf32>, vector<16xi32>, vector<16xi1>) -> (vector<16xi1>, vector<16xf32>, vector<16xi32>)
        %rev3A_756 = arith.constant 15 : i32
        %rev3A_757 = vector.broadcast %rev3A_756 : i32 to vector<16xi32>
        %rev3A_758 = tpu.iota {dimensions = array<i32: 0>} : vector<16xi32>
        %rev3A_759 = arith.subi %rev3A_757, %rev3A_758 : vector<16xi32>
        %rev3A_760 = tpu.dynamic_gather %masked_sort3A_754[%rev3A_759] in [0] : vector<16xf32>, vector<16xi32> -> vector<16xf32>
        %rev3A_761 = arith.constant 15 : i32
        %rev3A_762 = vector.broadcast %rev3A_761 : i32 to vector<16xi32>
        %rev3A_763 = tpu.iota {dimensions = array<i32: 0>} : vector<16xi32>
        %rev3A_764 = arith.subi %rev3A_762, %rev3A_763 : vector<16xi32>
        %rev3A_765 = tpu.dynamic_gather %masked_sort3A_755[%rev3A_764] in [0] : vector<16xi32>, vector<16xi32> -> vector<16xi32>
        %le3A_766 = arith.cmpf ole, %masked_sort3A_732, %rev3A_760 : vector<16xf32>
        %select_n3A_767 = arith.select %le3A_766, %masked_sort3A_732, %rev3A_760 : vector<16xi1>, vector<16xf32>
        %select_n3A_768 = arith.select %le3A_766, %iota3A, %rev3A_765 : vector<16xi1>, vector<16xi32>
        %select_n3A_769 = arith.select %le3A_766, %rev3A_760, %masked_sort3A_732 : vector<16xi1>, vector<16xf32>
        %select_n3A_770 = arith.select %le3A_766, %rev3A_765, %iota3A : vector<16xi1>, vector<16xi32>
        %masked_sort3A_771 = arith.constant dense<true> : vector<16xi1>
        %masked_sort3A_772, %masked_sort3A_773, %masked_sort3A_774 = tpu.sort %select_n3A_767, %select_n3A_768 masked %masked_sort3A_771 : (vector<16xf32>, vector<16xi32>, vector<16xi1>) -> (vector<16xi1>, vector<16xf32>, vector<16xi32>)
        %masked_sort3A_775 = arith.constant dense<true> : vector<16xi1>
        %masked_sort3A_776, %masked_sort3A_777, %masked_sort3A_778 = tpu.sort %select_n3A_769, %select_n3A_770 masked %masked_sort3A_775 : (vector<16xf32>, vector<16xi32>, vector<16xi1>) -> (vector<16xi1>, vector<16xf32>, vector<16xi32>)
        %masked_sort3A_779 = arith.constant dense<true> : vector<16xi1>
        %masked_sort3A_780, %masked_sort3A_781, %masked_sort3A_782 = tpu.sort %cond3A_624#5, %iota3A masked %masked_sort3A_779 : (vector<16xf32>, vector<16xi32>, vector<16xi1>) -> (vector<16xi1>, vector<16xf32>, vector<16xi32>)
        %rev3A_783 = arith.constant 15 : i32
        %rev3A_784 = vector.broadcast %rev3A_783 : i32 to vector<16xi32>
        %rev3A_785 = tpu.iota {dimensions = array<i32: 0>} : vector<16xi32>
        %rev3A_786 = arith.subi %rev3A_784, %rev3A_785 : vector<16xi32>
        %rev3A_787 = tpu.dynamic_gather %masked_sort3A_781[%rev3A_786] in [0] : vector<16xf32>, vector<16xi32> -> vector<16xf32>
        %le3A_788 = arith.cmpf ole, %masked_sort3A_777, %rev3A_787 : vector<16xf32>
        %select_n3A_789 = arith.select %le3A_788, %masked_sort3A_777, %rev3A_787 : vector<16xi1>, vector<16xf32>
        %select_n3A_790 = arith.select %le3A_788, %iota3A, %iota3A : vector<16xi1>, vector<16xi32>
        %select_n3A_791 = arith.select %le3A_788, %rev3A_787, %masked_sort3A_777 : vector<16xi1>, vector<16xf32>
        %select_n3A_792 = arith.select %le3A_788, %iota3A, %iota3A : vector<16xi1>, vector<16xi32>
        %masked_sort3A_793 = arith.constant dense<true> : vector<16xi1>
        %masked_sort3A_794, %masked_sort3A_795, %masked_sort3A_796 = tpu.sort %select_n3A_789, %select_n3A_790 masked %masked_sort3A_793 : (vector<16xf32>, vector<16xi32>, vector<16xi1>) -> (vector<16xi1>, vector<16xf32>, vector<16xi32>)
        %rev3A_797 = arith.constant 15 : i32
        %rev3A_798 = vector.broadcast %rev3A_797 : i32 to vector<16xi32>
        %rev3A_799 = tpu.iota {dimensions = array<i32: 0>} : vector<16xi32>
        %rev3A_800 = arith.subi %rev3A_798, %rev3A_799 : vector<16xi32>
        %rev3A_801 = tpu.dynamic_gather %masked_sort3A_795[%rev3A_800] in [0] : vector<16xf32>, vector<16xi32> -> vector<16xf32>
        %rev3A_802 = arith.constant 15 : i32
        %rev3A_803 = vector.broadcast %rev3A_802 : i32 to vector<16xi32>
        %rev3A_804 = tpu.iota {dimensions = array<i32: 0>} : vector<16xi32>
        %rev3A_805 = arith.subi %rev3A_803, %rev3A_804 : vector<16xi32>
        %rev3A_806 = tpu.dynamic_gather %masked_sort3A_796[%rev3A_805] in [0] : vector<16xi32>, vector<16xi32> -> vector<16xi32>
        %le3A_807 = arith.cmpf ole, %masked_sort3A_773, %rev3A_801 : vector<16xf32>
        %select_n3A_808 = arith.select %le3A_807, %masked_sort3A_773, %rev3A_801 : vector<16xi1>, vector<16xf32>
        %select_n3A_809 = arith.select %le3A_807, %iota3A, %rev3A_806 : vector<16xi1>, vector<16xi32>
        %select_n3A_810 = arith.select %le3A_807, %rev3A_801, %masked_sort3A_773 : vector<16xi1>, vector<16xf32>
        %select_n3A_811 = arith.select %le3A_807, %rev3A_806, %iota3A : vector<16xi1>, vector<16xi32>
        %masked_sort3A_812 = arith.constant dense<true> : vector<16xi1>
        %masked_sort3A_813, %masked_sort3A_814, %masked_sort3A_815 = tpu.sort %select_n3A_808, %select_n3A_809 masked %masked_sort3A_812 : (vector<16xf32>, vector<16xi32>, vector<16xi1>) -> (vector<16xi1>, vector<16xf32>, vector<16xi32>)
        %masked_sort3A_816 = arith.constant dense<true> : vector<16xi1>
        %masked_sort3A_817, %masked_sort3A_818, %masked_sort3A_819 = tpu.sort %select_n3A_810, %select_n3A_811 masked %masked_sort3A_816 : (vector<16xf32>, vector<16xi32>, vector<16xi1>) -> (vector<16xi1>, vector<16xf32>, vector<16xi32>)
        %eq3A_820 = arith.constant 13 : i32
        %eq3A_821 = vector.broadcast %eq3A_820 : i32 to vector<16xi32>
        %eq3A_822 = arith.cmpi eq, %iota3A, %eq3A_821 : vector<16xi32>
        %jit3A_823 = arith.constant 0xFF800000 : f32
        %broadcast_in_dim3A_824 = vector.broadcast %jit3A_823 : f32 to vector<16xf32>
        %select_n3A_825 = arith.select %eq3A_822, %masked_sort3A_818, %broadcast_in_dim3A_824 : vector<16xi1>, vector<16xf32>
        %reduce_max3A_826 = arith.constant true
        %reduce_max3A_827 = vector.broadcast %reduce_max3A_826 : i1 to vector<16xi1>
        %reduce_max3A_828 = tpu.scan <max>, %select_n3A_825 masked %reduce_max3A_827 : vector<16xf32>, vector<16xi1> -> vector<16xf32>
        %reduce_max3A_829 = vector.extract %reduce_max3A_828[15] : f32 from vector<16xf32>
        %scan3A_830 = arith.constant 0 : i32
        %scan3A_831 = arith.constant 32 : i32
        %scan3A_832 = arith.addi %scan3A_830, %scan3A_831 : i32
        %scan3A_833 = arith.constant 1 : i32
        %scan3A_834 = scf.for %scan3A_836 = %scan3A_830 to %scan3A_832 step %scan3A_833 iter_args(%scan3A_837 = %broadcast_in_dim3A_23) -> (vector<16xi32>)  : i32 {
          %mul3A_838 = arith.constant 8 : i32
          %mul3A_839 = arith.muli %scan3A_836, %mul3A_838 : i32
          %add3A_840 = arith.constant 0 : i32
          %add3A_841 = arith.addi %mul3A_839, %add3A_840 : i32
          %mul3A_842 = arith.constant 16 : i32
          %mul3A_843 = arith.muli %add3A_841, %mul3A_842 : i32
          %get3A_844 = arith.index_cast %mul3A_843 : i32 to index
          %get3A_845 = tpu.vector_load %arg8[%get3A_844] {strides = array<i32>} : memref<4096xf32, #tpu.memory_space<vmem>>, vector<16xf32>,
          %le3A_846 = vector.broadcast %reduce_max3A_829 : f32 to vector<16xf32>
          %le3A_847 = arith.cmpf ole, %get3A_845, %le3A_846 : vector<16xf32>
          %jit3A_848 = arith.constant 1 : i32
          %jit3A_849 = arith.constant 0 : i32
          %broadcast_in_dim3A_850 = vector.broadcast %jit3A_848 : i32 to vector<16xi32>
          %broadcast_in_dim3A_851 = vector.broadcast %jit3A_849 : i32 to vector<16xi32>
          %select_n3A_852 = arith.select %le3A_847, %broadcast_in_dim3A_850, %broadcast_in_dim3A_851 : vector<16xi1>, vector<16xi32>
          %broadcast_in_dim3A_853 = arith.constant true
          %broadcast_in_dim3A_854 = vector.broadcast %broadcast_in_dim3A_853 : i1 to vector<16xi1>
          %masked_cumsum3A = tpu.scan <sum>, %select_n3A_852 masked %broadcast_in_dim3A_854 : vector<16xi32>, vector<16xi1> -> vector<16xi32>
          %add3A_855 = arith.addi %scan3A_837, %masked_cumsum3A : vector<16xi32>
          %sub3A_856 = arith.constant 1 : i32
          %sub3A_857 = vector.broadcast %sub3A_856 : i32 to vector<16xi32>
          %sub3A_858 = arith.subi %add3A_855, %sub3A_857 : vector<16xi32>
          %jit3A_859 = arith.constant 0 : i32
          %broadcast_in_dim3A_860 = vector.broadcast %jit3A_859 : i32 to vector<16xi32>
          %select_n3A_861 = arith.select %le3A_847, %sub3A_858, %broadcast_in_dim3A_860 : vector<16xi1>, vector<16xi32>
          tpu.vector_store_idx %arg10[%select_n3A_861], %get3A_845 masked %le3A_847 : memref<4112xf32, #tpu.memory_space<vmem>>[vector<16xi32>], vector<16xf32>, vector<16xi1>
          %add3A_862 = arith.constant 0 : i32
          %add3A_863 = arith.addi %mul3A_839, %add3A_862 : i32
          %mul3A_864 = arith.constant 16 : i32
          %mul3A_865 = arith.muli %add3A_863, %mul3A_864 : i32
          %add3A_866 = vector.broadcast %mul3A_865 : i32 to vector<16xi32>
          %add3A_867 = arith.addi %add3A_866, %iota3A : vector<16xi32>
          tpu.vector_store_idx %arg11[%select_n3A_861], %add3A_867 masked %le3A_847 : memref<4112xi32, #tpu.memory_space<vmem>>[vector<16xi32>], vector<16xi32>, vector<16xi1>
          %all_reduce_population_count3A = tpu.all_reduce %le3A_847 {dim = 0 : i64, kind = #tpu.reduction_kind<sum>} : vector<16xi1> -> vector<16xi32>
          %add3A_868 = arith.addi %scan3A_837, %all_reduce_population_count3A : vector<16xi32>
          %add3A_869 = arith.constant 1 : i32
          %add3A_870 = arith.addi %mul3A_839, %add3A_869 : i32
          %mul3A_871 = arith.constant 16 : i32
          %mul3A_872 = arith.muli %add3A_870, %mul3A_871 : i32
          %get3A_873 = arith.index_cast %mul3A_872 : i32 to index
          %get3A_874 = tpu.vector_load %arg8[%get3A_873] {strides = array<i32>} : memref<4096xf32, #tpu.memory_space<vmem>>, vector<16xf32>,
          %le3A_875 = vector.broadcast %reduce_max3A_829 : f32 to vector<16xf32>
          %le3A_876 = arith.cmpf ole, %get3A_874, %le3A_875 : vector<16xf32>
          %jit3A_877 = arith.constant 1 : i32
          %jit3A_878 = arith.constant 0 : i32
          %broadcast_in_dim3A_879 = vector.broadcast %jit3A_877 : i32 to vector<16xi32>
          %broadcast_in_dim3A_880 = vector.broadcast %jit3A_878 : i32 to vector<16xi32>
          %select_n3A_881 = arith.select %le3A_876, %broadcast_in_dim3A_879, %broadcast_in_dim3A_880 : vector<16xi1>, vector<16xi32>
          %broadcast_in_dim3A_882 = arith.constant true
          %broadcast_in_dim3A_883 = vector.broadcast %broadcast_in_dim3A_882 : i1 to vector<16xi1>
          %masked_cumsum3A_884 = tpu.scan <sum>, %select_n3A_881 masked %broadcast_in_dim3A_883 : vector<16xi32>, vector<16xi1> -> vector<16xi32>
          %add3A_885 = arith.addi %add3A_868, %masked_cumsum3A_884 : vector<16xi32>
          %sub3A_886 = arith.constant 1 : i32
          %sub3A_887 = vector.broadcast %sub3A_886 : i32 to vector<16xi32>
          %sub3A_888 = arith.subi %add3A_885, %sub3A_887 : vector<16xi32>
          %jit3A_889 = arith.constant 0 : i32
          %broadcast_in_dim3A_890 = vector.broadcast %jit3A_889 : i32 to vector<16xi32>
          %select_n3A_891 = arith.select %le3A_876, %sub3A_888, %broadcast_in_dim3A_890 : vector<16xi1>, vector<16xi32>
          tpu.vector_store_idx %arg10[%select_n3A_891], %get3A_874 masked %le3A_876 : memref<4112xf32, #tpu.memory_space<vmem>>[vector<16xi32>], vector<16xf32>, vector<16xi1>
          %add3A_892 = arith.constant 1 : i32
          %add3A_893 = arith.addi %mul3A_839, %add3A_892 : i32
          %mul3A_894 = arith.constant 16 : i32
          %mul3A_895 = arith.muli %add3A_893, %mul3A_894 : i32
          %add3A_896 = vector.broadcast %mul3A_895 : i32 to vector<16xi32>
          %add3A_897 = arith.addi %add3A_896, %iota3A : vector<16xi32>
          tpu.vector_store_idx %arg11[%select_n3A_891], %add3A_897 masked %le3A_876 : memref<4112xi32, #tpu.memory_space<vmem>>[vector<16xi32>], vector<16xi32>, vector<16xi1>
          %all_reduce_population_count3A_898 = tpu.all_reduce %le3A_876 {dim = 0 : i64, kind = #tpu.reduction_kind<sum>} : vector<16xi1> -> vector<16xi32>
          %add3A_899 = arith.addi %add3A_868, %all_reduce_population_count3A_898 : vector<16xi32>
          %add3A_900 = arith.constant 2 : i32
          %add3A_901 = arith.addi %mul3A_839, %add3A_900 : i32
          %mul3A_902 = arith.constant 16 : i32
          %mul3A_903 = arith.muli %add3A_901, %mul3A_902 : i32
          %get3A_904 = arith.index_cast %mul3A_903 : i32 to index
          %get3A_905 = tpu.vector_load %arg8[%get3A_904] {strides = array<i32>} : memref<4096xf32, #tpu.memory_space<vmem>>, vector<16xf32>,
          %le3A_906 = vector.broadcast %reduce_max3A_829 : f32 to vector<16xf32>
          %le3A_907 = arith.cmpf ole, %get3A_905, %le3A_906 : vector<16xf32>
          %jit3A_908 = arith.constant 1 : i32
          %jit3A_909 = arith.constant 0 : i32
          %broadcast_in_dim3A_910 = vector.broadcast %jit3A_908 : i32 to vector<16xi32>
          %broadcast_in_dim3A_911 = vector.broadcast %jit3A_909 : i32 to vector<16xi32>
          %select_n3A_912 = arith.select %le3A_907, %broadcast_in_dim3A_910, %broadcast_in_dim3A_911 : vector<16xi1>, vector<16xi32>
          %broadcast_in_dim3A_913 = arith.constant true
          %broadcast_in_dim3A_914 = vector.broadcast %broadcast_in_dim3A_913 : i1 to vector<16xi1>
          %masked_cumsum3A_915 = tpu.scan <sum>, %select_n3A_912 masked %broadcast_in_dim3A_914 : vector<16xi32>, vector<16xi1> -> vector<16xi32>
          %add3A_916 = arith.addi %add3A_899, %masked_cumsum3A_915 : vector<16xi32>
          %sub3A_917 = arith.constant 1 : i32
          %sub3A_918 = vector.broadcast %sub3A_917 : i32 to vector<16xi32>
          %sub3A_919 = arith.subi %add3A_916, %sub3A_918 : vector<16xi32>
          %jit3A_920 = arith.constant 0 : i32
          %broadcast_in_dim3A_921 = vector.broadcast %jit3A_920 : i32 to vector<16xi32>
          %select_n3A_922 = arith.select %le3A_907, %sub3A_919, %broadcast_in_dim3A_921 : vector<16xi1>, vector<16xi32>
          tpu.vector_store_idx %arg10[%select_n3A_922], %get3A_905 masked %le3A_907 : memref<4112xf32, #tpu.memory_space<vmem>>[vector<16xi32>], vector<16xf32>, vector<16xi1>
          %add3A_923 = arith.constant 2 : i32
          %add3A_924 = arith.addi %mul3A_839, %add3A_923 : i32
          %mul3A_925 = arith.constant 16 : i32
          %mul3A_926 = arith.muli %add3A_924, %mul3A_925 : i32
          %add3A_927 = vector.broadcast %mul3A_926 : i32 to vector<16xi32>
          %add3A_928 = arith.addi %add3A_927, %iota3A : vector<16xi32>
          tpu.vector_store_idx %arg11[%select_n3A_922], %add3A_928 masked %le3A_907 : memref<4112xi32, #tpu.memory_space<vmem>>[vector<16xi32>], vector<16xi32>, vector<16xi1>
          %all_reduce_population_count3A_929 = tpu.all_reduce %le3A_907 {dim = 0 : i64, kind = #tpu.reduction_kind<sum>} : vector<16xi1> -> vector<16xi32>
          %add3A_930 = arith.addi %add3A_899, %all_reduce_population_count3A_929 : vector<16xi32>
          %add3A_931 = arith.constant 3 : i32
          %add3A_932 = arith.addi %mul3A_839, %add3A_931 : i32
          %mul3A_933 = arith.constant 16 : i32
          %mul3A_934 = arith.muli %add3A_932, %mul3A_933 : i32
          %get3A_935 = arith.index_cast %mul3A_934 : i32 to index
          %get3A_936 = tpu.vector_load %arg8[%get3A_935] {strides = array<i32>} : memref<4096xf32, #tpu.memory_space<vmem>>, vector<16xf32>,
          %le3A_937 = vector.broadcast %reduce_max3A_829 : f32 to vector<16xf32>
          %le3A_938 = arith.cmpf ole, %get3A_936, %le3A_937 : vector<16xf32>
          %jit3A_939 = arith.constant 1 : i32
          %jit3A_940 = arith.constant 0 : i32
          %broadcast_in_dim3A_941 = vector.broadcast %jit3A_939 : i32 to vector<16xi32>
          %broadcast_in_dim3A_942 = vector.broadcast %jit3A_940 : i32 to vector<16xi32>
          %select_n3A_943 = arith.select %le3A_938, %broadcast_in_dim3A_941, %broadcast_in_dim3A_942 : vector<16xi1>, vector<16xi32>
          %broadcast_in_dim3A_944 = arith.constant true
          %broadcast_in_dim3A_945 = vector.broadcast %broadcast_in_dim3A_944 : i1 to vector<16xi1>
          %masked_cumsum3A_946 = tpu.scan <sum>, %select_n3A_943 masked %broadcast_in_dim3A_945 : vector<16xi32>, vector<16xi1> -> vector<16xi32>
          %add3A_947 = arith.addi %add3A_930, %masked_cumsum3A_946 : vector<16xi32>
          %sub3A_948 = arith.constant 1 : i32
          %sub3A_949 = vector.broadcast %sub3A_948 : i32 to vector<16xi32>
          %sub3A_950 = arith.subi %add3A_947, %sub3A_949 : vector<16xi32>
          %jit3A_951 = arith.constant 0 : i32
          %broadcast_in_dim3A_952 = vector.broadcast %jit3A_951 : i32 to vector<16xi32>
          %select_n3A_953 = arith.select %le3A_938, %sub3A_950, %broadcast_in_dim3A_952 : vector<16xi1>, vector<16xi32>
          tpu.vector_store_idx %arg10[%select_n3A_953], %get3A_936 masked %le3A_938 : memref<4112xf32, #tpu.memory_space<vmem>>[vector<16xi32>], vector<16xf32>, vector<16xi1>
          %add3A_954 = arith.constant 3 : i32
          %add3A_955 = arith.addi %mul3A_839, %add3A_954 : i32
          %mul3A_956 = arith.constant 16 : i32
          %mul3A_957 = arith.muli %add3A_955, %mul3A_956 : i32
          %add3A_958 = vector.broadcast %mul3A_957 : i32 to vector<16xi32>
          %add3A_959 = arith.addi %add3A_958, %iota3A : vector<16xi32>
          tpu.vector_store_idx %arg11[%select_n3A_953], %add3A_959 masked %le3A_938 : memref<4112xi32, #tpu.memory_space<vmem>>[vector<16xi32>], vector<16xi32>, vector<16xi1>
          %all_reduce_population_count3A_960 = tpu.all_reduce %le3A_938 {dim = 0 : i64, kind = #tpu.reduction_kind<sum>} : vector<16xi1> -> vector<16xi32>
          %add3A_961 = arith.addi %add3A_930, %all_reduce_population_count3A_960 : vector<16xi32>
          %add3A_962 = arith.constant 4 : i32
          %add3A_963 = arith.addi %mul3A_839, %add3A_962 : i32
          %mul3A_964 = arith.constant 16 : i32
          %mul3A_965 = arith.muli %add3A_963, %mul3A_964 : i32
          %get3A_966 = arith.index_cast %mul3A_965 : i32 to index
          %get3A_967 = tpu.vector_load %arg8[%get3A_966] {strides = array<i32>} : memref<4096xf32, #tpu.memory_space<vmem>>, vector<16xf32>,
          %le3A_968 = vector.broadcast %reduce_max3A_829 : f32 to vector<16xf32>
          %le3A_969 = arith.cmpf ole, %get3A_967, %le3A_968 : vector<16xf32>
          %jit3A_970 = arith.constant 1 : i32
          %jit3A_971 = arith.constant 0 : i32
          %broadcast_in_dim3A_972 = vector.broadcast %jit3A_970 : i32 to vector<16xi32>
          %broadcast_in_dim3A_973 = vector.broadcast %jit3A_971 : i32 to vector<16xi32>
          %select_n3A_974 = arith.select %le3A_969, %broadcast_in_dim3A_972, %broadcast_in_dim3A_973 : vector<16xi1>, vector<16xi32>
          %broadcast_in_dim3A_975 = arith.constant true
          %broadcast_in_dim3A_976 = vector.broadcast %broadcast_in_dim3A_975 : i1 to vector<16xi1>
          %masked_cumsum3A_977 = tpu.scan <sum>, %select_n3A_974 masked %broadcast_in_dim3A_976 : vector<16xi32>, vector<16xi1> -> vector<16xi32>
          %add3A_978 = arith.addi %add3A_961, %masked_cumsum3A_977 : vector<16xi32>
          %sub3A_979 = arith.constant 1 : i32
          %sub3A_980 = vector.broadcast %sub3A_979 : i32 to vector<16xi32>
          %sub3A_981 = arith.subi %add3A_978, %sub3A_980 : vector<16xi32>
          %jit3A_982 = arith.constant 0 : i32
          %broadcast_in_dim3A_983 = vector.broadcast %jit3A_982 : i32 to vector<16xi32>
          %select_n3A_984 = arith.select %le3A_969, %sub3A_981, %broadcast_in_dim3A_983 : vector<16xi1>, vector<16xi32>
          tpu.vector_store_idx %arg10[%select_n3A_984], %get3A_967 masked %le3A_969 : memref<4112xf32, #tpu.memory_space<vmem>>[vector<16xi32>], vector<16xf32>, vector<16xi1>
          %add3A_985 = arith.constant 4 : i32
          %add3A_986 = arith.addi %mul3A_839, %add3A_985 : i32
          %mul3A_987 = arith.constant 16 : i32
          %mul3A_988 = arith.muli %add3A_986, %mul3A_987 : i32
          %add3A_989 = vector.broadcast %mul3A_988 : i32 to vector<16xi32>
          %add3A_990 = arith.addi %add3A_989, %iota3A : vector<16xi32>
          tpu.vector_store_idx %arg11[%select_n3A_984], %add3A_990 masked %le3A_969 : memref<4112xi32, #tpu.memory_space<vmem>>[vector<16xi32>], vector<16xi32>, vector<16xi1>
          %all_reduce_population_count3A_991 = tpu.all_reduce %le3A_969 {dim = 0 : i64, kind = #tpu.reduction_kind<sum>} : vector<16xi1> -> vector<16xi32>
          %add3A_992 = arith.addi %add3A_961, %all_reduce_population_count3A_991 : vector<16xi32>
          %add3A_993 = arith.constant 5 : i32
          %add3A_994 = arith.addi %mul3A_839, %add3A_993 : i32
          %mul3A_995 = arith.constant 16 : i32
          %mul3A_996 = arith.muli %add3A_994, %mul3A_995 : i32
          %get3A_997 = arith.index_cast %mul3A_996 : i32 to index
          %get3A_998 = tpu.vector_load %arg8[%get3A_997] {strides = array<i32>} : memref<4096xf32, #tpu.memory_space<vmem>>, vector<16xf32>,
          %le3A_999 = vector.broadcast %reduce_max3A_829 : f32 to vector<16xf32>
          %le3A_1000 = arith.cmpf ole, %get3A_998, %le3A_999 : vector<16xf32>
          %jit3A_1001 = arith.constant 1 : i32
          %jit3A_1002 = arith.constant 0 : i32
          %broadcast_in_dim3A_1003 = vector.broadcast %jit3A_1001 : i32 to vector<16xi32>
          %broadcast_in_dim3A_1004 = vector.broadcast %jit3A_1002 : i32 to vector<16xi32>
          %select_n3A_1005 = arith.select %le3A_1000, %broadcast_in_dim3A_1003, %broadcast_in_dim3A_1004 : vector<16xi1>, vector<16xi32>
          %broadcast_in_dim3A_1006 = arith.constant true
          %broadcast_in_dim3A_1007 = vector.broadcast %broadcast_in_dim3A_1006 : i1 to vector<16xi1>
          %masked_cumsum3A_1008 = tpu.scan <sum>, %select_n3A_1005 masked %broadcast_in_dim3A_1007 : vector<16xi32>, vector<16xi1> -> vector<16xi32>
          %add3A_1009 = arith.addi %add3A_992, %masked_cumsum3A_1008 : vector<16xi32>
          %sub3A_1010 = arith.constant 1 : i32
          %sub3A_1011 = vector.broadcast %sub3A_1010 : i32 to vector<16xi32>
          %sub3A_1012 = arith.subi %add3A_1009, %sub3A_1011 : vector<16xi32>
          %jit3A_1013 = arith.constant 0 : i32
          %broadcast_in_dim3A_1014 = vector.broadcast %jit3A_1013 : i32 to vector<16xi32>
          %select_n3A_1015 = arith.select %le3A_1000, %sub3A_1012, %broadcast_in_dim3A_1014 : vector<16xi1>, vector<16xi32>
          tpu.vector_store_idx %arg10[%select_n3A_1015], %get3A_998 masked %le3A_1000 : memref<4112xf32, #tpu.memory_space<vmem>>[vector<16xi32>], vector<16xf32>, vector<16xi1>
          %add3A_1016 = arith.constant 5 : i32
          %add3A_1017 = arith.addi %mul3A_839, %add3A_1016 : i32
          %mul3A_1018 = arith.constant 16 : i32
          %mul3A_1019 = arith.muli %add3A_1017, %mul3A_1018 : i32
          %add3A_1020 = vector.broadcast %mul3A_1019 : i32 to vector<16xi32>
          %add3A_1021 = arith.addi %add3A_1020, %iota3A : vector<16xi32>
          tpu.vector_store_idx %arg11[%select_n3A_1015], %add3A_1021 masked %le3A_1000 : memref<4112xi32, #tpu.memory_space<vmem>>[vector<16xi32>], vector<16xi32>, vector<16xi1>
          %all_reduce_population_count3A_1022 = tpu.all_reduce %le3A_1000 {dim = 0 : i64, kind = #tpu.reduction_kind<sum>} : vector<16xi1> -> vector<16xi32>
          %add3A_1023 = arith.addi %add3A_992, %all_reduce_population_count3A_1022 : vector<16xi32>
          %add3A_1024 = arith.constant 6 : i32
          %add3A_1025 = arith.addi %mul3A_839, %add3A_1024 : i32
          %mul3A_1026 = arith.constant 16 : i32
          %mul3A_1027 = arith.muli %add3A_1025, %mul3A_1026 : i32
          %get3A_1028 = arith.index_cast %mul3A_1027 : i32 to index
          %get3A_1029 = tpu.vector_load %arg8[%get3A_1028] {strides = array<i32>} : memref<4096xf32, #tpu.memory_space<vmem>>, vector<16xf32>,
          %le3A_1030 = vector.broadcast %reduce_max3A_829 : f32 to vector<16xf32>
          %le3A_1031 = arith.cmpf ole, %get3A_1029, %le3A_1030 : vector<16xf32>
          %jit3A_1032 = arith.constant 1 : i32
          %jit3A_1033 = arith.constant 0 : i32
          %broadcast_in_dim3A_1034 = vector.broadcast %jit3A_1032 : i32 to vector<16xi32>
          %broadcast_in_dim3A_1035 = vector.broadcast %jit3A_1033 : i32 to vector<16xi32>
          %select_n3A_1036 = arith.select %le3A_1031, %broadcast_in_dim3A_1034, %broadcast_in_dim3A_1035 : vector<16xi1>, vector<16xi32>
          %broadcast_in_dim3A_1037 = arith.constant true
          %broadcast_in_dim3A_1038 = vector.broadcast %broadcast_in_dim3A_1037 : i1 to vector<16xi1>
          %masked_cumsum3A_1039 = tpu.scan <sum>, %select_n3A_1036 masked %broadcast_in_dim3A_1038 : vector<16xi32>, vector<16xi1> -> vector<16xi32>
          %add3A_1040 = arith.addi %add3A_1023, %masked_cumsum3A_1039 : vector<16xi32>
          %sub3A_1041 = arith.constant 1 : i32
          %sub3A_1042 = vector.broadcast %sub3A_1041 : i32 to vector<16xi32>
          %sub3A_1043 = arith.subi %add3A_1040, %sub3A_1042 : vector<16xi32>
          %jit3A_1044 = arith.constant 0 : i32
          %broadcast_in_dim3A_1045 = vector.broadcast %jit3A_1044 : i32 to vector<16xi32>
          %select_n3A_1046 = arith.select %le3A_1031, %sub3A_1043, %broadcast_in_dim3A_1045 : vector<16xi1>, vector<16xi32>
          tpu.vector_store_idx %arg10[%select_n3A_1046], %get3A_1029 masked %le3A_1031 : memref<4112xf32, #tpu.memory_space<vmem>>[vector<16xi32>], vector<16xf32>, vector<16xi1>
          %add3A_1047 = arith.constant 6 : i32
          %add3A_1048 = arith.addi %mul3A_839, %add3A_1047 : i32
          %mul3A_1049 = arith.constant 16 : i32
          %mul3A_1050 = arith.muli %add3A_1048, %mul3A_1049 : i32
          %add3A_1051 = vector.broadcast %mul3A_1050 : i32 to vector<16xi32>
          %add3A_1052 = arith.addi %add3A_1051, %iota3A : vector<16xi32>
          tpu.vector_store_idx %arg11[%select_n3A_1046], %add3A_1052 masked %le3A_1031 : memref<4112xi32, #tpu.memory_space<vmem>>[vector<16xi32>], vector<16xi32>, vector<16xi1>
          %all_reduce_population_count3A_1053 = tpu.all_reduce %le3A_1031 {dim = 0 : i64, kind = #tpu.reduction_kind<sum>} : vector<16xi1> -> vector<16xi32>
          %add3A_1054 = arith.addi %add3A_1023, %all_reduce_population_count3A_1053 : vector<16xi32>
          %add3A_1055 = arith.constant 7 : i32
          %add3A_1056 = arith.addi %mul3A_839, %add3A_1055 : i32
          %mul3A_1057 = arith.constant 16 : i32
          %mul3A_1058 = arith.muli %add3A_1056, %mul3A_1057 : i32
          %get3A_1059 = arith.index_cast %mul3A_1058 : i32 to index
          %get3A_1060 = tpu.vector_load %arg8[%get3A_1059] {strides = array<i32>} : memref<4096xf32, #tpu.memory_space<vmem>>, vector<16xf32>,
          %le3A_1061 = vector.broadcast %reduce_max3A_829 : f32 to vector<16xf32>
          %le3A_1062 = arith.cmpf ole, %get3A_1060, %le3A_1061 : vector<16xf32>
          %jit3A_1063 = arith.constant 1 : i32
          %jit3A_1064 = arith.constant 0 : i32
          %broadcast_in_dim3A_1065 = vector.broadcast %jit3A_1063 : i32 to vector<16xi32>
          %broadcast_in_dim3A_1066 = vector.broadcast %jit3A_1064 : i32 to vector<16xi32>
          %select_n3A_1067 = arith.select %le3A_1062, %broadcast_in_dim3A_1065, %broadcast_in_dim3A_1066 : vector<16xi1>, vector<16xi32>
          %broadcast_in_dim3A_1068 = arith.constant true
          %broadcast_in_dim3A_1069 = vector.broadcast %broadcast_in_dim3A_1068 : i1 to vector<16xi1>
          %masked_cumsum3A_1070 = tpu.scan <sum>, %select_n3A_1067 masked %broadcast_in_dim3A_1069 : vector<16xi32>, vector<16xi1> -> vector<16xi32>
          %add3A_1071 = arith.addi %add3A_1054, %masked_cumsum3A_1070 : vector<16xi32>
          %sub3A_1072 = arith.constant 1 : i32
          %sub3A_1073 = vector.broadcast %sub3A_1072 : i32 to vector<16xi32>
          %sub3A_1074 = arith.subi %add3A_1071, %sub3A_1073 : vector<16xi32>
          %jit3A_1075 = arith.constant 0 : i32
          %broadcast_in_dim3A_1076 = vector.broadcast %jit3A_1075 : i32 to vector<16xi32>
          %select_n3A_1077 = arith.select %le3A_1062, %sub3A_1074, %broadcast_in_dim3A_1076 : vector<16xi1>, vector<16xi32>
          tpu.vector_store_idx %arg10[%select_n3A_1077], %get3A_1060 masked %le3A_1062 : memref<4112xf32, #tpu.memory_space<vmem>>[vector<16xi32>], vector<16xf32>, vector<16xi1>
          %add3A_1078 = arith.constant 7 : i32
          %add3A_1079 = arith.addi %mul3A_839, %add3A_1078 : i32
          %mul3A_1080 = arith.constant 16 : i32
          %mul3A_1081 = arith.muli %add3A_1079, %mul3A_1080 : i32
          %add3A_1082 = vector.broadcast %mul3A_1081 : i32 to vector<16xi32>
          %add3A_1083 = arith.addi %add3A_1082, %iota3A : vector<16xi32>
          tpu.vector_store_idx %arg11[%select_n3A_1077], %add3A_1083 masked %le3A_1062 : memref<4112xi32, #tpu.memory_space<vmem>>[vector<16xi32>], vector<16xi32>, vector<16xi1>
          %all_reduce_population_count3A_1084 = tpu.all_reduce %le3A_1062 {dim = 0 : i64, kind = #tpu.reduction_kind<sum>} : vector<16xi1> -> vector<16xi32>
          %add3A_1085 = arith.addi %add3A_1054, %all_reduce_population_count3A_1084 : vector<16xi32>
          scf.yield %add3A_1085 : vector<16xi32>
        }
        %scan3A_835 = arith.constant 32 : i32
        scf.yield %scan3A_834 : vector<16xi32>
      } else {
        scf.yield %scan3A_428 : vector<16xi32>
      }
      %reduce_max3A_445 = arith.constant true
      %reduce_max3A_446 = vector.broadcast %reduce_max3A_445 : i1 to vector<16xi1>
      %reduce_max3A_447 = arith.constant -2147483648 : i32
      %reduce_max3A_448 = vector.broadcast %reduce_max3A_447 : i32 to vector<16xi32>
      %reduce_max3A_449 = arith.xori %cond3A_444, %reduce_max3A_448 : vector<16xi32>
      %reduce_max3A_450 = tpu.scan <max>, %reduce_max3A_449 masked %reduce_max3A_446 : vector<16xi32>, vector<16xi1> -> vector<16xi32>
      %reduce_max3A_451 = arith.xori %reduce_max3A_450, %reduce_max3A_448 : vector<16xi32>
      %reduce_max3A_452 = vector.extract %reduce_max3A_451[15] : i32 from vector<16xi32>
      %add3A_453 = vector.broadcast %reduce_max3A_452 : i32 to vector<16xi32>
      %add3A_454 = arith.addi %add3A_453, %iota3A : vector<16xi32>
      tpu.vector_store_idx %arg10[%add3A_454], %broadcast_in_dim3A_19 : memref<4112xf32, #tpu.memory_space<vmem>>[vector<16xi32>], vector<16xf32>,
      %add3A_455 = vector.broadcast %reduce_max3A_452 : i32 to vector<16xi32>
      %add3A_456 = arith.addi %add3A_455, %iota3A : vector<16xi32>
      tpu.vector_store_idx %arg11[%add3A_456], %broadcast_in_dim3A_21 : memref<4112xi32, #tpu.memory_space<vmem>>[vector<16xi32>], vector<16xi32>,
      %add3A_457 = arith.constant 15 : i32
      %add3A_458 = arith.addi %reduce_max3A_452, %add3A_457 : i32
      %jit3A_459 = arith.constant 16 : i32
      %div3A_460 = arith.divsi %add3A_458, %jit3A_459 : i32
      %sign3A_461 = arith.constant 0 : i32
      %sign3A_462 = arith.cmpi sgt, %add3A_458, %sign3A_461 : i32
      %sign3A_463 = arith.extui %sign3A_462 : i1 to i32
      %sign3A_464 = arith.constant 0 : i32
      %sign3A_465 = arith.cmpi slt, %add3A_458, %sign3A_464 : i32
      %sign3A_466 = arith.extui %sign3A_465 : i1 to i32
      %sign3A_467 = arith.subi %sign3A_463, %sign3A_466 : i32
      %sign3A_468 = arith.constant 0 : i32
      %sign3A_469 = arith.cmpi sgt, %jit3A_459, %sign3A_468 : i32
      %sign3A_470 = arith.extui %sign3A_469 : i1 to i32
      %sign3A_471 = arith.constant 0 : i32
      %sign3A_472 = arith.cmpi slt, %jit3A_459, %sign3A_471 : i32
      %sign3A_473 = arith.extui %sign3A_472 : i1 to i32
      %sign3A_474 = arith.subi %sign3A_470, %sign3A_473 : i32
      %ne3A_475 = arith.cmpi ne, %sign3A_467, %sign3A_474 : i32
      %rem3A_476 = arith.remsi %add3A_458, %jit3A_459 : i32
      %ne3A_477 = arith.constant 0 : i32
      %ne3A_478 = arith.cmpi ne, %rem3A_476, %ne3A_477 : i32
      %and3A_479 = arith.andi %ne3A_475, %ne3A_478 : i1
      %sub3A_480 = arith.constant 1 : i32
      %sub3A_481 = arith.subi %div3A_460, %sub3A_480 : i32
      %select_n3A_482 = arith.select %and3A_479, %sub3A_481, %div3A_460 : i32
      %get3A_483 = arith.constant 0 : index
      %get3A_484 = tpu.vector_load %arg10[%get3A_483] {strides = array<i32>} : memref<4112xf32, #tpu.memory_space<vmem>>, vector<16xf32>,
      %get3A_485 = arith.constant 0 : index
      %get3A_486 = tpu.vector_load %arg11[%get3A_485] {strides = array<i32>} : memref<4112xi32, #tpu.memory_space<vmem>>, vector<16xi32>,
      %masked_sort3A_487 = arith.constant dense<true> : vector<16xi1>
      %masked_sort3A_488, %masked_sort3A_489, %masked_sort3A_490 = tpu.sort %get3A_484, %get3A_486 masked %masked_sort3A_487 : (vector<16xf32>, vector<16xi32>, vector<16xi1>) -> (vector<16xi1>, vector<16xf32>, vector<16xi32>)
      %get3A_491 = arith.constant 16 : index
      %get3A_492 = tpu.vector_load %arg10[%get3A_491] {strides = array<i32>} : memref<4112xf32, #tpu.memory_space<vmem>>, vector<16xf32>,
      %get3A_493 = arith.constant 16 : index
      %get3A_494 = tpu.vector_load %arg11[%get3A_493] {strides = array<i32>} : memref<4112xi32, #tpu.memory_space<vmem>>, vector<16xi32>,
      %masked_sort3A_495 = arith.constant dense<true> : vector<16xi1>
      %masked_sort3A_496, %masked_sort3A_497, %masked_sort3A_498 = tpu.sort %get3A_492, %get3A_494 masked %masked_sort3A_495 : (vector<16xf32>, vector<16xi32>, vector<16xi1>) -> (vector<16xi1>, vector<16xf32>, vector<16xi32>)
      %rev3A_499 = arith.constant 15 : i32
      %rev3A_500 = vector.broadcast %rev3A_499 : i32 to vector<16xi32>
      %rev3A_501 = tpu.iota {dimensions = array<i32: 0>} : vector<16xi32>
      %rev3A_502 = arith.subi %rev3A_500, %rev3A_501 : vector<16xi32>
      %rev3A_503 = tpu.dynamic_gather %masked_sort3A_497[%rev3A_502] in [0] : vector<16xf32>, vector<16xi32> -> vector<16xf32>
      %rev3A_504 = arith.constant 15 : i32
      %rev3A_505 = vector.broadcast %rev3A_504 : i32 to vector<16xi32>
      %rev3A_506 = tpu.iota {dimensions = array<i32: 0>} : vector<16xi32>
      %rev3A_507 = arith.subi %rev3A_505, %rev3A_506 : vector<16xi32>
      %rev3A_508 = tpu.dynamic_gather %masked_sort3A_498[%rev3A_507] in [0] : vector<16xi32>, vector<16xi32> -> vector<16xi32>
      %le3A_509 = arith.cmpf ole, %masked_sort3A_489, %rev3A_503 : vector<16xf32>
      %select_n3A_510 = arith.select %le3A_509, %masked_sort3A_489, %rev3A_503 : vector<16xi1>, vector<16xf32>
      %select_n3A_511 = arith.select %le3A_509, %masked_sort3A_490, %rev3A_508 : vector<16xi1>, vector<16xi32>
      %select_n3A_512 = arith.select %le3A_509, %rev3A_503, %masked_sort3A_489 : vector<16xi1>, vector<16xf32>
      %select_n3A_513 = arith.select %le3A_509, %rev3A_508, %masked_sort3A_490 : vector<16xi1>, vector<16xi32>
      %masked_sort3A_514 = arith.constant dense<true> : vector<16xi1>
      %masked_sort3A_515, %masked_sort3A_516, %masked_sort3A_517 = tpu.sort %select_n3A_510, %select_n3A_511 masked %masked_sort3A_514 : (vector<16xf32>, vector<16xi32>, vector<16xi1>) -> (vector<16xi1>, vector<16xf32>, vector<16xi32>)
      %masked_sort3A_518 = arith.constant dense<true> : vector<16xi1>
      %masked_sort3A_519, %masked_sort3A_520, %masked_sort3A_521 = tpu.sort %select_n3A_512, %select_n3A_513 masked %masked_sort3A_518 : (vector<16xf32>, vector<16xi32>, vector<16xi1>) -> (vector<16xi1>, vector<16xf32>, vector<16xi32>)
      %while3A_522 = arith.constant 2 : i32
      %while3A_523 = arith.subi %select_n3A_482, %while3A_522 : i32
      %while3A_524 = arith.addi %while3A_522, %while3A_523 : i32
      %while3A_525 = arith.constant 1 : i32
      %while3A_526 = arith.divsi %while3A_523, %while3A_525 : i32
      %while3A_527 = arith.muli %while3A_526, %while3A_525 : i32
      %while3A_528 = arith.addi %while3A_522, %while3A_527 : i32
      %while3A_529 = arith.constant 1 : i32
      %while3A_530:4 = scf.for %while3A_620 = %while3A_522 to %while3A_528 step %while3A_529 iter_args(%while3A_621 = %masked_sort3A_516, %while3A_622 = %masked_sort3A_517, %while3A_623 = %masked_sort3A_520, %while3A_624 = %masked_sort3A_521) -> (vector<16xf32>, vector<16xi32>, vector<16xf32>, vector<16xi32>)  : i32 {
        %mul3A_625 = arith.constant 16 : i32
        %mul3A_626 = arith.muli %while3A_620, %mul3A_625 : i32
        %get3A_627 = arith.index_cast %mul3A_626 : i32 to index
        %get3A_628 = tpu.vector_load %arg10[%get3A_627] {strides = array<i32>} : memref<4112xf32, #tpu.memory_space<vmem>>, vector<16xf32>,
        %mul3A_629 = arith.constant 16 : i32
        %mul3A_630 = arith.muli %while3A_620, %mul3A_629 : i32
        %get3A_631 = arith.index_cast %mul3A_630 : i32 to index
        %get3A_632 = tpu.vector_load %arg11[%get3A_631] {strides = array<i32>} : memref<4112xi32, #tpu.memory_space<vmem>>, vector<16xi32>,
        %masked_sort3A_633 = arith.constant dense<true> : vector<16xi1>
        %masked_sort3A_634, %masked_sort3A_635, %masked_sort3A_636 = tpu.sort %get3A_628, %get3A_632 masked %masked_sort3A_633 : (vector<16xf32>, vector<16xi32>, vector<16xi1>) -> (vector<16xi1>, vector<16xf32>, vector<16xi32>)
        %rev3A_637 = arith.constant 15 : i32
        %rev3A_638 = vector.broadcast %rev3A_637 : i32 to vector<16xi32>
        %rev3A_639 = tpu.iota {dimensions = array<i32: 0>} : vector<16xi32>
        %rev3A_640 = arith.subi %rev3A_638, %rev3A_639 : vector<16xi32>
        %rev3A_641 = tpu.dynamic_gather %masked_sort3A_635[%rev3A_640] in [0] : vector<16xf32>, vector<16xi32> -> vector<16xf32>
        %rev3A_642 = arith.constant 15 : i32
        %rev3A_643 = vector.broadcast %rev3A_642 : i32 to vector<16xi32>
        %rev3A_644 = tpu.iota {dimensions = array<i32: 0>} : vector<16xi32>
        %rev3A_645 = arith.subi %rev3A_643, %rev3A_644 : vector<16xi32>
        %rev3A_646 = tpu.dynamic_gather %masked_sort3A_636[%rev3A_645] in [0] : vector<16xi32>, vector<16xi32> -> vector<16xi32>
        %le3A_647 = arith.cmpf ole, %while3A_623, %rev3A_641 : vector<16xf32>
        %select_n3A_648 = arith.select %le3A_647, %while3A_623, %rev3A_641 : vector<16xi1>, vector<16xf32>
        %select_n3A_649 = arith.select %le3A_647, %while3A_624, %rev3A_646 : vector<16xi1>, vector<16xi32>
        %select_n3A_650 = arith.select %le3A_647, %rev3A_641, %while3A_623 : vector<16xi1>, vector<16xf32>
        %select_n3A_651 = arith.select %le3A_647, %rev3A_646, %while3A_624 : vector<16xi1>, vector<16xi32>
        %masked_sort3A_652 = arith.constant dense<true> : vector<16xi1>
        %masked_sort3A_653, %masked_sort3A_654, %masked_sort3A_655 = tpu.sort %select_n3A_648, %select_n3A_649 masked %masked_sort3A_652 : (vector<16xf32>, vector<16xi32>, vector<16xi1>) -> (vector<16xi1>, vector<16xf32>, vector<16xi32>)
        %rev3A_656 = arith.constant 15 : i32
        %rev3A_657 = vector.broadcast %rev3A_656 : i32 to vector<16xi32>
        %rev3A_658 = tpu.iota {dimensions = array<i32: 0>} : vector<16xi32>
        %rev3A_659 = arith.subi %rev3A_657, %rev3A_658 : vector<16xi32>
        %rev3A_660 = tpu.dynamic_gather %masked_sort3A_654[%rev3A_659] in [0] : vector<16xf32>, vector<16xi32> -> vector<16xf32>
        %rev3A_661 = arith.constant 15 : i32
        %rev3A_662 = vector.broadcast %rev3A_661 : i32 to vector<16xi32>
        %rev3A_663 = tpu.iota {dimensions = array<i32: 0>} : vector<16xi32>
        %rev3A_664 = arith.subi %rev3A_662, %rev3A_663 : vector<16xi32>
        %rev3A_665 = tpu.dynamic_gather %masked_sort3A_655[%rev3A_664] in [0] : vector<16xi32>, vector<16xi32> -> vector<16xi32>
        %le3A_666 = arith.cmpf ole, %while3A_621, %rev3A_660 : vector<16xf32>
        %select_n3A_667 = arith.select %le3A_666, %while3A_621, %rev3A_660 : vector<16xi1>, vector<16xf32>
        %select_n3A_668 = arith.select %le3A_666, %while3A_622, %rev3A_665 : vector<16xi1>, vector<16xi32>
        %select_n3A_669 = arith.select %le3A_666, %rev3A_660, %while3A_621 : vector<16xi1>, vector<16xf32>
        %select_n3A_670 = arith.select %le3A_666, %rev3A_665, %while3A_622 : vector<16xi1>, vector<16xi32>
        %masked_sort3A_671 = arith.constant dense<true> : vector<16xi1>
        %masked_sort3A_672, %masked_sort3A_673, %masked_sort3A_674 = tpu.sort %select_n3A_667, %select_n3A_668 masked %masked_sort3A_671 : (vector<16xf32>, vector<16xi32>, vector<16xi1>) -> (vector<16xi1>, vector<16xf32>, vector<16xi32>)
        %masked_sort3A_675 = arith.constant dense<true> : vector<16xi1>
        %masked_sort3A_676, %masked_sort3A_677, %masked_sort3A_678 = tpu.sort %select_n3A_669, %select_n3A_670 masked %masked_sort3A_675 : (vector<16xf32>, vector<16xi32>, vector<16xi1>) -> (vector<16xi1>, vector<16xf32>, vector<16xi32>)
        scf.yield %masked_sort3A_673, %masked_sort3A_674, %masked_sort3A_677, %masked_sort3A_678 : vector<16xf32>, vector<16xi32>, vector<16xf32>, vector<16xi32>
      }
      %while3A_531 = arith.constant 1 : i32
      %while3A_532:4 = scf.for %while3A_620 = %while3A_528 to %while3A_524 step %while3A_531 iter_args(%while3A_621 = %while3A_530#0, %while3A_622 = %while3A_530#1, %while3A_623 = %while3A_530#2, %while3A_624 = %while3A_530#3) -> (vector<16xf32>, vector<16xi32>, vector<16xf32>, vector<16xi32>)  : i32 {
        %mul3A_625 = arith.constant 16 : i32
        %mul3A_626 = arith.muli %while3A_620, %mul3A_625 : i32
        %get3A_627 = arith.index_cast %mul3A_626 : i32 to index
        %get3A_628 = tpu.vector_load %arg10[%get3A_627] {strides = array<i32>} : memref<4112xf32, #tpu.memory_space<vmem>>, vector<16xf32>,
        %mul3A_629 = arith.constant 16 : i32
        %mul3A_630 = arith.muli %while3A_620, %mul3A_629 : i32
        %get3A_631 = arith.index_cast %mul3A_630 : i32 to index
        %get3A_632 = tpu.vector_load %arg11[%get3A_631] {strides = array<i32>} : memref<4112xi32, #tpu.memory_space<vmem>>, vector<16xi32>,
        %masked_sort3A_633 = arith.constant dense<true> : vector<16xi1>
        %masked_sort3A_634, %masked_sort3A_635, %masked_sort3A_636 = tpu.sort %get3A_628, %get3A_632 masked %masked_sort3A_633 : (vector<16xf32>, vector<16xi32>, vector<16xi1>) -> (vector<16xi1>, vector<16xf32>, vector<16xi32>)
        %rev3A_637 = arith.constant 15 : i32
        %rev3A_638 = vector.broadcast %rev3A_637 : i32 to vector<16xi32>
        %rev3A_639 = tpu.iota {dimensions = array<i32: 0>} : vector<16xi32>
        %rev3A_640 = arith.subi %rev3A_638, %rev3A_639 : vector<16xi32>
        %rev3A_641 = tpu.dynamic_gather %masked_sort3A_635[%rev3A_640] in [0] : vector<16xf32>, vector<16xi32> -> vector<16xf32>
        %rev3A_642 = arith.constant 15 : i32
        %rev3A_643 = vector.broadcast %rev3A_642 : i32 to vector<16xi32>
        %rev3A_644 = tpu.iota {dimensions = array<i32: 0>} : vector<16xi32>
        %rev3A_645 = arith.subi %rev3A_643, %rev3A_644 : vector<16xi32>
        %rev3A_646 = tpu.dynamic_gather %masked_sort3A_636[%rev3A_645] in [0] : vector<16xi32>, vector<16xi32> -> vector<16xi32>
        %le3A_647 = arith.cmpf ole, %while3A_623, %rev3A_641 : vector<16xf32>
        %select_n3A_648 = arith.select %le3A_647, %while3A_623, %rev3A_641 : vector<16xi1>, vector<16xf32>
        %select_n3A_649 = arith.select %le3A_647, %while3A_624, %rev3A_646 : vector<16xi1>, vector<16xi32>
        %select_n3A_650 = arith.select %le3A_647, %rev3A_641, %while3A_623 : vector<16xi1>, vector<16xf32>
        %select_n3A_651 = arith.select %le3A_647, %rev3A_646, %while3A_624 : vector<16xi1>, vector<16xi32>
        %masked_sort3A_652 = arith.constant dense<true> : vector<16xi1>
        %masked_sort3A_653, %masked_sort3A_654, %masked_sort3A_655 = tpu.sort %select_n3A_648, %select_n3A_649 masked %masked_sort3A_652 : (vector<16xf32>, vector<16xi32>, vector<16xi1>) -> (vector<16xi1>, vector<16xf32>, vector<16xi32>)
        %rev3A_656 = arith.constant 15 : i32
        %rev3A_657 = vector.broadcast %rev3A_656 : i32 to vector<16xi32>
        %rev3A_658 = tpu.iota {dimensions = array<i32: 0>} : vector<16xi32>
        %rev3A_659 = arith.subi %rev3A_657, %rev3A_658 : vector<16xi32>
        %rev3A_660 = tpu.dynamic_gather %masked_sort3A_654[%rev3A_659] in [0] : vector<16xf32>, vector<16xi32> -> vector<16xf32>
        %rev3A_661 = arith.constant 15 : i32
        %rev3A_662 = vector.broadcast %rev3A_661 : i32 to vector<16xi32>
        %rev3A_663 = tpu.iota {dimensions = array<i32: 0>} : vector<16xi32>
        %rev3A_664 = arith.subi %rev3A_662, %rev3A_663 : vector<16xi32>
        %rev3A_665 = tpu.dynamic_gather %masked_sort3A_655[%rev3A_664] in [0] : vector<16xi32>, vector<16xi32> -> vector<16xi32>
        %le3A_666 = arith.cmpf ole, %while3A_621, %rev3A_660 : vector<16xf32>
        %select_n3A_667 = arith.select %le3A_666, %while3A_621, %rev3A_660 : vector<16xi1>, vector<16xf32>
        %select_n3A_668 = arith.select %le3A_666, %while3A_622, %rev3A_665 : vector<16xi1>, vector<16xi32>
        %select_n3A_669 = arith.select %le3A_666, %rev3A_660, %while3A_621 : vector<16xi1>, vector<16xf32>
        %select_n3A_670 = arith.select %le3A_666, %rev3A_665, %while3A_622 : vector<16xi1>, vector<16xi32>
        %masked_sort3A_671 = arith.constant dense<true> : vector<16xi1>
        %masked_sort3A_672, %masked_sort3A_673, %masked_sort3A_674 = tpu.sort %select_n3A_667, %select_n3A_668 masked %masked_sort3A_671 : (vector<16xf32>, vector<16xi32>, vector<16xi1>) -> (vector<16xi1>, vector<16xf32>, vector<16xi32>)
        %masked_sort3A_675 = arith.constant dense<true> : vector<16xi1>
        %masked_sort3A_676, %masked_sort3A_677, %masked_sort3A_678 = tpu.sort %select_n3A_669, %select_n3A_670 masked %masked_sort3A_675 : (vector<16xf32>, vector<16xi32>, vector<16xi1>) -> (vector<16xi1>, vector<16xf32>, vector<16xi32>)
        scf.yield %masked_sort3A_673, %masked_sort3A_674, %masked_sort3A_677, %masked_sort3A_678 : vector<16xf32>, vector<16xi32>, vector<16xf32>, vector<16xi32>
      }
      %swap3A_533 = arith.constant 0 : index
      %swap3A_534 = tpu.vector_load %arg12[%swap3A_533] {strides = array<i32>} : memref<48xf32, #tpu.memory_space<vmem>>, vector<16xf32>,
      tpu.vector_store %arg12[%swap3A_533], %while3A_532#0 {strides = array<i32>} : memref<48xf32, #tpu.memory_space<vmem>>, vector<16xf32>,
      %swap3A_535 = arith.constant 16 : index
      %swap3A_536 = tpu.vector_load %arg12[%swap3A_535] {strides = array<i32>} : memref<48xf32, #tpu.memory_space<vmem>>, vector<16xf32>,
      tpu.vector_store %arg12[%swap3A_535], %while3A_532#2 {strides = array<i32>} : memref<48xf32, #tpu.memory_space<vmem>>, vector<16xf32>,
      %swap3A_537 = arith.constant 32 : index
      %swap3A_538 = tpu.vector_load %arg12[%swap3A_537] {strides = array<i32>} : memref<48xf32, #tpu.memory_space<vmem>>, vector<16xf32>,
      tpu.vector_store %arg12[%swap3A_537], %broadcast_in_dim3A_19 {strides = array<i32>} : memref<48xf32, #tpu.memory_space<vmem>>, vector<16xf32>,
      %get3A_539 = arith.constant 0 : index
      %get3A_540 = tpu.vector_load %arg12[%get3A_539] {strides = array<i32>} : memref<48xf32, #tpu.memory_space<vmem>>, vector<16xf32>,
      %get3A_541 = arith.constant 1 : index
      %get3A_542 = tpu.vector_load %arg12[%get3A_541] {strides = array<i32>} : memref<48xf32, #tpu.memory_space<vmem>>, vector<16xf32>,
      %eq3A_543 = arith.cmpf oeq, %get3A_540, %get3A_542 : vector<16xf32>
      %reduce_or3A_544 = arith.constant 1.000000e+00 : f32
      %reduce_or3A_545 = arith.constant 0.000000e+00 : f32
      %reduce_or3A_546 = vector.broadcast %reduce_or3A_544 : f32 to vector<16xf32>
      %reduce_or3A_547 = vector.broadcast %reduce_or3A_545 : f32 to vector<16xf32>
      %reduce_or3A_548 = arith.select %eq3A_543, %reduce_or3A_546, %reduce_or3A_547 : vector<16xi1>, vector<16xf32>
      %reduce_or3A_549 = arith.constant true
      %reduce_or3A_550 = vector.broadcast %reduce_or3A_549 : i1 to vector<16xi1>
      %reduce_or3A_551 = tpu.scan <max>, %reduce_or3A_548 masked %reduce_or3A_550 : vector<16xf32>, vector<16xi1> -> vector<16xf32>
      %reduce_or3A_552 = vector.extract %reduce_or3A_551[15] : f32 from vector<16xf32>
      %reduce_or3A_553 = arith.constant 0.000000e+00 : f32
      %reduce_or3A_554 = arith.cmpf ogt, %reduce_or3A_552, %reduce_or3A_553 : f32
      %get3A_555 = arith.constant 16 : index
      %get3A_556 = tpu.vector_load %arg12[%get3A_555] {strides = array<i32>} : memref<48xf32, #tpu.memory_space<vmem>>, vector<16xf32>,
      %get3A_557 = arith.constant 17 : index
      %get3A_558 = tpu.vector_load %arg12[%get3A_557] {strides = array<i32>} : memref<48xf32, #tpu.memory_space<vmem>>, vector<16xf32>,
      %eq3A_559 = arith.cmpf oeq, %get3A_556, %get3A_558 : vector<16xf32>
      %lt3A_560 = arith.constant 14 : i32
      %lt3A_561 = vector.broadcast %lt3A_560 : i32 to vector<16xi32>
      %lt3A_562 = arith.cmpi slt, %iota3A, %lt3A_561 : vector<16xi32>
      %and3A_563 = arith.andi %eq3A_559, %lt3A_562 : vector<16xi1>
      %reduce_or3A_564 = arith.constant 1.000000e+00 : f32
      %reduce_or3A_565 = arith.constant 0.000000e+00 : f32
      %reduce_or3A_566 = vector.broadcast %reduce_or3A_564 : f32 to vector<16xf32>
      %reduce_or3A_567 = vector.broadcast %reduce_or3A_565 : f32 to vector<16xf32>
      %reduce_or3A_568 = arith.select %and3A_563, %reduce_or3A_566, %reduce_or3A_567 : vector<16xi1>, vector<16xf32>
      %reduce_or3A_569 = arith.constant true
      %reduce_or3A_570 = vector.broadcast %reduce_or3A_569 : i1 to vector<16xi1>
      %reduce_or3A_571 = tpu.scan <max>, %reduce_or3A_568 masked %reduce_or3A_570 : vector<16xf32>, vector<16xi1> -> vector<16xf32>
      %reduce_or3A_572 = vector.extract %reduce_or3A_571[15] : f32 from vector<16xf32>
      %reduce_or3A_573 = arith.constant 0.000000e+00 : f32
      %reduce_or3A_574 = arith.cmpf ogt, %reduce_or3A_572, %reduce_or3A_573 : f32
      %or3A_575 = arith.ori %reduce_or3A_554, %reduce_or3A_574 : i1
      %convert_element_type3A_576 = arith.extui %or3A_575 : i1 to i32
      %cond3A_577 = arith.constant 0 : i32
      %cond3A_578 = arith.constant 0 : i32
      %cond3A_579 = arith.cmpi ne, %convert_element_type3A_576, %cond3A_578 : i32
      %cond3A_580:4 = scf.if %cond3A_579 -> (vector<16xf32>, vector<16xf32>, vector<16xi32>, vector<16xi32>) {
        %broadcast_in_dim3A_620 = arith.constant 0.000000e+00 : f32
        %broadcast_in_dim3A_621 = vector.broadcast %broadcast_in_dim3A_620 : f32 to vector<16xf32>
        %scan3A_622 = arith.constant 0 : i32
        %scan3A_623 = arith.constant 30 : i32
        %scan3A_624 = arith.addi %scan3A_622, %scan3A_623 : i32
        %scan3A_625 = arith.constant 1 : i32
        %scan3A_626:4 = scf.for %scan3A_628 = %scan3A_622 to %scan3A_624 step %scan3A_625 iter_args(%scan3A_629 = %broadcast_in_dim3A_621, %scan3A_630 = %broadcast_in_dim3A_621, %scan3A_631 = %broadcast_in_dim3A_23, %scan3A_632 = %broadcast_in_dim3A_23) -> (vector<16xf32>, vector<16xf32>, vector<16xi32>, vector<16xi32>)  : i32 {
          %while3A_633 = arith.constant 0 : i32
          %while3A_634 = arith.subi %select_n3A_482, %while3A_633 : i32
          %while3A_635 = arith.addi %while3A_633, %while3A_634 : i32
          %while3A_636 = arith.constant 1 : i32
          %while3A_637 = arith.divsi %while3A_634, %while3A_636 : i32
          %while3A_638 = arith.muli %while3A_637, %while3A_636 : i32
          %while3A_639 = arith.addi %while3A_633, %while3A_638 : i32
          %while3A_640 = arith.constant 1 : i32
          %while3A_641 = scf.for %while3A_717 = %while3A_633 to %while3A_639 step %while3A_640 iter_args(%while3A_718 = %broadcast_in_dim3A_19) -> (vector<16xf32>)  : i32 {
            %mul3A_719 = arith.constant 16 : i32
            %mul3A_720 = arith.muli %while3A_717, %mul3A_719 : i32
            %get3A_721 = arith.index_cast %mul3A_720 : i32 to index
            %get3A_722 = tpu.vector_load %arg10[%get3A_721] {strides = array<i32>} : memref<4112xf32, #tpu.memory_space<vmem>>, vector<16xf32>,
            %min3A_723 = arith.minimumf %while3A_718, %get3A_722 : vector<16xf32>
            scf.yield %min3A_723 : vector<16xf32>
          }
          %while3A_642 = arith.constant 1 : i32
          %while3A_643 = scf.for %while3A_717 = %while3A_639 to %while3A_635 step %while3A_642 iter_args(%while3A_718 = %while3A_641) -> (vector<16xf32>)  : i32 {
            %mul3A_719 = arith.constant 16 : i32
            %mul3A_720 = arith.muli %while3A_717, %mul3A_719 : i32
            %get3A_721 = arith.index_cast %mul3A_720 : i32 to index
            %get3A_722 = tpu.vector_load %arg10[%get3A_721] {strides = array<i32>} : memref<4112xf32, #tpu.memory_space<vmem>>, vector<16xf32>,
            %min3A_723 = arith.minimumf %while3A_718, %get3A_722 : vector<16xf32>
            scf.yield %min3A_723 : vector<16xf32>
          }
          %reduce_min3A_644 = arith.constant true
          %reduce_min3A_645 = vector.broadcast %reduce_min3A_644 : i1 to vector<16xi1>
          %reduce_min3A_646 = tpu.scan <min>, %while3A_643 masked %reduce_min3A_645 : vector<16xf32>, vector<16xi1> -> vector<16xf32>
          %reduce_min3A_647 = vector.extract %reduce_min3A_646[15] : f32 from vector<16xf32>
          %while3A_648 = arith.constant 0 : i32
          %while3A_649 = arith.subi %select_n3A_482, %while3A_648 : i32
          %while3A_650 = arith.addi %while3A_648, %while3A_649 : i32
          %while3A_651 = arith.constant 1 : i32
          %while3A_652 = arith.divsi %while3A_649, %while3A_651 : i32
          %while3A_653 = arith.muli %while3A_652, %while3A_651 : i32
          %while3A_654 = arith.addi %while3A_648, %while3A_653 : i32
          %while3A_655 = arith.constant 1 : i32
          %while3A_656:2 = scf.for %while3A_717 = %while3A_648 to %while3A_654 step %while3A_655 iter_args(%while3A_718 = %broadcast_in_dim3A_21, %while3A_719 = %broadcast_in_dim3A_21) -> (vector<16xi32>, vector<16xi32>)  : i32 {
            %mul3A_720 = arith.constant 16 : i32
            %mul3A_721 = arith.muli %while3A_717, %mul3A_720 : i32
            %get3A_722 = arith.index_cast %mul3A_721 : i32 to index
            %get3A_723 = tpu.vector_load %arg10[%get3A_722] {strides = array<i32>} : memref<4112xf32, #tpu.memory_space<vmem>>, vector<16xf32>,
            %mul3A_724 = arith.constant 16 : i32
            %mul3A_725 = arith.muli %while3A_717, %mul3A_724 : i32
            %get3A_726 = arith.index_cast %mul3A_725 : i32 to index
            %get3A_727 = tpu.vector_load %arg11[%get3A_726] {strides = array<i32>} : memref<4112xi32, #tpu.memory_space<vmem>>, vector<16xi32>,
            %eq3A_728 = vector.broadcast %reduce_min3A_647 : f32 to vector<16xf32>
            %eq3A_729 = arith.cmpf oeq, %get3A_723, %eq3A_728 : vector<16xf32>
            %lt3A_730 = arith.cmpi slt, %get3A_727, %while3A_718 : vector<16xi32>
            %and3A_731 = arith.andi %eq3A_729, %lt3A_730 : vector<16xi1>
            %select_n3A_732 = arith.select %and3A_731, %get3A_727, %while3A_718 : vector<16xi1>, vector<16xi32>
            %mul3A_733 = arith.constant 16 : i32
            %mul3A_734 = arith.muli %while3A_717, %mul3A_733 : i32
            %add3A_735 = vector.broadcast %mul3A_734 : i32 to vector<16xi32>
            %add3A_736 = arith.addi %add3A_735, %iota3A : vector<16xi32>
            %select_n3A_737 = arith.select %and3A_731, %add3A_736, %while3A_719 : vector<16xi1>, vector<16xi32>
            scf.yield %select_n3A_732, %select_n3A_737 : vector<16xi32>, vector<16xi32>
          }
          %while3A_657 = arith.constant 1 : i32
          %while3A_658:2 = scf.for %while3A_717 = %while3A_654 to %while3A_650 step %while3A_657 iter_args(%while3A_718 = %while3A_656#0, %while3A_719 = %while3A_656#1) -> (vector<16xi32>, vector<16xi32>)  : i32 {
            %mul3A_720 = arith.constant 16 : i32
            %mul3A_721 = arith.muli %while3A_717, %mul3A_720 : i32
            %get3A_722 = arith.index_cast %mul3A_721 : i32 to index
            %get3A_723 = tpu.vector_load %arg10[%get3A_722] {strides = array<i32>} : memref<4112xf32, #tpu.memory_space<vmem>>, vector<16xf32>,
            %mul3A_724 = arith.constant 16 : i32
            %mul3A_725 = arith.muli %while3A_717, %mul3A_724 : i32
            %get3A_726 = arith.index_cast %mul3A_725 : i32 to index
            %get3A_727 = tpu.vector_load %arg11[%get3A_726] {strides = array<i32>} : memref<4112xi32, #tpu.memory_space<vmem>>, vector<16xi32>,
            %eq3A_728 = vector.broadcast %reduce_min3A_647 : f32 to vector<16xf32>
            %eq3A_729 = arith.cmpf oeq, %get3A_723, %eq3A_728 : vector<16xf32>
            %lt3A_730 = arith.cmpi slt, %get3A_727, %while3A_718 : vector<16xi32>
            %and3A_731 = arith.andi %eq3A_729, %lt3A_730 : vector<16xi1>
            %select_n3A_732 = arith.select %and3A_731, %get3A_727, %while3A_718 : vector<16xi1>, vector<16xi32>
            %mul3A_733 = arith.constant 16 : i32
            %mul3A_734 = arith.muli %while3A_717, %mul3A_733 : i32
            %add3A_735 = vector.broadcast %mul3A_734 : i32 to vector<16xi32>
            %add3A_736 = arith.addi %add3A_735, %iota3A : vector<16xi32>
            %select_n3A_737 = arith.select %and3A_731, %add3A_736, %while3A_719 : vector<16xi1>, vector<16xi32>
            scf.yield %select_n3A_732, %select_n3A_737 : vector<16xi32>, vector<16xi32>
          }
          %reduce_min3A_659 = arith.constant true
          %reduce_min3A_660 = vector.broadcast %reduce_min3A_659 : i1 to vector<16xi1>
          %reduce_min3A_661 = arith.constant -2147483648 : i32
          %reduce_min3A_662 = vector.broadcast %reduce_min3A_661 : i32 to vector<16xi32>
          %reduce_min3A_663 = arith.xori %while3A_658#0, %reduce_min3A_662 : vector<16xi32>
          %reduce_min3A_664 = tpu.scan <min>, %reduce_min3A_663 masked %reduce_min3A_660 : vector<16xi32>, vector<16xi1> -> vector<16xi32>
          %reduce_min3A_665 = arith.xori %reduce_min3A_664, %reduce_min3A_662 : vector<16xi32>
          %reduce_min3A_666 = vector.extract %reduce_min3A_665[15] : i32 from vector<16xi32>
          %eq3A_667 = vector.broadcast %reduce_min3A_666 : i32 to vector<16xi32>
          %eq3A_668 = arith.cmpi eq, %while3A_658#0, %eq3A_667 : vector<16xi32>
          %jit3A_669 = arith.constant 2147483647 : i32
          %broadcast_in_dim3A_670 = vector.broadcast %jit3A_669 : i32 to vector<16xi32>
          %select_n3A_671 = arith.select %eq3A_668, %while3A_658#1, %broadcast_in_dim3A_670 : vector<16xi1>, vector<16xi32>
          %reduce_min3A_672 = arith.constant true
          %reduce_min3A_673 = vector.broadcast %reduce_min3A_672 : i1 to vector<16xi1>
          %reduce_min3A_674 = arith.constant -2147483648 : i32
          %reduce_min3A_675 = vector.broadcast %reduce_min3A_674 : i32 to vector<16xi32>
          %reduce_min3A_676 = arith.xori %select_n3A_671, %reduce_min3A_675 : vector<16xi32>
          %reduce_min3A_677 = tpu.scan <min>, %reduce_min3A_676 masked %reduce_min3A_673 : vector<16xi32>, vector<16xi1> -> vector<16xi32>
          %reduce_min3A_678 = arith.xori %reduce_min3A_677, %reduce_min3A_675 : vector<16xi32>
          %reduce_min3A_679 = vector.extract %reduce_min3A_678[15] : i32 from vector<16xi32>
          %eq3A_680 = arith.constant 0 : i32
          %eq3A_681 = vector.broadcast %eq3A_680 : i32 to vector<16xi32>
          %eq3A_682 = arith.cmpi eq, %iota3A, %eq3A_681 : vector<16xi32>
          %broadcast_in_dim3A_683 = vector.broadcast %reduce_min3A_679 : i32 to vector<16xi32>
          tpu.vector_store_idx %arg10[%broadcast_in_dim3A_683], %broadcast_in_dim3A_19 masked %eq3A_682 : memref<4112xf32, #tpu.memory_space<vmem>>[vector<16xi32>], vector<16xf32>, vector<16xi1>
          tpu.vector_store_idx %arg11[%broadcast_in_dim3A_683], %broadcast_in_dim3A_21 masked %eq3A_682 : memref<4112xi32, #tpu.memory_space<vmem>>[vector<16xi32>], vector<16xi32>, vector<16xi1>
          %jit3A_684 = arith.constant 16 : i32
          %eq3A_685 = arith.constant 0 : i32
          %eq3A_686 = arith.cmpi eq, %jit3A_684, %eq3A_685 : i32
          %jit3A_687 = arith.constant 1 : i32
          %select_n3A_688 = arith.select %eq3A_686, %jit3A_687, %jit3A_684 : i32
          %rem3A_689 = arith.remsi %scan3A_628, %select_n3A_688 : i32
          %ne3A_690 = arith.constant 0 : i32
          %ne3A_691 = arith.cmpi ne, %rem3A_689, %ne3A_690 : i32
          %lt3A_692 = arith.constant 0 : i32
          %lt3A_693 = arith.cmpi slt, %rem3A_689, %lt3A_692 : i32
          %lt3A_694 = arith.constant 0 : i32
          %lt3A_695 = arith.cmpi slt, %select_n3A_688, %lt3A_694 : i32
          %ne3A_696 = arith.xori %lt3A_693, %lt3A_695 : i1
          %and3A_697 = arith.andi %ne3A_696, %ne3A_691 : i1
          %add3A_698 = arith.addi %rem3A_689, %select_n3A_688 : i32
          %select_n3A_699 = arith.select %and3A_697, %add3A_698, %rem3A_689 : i32
          %eq3A_700 = vector.broadcast %select_n3A_699 : i32 to vector<16xi32>
          %eq3A_701 = arith.cmpi eq, %iota3A, %eq3A_700 : vector<16xi32>
          %lt3A_702 = arith.constant 16 : i32
          %lt3A_703 = arith.cmpi slt, %scan3A_628, %lt3A_702 : i32
          %and3A_704 = vector.broadcast %lt3A_703 : i1 to vector<16xi1>
          %and3A_705 = arith.andi %eq3A_701, %and3A_704 : vector<16xi1>
          %ge3A = arith.constant 16 : i32
          %ge3A_706 = arith.cmpi sge, %scan3A_628, %ge3A : i32
          %and3A_707 = vector.broadcast %ge3A_706 : i1 to vector<16xi1>
          %and3A_708 = arith.andi %eq3A_701, %and3A_707 : vector<16xi1>
          %broadcast_in_dim3A_709 = vector.broadcast %reduce_min3A_647 : f32 to vector<16xf32>
          %select_n3A_710 = arith.select %and3A_705, %broadcast_in_dim3A_709, %scan3A_629 : vector<16xi1>, vector<16xf32>
          %broadcast_in_dim3A_711 = vector.broadcast %reduce_min3A_666 : i32 to vector<16xi32>
          %select_n3A_712 = arith.select %and3A_705, %broadcast_in_dim3A_711, %scan3A_631 : vector<16xi1>, vector<16xi32>
          %broadcast_in_dim3A_713 = vector.broadcast %reduce_min3A_647 : f32 to vector<16xf32>
          %select_n3A_714 = arith.select %and3A_708, %broadcast_in_dim3A_713, %scan3A_630 : vector<16xi1>, vector<16xf32>
          %broadcast_in_dim3A_715 = vector.broadcast %reduce_min3A_666 : i32 to vector<16xi32>
          %select_n3A_716 = arith.select %and3A_708, %broadcast_in_dim3A_715, %scan3A_632 : vector<16xi1>, vector<16xi32>
          scf.yield %select_n3A_710, %select_n3A_714, %select_n3A_712, %select_n3A_716 : vector<16xf32>, vector<16xf32>, vector<16xi32>, vector<16xi32>
        }
        %scan3A_627 = arith.constant 30 : i32
        scf.yield %scan3A_626#0, %scan3A_626#1, %scan3A_626#2, %scan3A_626#3 : vector<16xf32>, vector<16xf32>, vector<16xi32>, vector<16xi32>
      } else {
        scf.yield %while3A_532#0, %while3A_532#2, %while3A_532#1, %while3A_532#3 : vector<16xf32>, vector<16xf32>, vector<16xi32>, vector<16xi32>
      }
      %gather3A_581 = tpu.vector_load_idx %arg9[%cond3A_580#2] : memref<4096xf32, #tpu.memory_space<vmem>>[vector<16xi32>], vector<16xf32>,
      %mul3A_582 = vector.broadcast %reduce_sum3A_418 : f32 to vector<16xf32>
      %mul3A_583 = arith.mulf %mul3A_582, %gather3A_581 : vector<16xf32>
      %gather3A_584 = tpu.vector_load_idx %arg9[%cond3A_580#3] : memref<4096xf32, #tpu.memory_space<vmem>>[vector<16xi32>], vector<16xf32>,
      %mul3A_585 = vector.broadcast %reduce_sum3A_418 : f32 to vector<16xf32>
      %mul3A_586 = arith.mulf %mul3A_585, %gather3A_584 : vector<16xf32>
      %sub3A_587 = arith.subi %add3A_362, %mul3A_2 : i32
      %swap3A_588 = arith.index_cast %sub3A_587 : i32 to index
      %swap3A_589 = arith.constant 0 : index
      %swap3A_590 = tpu.vector_load %arg14[%swap3A_588, %swap3A_589] {strides = array<i32>} : memref<256x32xf32, #tpu.memory_space<vmem>>, vector<16xf32>,
      tpu.vector_store %arg14[%swap3A_588, %swap3A_589], %cond3A_580#0 {strides = array<i32>} : memref<256x32xf32, #tpu.memory_space<vmem>>, vector<16xf32>,
      %swap3A_591 = arith.index_cast %sub3A_587 : i32 to index
      %swap3A_592 = arith.constant 16 : index
      %swap3A_593 = tpu.vector_load %arg14[%swap3A_591, %swap3A_592] {strides = array<i32>} : memref<256x32xf32, #tpu.memory_space<vmem>>, vector<16xf32>,
      tpu.vector_store %arg14[%swap3A_591, %swap3A_592], %cond3A_580#1 {strides = array<i32>} : memref<256x32xf32, #tpu.memory_space<vmem>>, vector<16xf32>,
      %swap3A_594 = arith.index_cast %sub3A_587 : i32 to index
      %swap3A_595 = arith.constant 0 : index
      %swap3A_596 = tpu.vector_load %arg13[%swap3A_594, %swap3A_595] {strides = array<i32>} : memref<256x32xi32, #tpu.memory_space<vmem>>, vector<16xi32>,
      tpu.vector_store %arg13[%swap3A_594, %swap3A_595], %cond3A_580#2 {strides = array<i32>} : memref<256x32xi32, #tpu.memory_space<vmem>>, vector<16xi32>,
      %swap3A_597 = arith.index_cast %sub3A_587 : i32 to index
      %swap3A_598 = arith.constant 16 : index
      %swap3A_599 = tpu.vector_load %arg13[%swap3A_597, %swap3A_598] {strides = array<i32>} : memref<256x32xi32, #tpu.memory_space<vmem>>, vector<16xi32>,
      tpu.vector_store %arg13[%swap3A_597, %swap3A_598], %cond3A_580#3 {strides = array<i32>} : memref<256x32xi32, #tpu.memory_space<vmem>>, vector<16xi32>,
      %swap3A_600 = arith.index_cast %sub3A_587 : i32 to index
      %swap3A_601 = arith.constant 0 : index
      %swap3A_602 = tpu.vector_load %arg15[%swap3A_600, %swap3A_601] {strides = array<i32>} : memref<256x32xf32, #tpu.memory_space<vmem>>, vector<16xf32>,
      tpu.vector_store %arg15[%swap3A_600, %swap3A_601], %mul3A_583 {strides = array<i32>} : memref<256x32xf32, #tpu.memory_space<vmem>>, vector<16xf32>,
      %swap3A_603 = arith.index_cast %sub3A_587 : i32 to index
      %swap3A_604 = arith.constant 16 : index
      %swap3A_605 = tpu.vector_load %arg15[%swap3A_603, %swap3A_604] {strides = array<i32>} : memref<256x32xf32, #tpu.memory_space<vmem>>, vector<16xf32>,
      tpu.vector_store %arg15[%swap3A_603, %swap3A_604], %mul3A_586 {strides = array<i32>} : memref<256x32xf32, #tpu.memory_space<vmem>>, vector<16xf32>,
      %eq3A_606 = arith.constant 13 : i32
      %eq3A_607 = vector.broadcast %eq3A_606 : i32 to vector<16xi32>
      %eq3A_608 = arith.cmpi eq, %iota3A, %eq3A_607 : vector<16xi32>
      %jit3A_609 = arith.constant 0xFF800000 : f32
      %broadcast_in_dim3A_610 = vector.broadcast %jit3A_609 : f32 to vector<16xf32>
      %select_n3A_611 = arith.select %eq3A_608, %cond3A_580#1, %broadcast_in_dim3A_610 : vector<16xi1>, vector<16xf32>
      %reduce_max3A_612 = arith.constant true
      %reduce_max3A_613 = vector.broadcast %reduce_max3A_612 : i1 to vector<16xi1>
      %reduce_max3A_614 = tpu.scan <max>, %select_n3A_611 masked %reduce_max3A_613 : vector<16xf32>, vector<16xi1> -> vector<16xf32>
      %reduce_max3A_615 = vector.extract %reduce_max3A_614[15] : f32 from vector<16xf32>
      %abs3A_616 = math.absf %reduce_max3A_615 : f32
      %mul3A_617 = arith.constant 6.000000e-01 : f32
      %mul3A_618 = arith.mulf %mul3A_617, %abs3A_616 : f32
      %add3A_619 = arith.addf %reduce_max3A_615, %mul3A_618 : f32
      scf.yield %add3A_619 : f32
    }
    %scan3A_52 = arith.constant 128 : i32
    %dma_wait3A = arith.constant 0 : i32
    %dma_wait3A_53 = tpu.memref_slice %arg2[%mul3A_2, %dma_wait3A] : memref<8192x4096xf32, #tpu.memory_space<hbm>> -> memref<1x4096xf32, #tpu.memory_space<hbm>>
    %dma_wait3A_54 = tpu.memref_squeeze %dma_wait3A_53 : memref<1x4096xf32, #tpu.memory_space<hbm>> -> memref<4096xf32, #tpu.memory_space<hbm>>
    %dma_wait3A_55 = arith.constant 0 : i32
    %dma_wait3A_56 = tpu.memref_slice %arg2[%mul3A_2, %dma_wait3A_55] : memref<8192x4096xf32, #tpu.memory_space<hbm>> -> memref<1x4096xf32, #tpu.memory_space<hbm>>
    %dma_wait3A_57 = tpu.memref_squeeze %dma_wait3A_56 : memref<1x4096xf32, #tpu.memory_space<hbm>> -> memref<4096xf32, #tpu.memory_space<hbm>>
    tpu.wait_dma2 semaphore(%arg16 : memref<!tpu.dma_semaphore, #tpu.memory_space<semaphore_mem>>) src(%dma_wait3A_57 : memref<4096xf32, #tpu.memory_space<hbm>>) dst(%arg7 : memref<4096xf32, #tpu.memory_space<vmem>>)
    %dma_start3A_58 = arith.constant 0 : i32
    %dma_start3A_59 = tpu.memref_slice %arg4[%mul3A_2, %dma_start3A_58] : memref<8192x32xi32, #tpu.memory_space<hbm>> -> memref<256x32xi32, #tpu.memory_space<hbm>>
    %dma_start3A_60 = arith.constant 0 : i32
    %dma_start3A_61 = tpu.memref_slice %arg4[%mul3A_2, %dma_start3A_60] : memref<8192x32xi32, #tpu.memory_space<hbm>> -> memref<256x32xi32, #tpu.memory_space<hbm>>
    tpu.enqueue_dma source(%arg13 : memref<256x32xi32, #tpu.memory_space<vmem>>) target(%dma_start3A_61 : memref<256x32xi32, #tpu.memory_space<hbm>>) target_semaphore(%arg18 : memref<!tpu.dma_semaphore, #tpu.memory_space<semaphore_mem>>)
    %dma_wait3A_62 = arith.constant 0 : i32
    %dma_wait3A_63 = tpu.memref_slice %arg4[%mul3A_2, %dma_wait3A_62] : memref<8192x32xi32, #tpu.memory_space<hbm>> -> memref<256x32xi32, #tpu.memory_space<hbm>>
    %dma_wait3A_64 = arith.constant 0 : i32
    %dma_wait3A_65 = tpu.memref_slice %arg4[%mul3A_2, %dma_wait3A_64] : memref<8192x32xi32, #tpu.memory_space<hbm>> -> memref<256x32xi32, #tpu.memory_space<hbm>>
    tpu.wait_dma2 semaphore(%arg18 : memref<!tpu.dma_semaphore, #tpu.memory_space<semaphore_mem>>) src(%arg13 : memref<256x32xi32, #tpu.memory_space<vmem>>) dst(%dma_wait3A_65 : memref<256x32xi32, #tpu.memory_space<hbm>>)
    %dma_start3A_66 = arith.constant 0 : i32
    %dma_start3A_67 = tpu.memref_slice %arg5[%mul3A_2, %dma_start3A_66] : memref<8192x32xf32, #tpu.memory_space<hbm>> -> memref<256x32xf32, #tpu.memory_space<hbm>>
    %dma_start3A_68 = arith.constant 0 : i32
    %dma_start3A_69 = tpu.memref_slice %arg5[%mul3A_2, %dma_start3A_68] : memref<8192x32xf32, #tpu.memory_space<hbm>> -> memref<256x32xf32, #tpu.memory_space<hbm>>
    tpu.enqueue_dma source(%arg14 : memref<256x32xf32, #tpu.memory_space<vmem>>) target(%dma_start3A_69 : memref<256x32xf32, #tpu.memory_space<hbm>>) target_semaphore(%arg18 : memref<!tpu.dma_semaphore, #tpu.memory_space<semaphore_mem>>)
    %dma_wait3A_70 = arith.constant 0 : i32
    %dma_wait3A_71 = tpu.memref_slice %arg5[%mul3A_2, %dma_wait3A_70] : memref<8192x32xf32, #tpu.memory_space<hbm>> -> memref<256x32xf32, #tpu.memory_space<hbm>>
    %dma_wait3A_72 = arith.constant 0 : i32
    %dma_wait3A_73 = tpu.memref_slice %arg5[%mul3A_2, %dma_wait3A_72] : memref<8192x32xf32, #tpu.memory_space<hbm>> -> memref<256x32xf32, #tpu.memory_space<hbm>>
    tpu.wait_dma2 semaphore(%arg18 : memref<!tpu.dma_semaphore, #tpu.memory_space<semaphore_mem>>) src(%arg14 : memref<256x32xf32, #tpu.memory_space<vmem>>) dst(%dma_wait3A_73 : memref<256x32xf32, #tpu.memory_space<hbm>>)
    %dma_start3A_74 = arith.constant 0 : i32
    %dma_start3A_75 = tpu.memref_slice %arg6[%mul3A_2, %dma_start3A_74] : memref<8192x32xf32, #tpu.memory_space<hbm>> -> memref<256x32xf32, #tpu.memory_space<hbm>>
    %dma_start3A_76 = arith.constant 0 : i32
    %dma_start3A_77 = tpu.memref_slice %arg6[%mul3A_2, %dma_start3A_76] : memref<8192x32xf32, #tpu.memory_space<hbm>> -> memref<256x32xf32, #tpu.memory_space<hbm>>
    tpu.enqueue_dma source(%arg15 : memref<256x32xf32, #tpu.memory_space<vmem>>) target(%dma_start3A_77 : memref<256x32xf32, #tpu.memory_space<hbm>>) target_semaphore(%arg18 : memref<!tpu.dma_semaphore, #tpu.memory_space<semaphore_mem>>)
    %dma_wait3A_78 = arith.constant 0 : i32
    %dma_wait3A_79 = tpu.memref_slice %arg6[%mul3A_2, %dma_wait3A_78] : memref<8192x32xf32, #tpu.memory_space<hbm>> -> memref<256x32xf32, #tpu.memory_space<hbm>>
    %dma_wait3A_80 = arith.constant 0 : i32
    %dma_wait3A_81 = tpu.memref_slice %arg6[%mul3A_2, %dma_wait3A_80] : memref<8192x32xf32, #tpu.memory_space<hbm>> -> memref<256x32xf32, #tpu.memory_space<hbm>>
    tpu.wait_dma2 semaphore(%arg18 : memref<!tpu.dma_semaphore, #tpu.memory_space<semaphore_mem>>) src(%arg15 : memref<256x32xf32, #tpu.memory_space<vmem>>) dst(%dma_wait3A_81 : memref<256x32xf32, #tpu.memory_space<hbm>>)
    return
  }
}

</mosaic_0001>

<sc_bundles>
// kernel: _sc_topk.3.cloned.1.call-start
scs
__scs_entry_jumppad:
0x0: {  	(pc) =	sbr.rel $0x88, $3  }
0x1: {  	(tag) =	ssettag $0x0;
	lr =	simm.s32 $0x1  }
0x2: {  	[smem:$0x3F9F] =	sst lr;
	_ =	strace $0xD0000000  }
0x3: {  	_ = 	snop  }
0x4: {  	_ = 	snop  }
0x5: {  	_ = 	snop  }
0x6: {  	_ = 	snop  }
0x7: {  	_ = 	snop  }
__scs_overlays_trampoline_lowered:
0x8: {  	[smem:$0x3FAE] =	sst s0  }
0x9: {  	[smem:$0x3FAF] =	sst s1  }
0xa: {  	[smem:$0x3FB0] =	sst s2  }
0xb: {  	[smem:$0x3FB1] =	sst s3  }
0xc: {  	[smem:$0x3FB2] =	sst s4  }
0xd: {  	[smem:$0x3FB3] =	sst s5  }
0xe: {  	[smem:$0x3FB4] =	sst s6  }
0xf: {  	[smem:$0x3FB5] =	sst s7  }
0x10: {  	[smem:$0x3FB6] =	sst s8  }
0x11: {  	[smem:$0x3FB7] =	sst s9;
	s0 =	simm.s32 @!p0 $0x0  }
0x12: {  	s1 =	sld [smem:$0x3F9D];
	s0 =	simm.s32 @p0 $0x1  }
0x13: {  	[smem:$0x3FB8] =	sst s0;
	s0 =	simm.s32 @!p1 $0x0  }
0x14: {  	s2 =	sld [smem:$0x3F9C];
	s0 =	simm.s32 @p1 $0x1  }
0x15: {  	[smem:$0x3FB9] =	sst s0;
	s0 =	simm.s32 @!p2 $0x0  }
0x16: {  	s3 =	sld [smem:$0x3FDB];
	s0 =	simm.s32 @p2 $0x1  }
0x17: {  	s4 =	simm.s32 $0x1BF5;
	[smem:$0x3FBB] =	sst s0  }
0x18: {  	s0 =	sld [smem:$0x3F9E];
	_ =	swait.ge [sflag:s4], $0x0  }
0x19: {  	s7 =	sld [smem:$0x3F9F]  }
0x1a: {  	s8 =	sadd.s32 $0xFFFFE003, lr  }
0x1b: {  	s9 =	sadd.s32 $0xFFFFFEF7, lr;
	s5 =	simm.s32 $0xFFFFFFFF;
	p2 =	slt.u32 s8, $0xFFFFF086  }
0x1c: {  	p1 =	slt.u32 s9, $0xF7A;
	s5 =	simm.s32 @!p2 $0x0  }
0x1d: {  	s5 =	simm.s32 @p1 $0x1;
	p0 =	seq.s32 s7, s2  }
0x1e: {  	s7 =	smul.u32 @!p0 $0xF7A, s2;
	p2 =	seq.s32 @!p0 s5, $0x0  }
0x1f: {  	s9 =	smul.u32 $0xF7A, s1;
	s8 =	simm.s32 @!p0 $0x1BF5;
	p2 =	por !p2, p0  }
0x20: {  	[sflag:s8] =	ssyncset.s32 @!p0 $0xFFFFF086;
	s6 =	sadd.s32 @!p0 s3, s7;
	s7 =	simm.s32 @!p0 $0x108  }
0x21: {  	s3 =	sadd.s32 s3, s9;
	s6 =	sadd.s32 @!p0 $0x88, s6;
	s7 =	simm.s32 @p2 $0x1082  }
0x22: {  	[simem:s7], [sflag:s8] =	dma.local @!p0 [hbm:s6], $0xF7A  }
0x23: {  	s9 =	sor.u32 $0xD0000000, s2;
	s6 =	simm.s32 $0x108;
	_ =	swait.ge @!p0 [sflag:s8], $0x0  }
0x24: {  	s3 =	sadd.s32 $0x88, s3;
	s6 =	simm.s32 @!p1 $0x1082;
	[sflag:s4] =	ssyncset.s32 $0xFFFFF086  }
0x25: {  	[simem:s6], [sflag:s4] =	dma.local [hbm:s3], $0xF7A  }
0x26: {  	[smem:$0x3F9F] =	sst s1;
	(tag) =	ssettag s2;
	_ =	strace s9  }
0x27: {  	s1 =	sld [smem:$0x3FAF]  }
0x28: {  	s2 =	sld [smem:$0x3FB0]  }
0x29: {  	s4 =	sld [smem:$0x3FB2]  }
0x2a: {  	p0 =	seq.s32 s5, $0x0;
	s5 =	sld [smem:$0x3FB3]  }
0x2b: {  	s6 =	sld [smem:$0x3FB4]  }
0x2c: {  	s7 =	sld [smem:$0x3FB5]  }
0x2d: {  	s3 =	simm.s32 $0x108;
	s8 =	sld [smem:$0x3FB6]  }
0x2e: {  	s3 =	simm.s32 @!p0 $0x1082;
	s9 =	sld [smem:$0x3FB7]  }
0x2f: {  	lr =	sadd.s32 s0, s3;
	s0 =	sld [smem:$0x3FAE]  }
0x30: {  	s3 =	sld [smem:$0x3FB1]  }
0x31: {  	[smem:$0x3FBA] =	sst s10  }
0x32: {  	s10 =	sld [smem:$0x3FB8];
	_ =	sdelay $0x3  }
0x33: {  	p0 =	seq.s32 s10, $0x1;
	s10 =	sld [smem:$0x3FBA];
	_ =	sdelay $0x3  }
0x34: {  	[smem:$0x3FBA] =	sst s10  }
0x35: {  	s10 =	sld [smem:$0x3FB9];
	_ =	sdelay $0x3  }
0x36: {  	p1 =	seq.s32 s10, $0x1;
	s10 =	sld [smem:$0x3FBA];
	_ =	sdelay $0x3  }
0x37: {  	[smem:$0x3FBA] =	sst s10  }
0x38: {  	s10 =	sld [smem:$0x3FBB]  }
0x39: {  	_ = 	snop;
	(pc) =	sbr.ind lr, $3  }
0x3a: {  	_ = 	snop  }
0x3b: {  	_ = 	snop  }
0x3c: {  	p2 =	seq.s32 s10, $0x1;
	s10 =	sld [smem:$0x3FBA]  }
0x3d: {  	_ =	shalt  }
0x3e: {  	_ =	shalt  }
0x3f: {  	_ =	shalt  }
0x40: {  	_ =	shalt  }
0x41: {  	_ =	shalt  }
0x42: {  	_ =	shalt  }
0x43: {  	_ =	shalt  }
0x44: {  	_ =	shalt  }
0x45: {  	_ =	shalt  }
0x46: {  	_ =	shalt  }
0x47: {  	_ =	shalt  }
0x48: {  	_ =	shalt  }
0x49: {  	_ =	shalt  }
0x4a: {  	_ =	shalt  }
0x4b: {  	_ =	shalt  }
0x4c: {  	_ =	shalt  }
0x4d: {  	_ =	shalt  }
0x4e: {  	_ =	shalt  }
0x4f: {  	_ =	shalt  }
0x50: {  	_ =	shalt  }
0x51: {  	_ =	shalt  }
0x52: {  	_ =	shalt  }
0x53: {  	_ =	shalt  }
0x54: {  	_ =	shalt  }
0x55: {  	_ =	shalt  }
0x56: {  	_ =	shalt  }
0x57: {  	_ =	shalt  }
0x58: {  	_ =	shalt  }
0x59: {  	_ =	shalt  }
0x5a: {  	_ =	shalt  }
0x5b: {  	_ =	shalt  }
0x5c: {  	_ =	shalt  }
0x5d: {  	_ =	shalt  }
0x5e: {  	_ =	shalt  }
0x5f: {  	_ =	shalt  }
0x60: {  	_ =	shalt  }
0x61: {  	_ =	shalt  }
0x62: {  	_ =	shalt  }
0x63: {  	_ =	shalt  }
0x64: {  	_ =	shalt  }
0x65: {  	_ =	shalt  }
0x66: {  	_ =	shalt  }
0x67: {  	_ =	shalt  }
0x68: {  	_ =	shalt  }
0x69: {  	_ =	shalt  }
0x6a: {  	_ =	shalt  }
0x6b: {  	_ =	shalt  }
0x6c: {  	_ =	shalt  }
0x6d: {  	_ =	shalt  }
0x6e: {  	_ =	shalt  }
0x6f: {  	_ =	shalt  }
0x70: {  	_ =	shalt  }
0x71: {  	_ =	shalt  }
0x72: {  	_ =	shalt  }
0x73: {  	_ =	shalt  }
0x74: {  	_ =	shalt  }
0x75: {  	_ =	shalt  }
0x76: {  	_ =	shalt  }
0x77: {  	_ =	shalt  }
0x78: {  	_ =	shalt  }
0x79: {  	_ =	shalt  }
0x7a: {  	_ =	shalt  }
0x7b: {  	_ =	shalt  }
0x7c: {  	_ =	shalt  }
0x7d: {  	_ =	shalt  }
0x7e: {  	_ =	shalt  }
0x7f: {  	_ =	shalt  }
0x80: {  	_ =	shalt  }
0x81: {  	_ =	shalt  }
0x82: {  	_ =	shalt  }
0x83: {  	_ =	shalt  }
0x84: {  	_ =	shalt  }
0x85: {  	_ =	shalt  }
0x86: {  	_ =	shalt  }
0x87: {  	_ =	shalt  }
.Lfunc_end0:
.L_simem_size_0:
called_computation_lowered:
.L_overlay_start_0:
0x88: {  	s2 =	sld [smem:$0x3FD9]  }
0x89: {  	s3 =	sld [smem:$0x3FFE];
	_ =	sdelay $0x1  }
0x8a: {  	s1 =	srdreg.scid  }
0x8b: {  	s0 =	sand.u32 $0x1, s1  }
0x8c: {  	s17 =	sshll.u32 s0, $0xA;
	s2 =	sadd.s32 s3, s2  }
0x8d: {  	s2 =	sadd.s32 s2, s17  }
0x8e: {  	[smem:$0x3FC6] =	sst s2  }
0x8f: {  	_ = 	snop  }
0x90: {  	s2 =	sld [smem:$0x3FC9]  }
0x91: {  	s18 =	sld [smem:$0x3FC8];
	(tm) =	ssettm $0x1  }
0x92: {  	s4 =	sld [smem:$0x3FFB];
	_ =	sdelay $0x3  }
0x93: {  	_ =	strace s4  }
0x94: {  	s4 =	sld [smem:$0x3FFC];
	_ =	sdelay $0x3  }
0x95: {  	_ =	strace s4  }
0x96: {  	s4 =	sld [smem:$0x3FFD];
	_ =	sdelay $0x3  }
0x97: {  	_ =	strace s4  }
0x98: {  	_ =	strace $0x8FFFFFFF  }
0x99: {  	s19 =	sld [smem:$0x3FDB];
	_ =	sdelay $0x1  }
0x9a: {  	s5 =	simm.s32 $_scs_section_size  }
0x9b: {  	s6 =	simm.s32 $_size__tile_overlayer_lowered;
	s7 =	simm.s32 $_tile_overlayer_lowered  }
0x9c: {  	s22 =	simm.s32 $0x1BFF;
	s21 =	sshll.u32 s7, $0x1;
	s4 =	sadd.s32 s5, s19  }
0x9d: {  	s8 =	simm.s32 $0x0;
	s20 =	sshll.u32 s6, $0x1;
	s6 =	sadd.s32 s21, s4  }
0x9e: {  	[timem:s8], [sflag:s22] =	dma.local [hbm:s6], s20  }
0x9f: {  	_ =	swait.ge [sflag:s22], s20  }
0xa0: {  	s5 =	ssub.s32 $0x0, s20;
	[sflag:s22] =	ssyncset.done $0x0  }
0xa1: {  	[sflag:s22] =	ssyncadd.s32 s5;
	_ =	sdelay $0x1  }
0xa2: {  	s23 =	simm.s32 $0x1B8B  }
0xa3: {  	_ =	swait.ge [sflag:s23], $0x1  }
0xa4: {  	[sflag:s23] =	ssyncset.done $0x0  }
0xa5: {  	s25 =	simm.s32 $0x1B8E;
	s24 =	sld [smem:$0x3FFE];
	[sflag:s23] =	ssyncadd.s32 $0xFFFFFFFF  }
0xa6: {  	s26 =	simm.s32 $execute0_lowered;
	[smem:$0x3FD2] =	sst s25  }
0xa7: {  	s6 =	sshll.u32 s26, $0x1;
	_ =	strace $0x80000046;
	[dreg:$0x1] =	wrdreg $0xFFFFFFFF  }
0xa8: {  	s28 =	simm.s32 $_size_execute0_lowered;
	s4 =	sadd.s32 s4, s6;
	[dreg:$0x0] =	wrdreg $0x0  }
0xa9: {  	s6 =	sshll.u32 s28, $0x1;
	[dreg:$0x2] =	wrdreg s4  }
0xaa: {  	[dreg:$0x3] =	wrdreg s6  }
0xab: {  	[dreg:$0x4] =	wrdreg $0xC0  }
0xac: {  	_ =	task [dreg:s8], $0x5FFFF  }
0xad: {  	[dreg:$0x1] =	wrdreg $0xFFFFFFFF  }
0xae: {  	[dreg:$0x0] =	wrdreg $0x60  }
0xaf: {  	[dreg:$0x2] =	wrdreg s2  }
0xb0: {  	[dreg:$0x3] =	wrdreg s18  }
0xb1: {  	[dreg:$0x4] =	wrdreg s24  }
0xb2: {  	[dreg:$0x5] =	wrdreg $0x9  }
0xb3: {  	_ =	task.clear_ibuf [dreg:s8], $0x6FFFF;
	_ =	strace $0x90000046  }
0xb4: {  	s29 =	simm.s32 $0x9;
	_ =	strace $0x80000048  }
0xb5: {  	_ =	swait.ge [sflag:s29], $0x1  }
0xb6: {  	[sflag:s29] =	ssyncadd.s32 $0xFFFFFFFF  }
0xb7: {  	_ =	strace $0x90000048  }
0xb8: {  	_ =	sfence  }
0xb9: {  	s30 =	sld [smem:$0x0];
	_ =	sdelay $0x2  }
0xba: {  	s31 =	sshll.u32 s1, $0xD;
	s1 =	sshrl.u32 s1, $0x2  }
0xbb: {  	s3 =	sand.u32 $0x4000, s31;
	s1 =	sadd.s32 s1, s30  }
0xbc: {  	s0 =	sor.u32 s3, s0;
	s1 =	sshll.u32 s1, $0x11  }
0xbd: {  	s0 =	sor.u32 s1, s0  }
0xbe: {  	s0 =	sadd.s32 $0x8F2B, s0  }
0xbf: {  	[sflag:s0] =	ssyncadd.remote.s32 $0x1  }
0xc0: {  	_ =	sfence.sel $0xFFFF  }
0xc1: {  	[dreg:$0x0] =	wrdreg $0xFFFFFFFF;
	(pc) =	sbr.abs _section_cstart, $3  }
0xc2: {  	[dreg:$0x1] =	wrdreg $0xFFFFFFFF  }
0xc3: {  	_ =	task.clear_ibuf [dreg:s8], $0x2FFFF;
	_ =	strace $0x9FFFFFFF  }
0xc4: {  	(tm) =	ssettm $0x7FFFFFFF  }
0xc5: {  	_ =	shalt  }
tec
execute0_lowered:
.L_overlay_start_1:
0x0: {  	(tag) =	ssettag $0x1  }
0x1: {  	s1 =	rddreg [dreg:$0x0]  }
0x2: {  	s0 =	rddreg [dreg:$0x1];
	s2 =	simm.s32 $0x0  }
0x3: {  	[smem:$0x7FF] =	sst s2  }
0x4: {  	s3 =	rddreg [dreg:$0x2];
	v0 =	vlaneseq.u32;
	v1 =	vimm.f32 $+Inf;
	_ =	strace $0x80000047  }
0x5: {  	(xrf1) =	vsort.ascd.msk.f32 $0xffff, v1, v0;
	_ =	sdelay $0x3  }
0x6: {  	s4 =	srdreg.scid  }
0x7: {  	s5 =	stileid.u32;
	s12 =	simm.s32 $0x80;
	s14 =	simm.s32 $0x2000  }
0x8: {  	s15 =	simm.s32 $0x4;
	s16 =	simm.s32 $0x400;
	s17 =	simm.s32 $0x1  }
0x9: {  	s18 =	simm.s32 $0x1000;
	s19 =	simm.s32 $0x3000;
	s20 =	simm.s32 $0x4080;
	(xrf0) =	vmin.scan.msk.f32 $0xffff, v1  }
0xa: {  	s21 =	simm.s32 $0x2;
	s23 =	simm.s32 $0x3;
	s6 =	sand.u32 $0x1, s4  }
0xb: {  	s26 =	simm.s32 $0x0;
	s5 =	sshll.u32 s5, $0x8;
	s4 =	sshll.u32 s6, $0xC  }
.Ltmp0:
0xc: {  	s8 =	ssub.s32 $0x2, s6;
	s6 =	sshll.u32 s6, $0x4;
	(pc) =	sbr.rel .LBB2_1-.Ltmp0, $4  }
0xd: {  	s5 =	sor.u32 s5, s4;
	s30 =	sshrl.u32 s8, $0x1;
	s6 =	sadd.s32 s0, s6  }
0xe: {  	v3 =	vimm.s32 $0x0;
	s7 =	sshll.u32 s5, $0x4;
	s11 =	ssub.s32 s8, s30;
	s31 =	sshll.u32 s5, $0x9  }
0xf: {  	vm0 =	vcmask $0x3338;
	v4 =	vimm.s32 $0x7FFFFFFF;
	v6 =	vimm.f32 $0.0e+00;
	s3 =	sadd.s32 s7, s3;
	s7 =	sadd.s32 s1, s31;
	s11 =	smax.u32 s11, $0x1;
	v2, _, _ =	vpop (xrf0)  }
0x10: {  	vm1 =	vcmask $0x3700;
	vm2 =	vmxor vm2, vm2;
	s8 =	sadd.s32 $0xC00, s3;
	s9 =	sadd.s32 $0x20C00, s3;
	s10 =	sadd.s32 $0x40C00, s3;
	v2 =	vbroadcast v2, $0xF;
	v5, _, _ =	vpop (xrf1)  }
.LBB2_82:
0x11: {  	_ =	swait.ge [sflag:s17], $0x1000  }
0x12: {  	[sflag:s17] =	ssyncset.done $0x0  }
0x13: {  	s0 =	simm.s32 $0x5180;
	[sflag:s17] =	ssyncadd.s32 $0xFFFFF000  }
0x14: {  	[hbm4b:s8+s2] =	stream.linear.scatter [tilespmem:s0], [sflag:$0x3], $0x8000, $0x38;
	[tilespmem:$0x1D180] =	vst v63  }
0x15: {  	_ =	swait.ge [sflag:s23], $0x8000  }
0x16: {  	[sflag:s23] =	ssyncset.done $0x0  }
0x17: {  	s30 =	simm.s32 $0xD180;
	[sflag:s23] =	ssyncadd.s32 $0xFFFF8000  }
0x18: {  	[hbm4b:s9+s2] =	stream.linear.scatter [tilespmem:s30], [sflag:$0x3], $0x8000, $0x38;
	[tilespmem:$0x1D180] =	vst v63  }
0x19: {  	s26 =	sadd.s32 $0x1, s26;
	_ =	swait.ge [sflag:s23], $0x8000  }
0x1a: {  	p0 =	sne.s32 s26, s11;
	[sflag:s23] =	ssyncset.done $0x0  }
.Ltmp1:
0x1b: {  	s31 =	simm.s32 $0x15180;
	[sflag:s23] =	ssyncadd.s32 $0xFFFF8000;
	(pc) =	sbr.rel @!p0 .LBB2_83-.Ltmp1, $4  }
0x1c: {  	[hbm4b:s10+s2] =	stream.linear.scatter [tilespmem:s31], [sflag:$0x3], $0x8000, $0x38;
	[tilespmem:$0x1D180] =	vst v63  }
0x1d: {  	_ =	swait.ge [sflag:s23], $0x8000  }
0x1e: {  	[sflag:s23] =	ssyncset.done $0x0  }
0x1f: {  	[sflag:s23] =	ssyncadd.s32 $0xFFFF8000  }
.LBB2_1:
0x20: {  	s0 =	simm.s32 $0x100  }
0x21: {  	[tilespmem:s14], [sflag:$0x4] =	stream.strided.gather [hbm4b:s6+s12], $0x1000, s0, s12, $0x38;
	[tilespmem:$0x1D180] =	vst v63  }
0x22: {  	_ =	swait.ge [sflag:s15], $0x1000  }
0x23: {  	[sflag:s15] =	ssyncset.done $0x0  }
0x24: {  	s3 =	simm.s32 $0x0;
	[sflag:s15] =	ssyncadd.s32 $0xFFFFF000  }
0x25: {  	v7 =	vimm.f32 $-Inf;
	v8 =	vimm.f32 $+Inf;
	s0 =	simm.s32 $0x40;
	v9 =	vld [tilespmem:s3+$0x2000]  }
.LBB2_2:
0x26: {  	p0 =	sne.s32 s0, $0x3FC0  }
.Ltmp2:
0x27: {  	_ = 	snop;
	(pc) =	sbr.rel @p0 .LBB2_2-.Ltmp2, $3  }
0x28: {  	_ =	sdelay $0x1  }
0x29: {  	s3 =	sshra.s32 s0, $0x2;
	s0 =	sadd.s32 $0x40, s0;
	v8 =	vmin.f32 v8, v9;
	v7 =	vmax.f32 v7, v9  }
0x2a: {  	v9 =	vld [tilespmem:s3+$0x2000]  }
0x2b: {  	_ =	sdelay $0x3  }
0x2c: {  	v8 =	vmin.f32 v8, v9  }
0x2d: {  	v7 =	vmax.f32 v7, v9;
	(xrf0) =	vmin.scan.msk.f32 $0xffff, v8  }
0x2e: {  	(xrf0) =	vmax.scan.msk.f32 $0xffff, v7;
	_ =	sdelay $0x4  }
0x2f: {  	v7, _, _ =	vpop (xrf0)  }
0x30: {  	(v2sf) =	vpush v7, $0xF;
	v7, _, _ =	vpop (xrf0)  }
0x31: {  	(v2sf) =	vpush v7, $0xF;
	_ =	sdelay $0xd  }
0x32: {  	s0 =	spop (v2sf)  }
.Ltmp3:
0x33: {  	s3 =	spop (v2sf);
	(pc) =	sbr.rel .LBB2_4-.Ltmp3, $4  }
0x34: {  	s28 =	simm.s32 $0x0;
	p0 =	seq.f32 s0, $1.000000000e+00;
	p1 =	seq.f32 s3, $1.000000000e+00  }
0x35: {  	[tilespmem:s28], [sflag:$0x1] =	stream.strided.gather [hbm4b:s7+s12], $0x1000, s16, s12, $0x38;
	[tilespmem:$0x1D180] =	vst v63  }
0x36: {  	p0 =	por !p0, !p1  }
0x37: {  	s0 =	simm.f32 $+Inf;
	p0 =	por !p0, !p0  }
.LBB2_81:
0x38: {  	v7 =	vsel vm0, $0xFF800000, v13  }
0x39: {  	(xrf0) =	vmax.scan.msk.f32 $0xffff, v7;
	_ =	sdelay $0x5  }
0x3a: {  	v7, _, _ =	vpop (xrf0)  }
0x3b: {  	(v2sf) =	vpush v7, $0xF;
	_ =	sdelay $0xa  }
0x3c: {  	v8 =	vld.idx.msk [tilespmem:v11+s14+$0x0], $0xffff  }
0x3d: {  	s0 =	ssub.s32 s29, s5;
	v7 =	vld.idx.msk [tilespmem:v10+s14+$0x0], $0xffff  }
0x3e: {  	s28 =	sadd.s32 $0x1, s28;
	s0 =	sshll.u32 s0, $0x7  }
0x3f: {  	v9 =	vbroadcast v9, $0xF;
	p1 =	sne.s32 s28, $0x80;
	[tilespmem:s0+$0xD180] =	vst v12  }
.Ltmp4:
0x40: {  	[tilespmem:s0+$0xD190] =	vst v13;
	s3 =	spop (v2sf);
	(pc) =	sbr.rel @!p1 .LBB2_82-.Ltmp4, $4  }
0x41: {  	v8 =	vmul.f32 v8, v9;
	[tilespmem:s0+$0x5180] =	vst v10;
	s13 =	sand.u32 $0x7FFFFFFF, s3  }
0x42: {  	[tilespmem:s0+$0x5190] =	vst v11;
	v7 =	vmul.f32 v7, v9;
	s13 =	smul.f32 $6.000000240e-01, s13  }
0x43: {  	[tilespmem:s0+$0x15190] =	vst v8  }
0x44: {  	[tilespmem:s0+$0x15180] =	vst v7;
	s0 =	sadd.f32 s13, s3  }
.LBB2_4:
0x45: {  	s3 =	sshll.u32 s28, $0x1  }
0x46: {  	_ =	swait.ge [sflag:s17], $0x1000;
	s30 =	sadd.s32 s5, s3  }
0x47: {  	[sflag:s17] =	ssyncset.done $0x0;
	s29 =	sor.u32 $0x1, s30;
	s13 =	sshll.u32 s30, $0x9  }
0x48: {  	[sflag:s17] =	ssyncadd.s32 $0xFFFFF000;
	s13 =	sand.u32 $0x3FF000, s13;
	s22 =	sshll.u32 s29, $0x4  }
0x49: {  	s31 =	ssub.s32 s30, s4;
	s22 =	sand.u32 $0x70, s22;
	s13 =	sadd.s32 s1, s13  }
0x4a: {  	p1 =	sne.s32 s30, s4;
	s13 =	sadd.s32 s22, s13;
	s22 =	simm.s32 $0x1  }
0x4b: {  	[tilespmem:s18], [sflag:$0x2] =	stream.strided.gather [hbm4b:s13+s12], $0x1000, s16, s12, $0x38;
	[tilespmem:$0x1D180] =	vst v63  }
0x4c: {  	s24 =	sshra.s32 s31, $0x1F;
	s22 =	simm.s32 @!p1 $0x0  }
0x4d: {  	s3 =	sand.u32 $0xE, s3;
	s22 =	sor.u32 s22, s24  }
0x4e: {  	p2 =	sne.s32 s3, $0x0;
	p6 =	sne.s32 s22, $0x1  }
0x4f: {  	p1 =	por !p2, !p6  }
0x50: {  	s22 =	simm.s32 $0x1;
	p1 =	por !p1, !p1  }
0x51: {  	s13 =	sshrl.u32 s31, $0x4;
	s22 =	simm.s32 @!p1 $0x0  }
0x52: {  	s13 =	ssub.s32 s13, s22  }
0x53: {  	s13 =	sshll.u32 s13, $0x6  }
0x54: {  	s13 =	sshra.s32 s13, $0x2  }
0x55: {  	v7 =	vld [tilespmem:s13+$0x2000];
	_ =	sdelay $0x2  }
0x56: {  	v8 =	vmov s3  }
0x57: {  	vm3 =	veq.s32 v8, v0  }
0x58: {  	v7 =	vnsel vm3, $0x0, v7  }
0x59: {  	(xrf2) =	vadd.scan.msk.f32 $0xffff, v7;
	_ =	sdelay $0x5  }
.Ltmp5:
0x5a: {  	_ = 	snop;
	(pc) =	sbr.rel @p0 .LBB2_8-.Ltmp5, $2  }
0x5b: {  	_ =	sdelay $0x2  }
0x5c: {  	v9, _, _ =	vpop (xrf2)  }
0x5d: {  	s3 =	simm.s32 $0x0  }
0x5e: {  	v7 =	vld [tilespmem:s3+$0x2000];
	_ =	sdelay $0x2  }
0x5f: {  	v11 =	vbroadcast v9, $0xF  }
0x60: {  	v12 =	vld [tilespmem:s3+$0x0]  }
0x61: {  	v13 =	vmul.f32 v7, v11  }
0x62: {  	v10 =	vimm.f32 $+Inf  }
0x63: {  	s0 =	simm.s32 $0x40;
	s13 =	simm.s32 $0x80;
	v8 =	vimm.f32 $+Inf;
	v7 =	vimm.f32 $+Inf;
	v14 =	vsub.f32 $1.000000000e+00, v13  }
.LBB2_6:
0x64: {  	p1 =	sne.s32 s13, $0x3FC0  }
0x65: {  	s22 =	sshra.s32 s0, $0x2;
	s0 =	smov.u32 s13;
	v12 =	vmul.f32 v12, v13;
	v13 =	vmul.f32 $3.402823470e+38, v14  }
0x66: {  	v14 =	vld [tilespmem:s22+$0x2000]  }
0x67: {  	v12 =	vadd.f32 v13, v12;
	_ =	sdelay $0x1  }
.Ltmp6:
0x68: {  	[tilespmem:s3+$0x0] =	vst v12;
	v13 =	vmax.f32 v10, v12;
	v10 =	vmin.f32 v10, v12;
	s3 =	smov.u32 s22;
	(pc) =	sbr.rel @p1 .LBB2_6-.Ltmp6, $3  }
0x69: {  	v12 =	vld [tilespmem:s3+$0x0];
	v15 =	vmax.f32 v8, v13;
	v8 =	vmin.f32 v8, v13  }
0x6a: {  	v13 =	vmul.f32 v14, v11;
	v7 =	vmin.f32 v7, v15;
	_ =	sdelay $0x1  }
0x6b: {  	s13 =	sadd.s32 $0x40, s13;
	v14 =	vsub.f32 $1.000000000e+00, v13  }
0x6c: {  	_ = 	snop  }
0x6d: {  	s0 =	sshra.s32 s0, $0x2;
	v12 =	vmul.f32 v12, v13;
	v46 =	vmul.f32 $3.402823470e+38, v14  }
0x6e: {  	v47 =	vld [tilespmem:s0+$0x2000]  }
0x6f: {  	v12 =	vadd.f32 v46, v12;
	_ =	sdelay $0x1  }
0x70: {  	[tilespmem:s3+$0x0] =	vst v12  }
0x71: {  	v48 =	vld [tilespmem:s0+$0x0]  }
0x72: {  	v11 =	vmul.f32 v47, v11;
	_ =	sdelay $0x1  }
0x73: {  	v14 =	vsub.f32 $1.000000000e+00, v11;
	_ =	sdelay $0x1  }
0x74: {  	v49 =	vmul.f32 $3.402823470e+38, v14;
	v11 =	vmul.f32 v48, v11;
	_ =	sdelay $0x1  }
0x75: {  	v11 =	vadd.f32 v49, v11  }
0x76: {  	v50 =	vmin.f32 v10, v12  }
0x77: {  	v51 =	vmin.f32 v50, v11  }
0x78: {  	(xrf1) =	vsort.ascd.msk.f32 $0xffff, v51, v0;
	_ =	sdelay $0x9  }
0x79: {  	v52 =	vmul.u32 $0xFFFFFFFF, v0;
	_ =	sdelay $0x1  }
0x7a: {  	v14 =	vadd.s32 $0xF, v52  }
0x7b: {  	v15 =	vperm.xlane v5, v14  }
0x7c: {  	v10 =	vmax.f32 v10, v12;
	v16 =	vperm.xlane v0, v14;
	v53, _, _ =	vpop (xrf1)  }
0x7d: {  	v17 =	vmin.f32 v8, v10;
	vm3 =	vle.f32 v53, v15  }
0x7e: {  	v13 =	vmax.f32 v50, v11;
	v18 =	vsel vm3, v53, v15;
	v19 =	vsel vm3, v0, v16  }
0x7f: {  	v12 =	vsel vm3, v15, v53;
	v16 =	vsel vm3, v16, v0;
	(xrf1) =	vsort.ascd.msk.f32 $0xffff, v18, v19  }
0x80: {  	v54 =	vmin.f32 v17, v13;
	(xrf1) =	vsort.ascd.msk.f32 $0xffff, v12, v16  }
0x81: {  	(xrf1) =	vsort.ascd.msk.f32 $0xffff, v54, v0;
	_ =	sdelay $0xb  }
0x82: {  	v55, _, _ =	vpop (xrf1)  }
0x83: {  	v16, _, _ =	vpop (xrf1)  }
0x84: {  	v18, _, _ =	vpop (xrf1)  }
0x85: {  	v18 =	vperm.xlane v18, v14;
	_ =	sdelay $0x1  }
0x86: {  	vm3 =	vle.f32 v16, v18  }
0x87: {  	v16 =	vsel vm3, v16, v18  }
0x88: {  	(xrf1) =	vsort.ascd.msk.f32 $0xffff, v16, v0;
	_ =	sdelay $0xd  }
0x89: {  	v16, v18, _ =	vpop (xrf1)  }
0x8a: {  	v16 =	vperm.xlane v16, v14  }
0x8b: {  	v18 =	vperm.xlane v18, v14  }
0x8c: {  	vm3 =	vle.f32 v55, v16  }
0x8d: {  	v56 =	vsel vm3, v55, v16;
	v20 =	vsel vm3, v0, v18  }
0x8e: {  	v12 =	vsel vm3, v16, v55;
	v57 =	vsel vm3, v18, v0;
	(xrf1) =	vsort.ascd.msk.f32 $0xffff, v56, v20  }
0x8f: {  	(xrf1) =	vsort.ascd.msk.f32 $0xffff, v12, v57;
	_ =	sdelay $0xc  }
0x90: {  	v58, _, _ =	vpop (xrf1)  }
0x91: {  	v16, _, _ =	vpop (xrf1)  }
0x92: {  	vm3 =	vle.f32 v16, v15  }
0x93: {  	v16 =	vsel vm3, v16, v15  }
0x94: {  	(xrf1) =	vsort.ascd.msk.f32 $0xffff, v16, v0;
	_ =	sdelay $0xd  }
0x95: {  	v16, v59, _ =	vpop (xrf1)  }
0x96: {  	v16 =	vperm.xlane v16, v14  }
0x97: {  	v8 =	vmax.f32 v8, v10;
	v18 =	vperm.xlane v59, v14  }
0x98: {  	v7 =	vmin.f32 v7, v8;
	vm3 =	vle.f32 v58, v16  }
0x99: {  	v8 =	vmax.f32 v17, v13;
	v10 =	vsel vm3, v58, v16;
	v60 =	vsel vm3, v0, v18  }
0x9a: {  	v61 =	vsel vm3, v18, v0;
	(xrf1) =	vsort.ascd.msk.f32 $0xffff, v10, v60;
	v10 =	vsel vm3, v16, v58  }
0x9b: {  	v7 =	vmin.f32 v7, v8;
	(xrf1) =	vsort.ascd.msk.f32 $0xffff, v10, v61  }
0x9c: {  	(xrf1) =	vsort.ascd.msk.f32 $0xffff, v7, v0;
	_ =	sdelay $0xb  }
0x9d: {  	v7, _, _ =	vpop (xrf1)  }
0x9e: {  	v8, _, _ =	vpop (xrf1)  }
0x9f: {  	v10, _, _ =	vpop (xrf1)  }
0xa0: {  	v10 =	vperm.xlane v10, v14;
	_ =	sdelay $0x1  }
0xa1: {  	vm3 =	vle.f32 v8, v10  }
0xa2: {  	v8 =	vsel vm3, v8, v10  }
0xa3: {  	(xrf1) =	vsort.ascd.msk.f32 $0xffff, v8, v0;
	_ =	sdelay $0xd  }
0xa4: {  	v8, v10, _ =	vpop (xrf1)  }
0xa5: {  	v8 =	vperm.xlane v8, v14  }
0xa6: {  	v10 =	vperm.xlane v10, v14  }
0xa7: {  	vm3 =	vle.f32 v7, v8  }
0xa8: {  	v62 =	vsel vm3, v7, v8;
	v63 =	vsel vm3, v0, v10  }
0xa9: {  	v7 =	vsel vm3, v8, v7;
	v8 =	vsel vm3, v10, v0;
	(xrf1) =	vsort.ascd.msk.f32 $0xffff, v62, v63  }
0xaa: {  	(xrf1) =	vsort.ascd.msk.f32 $0xffff, v7, v8;
	_ =	sdelay $0xc  }
0xab: {  	v7, _, _ =	vpop (xrf1)  }
0xac: {  	v8, _, _ =	vpop (xrf1)  }
0xad: {  	vm3 =	vle.f32 v8, v15  }
0xae: {  	v8 =	vsel vm3, v8, v15  }
0xaf: {  	(xrf1) =	vsort.ascd.msk.f32 $0xffff, v8, v0;
	_ =	sdelay $0xd  }
0xb0: {  	v8, v10, _ =	vpop (xrf1)  }
0xb1: {  	v8 =	vperm.xlane v8, v14  }
0xb2: {  	v10 =	vperm.xlane v10, v14  }
0xb3: {  	vm3 =	vle.f32 v7, v8  }
0xb4: {  	v7 =	vsel vm3, v8, v7;
	v8 =	vsel vm3, v10, v0  }
0xb5: {  	(xrf1) =	vsort.ascd.msk.f32 $0xffff, v7, v8;
	_ =	sdelay $0xd  }
0xb6: {  	v7, _, _ =	vpop (xrf1)  }
0xb7: {  	v7 =	vsel vm0, $0xFF800000, v7  }
0xb8: {  	(xrf0) =	vmax.scan.msk.f32 $0xffff, v7;
	_ =	sdelay $0x5  }
0xb9: {  	v7, _, _ =	vpop (xrf0)  }
0xba: {  	(v2sf) =	vpush v7, $0xF;
	_ =	sdelay $0xe  }
0xbb: {  	[tilespmem:s0+$0x0] =	vst v11;
	s0 =	spop (v2sf)  }
.LBB2_8:
0xbc: {  	v7 =	vmov s0;
	v8 =	vimm.s32 $0x0;
	s0 =	simm.s32 $0x0;
	s31 =	simm.s32 $0x40  }
.LBB2_9:
0xbd: {  	v10 =	vld [tilespmem:s31+$0xFFFFFFC0];
	_ =	sdelay $0x4  }
0xbe: {  	vm3 =	vle.f32 v10, v7  }
0xbf: {  	v11 =	vsel vm3, $0x1, v3  }
0xc0: {  	(xrf0) =	vadd.scan.msk.s32 $0xffff, v11;
	_ =	sdelay $0x5  }
0xc1: {  	v11, _, _ =	vpop (xrf0)  }
0xc2: {  	v11 =	vadd.s32 v11, v8  }
0xc3: {  	v11 =	vadd.s32 $0xFFFFFFFF, v11  }
0xc4: {  	v11 =	vnsel vm3, $0x0, v11;
	_ =	sdelay $0x4  }
0xc5: {  	[tilespmem:v11+s19+$0x0] =	vst.idx.msk vm3, v10;
	v10 =	vor.u32 s0, v0  }
0xc6: {  	[tilespmem:v11+s20+$0x0] =	vst.idx.msk vm3, v10  }
0xc7: {  	v10 =	vld [tilespmem:s31+$0xFFFFFFD0];
	_ =	sdelay $0x4  }
0xc8: {  	vm4 =	vle.f32 v10, v7  }
0xc9: {  	v11 =	vsel vm4, $0x1, v3  }
0xca: {  	(xrf0) =	vadd.scan.msk.s32 $0xffff, v11;
	_ =	sdelay $0x1  }
0xcb: {  	v11 =	vmpcnt.ones.xlane vm3;
	_ =	sdelay $0x3  }
0xcc: {  	v8 =	vadd.s32 v8, v11;
	v11, _, _ =	vpop (xrf0)  }
0xcd: {  	v11 =	vadd.s32 v11, v8  }
0xce: {  	v11 =	vadd.s32 $0xFFFFFFFF, v11  }
0xcf: {  	v11 =	vnsel vm4, $0x0, v11;
	_ =	sdelay $0x3  }
0xd0: {  	s3 =	sadd.s32 $0x10, s0  }
0xd1: {  	[tilespmem:v11+s19+$0x0] =	vst.idx.msk vm4, v10;
	v10 =	vor.u32 s3, v0  }
0xd2: {  	[tilespmem:v11+s20+$0x0] =	vst.idx.msk vm4, v10  }
0xd3: {  	v10 =	vld [tilespmem:s31+$0xFFFFFFE0];
	_ =	sdelay $0x4  }
0xd4: {  	vm3 =	vle.f32 v10, v7  }
0xd5: {  	v11 =	vsel vm3, $0x1, v3  }
0xd6: {  	(xrf0) =	vadd.scan.msk.s32 $0xffff, v11;
	_ =	sdelay $0x1  }
0xd7: {  	v11 =	vmpcnt.ones.xlane vm4;
	_ =	sdelay $0x3  }
0xd8: {  	v8 =	vadd.s32 v8, v11;
	v11, _, _ =	vpop (xrf0)  }
0xd9: {  	v11 =	vadd.s32 v11, v8  }
0xda: {  	v11 =	vadd.s32 $0xFFFFFFFF, v11  }
0xdb: {  	v11 =	vnsel vm3, $0x0, v11;
	_ =	sdelay $0x3  }
0xdc: {  	s24 =	sadd.s32 $0x20, s0  }
0xdd: {  	[tilespmem:v11+s19+$0x0] =	vst.idx.msk vm3, v10;
	v10 =	vor.u32 s24, v0  }
0xde: {  	[tilespmem:v11+s20+$0x0] =	vst.idx.msk vm3, v10  }
0xdf: {  	v10 =	vld [tilespmem:s31+$0xFFFFFFF0];
	_ =	sdelay $0x4  }
0xe0: {  	vm13 =	vle.f32 v10, v7  }
0xe1: {  	v11 =	vsel vm13, $0x1, v3  }
0xe2: {  	(xrf0) =	vadd.scan.msk.s32 $0xffff, v11;
	_ =	sdelay $0x1  }
0xe3: {  	v11 =	vmpcnt.ones.xlane vm3;
	_ =	sdelay $0x3  }
0xe4: {  	v8 =	vadd.s32 v8, v11;
	v11, _, _ =	vpop (xrf0)  }
0xe5: {  	v11 =	vadd.s32 v11, v8  }
0xe6: {  	v11 =	vadd.s32 $0xFFFFFFFF, v11  }
0xe7: {  	v11 =	vnsel vm13, $0x0, v11;
	_ =	sdelay $0x3  }
0xe8: {  	s25 =	sadd.s32 $0x30, s0  }
0xe9: {  	[tilespmem:v11+s19+$0x0] =	vst.idx.msk vm13, v10;
	v10 =	vor.u32 s25, v0  }
0xea: {  	[tilespmem:v11+s20+$0x0] =	vst.idx.msk vm13, v10  }
0xeb: {  	v10 =	vld [tilespmem:s31+$0x0];
	_ =	sdelay $0x4  }
0xec: {  	vm3 =	vle.f32 v10, v7  }
0xed: {  	v11 =	vsel vm3, $0x1, v3  }
0xee: {  	(xrf0) =	vadd.scan.msk.s32 $0xffff, v11;
	_ =	sdelay $0x1  }
0xef: {  	v11 =	vmpcnt.ones.xlane vm13;
	_ =	sdelay $0x3  }
0xf0: {  	v8 =	vadd.s32 v8, v11;
	v11, _, _ =	vpop (xrf0)  }
0xf1: {  	v11 =	vadd.s32 v11, v8  }
0xf2: {  	v11 =	vadd.s32 $0xFFFFFFFF, v11  }
0xf3: {  	v11 =	vnsel vm3, $0x0, v11;
	_ =	sdelay $0x3  }
0xf4: {  	s13 =	sadd.s32 $0x40, s0  }
0xf5: {  	[tilespmem:v11+s19+$0x0] =	vst.idx.msk vm3, v10;
	v10 =	vor.u32 s13, v0  }
0xf6: {  	[tilespmem:v11+s20+$0x0] =	vst.idx.msk vm3, v10  }
0xf7: {  	v10 =	vld [tilespmem:s31+$0x10];
	_ =	sdelay $0x4  }
0xf8: {  	vm14 =	vle.f32 v10, v7  }
0xf9: {  	v11 =	vsel vm14, $0x1, v3  }
0xfa: {  	(xrf0) =	vadd.scan.msk.s32 $0xffff, v11;
	_ =	sdelay $0x1  }
0xfb: {  	v11 =	vmpcnt.ones.xlane vm3;
	_ =	sdelay $0x3  }
0xfc: {  	v8 =	vadd.s32 v8, v11;
	v11, _, _ =	vpop (xrf0)  }
0xfd: {  	v11 =	vadd.s32 v11, v8  }
0xfe: {  	v11 =	vadd.s32 $0xFFFFFFFF, v11  }
0xff: {  	v11 =	vnsel vm14, $0x0, v11;
	_ =	sdelay $0x3  }
0x100: {  	s22 =	sadd.s32 $0x50, s0  }
0x101: {  	[tilespmem:v11+s19+$0x0] =	vst.idx.msk vm14, v10;
	v10 =	vor.u32 s22, v0  }
0x102: {  	[tilespmem:v11+s20+$0x0] =	vst.idx.msk vm14, v10  }
0x103: {  	v10 =	vld [tilespmem:s31+$0x20];
	_ =	sdelay $0x4  }
0x104: {  	vm3 =	vle.f32 v10, v7  }
0x105: {  	v11 =	vsel vm3, $0x1, v3  }
0x106: {  	(xrf0) =	vadd.scan.msk.s32 $0xffff, v11;
	_ =	sdelay $0x1  }
0x107: {  	v11 =	vmpcnt.ones.xlane vm14;
	_ =	sdelay $0x3  }
0x108: {  	v8 =	vadd.s32 v8, v11;
	v11, _, _ =	vpop (xrf0)  }
0x109: {  	v11 =	vadd.s32 v11, v8  }
0x10a: {  	v11 =	vadd.s32 $0xFFFFFFFF, v11  }
0x10b: {  	v11 =	vnsel vm3, $0x0, v11;
	_ =	sdelay $0x3  }
0x10c: {  	s24 =	sadd.s32 $0x60, s0  }
0x10d: {  	[tilespmem:v11+s19+$0x0] =	vst.idx.msk vm3, v10;
	v10 =	vor.u32 s24, v0  }
0x10e: {  	[tilespmem:v11+s20+$0x0] =	vst.idx.msk vm3, v10  }
0x10f: {  	v10 =	vld [tilespmem:s31+$0x30];
	_ =	sdelay $0x4  }
0x110: {  	vm15 =	vle.f32 v10, v7  }
0x111: {  	v11 =	vsel vm15, $0x1, v3  }
0x112: {  	(xrf0) =	vadd.scan.msk.s32 $0xffff, v11;
	_ =	sdelay $0x1  }
0x113: {  	v11 =	vmpcnt.ones.xlane vm3;
	_ =	sdelay $0x3  }
0x114: {  	v8 =	vadd.s32 v8, v11;
	v11, _, _ =	vpop (xrf0)  }
0x115: {  	v11 =	vadd.s32 v11, v8  }
0x116: {  	v11 =	vadd.s32 $0xFFFFFFFF, v11  }
0x117: {  	v11 =	vnsel vm15, $0x0, v11  }
0x118: {  	p1 =	sne.s32 s0, $0xF80  }
.Ltmp7:
0x119: {  	_ = 	snop;
	(pc) =	sbr.rel @p1 .LBB2_9-.Ltmp7, $4  }
0x11a: {  	_ = 	snop  }
0x11b: {  	s25 =	sadd.s32 $0x70, s0;
	v12 =	vmpcnt.ones.xlane vm15  }
0x11c: {  	[tilespmem:v11+s19+$0x0] =	vst.idx.msk vm15, v10;
	v10 =	vor.u32 s25, v0  }
0x11d: {  	s0 =	sadd.s32 $0x80, s0;
	s31 =	sadd.s32 $0x80, s31;
	v8 =	vadd.s32 v8, v12;
	[tilespmem:v11+s20+$0x0] =	vst.idx.msk vm15, v10  }
0x11e: {  	v7 =	vxor.u32 $0x80000000, v8  }
0x11f: {  	(xrf0) =	vmax.scan.msk.u32 $0xffff, v7;
	_ =	sdelay $0x5  }
0x120: {  	v7, _, _ =	vpop (xrf0)  }
0x121: {  	(v2sf) =	vpush v7, $0xF;
	_ =	sdelay $0xe  }
0x122: {  	s0 =	spop (v2sf)  }
0x123: {  	p1 =	sgt.u32 s0, $0x8000001D  }
.Ltmp8:
0x124: {  	_ = 	snop;
	(pc) =	sbr.rel @p1 .LBB2_21-.Ltmp8, $1  }
0x125: {  	_ =	sdelay $0x3  }
.Ltmp9:
0x126: {  	(pc) =	sbr.rel @!p0 .LBB2_15-.Ltmp9, $1  }
0x127: {  	_ =	sdelay $0x3  }
0x128: {  	s0 =	simm.s32 $0x0  }
0x129: {  	v8 =	vld [tilespmem:s0+$0x0]  }
0x12a: {  	v10 =	vld [tilespmem:s0+$0x10]  }
0x12b: {  	v11 =	vld [tilespmem:s0+$0x20];
	_ =	sdelay $0x1  }
0x12c: {  	s3 =	simm.s32 $0x40;
	v12 =	vld [tilespmem:s0+$0x30]  }
0x12d: {  	v7 =	vimm.f32 $+Inf;
	v15 =	vld [tilespmem:s3+$0x0]  }
0x12e: {  	v14 =	vmax.f32 v7, v8;
	v13 =	vmin.f32 v7, v8;
	v17 =	vmin.f32 v7, v10  }
0x12f: {  	v10 =	vmax.f32 v7, v10;
	v8 =	vmax.f32 v13, v11;
	v19 =	vmin.f32 v13, v11;
	v13 =	vld [tilespmem:s3+$0x10]  }
0x130: {  	v18 =	vmax.f32 v7, v10;
	v22 =	vmin.f32 v7, v10;
	v10 =	vld [tilespmem:s3+$0x20]  }
0x131: {  	v16 =	vmin.f32 v17, v12;
	v23 =	vmax.f32 v17, v12;
	v21 =	vmax.f32 v7, v14;
	v12 =	vld [tilespmem:s3+$0x30]  }
0x132: {  	v20 =	vmin.f32 v7, v14;
	v14 =	vmin.f32 v22, v23;
	v11 =	vmax.f32 v19, v15  }
0x133: {  	s0 =	simm.s32 $0x200;
	v17 =	vmin.f32 v19, v15;
	v22 =	vmax.f32 v22, v23;
	v19 =	vimm.f32 $+Inf;
	v15 =	vmovc v16  }
.LBB2_13:
0x134: {  	s3 =	sshra.s32 s0, $0x2;
	p1 =	seq.s32 s0, $0x3F00;
	s0 =	sadd.s32 $0x100, s0;
	v23 =	vmin.f32 v16, v13;
	v7 =	vmin.f32 v7, v21;
	v16 =	vmin.f32 v19, v18;
	v18 =	vmovc v13  }
0x135: {  	v21 =	vmax.f32 v20, v8;
	v20 =	vmin.f32 v20, v8;
	v24 =	vld [tilespmem:s3+$0x0];
	v19 =	vmin.f32 v16, v22  }
.Ltmp10:
0x136: {  	v8 =	vmax.f32 v17, v10;
	v7 =	vmin.f32 v7, v21;
	v13 =	vld [tilespmem:s3+$0x10];
	v16 =	vmin.f32 v23, v12;
	(pc) =	sbr.rel @!p1 .LBB2_13-.Ltmp10, $4  }
0x137: {  	v21 =	vmax.f32 v15, v18;
	v17 =	vmin.f32 v17, v10;
	v10 =	vld [tilespmem:s3+$0x20];
	v15 =	vmov v16  }
0x138: {  	v18 =	vmax.f32 v14, v21;
	v22 =	vmin.f32 v14, v21;
	v23 =	vmax.f32 v23, v12;
	v12 =	vld [tilespmem:s3+$0x30]  }
0x139: {  	v21 =	vmax.f32 v20, v11;
	v20 =	vmin.f32 v20, v11;
	v14 =	vmin.f32 v22, v23  }
0x13a: {  	v22 =	vmax.f32 v22, v23;
	v11 =	vmax.f32 v17, v24;
	v17 =	vmin.f32 v17, v24  }
0x13b: {  	v16 =	vmin.f32 v16, v13;
	v21 =	vmin.f32 v7, v21  }
0x13c: {  	v7 =	vmin.f32 v19, v18;
	v60 =	vmax.f32 v20, v8;
	v8 =	vmin.f32 v20, v8  }
0x13d: {  	v15 =	vmax.f32 v15, v13;
	v19 =	vmin.f32 v7, v22;
	v61 =	vmax.f32 v17, v10  }
0x13e: {  	v18 =	vmin.f32 v21, v60;
	v13 =	vmin.f32 v17, v10;
	v62 =	vmax.f32 v14, v15  }
0x13f: {  	v14 =	vmin.f32 v14, v15;
	v7 =	vmin.f32 v16, v12;
	v12 =	vmax.f32 v16, v12  }
0x140: {  	v15 =	vmax.f32 v8, v11;
	v10 =	vmin.f32 v14, v12;
	v12 =	vmax.f32 v14, v12  }
0x141: {  	v14 =	vmin.f32 v18, v15;
	v15 =	vmin.f32 v19, v62;
	(xrf1) =	vsort.ascd.msk.f32 $0xffff, v7, v0  }
0x142: {  	v12 =	vmin.f32 v15, v12;
	(xrf1) =	vsort.ascd.msk.f32 $0xffff, v10, v0  }
0x143: {  	(xrf1) =	vsort.ascd.msk.f32 $0xffff, v12, v0;
	_ =	sdelay $0x9  }
.Ltmp11:
0x144: {  	_ = 	snop;
	(pc) =	sbr.rel .LBB2_18-.Ltmp11, $4  }
0x145: {  	_ = 	snop  }
0x146: {  	v8 =	vmin.f32 v8, v11;
	v12, _, _ =	vpop (xrf1)  }
0x147: {  	v63 =	vmax.f32 v8, v61;
	v10, _, _ =	vpop (xrf1)  }
0x148: {  	v11 =	vmin.f32 v8, v61;
	v8 =	vmin.f32 v14, v63;
	v7, _, _ =	vpop (xrf1)  }
.LBB2_15:
0x149: {  	s0 =	simm.s32 $0x0  }
0x14a: {  	v10 =	vld [tilespmem:s0+$0x2000];
	_ =	sdelay $0x2  }
0x14b: {  	v8 =	vbroadcast v9, $0xF  }
0x14c: {  	v12 =	vld [tilespmem:s0+$0x0]  }
0x14d: {  	v13 =	vmul.f32 v10, v8  }
0x14e: {  	v7 =	vimm.f32 $+Inf  }
0x14f: {  	s3 =	simm.s32 $0x40;
	s13 =	simm.s32 $0x80;
	v11 =	vimm.f32 $+Inf;
	v10 =	vimm.f32 $+Inf;
	v14 =	vsub.f32 $1.000000000e+00, v13  }
.LBB2_16:
0x150: {  	p1 =	seq.s32 s13, $0x3FC0  }
0x151: {  	s22 =	sshra.s32 s3, $0x2;
	s3 =	smov.u32 s13;
	v12 =	vmul.f32 v12, v13;
	v13 =	vmul.f32 $3.402823470e+38, v14  }
0x152: {  	v14 =	vld [tilespmem:s22+$0x2000]  }
0x153: {  	v12 =	vadd.f32 v13, v12;
	_ =	sdelay $0x1  }
.Ltmp12:
0x154: {  	[tilespmem:s0+$0x0] =	vst v12;
	v13 =	vmax.f32 v7, v12;
	v7 =	vmin.f32 v7, v12;
	s0 =	smov.u32 s22;
	(pc) =	sbr.rel @!p1 .LBB2_16-.Ltmp12, $3  }
0x155: {  	v12 =	vld [tilespmem:s0+$0x0];
	v15 =	vmax.f32 v11, v13;
	v11 =	vmin.f32 v11, v13  }
0x156: {  	v13 =	vmul.f32 v14, v8;
	v10 =	vmin.f32 v10, v15;
	_ =	sdelay $0x1  }
0x157: {  	s13 =	sadd.s32 $0x40, s13;
	v14 =	vsub.f32 $1.000000000e+00, v13  }
0x158: {  	_ = 	snop  }
0x159: {  	s3 =	sshra.s32 s3, $0x2;
	v12 =	vmul.f32 v12, v13;
	v13 =	vmul.f32 $3.402823470e+38, v14  }
0x15a: {  	v14 =	vld [tilespmem:s3+$0x2000]  }
0x15b: {  	v12 =	vadd.f32 v13, v12;
	_ =	sdelay $0x1  }
0x15c: {  	[tilespmem:s0+$0x0] =	vst v12  }
0x15d: {  	v13 =	vld [tilespmem:s3+$0x0]  }
0x15e: {  	v8 =	vmul.f32 v14, v8;
	_ =	sdelay $0x1  }
0x15f: {  	v14 =	vsub.f32 $1.000000000e+00, v8;
	_ =	sdelay $0x1  }
0x160: {  	v8 =	vmul.f32 v13, v8;
	v13 =	vmul.f32 $3.402823470e+38, v14;
	_ =	sdelay $0x1  }
0x161: {  	v8 =	vadd.f32 v13, v8  }
0x162: {  	v13 =	vmax.f32 v7, v12;
	v7 =	vmin.f32 v7, v12  }
0x163: {  	v12 =	vmax.f32 v11, v13;
	v11 =	vmin.f32 v11, v13;
	v14 =	vmax.f32 v7, v8  }
0x164: {  	v10 =	vmin.f32 v10, v12;
	v12 =	vmax.f32 v11, v14;
	_ =	sdelay $0x1  }
0x165: {  	[tilespmem:s3+$0x0] =	vst v8;
	v13 =	vmin.f32 v7, v8  }
0x166: {  	v11 =	vmin.f32 v11, v14;
	v7 =	vmovc v5;
	v8 =	vmin.f32 v10, v12;
	v10 =	vmovc v5;
	v12 =	vmov v5  }
.LBB2_18:
0x167: {  	(xrf1) =	vsort.ascd.msk.f32 $0xffff, v13, v0;
	_ =	sdelay $0x9  }
0x168: {  	v54 =	vmul.u32 $0xFFFFFFFF, v0;
	_ =	sdelay $0x1  }
0x169: {  	v13 =	vadd.s32 $0xF, v54  }
0x16a: {  	v12 =	vperm.xlane v12, v13  }
0x16b: {  	v15 =	vperm.xlane v0, v13;
	v14, _, _ =	vpop (xrf1)  }
0x16c: {  	vm3 =	vle.f32 v14, v12  }
0x16d: {  	v16 =	vsel vm3, v14, v12;
	v17 =	vsel vm3, v0, v15  }
0x16e: {  	v12 =	vsel vm3, v12, v14;
	v55 =	vsel vm3, v15, v0;
	(xrf1) =	vsort.ascd.msk.f32 $0xffff, v16, v17  }
0x16f: {  	(xrf1) =	vsort.ascd.msk.f32 $0xffff, v12, v55  }
0x170: {  	(xrf1) =	vsort.ascd.msk.f32 $0xffff, v11, v0;
	_ =	sdelay $0xb  }
0x171: {  	v11, _, _ =	vpop (xrf1)  }
0x172: {  	v12, _, _ =	vpop (xrf1)  }
0x173: {  	v56, _, _ =	vpop (xrf1)  }
0x174: {  	v14 =	vperm.xlane v56, v13;
	_ =	sdelay $0x1  }
0x175: {  	vm3 =	vle.f32 v12, v14  }
0x176: {  	v12 =	vsel vm3, v12, v14  }
0x177: {  	(xrf1) =	vsort.ascd.msk.f32 $0xffff, v12, v0;
	_ =	sdelay $0xd  }
0x178: {  	v12, v14, _ =	vpop (xrf1)  }
0x179: {  	v12 =	vperm.xlane v12, v13  }
0x17a: {  	v14 =	vperm.xlane v14, v13  }
0x17b: {  	vm3 =	vle.f32 v11, v12  }
0x17c: {  	v57 =	vsel vm3, v11, v12;
	v58 =	vsel vm3, v0, v14  }
0x17d: {  	v11 =	vsel vm3, v12, v11;
	v59 =	vsel vm3, v14, v0;
	(xrf1) =	vsort.ascd.msk.f32 $0xffff, v57, v58  }
0x17e: {  	(xrf1) =	vsort.ascd.msk.f32 $0xffff, v11, v59;
	_ =	sdelay $0xc  }
0x17f: {  	v10 =	vperm.xlane v10, v13;
	v11, _, _ =	vpop (xrf1)  }
0x180: {  	v12, _, _ =	vpop (xrf1)  }
0x181: {  	vm3 =	vle.f32 v12, v10  }
0x182: {  	v10 =	vsel vm3, v12, v10  }
0x183: {  	(xrf1) =	vsort.ascd.msk.f32 $0xffff, v10, v0;
	_ =	sdelay $0xd  }
0x184: {  	v10, v12, _ =	vpop (xrf1)  }
0x185: {  	v10 =	vperm.xlane v10, v13  }
0x186: {  	v12 =	vperm.xlane v12, v13  }
0x187: {  	vm3 =	vle.f32 v11, v10  }
0x188: {  	v60 =	vsel vm3, v11, v10;
	v61 =	vsel vm3, v0, v12  }
0x189: {  	v10 =	vsel vm3, v10, v11;
	v11 =	vsel vm3, v12, v0;
	(xrf1) =	vsort.ascd.msk.f32 $0xffff, v60, v61  }
0x18a: {  	(xrf1) =	vsort.ascd.msk.f32 $0xffff, v10, v11  }
0x18b: {  	(xrf1) =	vsort.ascd.msk.f32 $0xffff, v8, v0;
	_ =	sdelay $0xb  }
0x18c: {  	v8, _, _ =	vpop (xrf1)  }
0x18d: {  	v10, _, _ =	vpop (xrf1)  }
0x18e: {  	v11, _, _ =	vpop (xrf1)  }
0x18f: {  	v11 =	vperm.xlane v11, v13;
	_ =	sdelay $0x1  }
0x190: {  	vm3 =	vle.f32 v10, v11  }
0x191: {  	v10 =	vsel vm3, v10, v11  }
0x192: {  	(xrf1) =	vsort.ascd.msk.f32 $0xffff, v10, v0;
	_ =	sdelay $0xd  }
0x193: {  	v10, v11, _ =	vpop (xrf1)  }
0x194: {  	v10 =	vperm.xlane v10, v13  }
0x195: {  	v11 =	vperm.xlane v11, v13  }
0x196: {  	vm3 =	vle.f32 v8, v10  }
0x197: {  	v62 =	vsel vm3, v8, v10;
	v63 =	vsel vm3, v0, v11  }
0x198: {  	v8 =	vsel vm3, v10, v8;
	v10 =	vsel vm3, v11, v0;
	(xrf1) =	vsort.ascd.msk.f32 $0xffff, v62, v63  }
0x199: {  	(xrf1) =	vsort.ascd.msk.f32 $0xffff, v8, v10;
	_ =	sdelay $0xc  }
0x19a: {  	v7 =	vperm.xlane v7, v13;
	v8, _, _ =	vpop (xrf1)  }
0x19b: {  	v10, _, _ =	vpop (xrf1)  }
0x19c: {  	vm3 =	vle.f32 v10, v7  }
0x19d: {  	v7 =	vsel vm3, v10, v7  }
0x19e: {  	(xrf1) =	vsort.ascd.msk.f32 $0xffff, v7, v0;
	_ =	sdelay $0xd  }
0x19f: {  	v7, v10, _ =	vpop (xrf1)  }
0x1a0: {  	v7 =	vperm.xlane v7, v13  }
0x1a1: {  	v10 =	vperm.xlane v10, v13  }
0x1a2: {  	vm3 =	vle.f32 v8, v7  }
0x1a3: {  	v7 =	vsel vm3, v7, v8;
	v8 =	vsel vm3, v10, v0  }
0x1a4: {  	(xrf1) =	vsort.ascd.msk.f32 $0xffff, v7, v8;
	_ =	sdelay $0xd  }
0x1a5: {  	v7, _, _ =	vpop (xrf1)  }
0x1a6: {  	v7 =	vsel vm0, $0xFF800000, v7  }
0x1a7: {  	(xrf0) =	vmax.scan.msk.f32 $0xffff, v7;
	_ =	sdelay $0x5  }
0x1a8: {  	v7, _, _ =	vpop (xrf0)  }
0x1a9: {  	s0 =	simm.s32 $0x0;
	s31 =	simm.s32 $0x40;
	v8 =	vimm.s32 $0x0;
	v7 =	vbroadcast v7, $0xF  }
.LBB2_19:
0x1aa: {  	v10 =	vld [tilespmem:s31+$0xFFFFFFC0];
	_ =	sdelay $0x4  }
0x1ab: {  	vm3 =	vle.f32 v10, v7  }
0x1ac: {  	v11 =	vsel vm3, $0x1, v3  }
0x1ad: {  	(xrf0) =	vadd.scan.msk.s32 $0xffff, v11;
	_ =	sdelay $0x5  }
0x1ae: {  	v11, _, _ =	vpop (xrf0)  }
0x1af: {  	v11 =	vadd.s32 v11, v8  }
0x1b0: {  	v11 =	vadd.s32 $0xFFFFFFFF, v11  }
0x1b1: {  	v11 =	vnsel vm3, $0x0, v11;
	_ =	sdelay $0x4  }
0x1b2: {  	[tilespmem:v11+s19+$0x0] =	vst.idx.msk vm3, v10;
	v10 =	vor.u32 s0, v0  }
0x1b3: {  	[tilespmem:v11+s20+$0x0] =	vst.idx.msk vm3, v10  }
0x1b4: {  	v10 =	vld [tilespmem:s31+$0xFFFFFFD0];
	_ =	sdelay $0x4  }
0x1b5: {  	vm4 =	vle.f32 v10, v7  }
0x1b6: {  	v11 =	vsel vm4, $0x1, v3  }
0x1b7: {  	(xrf0) =	vadd.scan.msk.s32 $0xffff, v11;
	_ =	sdelay $0x1  }
0x1b8: {  	v11 =	vmpcnt.ones.xlane vm3;
	_ =	sdelay $0x3  }
0x1b9: {  	v8 =	vadd.s32 v8, v11;
	v11, _, _ =	vpop (xrf0)  }
0x1ba: {  	v11 =	vadd.s32 v11, v8  }
0x1bb: {  	v11 =	vadd.s32 $0xFFFFFFFF, v11  }
0x1bc: {  	v11 =	vnsel vm4, $0x0, v11;
	_ =	sdelay $0x3  }
0x1bd: {  	s3 =	sadd.s32 $0x10, s0  }
0x1be: {  	[tilespmem:v11+s19+$0x0] =	vst.idx.msk vm4, v10;
	v10 =	vor.u32 s3, v0  }
0x1bf: {  	[tilespmem:v11+s20+$0x0] =	vst.idx.msk vm4, v10  }
0x1c0: {  	v10 =	vld [tilespmem:s31+$0xFFFFFFE0];
	_ =	sdelay $0x4  }
0x1c1: {  	vm3 =	vle.f32 v10, v7  }
0x1c2: {  	v11 =	vsel vm3, $0x1, v3  }
0x1c3: {  	(xrf0) =	vadd.scan.msk.s32 $0xffff, v11;
	_ =	sdelay $0x1  }
0x1c4: {  	v11 =	vmpcnt.ones.xlane vm4;
	_ =	sdelay $0x3  }
0x1c5: {  	v8 =	vadd.s32 v8, v11;
	v11, _, _ =	vpop (xrf0)  }
0x1c6: {  	v11 =	vadd.s32 v11, v8  }
0x1c7: {  	v11 =	vadd.s32 $0xFFFFFFFF, v11  }
0x1c8: {  	v11 =	vnsel vm3, $0x0, v11;
	_ =	sdelay $0x3  }
0x1c9: {  	s24 =	sadd.s32 $0x20, s0  }
0x1ca: {  	[tilespmem:v11+s19+$0x0] =	vst.idx.msk vm3, v10;
	v10 =	vor.u32 s24, v0  }
0x1cb: {  	[tilespmem:v11+s20+$0x0] =	vst.idx.msk vm3, v10  }
0x1cc: {  	v10 =	vld [tilespmem:s31+$0xFFFFFFF0];
	_ =	sdelay $0x4  }
0x1cd: {  	vm13 =	vle.f32 v10, v7  }
0x1ce: {  	v11 =	vsel vm13, $0x1, v3  }
0x1cf: {  	(xrf0) =	vadd.scan.msk.s32 $0xffff, v11;
	_ =	sdelay $0x1  }
0x1d0: {  	v11 =	vmpcnt.ones.xlane vm3;
	_ =	sdelay $0x3  }
0x1d1: {  	v8 =	vadd.s32 v8, v11;
	v11, _, _ =	vpop (xrf0)  }
0x1d2: {  	v11 =	vadd.s32 v11, v8  }
0x1d3: {  	v11 =	vadd.s32 $0xFFFFFFFF, v11  }
0x1d4: {  	v11 =	vnsel vm13, $0x0, v11;
	_ =	sdelay $0x3  }
0x1d5: {  	s25 =	sadd.s32 $0x30, s0  }
0x1d6: {  	[tilespmem:v11+s19+$0x0] =	vst.idx.msk vm13, v10;
	v10 =	vor.u32 s25, v0  }
0x1d7: {  	[tilespmem:v11+s20+$0x0] =	vst.idx.msk vm13, v10  }
0x1d8: {  	v10 =	vld [tilespmem:s31+$0x0];
	_ =	sdelay $0x4  }
0x1d9: {  	vm3 =	vle.f32 v10, v7  }
0x1da: {  	v11 =	vsel vm3, $0x1, v3  }
0x1db: {  	(xrf0) =	vadd.scan.msk.s32 $0xffff, v11;
	_ =	sdelay $0x1  }
0x1dc: {  	v11 =	vmpcnt.ones.xlane vm13;
	_ =	sdelay $0x3  }
0x1dd: {  	v8 =	vadd.s32 v8, v11;
	v11, _, _ =	vpop (xrf0)  }
0x1de: {  	v11 =	vadd.s32 v11, v8  }
0x1df: {  	v11 =	vadd.s32 $0xFFFFFFFF, v11  }
0x1e0: {  	v11 =	vnsel vm3, $0x0, v11;
	_ =	sdelay $0x3  }
0x1e1: {  	s13 =	sadd.s32 $0x40, s0  }
0x1e2: {  	[tilespmem:v11+s19+$0x0] =	vst.idx.msk vm3, v10;
	v10 =	vor.u32 s13, v0  }
0x1e3: {  	[tilespmem:v11+s20+$0x0] =	vst.idx.msk vm3, v10  }
0x1e4: {  	v10 =	vld [tilespmem:s31+$0x10];
	_ =	sdelay $0x4  }
0x1e5: {  	vm14 =	vle.f32 v10, v7  }
0x1e6: {  	v11 =	vsel vm14, $0x1, v3  }
0x1e7: {  	(xrf0) =	vadd.scan.msk.s32 $0xffff, v11;
	_ =	sdelay $0x1  }
0x1e8: {  	v11 =	vmpcnt.ones.xlane vm3;
	_ =	sdelay $0x3  }
0x1e9: {  	v8 =	vadd.s32 v8, v11;
	v11, _, _ =	vpop (xrf0)  }
0x1ea: {  	v11 =	vadd.s32 v11, v8  }
0x1eb: {  	v11 =	vadd.s32 $0xFFFFFFFF, v11  }
0x1ec: {  	v11 =	vnsel vm14, $0x0, v11;
	_ =	sdelay $0x3  }
0x1ed: {  	s22 =	sadd.s32 $0x50, s0  }
0x1ee: {  	[tilespmem:v11+s19+$0x0] =	vst.idx.msk vm14, v10;
	v10 =	vor.u32 s22, v0  }
0x1ef: {  	[tilespmem:v11+s20+$0x0] =	vst.idx.msk vm14, v10  }
0x1f0: {  	v10 =	vld [tilespmem:s31+$0x20];
	_ =	sdelay $0x4  }
0x1f1: {  	vm3 =	vle.f32 v10, v7  }
0x1f2: {  	v11 =	vsel vm3, $0x1, v3  }
0x1f3: {  	(xrf0) =	vadd.scan.msk.s32 $0xffff, v11;
	_ =	sdelay $0x1  }
0x1f4: {  	v11 =	vmpcnt.ones.xlane vm14;
	_ =	sdelay $0x3  }
0x1f5: {  	v8 =	vadd.s32 v8, v11;
	v11, _, _ =	vpop (xrf0)  }
0x1f6: {  	v11 =	vadd.s32 v11, v8  }
0x1f7: {  	v11 =	vadd.s32 $0xFFFFFFFF, v11  }
0x1f8: {  	v11 =	vnsel vm3, $0x0, v11;
	_ =	sdelay $0x3  }
0x1f9: {  	s24 =	sadd.s32 $0x60, s0  }
0x1fa: {  	[tilespmem:v11+s19+$0x0] =	vst.idx.msk vm3, v10;
	v10 =	vor.u32 s24, v0  }
0x1fb: {  	[tilespmem:v11+s20+$0x0] =	vst.idx.msk vm3, v10  }
0x1fc: {  	v10 =	vld [tilespmem:s31+$0x30];
	_ =	sdelay $0x4  }
0x1fd: {  	vm15 =	vle.f32 v10, v7  }
0x1fe: {  	v11 =	vsel vm15, $0x1, v3  }
0x1ff: {  	(xrf0) =	vadd.scan.msk.s32 $0xffff, v11;
	_ =	sdelay $0x1  }
0x200: {  	v11 =	vmpcnt.ones.xlane vm3;
	_ =	sdelay $0x3  }
0x201: {  	v8 =	vadd.s32 v8, v11;
	v11, _, _ =	vpop (xrf0)  }
0x202: {  	v11 =	vadd.s32 v11, v8  }
0x203: {  	v11 =	vadd.s32 $0xFFFFFFFF, v11  }
0x204: {  	v11 =	vnsel vm15, $0x0, v11  }
0x205: {  	p1 =	sne.s32 s0, $0xF80  }
.Ltmp13:
0x206: {  	_ = 	snop;
	(pc) =	sbr.rel @p1 .LBB2_19-.Ltmp13, $4  }
0x207: {  	_ = 	snop  }
0x208: {  	s25 =	sadd.s32 $0x70, s0;
	v12 =	vmpcnt.ones.xlane vm15  }
0x209: {  	[tilespmem:v11+s19+$0x0] =	vst.idx.msk vm15, v10;
	v10 =	vor.u32 s25, v0  }
0x20a: {  	s0 =	sadd.s32 $0x80, s0;
	s31 =	sadd.s32 $0x80, s31;
	v8 =	vadd.s32 v8, v12;
	[tilespmem:v11+s20+$0x0] =	vst.idx.msk vm15, v10  }
0x20b: {  	v7 =	vxor.u32 $0x80000000, v8  }
0x20c: {  	(xrf0) =	vmax.scan.msk.u32 $0xffff, v7;
	_ =	sdelay $0x5  }
0x20d: {  	v7, _, _ =	vpop (xrf0)  }
0x20e: {  	(v2sf) =	vpush v7, $0xF;
	_ =	sdelay $0xe  }
0x20f: {  	s0 =	spop (v2sf)  }
.LBB2_21:
0x210: {  	s3 =	sxor.u32 $0x80000000, s0  }
0x211: {  	v7 =	vadd.s32 s3, v0;
	_ =	sdelay $0x4  }
0x212: {  	[tilespmem:v7+s19+$0x0] =	vst.idx.msk $0xffff, v1  }
0x213: {  	[tilespmem:v7+s20+$0x0] =	vst.idx.msk $0xffff, v4  }
0x214: {  	v7 =	vld [tilespmem:$0x3000]  }
0x215: {  	v8 =	vld [tilespmem:$0x4080]  }
0x216: {  	v10 =	vld [tilespmem:$0x3010]  }
0x217: {  	v11 =	vld [tilespmem:$0x4090];
	_ =	sdelay $0x3  }
0x218: {  	(xrf1) =	vsort.ascd.msk.f32 $0xffff, v7, v8  }
0x219: {  	(xrf1) =	vsort.ascd.msk.f32 $0xffff, v10, v11;
	_ =	sdelay $0xb  }
0x21a: {  	v7 =	vmul.u32 $0xFFFFFFFF, v0  }
0x21b: {  	v8, v10, _ =	vpop (xrf1)  }
0x21c: {  	v7 =	vadd.s32 $0xF, v7;
	v11, v12, _ =	vpop (xrf1)  }
0x21d: {  	v11 =	vperm.xlane v11, v7  }
0x21e: {  	v12 =	vperm.xlane v12, v7  }
0x21f: {  	vm3 =	vle.f32 v8, v11  }
0x220: {  	v13 =	vsel vm3, v8, v11;
	v14 =	vsel vm3, v10, v12  }
0x221: {  	v8 =	vsel vm3, v11, v8;
	v10 =	vsel vm3, v12, v10;
	(xrf1) =	vsort.ascd.msk.f32 $0xffff, v13, v14  }
0x222: {  	(xrf1) =	vsort.ascd.msk.f32 $0xffff, v8, v10;
	_ =	sdelay $0x1  }
0x223: {  	s22 =	sadd.s32 $0x8000000F, s0  }
0x224: {  	s24 =	sand.u32 $0xF, s22  }
0x225: {  	s25 =	sshra.s32 s22, $0x1F;
	p2 =	slt.s32 s22, $0x1;
	p1 =	sne.s32 s24, $0x0  }
0x226: {  	s3 =	sshrl.u32 s25, $0x1C;
	p1 =	por !p2, !p1  }
0x227: {  	s0 =	sadd.s32 s3, s22;
	s3 =	simm.s32 $0x1;
	p1 =	por !p1, !p1  }
0x228: {  	s0 =	sshra.s32 s0, $0x4;
	s3 =	simm.s32 @!p1 $0x0  }
0x229: {  	s31 =	ssub.s32 s0, s3  }
0x22a: {  	p2 =	slt.s32 s31, $0x3  }
.Ltmp14:
0x22b: {  	_ = 	snop;
	(pc) =	sbr.rel @p2 .LBB2_28-.Ltmp14, $3  }
0x22c: {  	_ =	sdelay $0x1  }
0x22d: {  	v12, v10, _ =	vpop (xrf1)  }
0x22e: {  	v11, v13, _ =	vpop (xrf1)  }
0x22f: {  	s3 =	simm.s32 $0x3020  }
0x230: {  	v8 =	vld [tilespmem:s3+$0x0];
	s3 =	simm.s32 $0xFFFFFFFF  }
0x231: {  	s3 =	simm.s32 @!p1 $0x0  }
0x232: {  	s0 =	sadd.s32 s3, s0  }
0x233: {  	s13 =	simm.s32 $0x40A0;
	s0 =	sadd.s32 $0xFFFFFFFE, s0  }
0x234: {  	v14 =	vld [tilespmem:s13+$0x0];
	p2 =	sne.s32 s0, $0x1  }
.Ltmp15:
0x235: {  	_ = 	snop;
	(pc) =	sbr.rel @!p2 .LBB2_23-.Ltmp15, $2  }
0x236: {  	_ =	sdelay $0x2  }
0x237: {  	p1 =	por $0x0, $0x0;
	s13 =	sadd.s32 $0xFFFFFFFF, s0;
	(xrf1) =	vsort.ascd.msk.f32 $0xffff, v8, v14  }
0x238: {  	_ =	sdelay $0xc  }
0x239: {  	v8, v14, _ =	vpop (xrf1)  }
0x23a: {  	s0 =	simm.s32 $0x3030;
	v8 =	vperm.xlane v8, v7  }
0x23b: {  	s3 =	simm.s32 $0x40B0;
	v15 =	vld [tilespmem:s0+$0x0];
	v14 =	vperm.xlane v14, v7  }
0x23c: {  	p2 =	sne.s32 s13, $0x1;
	v16 =	vld [tilespmem:s3+$0x0];
	vm3 =	vle.f32 v11, v8  }
.Ltmp16:
0x23d: {  	v8 =	vsel vm3, v11, v8;
	v14 =	vsel vm3, v13, v14;
	(pc) =	sbr.rel @!p2 .LBB2_25-.Ltmp16, $2  }
0x23e: {  	(xrf1) =	vsort.ascd.msk.f32 $0xffff, v8, v14;
	_ =	sdelay $0x2  }
0x23f: {  	s13 =	sadd.s32 $0xFFFFFFFF, s13;
	p1 =	por $0x1, $0x1;
	(xrf1) =	vsort.ascd.msk.f32 $0xffff, v15, v16;
	v14 =	vmov v12;
	v8 =	vmov v10  }
.LBB2_26:
0x240: {  	_ = 	snop  }
0x241: {  	p2 =	sne.s32 s13, $0x1;
	s13 =	sadd.s32 $0xFFFFFFFF, s13;
	_ =	sdelay $0x8  }
0x242: {  	v15, v16, _ =	vpop (xrf1)  }
0x243: {  	v15 =	vperm.xlane v15, v7  }
0x244: {  	v16 =	vperm.xlane v16, v7  }
0x245: {  	v17, v18, _ =	vpop (xrf1);
	vm3 =	vle.f32 v14, v15  }
0x246: {  	v17 =	vperm.xlane v17, v7;
	v19 =	vsel vm3, v15, v14;
	v20 =	vsel vm3, v16, v8  }
0x247: {  	v14 =	vsel vm3, v14, v15;
	v8 =	vsel vm3, v8, v16;
	(xrf1) =	vsort.ascd.msk.f32 $0xffff, v19, v20  }
0x248: {  	(xrf1) =	vsort.ascd.msk.f32 $0xffff, v14, v8;
	_ =	sdelay $0xb  }
0x249: {  	s0 =	sadd.s32 $0x10, s0  }
0x24a: {  	s3 =	sadd.s32 $0x10, s3;
	v16 =	vperm.xlane v18, v7;
	v15 =	vld [tilespmem:s0+$0x0];
	v19, v18, _ =	vpop (xrf1)  }
0x24b: {  	v20 =	vld [tilespmem:s3+$0x0];
	vm3 =	vle.f32 v19, v17;
	v14, v8, _ =	vpop (xrf1)  }
.Ltmp17:
0x24c: {  	v17 =	vsel vm3, v19, v17;
	v16 =	vsel vm3, v18, v16;
	(pc) =	sbr.rel @p2 .LBB2_26-.Ltmp17, $2  }
0x24d: {  	(xrf1) =	vsort.ascd.msk.f32 $0xffff, v17, v16;
	_ =	sdelay $0x2  }
0x24e: {  	(xrf1) =	vsort.ascd.msk.f32 $0xffff, v15, v20  }
.LBB2_27:
0x24f: {  	_ =	sdelay $0x9  }
0x250: {  	v15, v16, _ =	vpop @p1 (xrf1)  }
0x251: {  	v15 =	vperm.xlane @p1 v15, v7  }
0x252: {  	v16 =	vperm.xlane @p1 v16, v7  }
0x253: {  	vm3 =	vle.f32 @p1 v14, v15  }
0x254: {  	v17 =	vsel @p1 vm3, v15, v14;
	v18 =	vsel @p1 vm3, v16, v8  }
0x255: {  	(xrf1) =	vsort.ascd.msk.f32 @p1 $0xffff, v17, v18;
	_ =	sdelay $0xc  }
0x256: {  	v17, v18, _ =	vpop (xrf1)  }
0x257: {  	v17 =	vperm.xlane v17, v7;
	v19, v20, _ =	vpop @p1 (xrf1)  }
0x258: {  	v14 =	vsel @p1 vm3, v14, v15;
	v15 =	vperm.xlane v18, v7;
	v11 =	vpsel p1, v19, v11  }
0x259: {  	v8 =	vsel @p1 vm3, v8, v16;
	v13 =	vpsel p1, v20, v13;
	vm3 =	vle.f32 v11, v17  }
0x25a: {  	(xrf1) =	vsort.ascd.msk.f32 @p1 $0xffff, v14, v8;
	v8 =	vsel vm3, v11, v17;
	v11 =	vsel vm3, v13, v15  }
0x25b: {  	(xrf1) =	vsort.ascd.msk.f32 $0xffff, v8, v11;
	_ =	sdelay $0xc  }
0x25c: {  	v8, v11, _ =	vpop @p1 (xrf1)  }
0x25d: {  	v13, v14, _ =	vpop (xrf1)  }
0x25e: {  	v13 =	vperm.xlane v13, v7  }
0x25f: {  	v8 =	vpsel p1, v8, v12;
	v12 =	vperm.xlane v14, v7  }
0x260: {  	v10 =	vpsel p1, v11, v10;
	vm3 =	vle.f32 v8, v13  }
0x261: {  	v11 =	vsel vm3, v13, v8;
	v14 =	vsel vm3, v12, v10  }
0x262: {  	v8 =	vsel vm3, v8, v13;
	v10 =	vsel vm3, v10, v12;
	(xrf1) =	vsort.ascd.msk.f32 $0xffff, v11, v14  }
0x263: {  	(xrf1) =	vsort.ascd.msk.f32 $0xffff, v8, v10;
	_ =	sdelay $0xc  }
0x264: {  	v11, v13, _ =	vpop (xrf1)  }
0x265: {  	v12, v10, _ =	vpop (xrf1)  }
.LBB2_28:
0x266: {  	[tilespmem:$0x5100] =	vst v12  }
0x267: {  	[tilespmem:$0x5110] =	vst v11  }
0x268: {  	v8 =	vld [tilespmem:$0x5101]  }
0x269: {  	[tilespmem:$0x5120] =	vst v1  }
0x26a: {  	v14 =	vld [tilespmem:$0x5111];
	_ =	sdelay $0x2  }
0x26b: {  	vm3 =	veq.f32 v12, v8  }
0x26c: {  	v8 =	vsel vm3, $0x3F800000, v6  }
0x26d: {  	vm3 =	veq.f32 v11, v14;
	(xrf0) =	vmax.scan.msk.f32 $0xffff, v8;
	v8 =	vsel vm1, $0x3F800000, v6  }
0x26e: {  	v14 =	vnsel vm3, $0x0, v8  }
0x26f: {  	(xrf0) =	vmax.scan.msk.f32 $0xffff, v14;
	_ =	sdelay $0x3  }
0x270: {  	v14, _, _ =	vpop (xrf0)  }
0x271: {  	(v2sf) =	vpush v14, $0xF  }
0x272: {  	v14, _, _ =	vpop (xrf0)  }
0x273: {  	(v2sf) =	vpush v14, $0xF;
	_ =	sdelay $0xc  }
0x274: {  	s0 =	spop (v2sf)  }
0x275: {  	p1 =	sgt.f32 s0, $0.0e+00  }
0x276: {  	s0 =	spop (v2sf)  }
0x277: {  	p2 =	sgt.f32 @!p1 s0, $0.0e+00;
	_ =	sdelay $0x1  }
0x278: {  	p2 =	por p1, p2  }
.Ltmp18:
0x279: {  	_ = 	snop;
	(pc) =	sbr.rel @p2 .LBB2_29-.Ltmp18, $1  }
0x27a: {  	_ =	sdelay $0x3  }
.LBB2_42:
0x27b: {  	_ =	sdelay $0x3  }
0x27c: {  	v14 =	vld.idx.msk [tilespmem:v10+s14+$0x0], $0xffff  }
0x27d: {  	v15 =	vld.idx.msk [tilespmem:v13+s14+$0x0], $0xffff  }
0x27e: {  	s0 =	sshll.u32 s28, $0x8  }
0x27f: {  	v9 =	vbroadcast v9, $0xF;
	[tilespmem:s0+$0xD180] =	vst v12  }
0x280: {  	[tilespmem:s0+$0xD190] =	vst v11  }
0x281: {  	[tilespmem:s0+$0x5180] =	vst v10;
	v63 =	vmul.f32 v14, v9  }
0x282: {  	s3 =	smin.u32 s30, $0x1FFD;
	[tilespmem:s0+$0x5190] =	vst v13;
	v9 =	vmul.f32 v15, v9  }
0x283: {  	s3 =	sadd.s32 $0x2, s3;
	[tilespmem:s0+$0x15180] =	vst v63  }
0x284: {  	s24 =	sshll.u32 s3, $0x4;
	[tilespmem:s0+$0x15190] =	vst v9  }
0x285: {  	s3 =	sshll.u32 s3, $0x9;
	s0 =	sand.u32 $0x70, s24;
	_ =	swait.ge [sflag:s21], $0x1000  }
0x286: {  	s3 =	sand.u32 $0x7FF000, s3;
	v9 =	vsel vm0, $0xFF800000, v11;
	s0 =	sadd.s32 s1, s0;
	[sflag:s21] =	ssyncset.done $0x0  }
0x287: {  	s25 =	ssub.s32 s29, s4;
	(xrf0) =	vmax.scan.msk.f32 $0xffff, v9;
	s0 =	sadd.s32 s3, s0;
	[sflag:s21] =	ssyncadd.s32 $0xFFFFF000  }
0x288: {  	[tilespmem:s2], [sflag:$0x1] =	stream.strided.gather [hbm4b:s0+s12], $0x1000, s16, s12, $0x38;
	[tilespmem:$0x1D180] =	vst v63  }
0x289: {  	s30 =	sshrl.u32 s25, $0x4;
	s0 =	sshra.s32 s25, $0x1F  }
0x28a: {  	s0 =	sadd.s32 s0, s30  }
0x28b: {  	s0 =	sshll.u32 s0, $0x6  }
0x28c: {  	s0 =	sshra.s32 s0, $0x2  }
0x28d: {  	v9, _, _ =	vpop (xrf0);
	v10 =	vld [tilespmem:s0+$0x2000]  }
0x28e: {  	(v2sf) =	vpush v9, $0xF  }
0x28f: {  	s31 =	sand.u32 $0xF, s29  }
0x290: {  	v9 =	vmov s31  }
0x291: {  	vm3 =	veq.s32 v9, v0  }
0x292: {  	v9 =	vnsel vm3, $0x0, v10  }
0x293: {  	(xrf2) =	vadd.scan.msk.f32 $0xffff, v9;
	_ =	sdelay $0x5  }
.Ltmp19:
0x294: {  	_ = 	snop;
	(pc) =	sbr.rel @!p0 .LBB2_44-.Ltmp19, $2  }
0x295: {  	_ =	sdelay $0x2  }
0x296: {  	s0 =	spop (v2sf);
	v9, _, _ =	vpop (xrf2)  }
.Ltmp20:
0x297: {  	(pc) =	sbr.rel .LBB2_47-.Ltmp20, $3  }
0x298: {  	s3 =	sand.u32 $0x7FFFFFFF, s0  }
0x299: {  	s3 =	smul.f32 $6.000000240e-01, s3;
	_ =	sdelay $0x1  }
0x29a: {  	s0 =	sadd.f32 s3, s0  }
.LBB2_44:
0x29b: {  	s3 =	simm.s32 $0x0  }
0x29c: {  	v10 =	vld [tilespmem:s3+$0x2000];
	_ =	sdelay $0x2  }
0x29d: {  	v13 =	vbroadcast v9, $0xF  }
0x29e: {  	v14 =	vld [tilespmem:s3+$0x1000]  }
0x29f: {  	v15 =	vmul.f32 v10, v13  }
0x2a0: {  	v12 =	vimm.f32 $+Inf  }
0x2a1: {  	s0 =	simm.s32 $0x40;
	s13 =	simm.s32 $0x80;
	v11 =	vimm.f32 $+Inf;
	v10 =	vimm.f32 $+Inf;
	v16 =	vsub.f32 $1.000000000e+00, v15  }
.LBB2_45:
0x2a2: {  	p1 =	sne.s32 s13, $0x3FC0  }
0x2a3: {  	s22 =	sshra.s32 s0, $0x2;
	s0 =	smov.u32 s13;
	v14 =	vmul.f32 v14, v15;
	v15 =	vmul.f32 $3.402823470e+38, v16  }
0x2a4: {  	v16 =	vld [tilespmem:s22+$0x2000]  }
0x2a5: {  	v14 =	vadd.f32 v15, v14;
	_ =	sdelay $0x1  }
.Ltmp21:
0x2a6: {  	[tilespmem:s3+$0x1000] =	vst v14;
	v15 =	vmax.f32 v12, v14;
	v12 =	vmin.f32 v12, v14;
	s3 =	smov.u32 s22;
	(pc) =	sbr.rel @p1 .LBB2_45-.Ltmp21, $3  }
0x2a7: {  	v14 =	vld [tilespmem:s3+$0x1000];
	v17 =	vmax.f32 v11, v15;
	v11 =	vmin.f32 v11, v15  }
0x2a8: {  	v15 =	vmul.f32 v16, v13;
	v10 =	vmin.f32 v10, v17;
	_ =	sdelay $0x1  }
0x2a9: {  	s13 =	sadd.s32 $0x40, s13;
	v16 =	vsub.f32 $1.000000000e+00, v15  }
0x2aa: {  	_ = 	snop  }
0x2ab: {  	s0 =	sshra.s32 s0, $0x2;
	v14 =	vmul.f32 v14, v15;
	v42 =	vmul.f32 $3.402823470e+38, v16  }
0x2ac: {  	v43 =	vld [tilespmem:s0+$0x2000]  }
0x2ad: {  	v14 =	vadd.f32 v42, v14;
	_ =	sdelay $0x1  }
0x2ae: {  	[tilespmem:s3+$0x1000] =	vst v14  }
0x2af: {  	v44 =	vld [tilespmem:s0+$0x1000]  }
0x2b0: {  	v13 =	vmul.f32 v43, v13;
	_ =	sdelay $0x1  }
0x2b1: {  	v16 =	vsub.f32 $1.000000000e+00, v13;
	_ =	sdelay $0x1  }
0x2b2: {  	v45 =	vmul.f32 $3.402823470e+38, v16;
	v13 =	vmul.f32 v44, v13;
	_ =	sdelay $0x1  }
0x2b3: {  	v13 =	vadd.f32 v45, v13  }
0x2b4: {  	v46 =	vmin.f32 v12, v14  }
0x2b5: {  	v47 =	vmin.f32 v46, v13  }
0x2b6: {  	(xrf1) =	vsort.ascd.msk.f32 $0xffff, v47, v0;
	_ =	sdelay $0xc  }
0x2b7: {  	v48 =	vperm.xlane v5, v7  }
0x2b8: {  	v17 =	vperm.xlane v0, v7;
	v49 =	vmax.f32 v12, v14;
	v50, _, _ =	vpop (xrf1)  }
0x2b9: {  	v18 =	vmin.f32 v11, v49;
	vm3 =	vle.f32 v50, v48  }
0x2ba: {  	v15 =	vmax.f32 v46, v13;
	v19 =	vsel vm3, v50, v48;
	v20 =	vsel vm3, v0, v17  }
0x2bb: {  	v14 =	vsel vm3, v48, v50;
	v17 =	vsel vm3, v17, v0;
	(xrf1) =	vsort.ascd.msk.f32 $0xffff, v19, v20  }
0x2bc: {  	v51 =	vmin.f32 v18, v15;
	(xrf1) =	vsort.ascd.msk.f32 $0xffff, v14, v17  }
0x2bd: {  	(xrf1) =	vsort.ascd.msk.f32 $0xffff, v51, v0;
	_ =	sdelay $0xb  }
0x2be: {  	v52, _, _ =	vpop (xrf1)  }
0x2bf: {  	v17, _, _ =	vpop (xrf1)  }
0x2c0: {  	v19, _, _ =	vpop (xrf1)  }
0x2c1: {  	v19 =	vperm.xlane v19, v7;
	_ =	sdelay $0x1  }
0x2c2: {  	vm3 =	vle.f32 v17, v19  }
0x2c3: {  	v17 =	vsel vm3, v17, v19  }
0x2c4: {  	(xrf1) =	vsort.ascd.msk.f32 $0xffff, v17, v0;
	_ =	sdelay $0xd  }
0x2c5: {  	v17, v19, _ =	vpop (xrf1)  }
0x2c6: {  	v17 =	vperm.xlane v17, v7  }
0x2c7: {  	v19 =	vperm.xlane v19, v7  }
0x2c8: {  	vm3 =	vle.f32 v52, v17  }
0x2c9: {  	v53 =	vsel vm3, v52, v17;
	v21 =	vsel vm3, v0, v19  }
0x2ca: {  	v14 =	vsel vm3, v17, v52;
	v54 =	vsel vm3, v19, v0;
	(xrf1) =	vsort.ascd.msk.f32 $0xffff, v53, v21  }
0x2cb: {  	(xrf1) =	vsort.ascd.msk.f32 $0xffff, v14, v54;
	_ =	sdelay $0xc  }
0x2cc: {  	v55, _, _ =	vpop (xrf1)  }
0x2cd: {  	v17, _, _ =	vpop (xrf1)  }
0x2ce: {  	vm3 =	vle.f32 v17, v48  }
0x2cf: {  	v17 =	vsel vm3, v17, v48  }
0x2d0: {  	(xrf1) =	vsort.ascd.msk.f32 $0xffff, v17, v0;
	_ =	sdelay $0xd  }
0x2d1: {  	v17, v56, _ =	vpop (xrf1)  }
0x2d2: {  	v17 =	vperm.xlane v17, v7  }
0x2d3: {  	v11 =	vmax.f32 v11, v49;
	v57 =	vperm.xlane v56, v7  }
0x2d4: {  	v10 =	vmin.f32 v10, v11;
	vm3 =	vle.f32 v55, v17  }
0x2d5: {  	v11 =	vmax.f32 v18, v15;
	v58 =	vsel vm3, v55, v17;
	v59 =	vsel vm3, v0, v57  }
0x2d6: {  	v14 =	vsel vm3, v17, v55;
	v12 =	vsel vm3, v57, v0;
	(xrf1) =	vsort.ascd.msk.f32 $0xffff, v58, v59  }
0x2d7: {  	v10 =	vmin.f32 v10, v11;
	(xrf1) =	vsort.ascd.msk.f32 $0xffff, v14, v12  }
0x2d8: {  	(xrf1) =	vsort.ascd.msk.f32 $0xffff, v10, v0;
	_ =	sdelay $0xb  }
0x2d9: {  	v10, _, _ =	vpop (xrf1)  }
0x2da: {  	v11, _, _ =	vpop (xrf1)  }
0x2db: {  	v60, _, _ =	vpop (xrf1)  }
0x2dc: {  	v12 =	vperm.xlane v60, v7;
	_ =	sdelay $0x1  }
0x2dd: {  	vm3 =	vle.f32 v11, v12  }
0x2de: {  	v11 =	vsel vm3, v11, v12  }
0x2df: {  	(xrf1) =	vsort.ascd.msk.f32 $0xffff, v11, v0;
	_ =	sdelay $0xd  }
0x2e0: {  	v11, v12, _ =	vpop (xrf1)  }
0x2e1: {  	v11 =	vperm.xlane v11, v7  }
0x2e2: {  	v12 =	vperm.xlane v12, v7  }
0x2e3: {  	vm3 =	vle.f32 v10, v11  }
0x2e4: {  	v61 =	vsel vm3, v10, v11;
	v62 =	vsel vm3, v0, v12  }
0x2e5: {  	v10 =	vsel vm3, v11, v10;
	v11 =	vsel vm3, v12, v0;
	(xrf1) =	vsort.ascd.msk.f32 $0xffff, v61, v62  }
0x2e6: {  	(xrf1) =	vsort.ascd.msk.f32 $0xffff, v10, v11;
	_ =	sdelay $0xc  }
0x2e7: {  	v10, _, _ =	vpop (xrf1)  }
0x2e8: {  	v11, _, _ =	vpop (xrf1)  }
0x2e9: {  	vm3 =	vle.f32 v11, v48  }
0x2ea: {  	v11 =	vsel vm3, v11, v48  }
0x2eb: {  	(xrf1) =	vsort.ascd.msk.f32 $0xffff, v11, v0;
	_ =	sdelay $0xd  }
0x2ec: {  	v11, v63, _ =	vpop (xrf1)  }
0x2ed: {  	v11 =	vperm.xlane v11, v7  }
0x2ee: {  	v12 =	vperm.xlane v63, v7  }
0x2ef: {  	vm3 =	vle.f32 v10, v11  }
0x2f0: {  	v10 =	vsel vm3, v11, v10;
	v11 =	vsel vm3, v12, v0  }
0x2f1: {  	(xrf1) =	vsort.ascd.msk.f32 $0xffff, v10, v11;
	_ =	sdelay $0xd  }
0x2f2: {  	v10, _, _ =	vpop (xrf1)  }
0x2f3: {  	v10 =	vsel vm0, $0xFF800000, v10  }
0x2f4: {  	(xrf0) =	vmax.scan.msk.f32 $0xffff, v10;
	_ =	sdelay $0x5  }
0x2f5: {  	v10, _, _ =	vpop (xrf0)  }
0x2f6: {  	(v2sf) =	vpush v10, $0xF;
	_ =	sdelay $0xe  }
0x2f7: {  	[tilespmem:s0+$0x1000] =	vst v13;
	s0 =	spop (v2sf)  }
.LBB2_47:
0x2f8: {  	_ = 	snop  }
0x2f9: {  	v11 =	vimm.s32 $0x0;
	s30 =	simm.s32 $0x1040;
	v10 =	vmov s0;
	s0 =	simm.s32 $0x0  }
.LBB2_48:
0x2fa: {  	v12 =	vld [tilespmem:s30+$0xFFFFFFC0];
	_ =	sdelay $0x4  }
0x2fb: {  	vm3 =	vle.f32 v12, v10  }
0x2fc: {  	v13 =	vsel vm3, $0x1, v3  }
0x2fd: {  	(xrf0) =	vadd.scan.msk.s32 $0xffff, v13;
	_ =	sdelay $0x5  }
0x2fe: {  	v13, _, _ =	vpop (xrf0)  }
0x2ff: {  	v13 =	vadd.s32 v13, v11  }
0x300: {  	v13 =	vadd.s32 $0xFFFFFFFF, v13  }
0x301: {  	v13 =	vnsel vm3, $0x0, v13;
	_ =	sdelay $0x4  }
0x302: {  	v35 =	vor.u32 s0, v0;
	[tilespmem:v13+s19+$0x0] =	vst.idx.msk vm3, v12  }
0x303: {  	[tilespmem:v13+s20+$0x0] =	vst.idx.msk vm3, v35  }
0x304: {  	v12 =	vld [tilespmem:s30+$0xFFFFFFD0];
	_ =	sdelay $0x4  }
0x305: {  	vm4 =	vle.f32 v12, v10  }
0x306: {  	v36 =	vsel vm4, $0x1, v3  }
0x307: {  	(xrf0) =	vadd.scan.msk.s32 $0xffff, v36;
	_ =	sdelay $0x3  }
0x308: {  	v37 =	vmpcnt.ones.xlane vm3;
	_ =	sdelay $0x1  }
0x309: {  	v11 =	vadd.s32 v11, v37;
	v38, _, _ =	vpop (xrf0)  }
0x30a: {  	v13 =	vadd.s32 v38, v11  }
0x30b: {  	v13 =	vadd.s32 $0xFFFFFFFF, v13  }
0x30c: {  	v13 =	vnsel vm4, $0x0, v13;
	_ =	sdelay $0x3  }
0x30d: {  	s3 =	sadd.s32 $0x10, s0  }
0x30e: {  	v39 =	vor.u32 s3, v0;
	[tilespmem:v13+s19+$0x0] =	vst.idx.msk vm4, v12  }
0x30f: {  	[tilespmem:v13+s20+$0x0] =	vst.idx.msk vm4, v39  }
0x310: {  	v12 =	vld [tilespmem:s30+$0xFFFFFFE0];
	_ =	sdelay $0x4  }
0x311: {  	vm3 =	vle.f32 v12, v10  }
0x312: {  	v40 =	vsel vm3, $0x1, v3  }
0x313: {  	(xrf0) =	vadd.scan.msk.s32 $0xffff, v40;
	_ =	sdelay $0x3  }
0x314: {  	v41 =	vmpcnt.ones.xlane vm4;
	_ =	sdelay $0x1  }
0x315: {  	v11 =	vadd.s32 v11, v41;
	v42, _, _ =	vpop (xrf0)  }
0x316: {  	v13 =	vadd.s32 v42, v11  }
0x317: {  	v13 =	vadd.s32 $0xFFFFFFFF, v13  }
0x318: {  	v13 =	vnsel vm3, $0x0, v13;
	_ =	sdelay $0x3  }
0x319: {  	s31 =	sadd.s32 $0x20, s0  }
0x31a: {  	v43 =	vor.u32 s31, v0;
	[tilespmem:v13+s19+$0x0] =	vst.idx.msk vm3, v12  }
0x31b: {  	[tilespmem:v13+s20+$0x0] =	vst.idx.msk vm3, v43  }
0x31c: {  	v12 =	vld [tilespmem:s30+$0xFFFFFFF0];
	_ =	sdelay $0x4  }
0x31d: {  	vm13 =	vle.f32 v12, v10  }
0x31e: {  	v44 =	vsel vm13, $0x1, v3  }
0x31f: {  	(xrf0) =	vadd.scan.msk.s32 $0xffff, v44;
	_ =	sdelay $0x3  }
0x320: {  	v45 =	vmpcnt.ones.xlane vm3;
	_ =	sdelay $0x1  }
0x321: {  	v11 =	vadd.s32 v11, v45;
	v46, _, _ =	vpop (xrf0)  }
0x322: {  	v13 =	vadd.s32 v46, v11  }
0x323: {  	v13 =	vadd.s32 $0xFFFFFFFF, v13  }
0x324: {  	v13 =	vnsel vm13, $0x0, v13;
	_ =	sdelay $0x3  }
0x325: {  	s13 =	sadd.s32 $0x30, s0  }
0x326: {  	v47 =	vor.u32 s13, v0;
	[tilespmem:v13+s19+$0x0] =	vst.idx.msk vm13, v12  }
0x327: {  	[tilespmem:v13+s20+$0x0] =	vst.idx.msk vm13, v47  }
0x328: {  	v12 =	vld [tilespmem:s30+$0x0];
	_ =	sdelay $0x4  }
0x329: {  	vm3 =	vle.f32 v12, v10  }
0x32a: {  	v48 =	vsel vm3, $0x1, v3  }
0x32b: {  	(xrf0) =	vadd.scan.msk.s32 $0xffff, v48;
	_ =	sdelay $0x3  }
0x32c: {  	v49 =	vmpcnt.ones.xlane vm13;
	_ =	sdelay $0x1  }
0x32d: {  	v11 =	vadd.s32 v11, v49;
	v50, _, _ =	vpop (xrf0)  }
0x32e: {  	v13 =	vadd.s32 v50, v11  }
0x32f: {  	v13 =	vadd.s32 $0xFFFFFFFF, v13  }
0x330: {  	v13 =	vnsel vm3, $0x0, v13;
	_ =	sdelay $0x3  }
0x331: {  	s22 =	sadd.s32 $0x40, s0  }
0x332: {  	v51 =	vor.u32 s22, v0;
	[tilespmem:v13+s19+$0x0] =	vst.idx.msk vm3, v12  }
0x333: {  	[tilespmem:v13+s20+$0x0] =	vst.idx.msk vm3, v51  }
0x334: {  	v12 =	vld [tilespmem:s30+$0x10];
	_ =	sdelay $0x4  }
0x335: {  	vm14 =	vle.f32 v12, v10  }
0x336: {  	v52 =	vsel vm14, $0x1, v3  }
0x337: {  	(xrf0) =	vadd.scan.msk.s32 $0xffff, v52;
	_ =	sdelay $0x3  }
0x338: {  	v53 =	vmpcnt.ones.xlane vm3;
	_ =	sdelay $0x1  }
0x339: {  	v11 =	vadd.s32 v11, v53;
	v54, _, _ =	vpop (xrf0)  }
0x33a: {  	v13 =	vadd.s32 v54, v11  }
0x33b: {  	v13 =	vadd.s32 $0xFFFFFFFF, v13  }
0x33c: {  	v13 =	vnsel vm14, $0x0, v13;
	_ =	sdelay $0x3  }
0x33d: {  	s24 =	sadd.s32 $0x50, s0  }
0x33e: {  	v55 =	vor.u32 s24, v0;
	[tilespmem:v13+s19+$0x0] =	vst.idx.msk vm14, v12  }
0x33f: {  	[tilespmem:v13+s20+$0x0] =	vst.idx.msk vm14, v55  }
0x340: {  	v12 =	vld [tilespmem:s30+$0x20];
	_ =	sdelay $0x4  }
0x341: {  	vm3 =	vle.f32 v12, v10  }
0x342: {  	v56 =	vsel vm3, $0x1, v3  }
0x343: {  	(xrf0) =	vadd.scan.msk.s32 $0xffff, v56;
	_ =	sdelay $0x3  }
0x344: {  	v57 =	vmpcnt.ones.xlane vm14;
	_ =	sdelay $0x1  }
0x345: {  	v11 =	vadd.s32 v11, v57;
	v58, _, _ =	vpop (xrf0)  }
0x346: {  	v13 =	vadd.s32 v58, v11  }
0x347: {  	v13 =	vadd.s32 $0xFFFFFFFF, v13  }
0x348: {  	v13 =	vnsel vm3, $0x0, v13;
	_ =	sdelay $0x3  }
0x349: {  	s25 =	sadd.s32 $0x60, s0  }
0x34a: {  	v59 =	vor.u32 s25, v0;
	[tilespmem:v13+s19+$0x0] =	vst.idx.msk vm3, v12  }
0x34b: {  	[tilespmem:v13+s20+$0x0] =	vst.idx.msk vm3, v59  }
0x34c: {  	v12 =	vld [tilespmem:s30+$0x30];
	_ =	sdelay $0x4  }
0x34d: {  	vm15 =	vle.f32 v12, v10  }
0x34e: {  	v60 =	vsel vm15, $0x1, v3  }
0x34f: {  	(xrf0) =	vadd.scan.msk.s32 $0xffff, v60;
	_ =	sdelay $0x3  }
0x350: {  	v61 =	vmpcnt.ones.xlane vm3;
	_ =	sdelay $0x1  }
0x351: {  	v11 =	vadd.s32 v11, v61;
	v62, _, _ =	vpop (xrf0)  }
0x352: {  	v13 =	vadd.s32 v62, v11  }
0x353: {  	v13 =	vadd.s32 $0xFFFFFFFF, v13  }
0x354: {  	v13 =	vnsel vm15, $0x0, v13  }
0x355: {  	p1 =	sne.s32 s0, $0xF80  }
.Ltmp22:
0x356: {  	_ = 	snop;
	(pc) =	sbr.rel @p1 .LBB2_48-.Ltmp22, $4  }
0x357: {  	_ = 	snop  }
0x358: {  	s31 =	sadd.s32 $0x70, s0;
	v14 =	vmpcnt.ones.xlane vm15  }
0x359: {  	v63 =	vor.u32 s31, v0;
	[tilespmem:v13+s19+$0x0] =	vst.idx.msk vm15, v12  }
0x35a: {  	s0 =	sadd.s32 $0x80, s0;
	s30 =	sadd.s32 $0x80, s30;
	v11 =	vadd.s32 v11, v14;
	[tilespmem:v13+s20+$0x0] =	vst.idx.msk vm15, v63  }
0x35b: {  	v10 =	vxor.u32 $0x80000000, v11  }
0x35c: {  	(xrf0) =	vmax.scan.msk.u32 $0xffff, v10;
	_ =	sdelay $0x5  }
0x35d: {  	v10, _, _ =	vpop (xrf0)  }
0x35e: {  	(v2sf) =	vpush v10, $0xF;
	_ =	sdelay $0xe  }
0x35f: {  	s0 =	spop (v2sf)  }
0x360: {  	p1 =	sgt.u32 s0, $0x8000001D  }
.Ltmp23:
0x361: {  	_ = 	snop;
	(pc) =	sbr.rel @p1 .LBB2_60-.Ltmp23, $1  }
0x362: {  	_ =	sdelay $0x3  }
.Ltmp24:
0x363: {  	(pc) =	sbr.rel @!p0 .LBB2_54-.Ltmp24, $1  }
0x364: {  	_ =	sdelay $0x3  }
0x365: {  	s0 =	simm.s32 $0x0  }
0x366: {  	v11 =	vld [tilespmem:s0+$0x1000]  }
0x367: {  	v12 =	vld [tilespmem:s0+$0x1010]  }
0x368: {  	v13 =	vld [tilespmem:s0+$0x1020];
	_ =	sdelay $0x1  }
0x369: {  	s3 =	simm.s32 $0x40;
	v14 =	vld [tilespmem:s0+$0x1030]  }
0x36a: {  	v10 =	vimm.f32 $+Inf;
	v17 =	vld [tilespmem:s3+$0x1000]  }
0x36b: {  	v16 =	vmax.f32 v10, v11;
	v15 =	vmin.f32 v10, v11;
	v19 =	vmin.f32 v10, v12  }
0x36c: {  	v12 =	vmax.f32 v10, v12;
	v11 =	vmax.f32 v15, v13;
	v21 =	vmin.f32 v15, v13;
	v15 =	vld [tilespmem:s3+$0x1010]  }
0x36d: {  	v20 =	vmax.f32 v10, v12;
	v24 =	vmin.f32 v10, v12;
	v12 =	vld [tilespmem:s3+$0x1020]  }
0x36e: {  	v18 =	vmin.f32 v19, v14;
	v25 =	vmax.f32 v19, v14;
	v23 =	vmax.f32 v10, v16;
	v14 =	vld [tilespmem:s3+$0x1030]  }
0x36f: {  	v22 =	vmin.f32 v10, v16;
	v16 =	vmin.f32 v24, v25;
	v13 =	vmax.f32 v21, v17  }
0x370: {  	s0 =	simm.s32 $0x200;
	v19 =	vmin.f32 v21, v17;
	v24 =	vmax.f32 v24, v25;
	v21 =	vimm.f32 $+Inf;
	v17 =	vmovc v18  }
.LBB2_52:
0x371: {  	s3 =	sshra.s32 s0, $0x2;
	p1 =	seq.s32 s0, $0x3F00;
	s0 =	sadd.s32 $0x100, s0;
	v25 =	vmin.f32 v18, v15;
	v10 =	vmin.f32 v10, v23;
	v18 =	vmin.f32 v21, v20;
	v20 =	vmovc v15  }
0x372: {  	v23 =	vmax.f32 v22, v11;
	v22 =	vmin.f32 v22, v11;
	v26 =	vld [tilespmem:s3+$0x1000];
	v21 =	vmin.f32 v18, v24  }
.Ltmp25:
0x373: {  	v11 =	vmax.f32 v19, v12;
	v10 =	vmin.f32 v10, v23;
	v15 =	vld [tilespmem:s3+$0x1010];
	v18 =	vmin.f32 v25, v14;
	(pc) =	sbr.rel @!p1 .LBB2_52-.Ltmp25, $4  }
0x374: {  	v23 =	vmax.f32 v17, v20;
	v19 =	vmin.f32 v19, v12;
	v12 =	vld [tilespmem:s3+$0x1020];
	v17 =	vmov v18  }
0x375: {  	v20 =	vmax.f32 v16, v23;
	v24 =	vmin.f32 v16, v23;
	v25 =	vmax.f32 v25, v14;
	v14 =	vld [tilespmem:s3+$0x1030]  }
0x376: {  	v23 =	vmax.f32 v22, v13;
	v22 =	vmin.f32 v22, v13;
	v16 =	vmin.f32 v24, v25  }
0x377: {  	v24 =	vmax.f32 v24, v25;
	v13 =	vmax.f32 v19, v26;
	v19 =	vmin.f32 v19, v26  }
0x378: {  	v18 =	vmin.f32 v18, v15;
	v23 =	vmin.f32 v10, v23  }
0x379: {  	v10 =	vmin.f32 v21, v20;
	v60 =	vmax.f32 v22, v11;
	v11 =	vmin.f32 v22, v11  }
0x37a: {  	v17 =	vmax.f32 v17, v15;
	v21 =	vmin.f32 v10, v24;
	v61 =	vmax.f32 v19, v12  }
0x37b: {  	v20 =	vmin.f32 v23, v60;
	v15 =	vmin.f32 v19, v12;
	v62 =	vmax.f32 v16, v17  }
0x37c: {  	v16 =	vmin.f32 v16, v17;
	v10 =	vmin.f32 v18, v14;
	v14 =	vmax.f32 v18, v14  }
0x37d: {  	v17 =	vmax.f32 v11, v13;
	v12 =	vmin.f32 v16, v14;
	v14 =	vmax.f32 v16, v14  }
0x37e: {  	v16 =	vmin.f32 v20, v17;
	v17 =	vmin.f32 v21, v62;
	(xrf1) =	vsort.ascd.msk.f32 $0xffff, v10, v0  }
0x37f: {  	v14 =	vmin.f32 v17, v14;
	(xrf1) =	vsort.ascd.msk.f32 $0xffff, v12, v0  }
0x380: {  	(xrf1) =	vsort.ascd.msk.f32 $0xffff, v14, v0;
	_ =	sdelay $0x9  }
.Ltmp26:
0x381: {  	_ = 	snop;
	(pc) =	sbr.rel .LBB2_57-.Ltmp26, $4  }
0x382: {  	_ = 	snop  }
0x383: {  	v11 =	vmin.f32 v11, v13;
	v14, _, _ =	vpop (xrf1)  }
0x384: {  	v63 =	vmax.f32 v11, v61;
	v12, _, _ =	vpop (xrf1)  }
0x385: {  	v13 =	vmin.f32 v11, v61;
	v11 =	vmin.f32 v16, v63;
	v10, _, _ =	vpop (xrf1)  }
.LBB2_29:
.Ltmp27:
0x386: {  	(pc) =	sbr.rel .LBB2_30-.Ltmp27, $3  }
0x387: {  	_ =	sdelay $0x1  }
0x388: {  	v13 =	vpsel p1, $0x0, v3;
	s0 =	simm.s32 $0x0  }
0x389: {  	v10 =	vpsel p1, $0x0, v3;
	v11 =	vpsel p1, $0x0, v6;
	v12 =	vpsel p1, $0x0, v6;
	s0 =	simm.s32 @p1 $0x0  }
.LBB2_31:
0x38a: {  	_ = 	snop  }
0x38b: {  	v15 =	vimm.s32 $0xFFFFFFFF;
	v16 =	vimm.s32 $0x7FFFFFFF;
	v14 =	vmov v2  }
.LBB2_41:
0x38c: {  	v17 =	vxor.u32 $0x80000000, v16  }
0x38d: {  	(xrf0) =	vmin.scan.msk.u32 $0xffff, v17;
	_ =	sdelay $0x5  }
0x38e: {  	v17, _, _ =	vpop (xrf0)  }
0x38f: {  	(v2sf) =	vpush v17, $0xF;
	_ =	sdelay $0xe  }
0x390: {  	s3 =	spop (v2sf)  }
0x391: {  	s3 =	sxor.u32 $0x80000000, s3  }
0x392: {  	vm3 =	veq.s32 v16, s3  }
0x393: {  	v15 =	vnsel vm3, $0xFFFFFFFF, v15  }
0x394: {  	(xrf0) =	vmin.scan.msk.u32 $0xffff, v15;
	_ =	sdelay $0x5  }
0x395: {  	v15, _, _ =	vpop (xrf0)  }
0x396: {  	(v2sf) =	vpush v15, $0xF;
	_ =	sdelay $0xe  }
0x397: {  	s13 =	spop (v2sf)  }
0x398: {  	p1 =	slt.u32 s0, $0x10;
	vm3 =	vmmov vm2;
	s13 =	sxor.u32 $0x80000000, s13  }
0x399: {  	s25 =	sand.u32 $0xF, s0;
	vm5 =	vmmov vm2;
	vm3 =	vmneg @p1 vm3;
	p1 =	sgt.u32 s0, $0xF;
	s0 =	sadd.s32 $0x1, s0;
	v15 =	vmov s13  }
0x39a: {  	vm5 =	vmneg @p1 vm5;
	p1 =	sne.s32 s0, $0x1E  }
.Ltmp28:
0x39b: {  	v63 =	vmov s25;
	(pc) =	sbr.rel @!p1 .LBB2_42-.Ltmp28, $4  }
0x39c: {  	vm4 =	veq.s32 v63, v0  }
0x39d: {  	vm3 =	vmand vm3, vm4  }
0x39e: {  	vm4 =	vmand vm5, vm4;
	v12 =	vsel vm3, v14, v12;
	[tilespmem:v15+s19+$0x0] =	vst.idx.msk $0x1, v1  }
0x39f: {  	v10 =	vsel vm3, s3, v10;
	v11 =	vsel vm4, v14, v11;
	v13 =	vsel vm4, s3, v13;
	[tilespmem:v15+s20+$0x0] =	vst.idx.msk $0x1, v4  }
.LBB2_30:
0x3a0: {  	p1 =	slt.s32 s31, $0x1  }
.Ltmp29:
0x3a1: {  	_ = 	snop;
	(pc) =	sbr.rel @p1 .LBB2_31-.Ltmp29, $1  }
0x3a2: {  	_ =	sdelay $0x3  }
0x3a3: {  	p2 =	sne.s32 s31, $0x1  }
.Ltmp30:
0x3a4: {  	_ = 	snop;
	(pc) =	sbr.rel @!p2 .LBB2_34-.Ltmp30, $3  }
0x3a5: {  	_ =	sdelay $0x1  }
0x3a6: {  	s13 =	simm.s32 $0x3000  }
0x3a7: {  	v14 =	vimm.f32 $+Inf;
	s3 =	sadd.s32 $0xFFFFFFFF, s31;
	s22 =	simm.s32 $0x3000;
	v15 =	vld [tilespmem:s13+$0x0]  }
.LBB2_33:
0x3a8: {  	p1 =	sne.s32 s3, $0x1  }
.Ltmp31:
0x3a9: {  	_ = 	snop;
	(pc) =	sbr.rel @p1 .LBB2_33-.Ltmp31, $3  }
0x3aa: {  	_ =	sdelay $0x1  }
0x3ab: {  	s3 =	sadd.s32 $0xFFFFFFFF, s3;
	s22 =	sadd.s32 $0x10, s22;
	v14 =	vmin.f32 v14, v15  }
0x3ac: {  	v15 =	vld [tilespmem:s22+$0x0]  }
.LBB2_34:
0x3ad: {  	_ =	sdelay $0x3  }
0x3ae: {  	v14 =	vmin.f32 v14, v15  }
0x3af: {  	(xrf0) =	vmin.scan.msk.f32 $0xffff, v14;
	_ =	sdelay $0x3  }
.Ltmp32:
0x3b0: {  	_ = 	snop;
	(pc) =	sbr.rel @!p2 .LBB2_35-.Ltmp32, $4  }
0x3b1: {  	_ = 	snop  }
0x3b2: {  	v14, _, _ =	vpop (xrf0)  }
0x3b3: {  	s22 =	simm.s32 $0x4080;
	s3 =	simm.s32 $0x0;
	v16 =	vld [tilespmem:s13+$0x0];
	v14 =	vbroadcast v14, $0xF  }
0x3b4: {  	v19 =	vimm.s32 $0x7FFFFFFF;
	s13 =	simm.s32 $0x3010;
	p1 =	por $0x0, $0x0;
	v18 =	vld [tilespmem:s22+$0x0];
	s22 =	sadd.s32 $0xFFFFFFFF, s31  }
0x3b5: {  	_ =	sdelay $0x2  }
0x3b6: {  	p2 =	sne.s32 s22, $0x1;
	vm3 =	veq.f32 v16, v14;
	v16 =	vld [tilespmem:s13+$0x0];
	s13 =	simm.s32 $0x4090  }
.Ltmp33:
0x3b7: {  	v20 =	vld [tilespmem:s13+$0x0];
	(pc) =	sbr.rel @!p2 .LBB2_37-.Ltmp33, $4  }
0x3b8: {  	_ = 	snop  }
0x3b9: {  	vm4 =	vlt.s32 v18, v19  }
0x3ba: {  	s24 =	sadd.s32 $0xFFFFFFFF, s22;
	v15 =	vor.u32 s3, v0;
	vm3 =	vmand vm3, vm4  }
0x3bb: {  	s25 =	simm.s32 $0x3020;
	p1 =	por $0x1, $0x1;
	s22 =	simm.s32 $0x0;
	v17 =	vsel vm3, v18, v19;
	v15 =	vsel vm3, v15, v19  }
.LBB2_38:
0x3bc: {  	vm3 =	veq.f32 v16, v14;
	v16 =	vld [tilespmem:s25+$0x0];
	vm4 =	vlt.s32 v20, v17;
	s13 =	sadd.s32 $0x10, s13;
	s22 =	sadd.s32 $0x10, s22;
	v18 =	vmov v20;
	p2 =	sne.s32 s24, $0x1  }
.Ltmp34:
0x3bd: {  	s24 =	sadd.s32 $0xFFFFFFFF, s24;
	v20 =	vld [tilespmem:s13+$0x0];
	vm3 =	vmand vm3, vm4;
	v19 =	vor.u32 s22, v0;
	(pc) =	sbr.rel @p2 .LBB2_38-.Ltmp34, $2  }
0x3be: {  	v17 =	vsel vm3, v18, v17;
	v15 =	vsel vm3, v19, v15;
	_ =	sdelay $0x2  }
0x3bf: {  	s25 =	sadd.s32 $0x10, s25  }
0x3c0: {  	v18 =	vmov v20;
	v19 =	vmov v17  }
.LBB2_40:
.Ltmp35:
0x3c1: {  	s13 =	sadd.s32 @p1 $0x10, s22;
	(pc) =	sbr.rel .LBB2_41-.Ltmp35, $4  }
0x3c2: {  	vm3 =	veq.f32 v16, v14;
	vm4 =	vlt.s32 v18, v19;
	s3 =	smov.u32 @p1 s13  }
0x3c3: {  	vm3 =	vmand vm3, vm4;
	v16 =	vor.u32 s3, v0  }
0x3c4: {  	v15 =	vsel vm3, v16, v15  }
0x3c5: {  	v16 =	vsel vm3, v18, v19;
	v15 =	vxor.u32 $0x80000000, v15  }
.LBB2_35:
.Ltmp36:
0x3c6: {  	(pc) =	sbr.rel .LBB2_40-.Ltmp36, $2  }
0x3c7: {  	_ =	sdelay $0x2  }
0x3c8: {  	s22 =	simm.s32 $0x0;
	v15 =	vimm.s32 $0x7FFFFFFF  }
.LBB2_37:
.Ltmp37:
0x3c9: {  	(pc) =	sbr.rel .LBB2_40-.Ltmp37, $2  }
0x3ca: {  	_ =	sdelay $0x2  }
0x3cb: {  	v18 =	vmov v20;
	v19 =	vmov v17;
	s22 =	simm.s32 $0x0  }
.LBB2_54:
0x3cc: {  	s0 =	simm.s32 $0x0  }
0x3cd: {  	v12 =	vld [tilespmem:s0+$0x2000];
	_ =	sdelay $0x2  }
0x3ce: {  	v11 =	vbroadcast v9, $0xF  }
0x3cf: {  	v14 =	vld [tilespmem:s0+$0x1000]  }
0x3d0: {  	v15 =	vmul.f32 v12, v11  }
0x3d1: {  	v10 =	vimm.f32 $+Inf  }
0x3d2: {  	s3 =	simm.s32 $0x40;
	s13 =	simm.s32 $0x80;
	v13 =	vimm.f32 $+Inf;
	v12 =	vimm.f32 $+Inf;
	v16 =	vsub.f32 $1.000000000e+00, v15  }
.LBB2_55:
0x3d3: {  	p1 =	seq.s32 s13, $0x3FC0  }
0x3d4: {  	s22 =	sshra.s32 s3, $0x2;
	s3 =	smov.u32 s13;
	v14 =	vmul.f32 v14, v15;
	v15 =	vmul.f32 $3.402823470e+38, v16  }
0x3d5: {  	v16 =	vld [tilespmem:s22+$0x2000]  }
0x3d6: {  	v14 =	vadd.f32 v15, v14;
	_ =	sdelay $0x1  }
.Ltmp38:
0x3d7: {  	[tilespmem:s0+$0x1000] =	vst v14;
	v15 =	vmax.f32 v10, v14;
	v10 =	vmin.f32 v10, v14;
	s0 =	smov.u32 s22;
	(pc) =	sbr.rel @!p1 .LBB2_55-.Ltmp38, $3  }
0x3d8: {  	v14 =	vld [tilespmem:s0+$0x1000];
	v17 =	vmax.f32 v13, v15;
	v13 =	vmin.f32 v13, v15  }
0x3d9: {  	v15 =	vmul.f32 v16, v11;
	v12 =	vmin.f32 v12, v17;
	_ =	sdelay $0x1  }
0x3da: {  	s13 =	sadd.s32 $0x40, s13;
	v16 =	vsub.f32 $1.000000000e+00, v15  }
0x3db: {  	_ = 	snop  }
0x3dc: {  	s3 =	sshra.s32 s3, $0x2;
	v14 =	vmul.f32 v14, v15;
	v15 =	vmul.f32 $3.402823470e+38, v16  }
0x3dd: {  	v16 =	vld [tilespmem:s3+$0x2000]  }
0x3de: {  	v14 =	vadd.f32 v15, v14;
	_ =	sdelay $0x1  }
0x3df: {  	[tilespmem:s0+$0x1000] =	vst v14  }
0x3e0: {  	v15 =	vld [tilespmem:s3+$0x1000]  }
0x3e1: {  	v11 =	vmul.f32 v16, v11;
	_ =	sdelay $0x1  }
0x3e2: {  	v16 =	vsub.f32 $1.000000000e+00, v11;
	_ =	sdelay $0x1  }
0x3e3: {  	v11 =	vmul.f32 v15, v11;
	v15 =	vmul.f32 $3.402823470e+38, v16;
	_ =	sdelay $0x1  }
0x3e4: {  	v11 =	vadd.f32 v15, v11  }
0x3e5: {  	v15 =	vmax.f32 v10, v14;
	v10 =	vmin.f32 v10, v14  }
0x3e6: {  	v14 =	vmax.f32 v13, v15;
	v13 =	vmin.f32 v13, v15;
	v16 =	vmax.f32 v10, v11  }
0x3e7: {  	v12 =	vmin.f32 v12, v14;
	v14 =	vmax.f32 v13, v16;
	_ =	sdelay $0x1  }
0x3e8: {  	[tilespmem:s3+$0x1000] =	vst v11;
	v15 =	vmin.f32 v10, v11  }
0x3e9: {  	v13 =	vmin.f32 v13, v16;
	v10 =	vmovc v5;
	v11 =	vmin.f32 v12, v14;
	v12 =	vmovc v5;
	v14 =	vmov v5  }
.LBB2_57:
0x3ea: {  	(xrf1) =	vsort.ascd.msk.f32 $0xffff, v15, v0;
	_ =	sdelay $0xc  }
0x3eb: {  	v14 =	vperm.xlane v14, v7  }
0x3ec: {  	v16 =	vperm.xlane v0, v7;
	v15, _, _ =	vpop (xrf1)  }
0x3ed: {  	vm3 =	vle.f32 v15, v14  }
0x3ee: {  	v17 =	vsel vm3, v15, v14;
	v18 =	vsel vm3, v0, v16  }
0x3ef: {  	v14 =	vsel vm3, v14, v15;
	v50 =	vsel vm3, v16, v0;
	(xrf1) =	vsort.ascd.msk.f32 $0xffff, v17, v18  }
0x3f0: {  	(xrf1) =	vsort.ascd.msk.f32 $0xffff, v14, v50  }
0x3f1: {  	(xrf1) =	vsort.ascd.msk.f32 $0xffff, v13, v0;
	_ =	sdelay $0xb  }
0x3f2: {  	v51, _, _ =	vpop (xrf1)  }
0x3f3: {  	v14, _, _ =	vpop (xrf1)  }
0x3f4: {  	v52, _, _ =	vpop (xrf1)  }
0x3f5: {  	v15 =	vperm.xlane v52, v7;
	_ =	sdelay $0x1  }
0x3f6: {  	vm3 =	vle.f32 v14, v15  }
0x3f7: {  	v14 =	vsel vm3, v14, v15  }
0x3f8: {  	(xrf1) =	vsort.ascd.msk.f32 $0xffff, v14, v0;
	_ =	sdelay $0xd  }
0x3f9: {  	v14, v15, _ =	vpop (xrf1)  }
0x3fa: {  	v14 =	vperm.xlane v14, v7  }
0x3fb: {  	v15 =	vperm.xlane v15, v7  }
0x3fc: {  	vm3 =	vle.f32 v51, v14  }
0x3fd: {  	v53 =	vsel vm3, v51, v14;
	v54 =	vsel vm3, v0, v15  }
0x3fe: {  	v13 =	vsel vm3, v14, v51;
	v55 =	vsel vm3, v15, v0;
	(xrf1) =	vsort.ascd.msk.f32 $0xffff, v53, v54  }
0x3ff: {  	(xrf1) =	vsort.ascd.msk.f32 $0xffff, v13, v55;
	_ =	sdelay $0xc  }
0x400: {  	v12 =	vperm.xlane v12, v7;
	v56, _, _ =	vpop (xrf1)  }
0x401: {  	v14, _, _ =	vpop (xrf1)  }
0x402: {  	vm3 =	vle.f32 v14, v12  }
0x403: {  	v12 =	vsel vm3, v14, v12  }
0x404: {  	(xrf1) =	vsort.ascd.msk.f32 $0xffff, v12, v0;
	_ =	sdelay $0xd  }
0x405: {  	v12, v14, _ =	vpop (xrf1)  }
0x406: {  	v12 =	vperm.xlane v12, v7  }
0x407: {  	v14 =	vperm.xlane v14, v7  }
0x408: {  	vm3 =	vle.f32 v56, v12  }
0x409: {  	v57 =	vsel vm3, v56, v12;
	v58 =	vsel vm3, v0, v14  }
0x40a: {  	v12 =	vsel vm3, v12, v56;
	v59 =	vsel vm3, v14, v0;
	(xrf1) =	vsort.ascd.msk.f32 $0xffff, v57, v58  }
0x40b: {  	(xrf1) =	vsort.ascd.msk.f32 $0xffff, v12, v59  }
0x40c: {  	(xrf1) =	vsort.ascd.msk.f32 $0xffff, v11, v0;
	_ =	sdelay $0xb  }
0x40d: {  	v11, _, _ =	vpop (xrf1)  }
0x40e: {  	v12, _, _ =	vpop (xrf1)  }
0x40f: {  	v60, _, _ =	vpop (xrf1)  }
0x410: {  	v13 =	vperm.xlane v60, v7;
	_ =	sdelay $0x1  }
0x411: {  	vm3 =	vle.f32 v12, v13  }
0x412: {  	v12 =	vsel vm3, v12, v13  }
0x413: {  	(xrf1) =	vsort.ascd.msk.f32 $0xffff, v12, v0;
	_ =	sdelay $0xd  }
0x414: {  	v12, v13, _ =	vpop (xrf1)  }
0x415: {  	v12 =	vperm.xlane v12, v7  }
0x416: {  	v13 =	vperm.xlane v13, v7  }
0x417: {  	vm3 =	vle.f32 v11, v12  }
0x418: {  	v61 =	vsel vm3, v11, v12;
	v62 =	vsel vm3, v0, v13  }
0x419: {  	v11 =	vsel vm3, v12, v11;
	v63 =	vsel vm3, v13, v0;
	(xrf1) =	vsort.ascd.msk.f32 $0xffff, v61, v62  }
0x41a: {  	(xrf1) =	vsort.ascd.msk.f32 $0xffff, v11, v63;
	_ =	sdelay $0xc  }
0x41b: {  	v10 =	vperm.xlane v10, v7;
	v11, _, _ =	vpop (xrf1)  }
0x41c: {  	v12, _, _ =	vpop (xrf1)  }
0x41d: {  	vm3 =	vle.f32 v12, v10  }
0x41e: {  	v10 =	vsel vm3, v12, v10  }
0x41f: {  	(xrf1) =	vsort.ascd.msk.f32 $0xffff, v10, v0;
	_ =	sdelay $0xd  }
0x420: {  	v10, v12, _ =	vpop (xrf1)  }
0x421: {  	v10 =	vperm.xlane v10, v7  }
0x422: {  	v12 =	vperm.xlane v12, v7  }
0x423: {  	vm3 =	vle.f32 v11, v10  }
0x424: {  	v10 =	vsel vm3, v10, v11;
	v11 =	vsel vm3, v12, v0  }
0x425: {  	(xrf1) =	vsort.ascd.msk.f32 $0xffff, v10, v11;
	_ =	sdelay $0xd  }
0x426: {  	v10, _, _ =	vpop (xrf1)  }
0x427: {  	v10 =	vsel vm0, $0xFF800000, v10  }
0x428: {  	(xrf0) =	vmax.scan.msk.f32 $0xffff, v10;
	_ =	sdelay $0x5  }
0x429: {  	v10, _, _ =	vpop (xrf0)  }
0x42a: {  	s0 =	simm.s32 $0x0;
	s30 =	simm.s32 $0x1040;
	v11 =	vimm.s32 $0x0;
	v10 =	vbroadcast v10, $0xF  }
.LBB2_58:
0x42b: {  	v12 =	vld [tilespmem:s30+$0xFFFFFFC0];
	_ =	sdelay $0x4  }
0x42c: {  	vm3 =	vle.f32 v12, v10  }
0x42d: {  	v13 =	vsel vm3, $0x1, v3  }
0x42e: {  	(xrf0) =	vadd.scan.msk.s32 $0xffff, v13;
	_ =	sdelay $0x5  }
0x42f: {  	v13, _, _ =	vpop (xrf0)  }
0x430: {  	v13 =	vadd.s32 v13, v11  }
0x431: {  	v13 =	vadd.s32 $0xFFFFFFFF, v13  }
0x432: {  	v13 =	vnsel vm3, $0x0, v13;
	_ =	sdelay $0x4  }
0x433: {  	v35 =	vor.u32 s0, v0;
	[tilespmem:v13+s19+$0x0] =	vst.idx.msk vm3, v12  }
0x434: {  	[tilespmem:v13+s20+$0x0] =	vst.idx.msk vm3, v35  }
0x435: {  	v12 =	vld [tilespmem:s30+$0xFFFFFFD0];
	_ =	sdelay $0x4  }
0x436: {  	vm4 =	vle.f32 v12, v10  }
0x437: {  	v36 =	vsel vm4, $0x1, v3  }
0x438: {  	(xrf0) =	vadd.scan.msk.s32 $0xffff, v36;
	_ =	sdelay $0x3  }
0x439: {  	v37 =	vmpcnt.ones.xlane vm3;
	_ =	sdelay $0x1  }
0x43a: {  	v11 =	vadd.s32 v11, v37;
	v38, _, _ =	vpop (xrf0)  }
0x43b: {  	v13 =	vadd.s32 v38, v11  }
0x43c: {  	v13 =	vadd.s32 $0xFFFFFFFF, v13  }
0x43d: {  	v13 =	vnsel vm4, $0x0, v13;
	_ =	sdelay $0x3  }
0x43e: {  	s3 =	sadd.s32 $0x10, s0  }
0x43f: {  	v39 =	vor.u32 s3, v0;
	[tilespmem:v13+s19+$0x0] =	vst.idx.msk vm4, v12  }
0x440: {  	[tilespmem:v13+s20+$0x0] =	vst.idx.msk vm4, v39  }
0x441: {  	v12 =	vld [tilespmem:s30+$0xFFFFFFE0];
	_ =	sdelay $0x4  }
0x442: {  	vm3 =	vle.f32 v12, v10  }
0x443: {  	v40 =	vsel vm3, $0x1, v3  }
0x444: {  	(xrf0) =	vadd.scan.msk.s32 $0xffff, v40;
	_ =	sdelay $0x3  }
0x445: {  	v41 =	vmpcnt.ones.xlane vm4;
	_ =	sdelay $0x1  }
0x446: {  	v11 =	vadd.s32 v11, v41;
	v42, _, _ =	vpop (xrf0)  }
0x447: {  	v13 =	vadd.s32 v42, v11  }
0x448: {  	v13 =	vadd.s32 $0xFFFFFFFF, v13  }
0x449: {  	v13 =	vnsel vm3, $0x0, v13;
	_ =	sdelay $0x3  }
0x44a: {  	s31 =	sadd.s32 $0x20, s0  }
0x44b: {  	v43 =	vor.u32 s31, v0;
	[tilespmem:v13+s19+$0x0] =	vst.idx.msk vm3, v12  }
0x44c: {  	[tilespmem:v13+s20+$0x0] =	vst.idx.msk vm3, v43  }
0x44d: {  	v12 =	vld [tilespmem:s30+$0xFFFFFFF0];
	_ =	sdelay $0x4  }
0x44e: {  	vm13 =	vle.f32 v12, v10  }
0x44f: {  	v44 =	vsel vm13, $0x1, v3  }
0x450: {  	(xrf0) =	vadd.scan.msk.s32 $0xffff, v44;
	_ =	sdelay $0x3  }
0x451: {  	v45 =	vmpcnt.ones.xlane vm3;
	_ =	sdelay $0x1  }
0x452: {  	v11 =	vadd.s32 v11, v45;
	v46, _, _ =	vpop (xrf0)  }
0x453: {  	v13 =	vadd.s32 v46, v11  }
0x454: {  	v13 =	vadd.s32 $0xFFFFFFFF, v13  }
0x455: {  	v13 =	vnsel vm13, $0x0, v13;
	_ =	sdelay $0x3  }
0x456: {  	s13 =	sadd.s32 $0x30, s0  }
0x457: {  	v47 =	vor.u32 s13, v0;
	[tilespmem:v13+s19+$0x0] =	vst.idx.msk vm13, v12  }
0x458: {  	[tilespmem:v13+s20+$0x0] =	vst.idx.msk vm13, v47  }
0x459: {  	v12 =	vld [tilespmem:s30+$0x0];
	_ =	sdelay $0x4  }
0x45a: {  	vm3 =	vle.f32 v12, v10  }
0x45b: {  	v48 =	vsel vm3, $0x1, v3  }
0x45c: {  	(xrf0) =	vadd.scan.msk.s32 $0xffff, v48;
	_ =	sdelay $0x3  }
0x45d: {  	v49 =	vmpcnt.ones.xlane vm13;
	_ =	sdelay $0x1  }
0x45e: {  	v11 =	vadd.s32 v11, v49;
	v50, _, _ =	vpop (xrf0)  }
0x45f: {  	v13 =	vadd.s32 v50, v11  }
0x460: {  	v13 =	vadd.s32 $0xFFFFFFFF, v13  }
0x461: {  	v13 =	vnsel vm3, $0x0, v13;
	_ =	sdelay $0x3  }
0x462: {  	s22 =	sadd.s32 $0x40, s0  }
0x463: {  	v51 =	vor.u32 s22, v0;
	[tilespmem:v13+s19+$0x0] =	vst.idx.msk vm3, v12  }
0x464: {  	[tilespmem:v13+s20+$0x0] =	vst.idx.msk vm3, v51  }
0x465: {  	v12 =	vld [tilespmem:s30+$0x10];
	_ =	sdelay $0x4  }
0x466: {  	vm14 =	vle.f32 v12, v10  }
0x467: {  	v52 =	vsel vm14, $0x1, v3  }
0x468: {  	(xrf0) =	vadd.scan.msk.s32 $0xffff, v52;
	_ =	sdelay $0x3  }
0x469: {  	v53 =	vmpcnt.ones.xlane vm3;
	_ =	sdelay $0x1  }
0x46a: {  	v11 =	vadd.s32 v11, v53;
	v54, _, _ =	vpop (xrf0)  }
0x46b: {  	v13 =	vadd.s32 v54, v11  }
0x46c: {  	v13 =	vadd.s32 $0xFFFFFFFF, v13  }
0x46d: {  	v13 =	vnsel vm14, $0x0, v13;
	_ =	sdelay $0x3  }
0x46e: {  	s24 =	sadd.s32 $0x50, s0  }
0x46f: {  	v55 =	vor.u32 s24, v0;
	[tilespmem:v13+s19+$0x0] =	vst.idx.msk vm14, v12  }
0x470: {  	[tilespmem:v13+s20+$0x0] =	vst.idx.msk vm14, v55  }
0x471: {  	v12 =	vld [tilespmem:s30+$0x20];
	_ =	sdelay $0x4  }
0x472: {  	vm3 =	vle.f32 v12, v10  }
0x473: {  	v56 =	vsel vm3, $0x1, v3  }
0x474: {  	(xrf0) =	vadd.scan.msk.s32 $0xffff, v56;
	_ =	sdelay $0x3  }
0x475: {  	v57 =	vmpcnt.ones.xlane vm14;
	_ =	sdelay $0x1  }
0x476: {  	v11 =	vadd.s32 v11, v57;
	v58, _, _ =	vpop (xrf0)  }
0x477: {  	v13 =	vadd.s32 v58, v11  }
0x478: {  	v13 =	vadd.s32 $0xFFFFFFFF, v13  }
0x479: {  	v13 =	vnsel vm3, $0x0, v13;
	_ =	sdelay $0x3  }
0x47a: {  	s25 =	sadd.s32 $0x60, s0  }
0x47b: {  	v59 =	vor.u32 s25, v0;
	[tilespmem:v13+s19+$0x0] =	vst.idx.msk vm3, v12  }
0x47c: {  	[tilespmem:v13+s20+$0x0] =	vst.idx.msk vm3, v59  }
0x47d: {  	v12 =	vld [tilespmem:s30+$0x30];
	_ =	sdelay $0x4  }
0x47e: {  	vm15 =	vle.f32 v12, v10  }
0x47f: {  	v60 =	vsel vm15, $0x1, v3  }
0x480: {  	(xrf0) =	vadd.scan.msk.s32 $0xffff, v60;
	_ =	sdelay $0x3  }
0x481: {  	v61 =	vmpcnt.ones.xlane vm3;
	_ =	sdelay $0x1  }
0x482: {  	v11 =	vadd.s32 v11, v61;
	v62, _, _ =	vpop (xrf0)  }
0x483: {  	v13 =	vadd.s32 v62, v11  }
0x484: {  	v13 =	vadd.s32 $0xFFFFFFFF, v13  }
0x485: {  	v13 =	vnsel vm15, $0x0, v13  }
0x486: {  	p1 =	sne.s32 s0, $0xF80  }
.Ltmp39:
0x487: {  	_ = 	snop;
	(pc) =	sbr.rel @p1 .LBB2_58-.Ltmp39, $4  }
0x488: {  	_ = 	snop  }
0x489: {  	s31 =	sadd.s32 $0x70, s0;
	v14 =	vmpcnt.ones.xlane vm15  }
0x48a: {  	v63 =	vor.u32 s31, v0;
	[tilespmem:v13+s19+$0x0] =	vst.idx.msk vm15, v12  }
0x48b: {  	s0 =	sadd.s32 $0x80, s0;
	s30 =	sadd.s32 $0x80, s30;
	v11 =	vadd.s32 v11, v14;
	[tilespmem:v13+s20+$0x0] =	vst.idx.msk vm15, v63  }
0x48c: {  	v10 =	vxor.u32 $0x80000000, v11  }
0x48d: {  	(xrf0) =	vmax.scan.msk.u32 $0xffff, v10;
	_ =	sdelay $0x5  }
0x48e: {  	v10, _, _ =	vpop (xrf0)  }
0x48f: {  	(v2sf) =	vpush v10, $0xF;
	_ =	sdelay $0xe  }
0x490: {  	s0 =	spop (v2sf)  }
.LBB2_60:
0x491: {  	s3 =	sxor.u32 $0x80000000, s0  }
0x492: {  	v10 =	vadd.s32 s3, v0;
	_ =	sdelay $0x4  }
0x493: {  	[tilespmem:v10+s19+$0x0] =	vst.idx.msk $0xffff, v1  }
0x494: {  	[tilespmem:v10+s20+$0x0] =	vst.idx.msk $0xffff, v4  }
0x495: {  	v10 =	vld [tilespmem:$0x3000]  }
0x496: {  	v11 =	vld [tilespmem:$0x4080]  }
0x497: {  	v12 =	vld [tilespmem:$0x3010]  }
0x498: {  	v13 =	vld [tilespmem:$0x4090];
	_ =	sdelay $0x3  }
0x499: {  	(xrf1) =	vsort.ascd.msk.f32 $0xffff, v10, v11  }
0x49a: {  	(xrf1) =	vsort.ascd.msk.f32 $0xffff, v12, v13;
	_ =	sdelay $0xc  }
0x49b: {  	v10, v11, _ =	vpop (xrf1)  }
0x49c: {  	v12, v13, _ =	vpop (xrf1)  }
0x49d: {  	v12 =	vperm.xlane v12, v7  }
0x49e: {  	v13 =	vperm.xlane v13, v7  }
0x49f: {  	vm3 =	vle.f32 v10, v12  }
0x4a0: {  	v14 =	vsel vm3, v10, v12;
	v15 =	vsel vm3, v11, v13  }
0x4a1: {  	v10 =	vsel vm3, v12, v10;
	v11 =	vsel vm3, v13, v11;
	(xrf1) =	vsort.ascd.msk.f32 $0xffff, v14, v15  }
0x4a2: {  	(xrf1) =	vsort.ascd.msk.f32 $0xffff, v10, v11;
	_ =	sdelay $0x1  }
0x4a3: {  	s24 =	sadd.s32 $0x8000000F, s0  }
0x4a4: {  	s25 =	sand.u32 $0xF, s24  }
0x4a5: {  	s31 =	sshra.s32 s24, $0x1F;
	p2 =	slt.s32 s24, $0x1;
	p1 =	sne.s32 s25, $0x0  }
0x4a6: {  	s3 =	sshrl.u32 s31, $0x1C;
	p1 =	por !p2, !p1  }
0x4a7: {  	s0 =	sadd.s32 s3, s24;
	s3 =	simm.s32 $0x1;
	p1 =	por !p1, !p1  }
0x4a8: {  	s0 =	sshra.s32 s0, $0x4;
	s3 =	simm.s32 @!p1 $0x0  }
0x4a9: {  	s30 =	ssub.s32 s0, s3  }
0x4aa: {  	p2 =	slt.s32 s30, $0x3  }
.Ltmp40:
0x4ab: {  	_ = 	snop;
	(pc) =	sbr.rel @p2 .LBB2_67-.Ltmp40, $3  }
0x4ac: {  	_ =	sdelay $0x1  }
0x4ad: {  	v12, v10, _ =	vpop (xrf1)  }
0x4ae: {  	v13, v11, _ =	vpop (xrf1)  }
0x4af: {  	s3 =	simm.s32 $0x3020  }
0x4b0: {  	v14 =	vld [tilespmem:s3+$0x0];
	s3 =	simm.s32 $0xFFFFFFFF  }
0x4b1: {  	s3 =	simm.s32 @!p1 $0x0  }
0x4b2: {  	s0 =	sadd.s32 s3, s0  }
0x4b3: {  	s13 =	simm.s32 $0x40A0;
	s0 =	sadd.s32 $0xFFFFFFFE, s0  }
0x4b4: {  	v15 =	vld [tilespmem:s13+$0x0];
	p2 =	sne.s32 s0, $0x1  }
.Ltmp41:
0x4b5: {  	_ = 	snop;
	(pc) =	sbr.rel @!p2 .LBB2_62-.Ltmp41, $2  }
0x4b6: {  	_ =	sdelay $0x2  }
0x4b7: {  	p1 =	por $0x0, $0x0;
	s13 =	sadd.s32 $0xFFFFFFFF, s0;
	(xrf1) =	vsort.ascd.msk.f32 $0xffff, v14, v15  }
0x4b8: {  	_ =	sdelay $0xc  }
0x4b9: {  	v14, v15, _ =	vpop (xrf1)  }
0x4ba: {  	s0 =	simm.s32 $0x3030;
	v14 =	vperm.xlane v14, v7  }
0x4bb: {  	s3 =	simm.s32 $0x40B0;
	v16 =	vld [tilespmem:s0+$0x0];
	v15 =	vperm.xlane v15, v7  }
0x4bc: {  	p2 =	sne.s32 s13, $0x1;
	v17 =	vld [tilespmem:s3+$0x0];
	vm3 =	vle.f32 v13, v14  }
.Ltmp42:
0x4bd: {  	v14 =	vsel vm3, v13, v14;
	v15 =	vsel vm3, v11, v15;
	(pc) =	sbr.rel @!p2 .LBB2_64-.Ltmp42, $2  }
0x4be: {  	(xrf1) =	vsort.ascd.msk.f32 $0xffff, v14, v15;
	_ =	sdelay $0x2  }
0x4bf: {  	s13 =	sadd.s32 $0xFFFFFFFF, s13;
	p1 =	por $0x1, $0x1;
	(xrf1) =	vsort.ascd.msk.f32 $0xffff, v16, v17;
	v15 =	vmov v12;
	v14 =	vmov v10  }
.LBB2_65:
0x4c0: {  	_ = 	snop  }
0x4c1: {  	p2 =	sne.s32 s13, $0x1;
	s13 =	sadd.s32 $0xFFFFFFFF, s13;
	_ =	sdelay $0x8  }
0x4c2: {  	v16, v17, _ =	vpop (xrf1)  }
0x4c3: {  	v16 =	vperm.xlane v16, v7  }
0x4c4: {  	v17 =	vperm.xlane v17, v7  }
0x4c5: {  	v18, v19, _ =	vpop (xrf1);
	vm3 =	vle.f32 v15, v16  }
0x4c6: {  	v18 =	vperm.xlane v18, v7;
	v20 =	vsel vm3, v16, v15;
	v21 =	vsel vm3, v17, v14  }
0x4c7: {  	v15 =	vsel vm3, v15, v16;
	v14 =	vsel vm3, v14, v17;
	(xrf1) =	vsort.ascd.msk.f32 $0xffff, v20, v21  }
0x4c8: {  	(xrf1) =	vsort.ascd.msk.f32 $0xffff, v15, v14;
	_ =	sdelay $0xb  }
0x4c9: {  	s0 =	sadd.s32 $0x10, s0  }
0x4ca: {  	s3 =	sadd.s32 $0x10, s3;
	v17 =	vperm.xlane v19, v7;
	v16 =	vld [tilespmem:s0+$0x0];
	v20, v19, _ =	vpop (xrf1)  }
0x4cb: {  	v21 =	vld [tilespmem:s3+$0x0];
	vm3 =	vle.f32 v20, v18;
	v15, v14, _ =	vpop (xrf1)  }
.Ltmp43:
0x4cc: {  	v18 =	vsel vm3, v20, v18;
	v17 =	vsel vm3, v19, v17;
	(pc) =	sbr.rel @p2 .LBB2_65-.Ltmp43, $2  }
0x4cd: {  	(xrf1) =	vsort.ascd.msk.f32 $0xffff, v18, v17;
	_ =	sdelay $0x2  }
0x4ce: {  	(xrf1) =	vsort.ascd.msk.f32 $0xffff, v16, v21  }
.LBB2_66:
0x4cf: {  	_ =	sdelay $0x9  }
0x4d0: {  	v16, v17, _ =	vpop @p1 (xrf1)  }
0x4d1: {  	v16 =	vperm.xlane @p1 v16, v7  }
0x4d2: {  	v17 =	vperm.xlane @p1 v17, v7  }
0x4d3: {  	vm3 =	vle.f32 @p1 v15, v16  }
0x4d4: {  	v18 =	vsel @p1 vm3, v16, v15;
	v19 =	vsel @p1 vm3, v17, v14  }
0x4d5: {  	(xrf1) =	vsort.ascd.msk.f32 @p1 $0xffff, v18, v19;
	_ =	sdelay $0xc  }
0x4d6: {  	v18, v19, _ =	vpop (xrf1)  }
0x4d7: {  	v18 =	vperm.xlane v18, v7;
	v20, v21, _ =	vpop @p1 (xrf1)  }
0x4d8: {  	v15 =	vsel @p1 vm3, v15, v16;
	v63 =	vperm.xlane v19, v7;
	v13 =	vpsel p1, v20, v13  }
0x4d9: {  	v14 =	vsel @p1 vm3, v14, v17;
	v11 =	vpsel p1, v21, v11;
	vm3 =	vle.f32 v13, v18  }
0x4da: {  	(xrf1) =	vsort.ascd.msk.f32 @p1 $0xffff, v15, v14;
	v13 =	vsel vm3, v13, v18;
	v11 =	vsel vm3, v11, v63  }
0x4db: {  	(xrf1) =	vsort.ascd.msk.f32 $0xffff, v13, v11;
	_ =	sdelay $0xc  }
0x4dc: {  	v11, v13, _ =	vpop @p1 (xrf1)  }
0x4dd: {  	v14, v15, _ =	vpop (xrf1)  }
0x4de: {  	v14 =	vperm.xlane v14, v7  }
0x4df: {  	v11 =	vpsel p1, v11, v12;
	v7 =	vperm.xlane v15, v7  }
0x4e0: {  	v10 =	vpsel p1, v13, v10;
	vm3 =	vle.f32 v11, v14  }
0x4e1: {  	v12 =	vsel vm3, v14, v11;
	v13 =	vsel vm3, v7, v10  }
0x4e2: {  	v11 =	vsel vm3, v11, v14;
	v7 =	vsel vm3, v10, v7;
	(xrf1) =	vsort.ascd.msk.f32 $0xffff, v12, v13  }
0x4e3: {  	(xrf1) =	vsort.ascd.msk.f32 $0xffff, v11, v7;
	_ =	sdelay $0xc  }
0x4e4: {  	v13, v11, _ =	vpop (xrf1)  }
0x4e5: {  	v12, v10, _ =	vpop (xrf1)  }
.LBB2_67:
0x4e6: {  	[tilespmem:$0x5100] =	vst v12  }
0x4e7: {  	[tilespmem:$0x5110] =	vst v13  }
0x4e8: {  	v7 =	vld [tilespmem:$0x5101]  }
0x4e9: {  	[tilespmem:$0x5120] =	vst v1  }
0x4ea: {  	v14 =	vld [tilespmem:$0x5111];
	_ =	sdelay $0x2  }
0x4eb: {  	vm3 =	veq.f32 v12, v7  }
0x4ec: {  	v7 =	vsel vm3, $0x3F800000, v6  }
0x4ed: {  	vm3 =	veq.f32 v13, v14;
	(xrf0) =	vmax.scan.msk.f32 $0xffff, v7  }
0x4ee: {  	v7 =	vnsel vm3, $0x0, v8  }
0x4ef: {  	(xrf0) =	vmax.scan.msk.f32 $0xffff, v7;
	_ =	sdelay $0x3  }
0x4f0: {  	v7, _, _ =	vpop (xrf0)  }
0x4f1: {  	(v2sf) =	vpush v7, $0xF  }
0x4f2: {  	v7, _, _ =	vpop (xrf0)  }
0x4f3: {  	(v2sf) =	vpush v7, $0xF;
	_ =	sdelay $0xc  }
0x4f4: {  	s0 =	spop (v2sf)  }
0x4f5: {  	p1 =	sgt.f32 s0, $0.0e+00  }
0x4f6: {  	s0 =	spop (v2sf)  }
0x4f7: {  	p2 =	sgt.f32 @!p1 s0, $0.0e+00;
	_ =	sdelay $0x1  }
0x4f8: {  	p2 =	por p1, p2  }
.Ltmp44:
0x4f9: {  	_ = 	snop;
	(pc) =	sbr.rel @!p2 .LBB2_81-.Ltmp44, $1  }
0x4fa: {  	_ =	sdelay $0x3  }
.Ltmp45:
0x4fb: {  	(pc) =	sbr.rel .LBB2_69-.Ltmp45, $3  }
0x4fc: {  	_ =	sdelay $0x1  }
0x4fd: {  	v11 =	vpsel p1, $0x0, v3;
	s0 =	simm.s32 $0x0  }
0x4fe: {  	v10 =	vpsel p1, $0x0, v3;
	v13 =	vpsel p1, $0x0, v6;
	v12 =	vpsel p1, $0x0, v6;
	s0 =	simm.s32 @p1 $0x0  }
.LBB2_70:
0x4ff: {  	_ = 	snop  }
0x500: {  	v8 =	vimm.s32 $0xFFFFFFFF;
	v14 =	vimm.s32 $0x7FFFFFFF;
	v7 =	vmov v2  }
.LBB2_80:
0x501: {  	v15 =	vxor.u32 $0x80000000, v14  }
0x502: {  	(xrf0) =	vmin.scan.msk.u32 $0xffff, v15;
	_ =	sdelay $0x5  }
0x503: {  	v15, _, _ =	vpop (xrf0)  }
0x504: {  	(v2sf) =	vpush v15, $0xF;
	_ =	sdelay $0xe  }
0x505: {  	s3 =	spop (v2sf)  }
0x506: {  	s3 =	sxor.u32 $0x80000000, s3  }
0x507: {  	vm3 =	veq.s32 v14, s3  }
0x508: {  	v8 =	vnsel vm3, $0xFFFFFFFF, v8  }
0x509: {  	(xrf0) =	vmin.scan.msk.u32 $0xffff, v8;
	_ =	sdelay $0x5  }
0x50a: {  	v8, _, _ =	vpop (xrf0)  }
0x50b: {  	(v2sf) =	vpush v8, $0xF;
	_ =	sdelay $0xe  }
0x50c: {  	s13 =	spop (v2sf)  }
0x50d: {  	p1 =	slt.u32 s0, $0x10;
	vm3 =	vmmov vm2;
	s13 =	sxor.u32 $0x80000000, s13  }
0x50e: {  	s31 =	sand.u32 $0xF, s0;
	vm5 =	vmmov vm2;
	vm3 =	vmneg @p1 vm3;
	p1 =	sgt.u32 s0, $0xF;
	s0 =	sadd.s32 $0x1, s0;
	v8 =	vmov s13  }
0x50f: {  	vm5 =	vmneg @p1 vm5;
	p1 =	sne.s32 s0, $0x1E  }
.Ltmp46:
0x510: {  	v14 =	vmov s31;
	(pc) =	sbr.rel @!p1 .LBB2_81-.Ltmp46, $4  }
0x511: {  	vm4 =	veq.s32 v14, v0  }
0x512: {  	vm3 =	vmand vm3, vm4  }
0x513: {  	vm4 =	vmand vm5, vm4;
	v12 =	vsel vm3, v7, v12;
	[tilespmem:v8+s19+$0x0] =	vst.idx.msk $0x1, v1  }
0x514: {  	v10 =	vsel vm3, s3, v10;
	v13 =	vsel vm4, v7, v13;
	v11 =	vsel vm4, s3, v11;
	[tilespmem:v8+s20+$0x0] =	vst.idx.msk $0x1, v4  }
.LBB2_69:
0x515: {  	p1 =	slt.s32 s30, $0x1  }
.Ltmp47:
0x516: {  	_ = 	snop;
	(pc) =	sbr.rel @p1 .LBB2_70-.Ltmp47, $1  }
0x517: {  	_ =	sdelay $0x3  }
0x518: {  	p2 =	sne.s32 s30, $0x1  }
.Ltmp48:
0x519: {  	_ = 	snop;
	(pc) =	sbr.rel @!p2 .LBB2_73-.Ltmp48, $3  }
0x51a: {  	_ =	sdelay $0x1  }
0x51b: {  	s13 =	simm.s32 $0x3000  }
0x51c: {  	v7 =	vimm.f32 $+Inf;
	s3 =	sadd.s32 $0xFFFFFFFF, s30;
	s22 =	simm.s32 $0x3000;
	v8 =	vld [tilespmem:s13+$0x0]  }
.LBB2_72:
0x51d: {  	p1 =	sne.s32 s3, $0x1  }
.Ltmp49:
0x51e: {  	_ = 	snop;
	(pc) =	sbr.rel @p1 .LBB2_72-.Ltmp49, $3  }
0x51f: {  	_ =	sdelay $0x1  }
0x520: {  	s3 =	sadd.s32 $0xFFFFFFFF, s3;
	s22 =	sadd.s32 $0x10, s22;
	v7 =	vmin.f32 v7, v8  }
0x521: {  	v8 =	vld [tilespmem:s22+$0x0]  }
.LBB2_73:
0x522: {  	_ =	sdelay $0x3  }
0x523: {  	v7 =	vmin.f32 v7, v8  }
0x524: {  	(xrf0) =	vmin.scan.msk.f32 $0xffff, v7;
	_ =	sdelay $0x3  }
.Ltmp50:
0x525: {  	_ = 	snop;
	(pc) =	sbr.rel @!p2 .LBB2_74-.Ltmp50, $4  }
0x526: {  	_ = 	snop  }
0x527: {  	v7, _, _ =	vpop (xrf0)  }
0x528: {  	s22 =	simm.s32 $0x4080;
	s3 =	simm.s32 $0x0;
	v14 =	vld [tilespmem:s13+$0x0];
	v7 =	vbroadcast v7, $0xF  }
0x529: {  	v17 =	vimm.s32 $0x7FFFFFFF;
	s13 =	simm.s32 $0x3010;
	p1 =	por $0x0, $0x0;
	v16 =	vld [tilespmem:s22+$0x0];
	s22 =	sadd.s32 $0xFFFFFFFF, s30  }
0x52a: {  	_ =	sdelay $0x2  }
0x52b: {  	p2 =	sne.s32 s22, $0x1;
	vm3 =	veq.f32 v14, v7;
	v14 =	vld [tilespmem:s13+$0x0];
	s13 =	simm.s32 $0x4090  }
.Ltmp51:
0x52c: {  	v18 =	vld [tilespmem:s13+$0x0];
	(pc) =	sbr.rel @!p2 .LBB2_76-.Ltmp51, $4  }
0x52d: {  	_ = 	snop  }
0x52e: {  	vm4 =	vlt.s32 v16, v17  }
0x52f: {  	s24 =	sadd.s32 $0xFFFFFFFF, s22;
	v8 =	vor.u32 s3, v0;
	vm3 =	vmand vm3, vm4  }
0x530: {  	s25 =	simm.s32 $0x3020;
	p1 =	por $0x1, $0x1;
	s22 =	simm.s32 $0x0;
	v15 =	vsel vm3, v16, v17;
	v8 =	vsel vm3, v8, v17  }
.LBB2_77:
0x531: {  	vm3 =	veq.f32 v14, v7;
	v14 =	vld [tilespmem:s25+$0x0];
	vm4 =	vlt.s32 v18, v15;
	s13 =	sadd.s32 $0x10, s13;
	s22 =	sadd.s32 $0x10, s22;
	v16 =	vmov v18;
	p2 =	sne.s32 s24, $0x1  }
.Ltmp52:
0x532: {  	s24 =	sadd.s32 $0xFFFFFFFF, s24;
	v18 =	vld [tilespmem:s13+$0x0];
	vm3 =	vmand vm3, vm4;
	v17 =	vor.u32 s22, v0;
	(pc) =	sbr.rel @p2 .LBB2_77-.Ltmp52, $2  }
0x533: {  	v15 =	vsel vm3, v16, v15;
	v8 =	vsel vm3, v17, v8;
	_ =	sdelay $0x2  }
0x534: {  	s25 =	sadd.s32 $0x10, s25  }
0x535: {  	v16 =	vmov v18;
	v17 =	vmov v15  }
.LBB2_79:
.Ltmp53:
0x536: {  	s13 =	sadd.s32 @p1 $0x10, s22;
	(pc) =	sbr.rel .LBB2_80-.Ltmp53, $4  }
0x537: {  	vm3 =	veq.f32 v14, v7;
	vm4 =	vlt.s32 v16, v17;
	s3 =	smov.u32 @p1 s13  }
0x538: {  	vm3 =	vmand vm3, vm4;
	v14 =	vor.u32 s3, v0  }
0x539: {  	v8 =	vsel vm3, v14, v8  }
0x53a: {  	v14 =	vsel vm3, v16, v17;
	v8 =	vxor.u32 $0x80000000, v8  }
.LBB2_74:
.Ltmp54:
0x53b: {  	(pc) =	sbr.rel .LBB2_79-.Ltmp54, $2  }
0x53c: {  	_ =	sdelay $0x2  }
0x53d: {  	s22 =	simm.s32 $0x0;
	v8 =	vimm.s32 $0x7FFFFFFF  }
.LBB2_76:
.Ltmp55:
0x53e: {  	(pc) =	sbr.rel .LBB2_79-.Ltmp55, $2  }
0x53f: {  	_ =	sdelay $0x2  }
0x540: {  	v16 =	vmov v18;
	v17 =	vmov v15;
	s22 =	simm.s32 $0x0  }
.LBB2_23:
.Ltmp56:
0x541: {  	(pc) =	sbr.rel .LBB2_27-.Ltmp56, $2  }
0x542: {  	_ =	sdelay $0x2  }
0x543: {  	v14 =	vmov v12;
	v8 =	vmov v10  }
.LBB2_62:
.Ltmp57:
0x544: {  	(pc) =	sbr.rel .LBB2_66-.Ltmp57, $2  }
0x545: {  	_ =	sdelay $0x2  }
0x546: {  	v15 =	vmov v12;
	v14 =	vmov v10  }
.LBB2_25:
.Ltmp58:
0x547: {  	(pc) =	sbr.rel .LBB2_27-.Ltmp58, $2  }
0x548: {  	_ =	sdelay $0x2  }
0x549: {  	v14 =	vmov v12;
	v8 =	vmov v10  }
.LBB2_64:
.Ltmp59:
0x54a: {  	(pc) =	sbr.rel .LBB2_66-.Ltmp59, $2  }
0x54b: {  	_ =	sdelay $0x2  }
0x54c: {  	v15 =	vmov v12;
	v14 =	vmov v10  }
.LBB2_83:
0x54d: {  	_ =	sfence.sel $0x180000  }
0x54e: {  	[bflag:$0x0] =	sbarrier.arrive $0xFFFF  }
0x54f: {  	_ =	strace $0x90000047  }
0x550: {  	s0 =	stileid.u32;
	[bflag:$0x2] =	sbarrier.arrive $0xFFFF  }
0x551: {  	p0 =	sne.s32 s0, $0x0;
	s0 =	rddreg [dreg:$0x3]  }
0x552: {  	s0 =	sadd.s32 @!p0 $0x100000, s0  }
0x553: {  	[sflag:s0] =	ssyncadd.tile.s32 @!p0 $0x1;
	_ =	shalt  }
.Lfunc_end2:
_tile_overlayer_lowered:
.L_overlay_start_2:
0x554: {  	(tag) =	ssettag $0x2  }
0x555: {  	s0 =	rddreg [dreg:$0x0];
	s2 =	stileid.u32  }
0x556: {  	s1 =	rddreg [dreg:$0x1];
	p0 =	sne.s32 s2, $0x0  }
0x557: {  	s3 =	rddreg [dreg:$0x2];
	[bflag:$0x3] =	sbarrier.arrive $0xFFFF;
	s2 =	simm.s32 @!p0 $0x1C04  }
0x558: {  	[timem:s3], [sflag:s2] =	dma.local @!p0 [hbm:s0], s1  }
0x559: {  	s0 =	simm.s32 @!p0 $0x4  }
0x55a: {  	_ =	swait.ge @!p0 [sflag:s0], s1  }
0x55b: {  	s1 =	ssub.s32 @!p0 $0x0, s1;
	[sflag:s0] =	ssyncset.done @!p0 $0x0  }
0x55c: {  	[sflag:s0] =	ssyncadd.s32 @!p0 s1  }
0x55d: {  	[bflag:$0x3] =	sbarrier.arrive $0xFFFF  }
0x55e: {  	_ =	shalt  }

</sc_bundles>
